<compile_context>
chip_gen: v7x
topology: tpu7x:2x2x1
jax: 0.10.2.dev20260603
libtpu: 0.0.44.dev20260713+nightly
codegen_flags: <defaults>
</compile_context>

<pallas_src>
import functools

import jax
import jax.numpy as jnp
from jax import lax
from jax.experimental import pallas as pl
from jax.experimental.pallas import tpu as pltpu
from jax.experimental.pallas import tpu_sc as plsc

N = 10000
E = 320000
D = 128
DH = D // 2
NC = 2
NS = 16
K = 128
E_PAD = 327680
NPAD = E_PAD - E
NTRASH = 240
NACC = N + NTRASH
CH = 40
NCH = 4
NWIN_T = NCH * CH
NROWS_T = NACC // NS
NEG_SLOPE = 0.2


def _tc_prep(x, weight, a2):

    def body(x_ref, w_ref, a2_ref, h2_ref, aN_ref):
        xb = x_ref[...]
        hb = jnp.dot(xb, w_ref[...], preferred_element_type=jnp.float32)
        h2_ref[0] = hb[:, :DH]
        h2_ref[1] = hb[:, DH:]
        aN_ref[...] = lax.dot_general(
            hb, a2_ref[...], (((1,), (1,)), ((), ())),
            preferred_element_type=jnp.float32)

    blk = 1000
    return pl.pallas_call(
        body,
        grid=(N // blk,),
        in_specs=[
            pl.BlockSpec((blk, D), lambda i: (i, 0)),
            pl.BlockSpec((D, D), lambda i: (0, 0)),
            pl.BlockSpec((2, D), lambda i: (0, 0)),
        ],
        out_specs=[
            pl.BlockSpec((2, blk, DH), lambda i: (0, i, 0)),
            pl.BlockSpec((blk, 2), lambda i: (i, 0)),
        ],
        out_shape=[
            jax.ShapeDtypeStruct((2, N, DH), jnp.float32),
            jax.ShapeDtypeStruct((N, 2), jnp.float32),
        ],
    )(x, weight, a2)


def _sc_main(h2, aflat, bias2, src4, dst4):
    mesh = plsc.VectorSubcoreMesh(core_axis_name="c", subcore_axis_name="s")

    @functools.partial(
        pl.kernel,
        mesh=mesh,
        compiler_params=pltpu.CompilerParams(
            needs_layout_passes=False, use_tc_tiling_on_sc=False),
        out_type=jax.ShapeDtypeStruct((NACC, D), jnp.float32),
        scratch_types=[
            pltpu.VMEM((CH, K), jnp.int32),
            pltpu.VMEM((CH, K), jnp.int32),
            pltpu.VMEM((2 * N,), jnp.float32),
            pltpu.VMEM((CH * K,), jnp.float32),
            pltpu.VMEM((K, DH), jnp.float32),
            pltpu.VMEM((K, DH), jnp.float32),
            pltpu.VMEM((K, DH), jnp.float32),
            pltpu.VMEM((K, DH), jnp.float32),
            pltpu.VMEM((640,), jnp.float32),
            pltpu.VMEM((D,), jnp.float32),
            pltpu.VMEM_SHARED((NACC,), jnp.float32),
            pltpu.VMEM_SHARED((NACC, DH), jnp.float32),
            pltpu.SemaphoreType.DMA,
            pltpu.SemaphoreType.DMA,
            pltpu.SemaphoreType.DMA,
            pltpu.SemaphoreType.DMA,
            pltpu.SemaphoreType.DMA,
            pltpu.SemaphoreType.DMA,
        ],
    )
    def k(h2_hbm, a2_hbm, b2_hbm, src_hbm, dst_hbm, out_hbm,
          dst_ch, src_ch, a2_loc, coef_ch, g_a, g_b, s_a, s_b,
          zbuf, bias_loc, denom_sh, acc_sh,
          sem_ga, sem_gb, sem_sa, sem_sb, sem_p, sem_z):
        c = lax.axis_index("c")
        s = lax.axis_index("s")
        h_hbm = h2_hbm.at[c]

        pltpu.sync_copy(a2_hbm, a2_loc)
        pltpu.sync_copy(b2_hbm, bias_loc)

        z16 = jnp.zeros((16,), jnp.float32)

        def zz(i, carry):
            zbuf[pl.ds(i * 16, 16)] = z16
            return carry

        lax.fori_loop(0, 640 // 16, zz, 0)

        def zrow(r, carry):
            for j in range(DH // 16):
                s_a[r, pl.ds(j * 16, 16)] = z16
            return carry

        lax.fori_loop(0, K, zrow, 0)

        row0 = s * NROWS_T
        zh = []
        for kk in range(NROWS_T // K):
            zh.append(pltpu.async_copy(
                s_a, acc_sh.at[pl.ds(row0 + kk * K, K), :], sem_z))

        @pl.when(s == 0)
        def _():
            def zd(i, carry):
                pltpu.sync_copy(zbuf, denom_sh.at[pl.ds(i * 640, 640)])
                return carry

            lax.fori_loop(0, NACC // 640, zd, 0)

        for h_ in zh:
            h_.wait()
        plsc.subcore_barrier()

        def mult(g_ref, s_ref, cb):
            def rmul(i, rcarry):
                c16 = coef_ch[pl.ds(cb * K + i * 16, 16)]
                for u in range(16):
                    r = i * 16 + u
                    cv = jnp.full((16,), c16[u], jnp.float32)
                    for j in range(DH // 16):
                        s_ref[r, pl.ds(j * 16, 16)] = (
                            cv * g_ref[r, pl.ds(j * 16, 16)])
                return rcarry

            lax.fori_loop(0, K // 16, rmul, 0)

        def sweep(ch, carry):
            pltpu.sync_copy(src_hbm.at[s, ch], src_ch)
            pltpu.sync_copy(dst_hbm.at[s, ch], dst_ch)

            def win(cb, wcarry):
                ebase = cb * K
                for q in range(K // 16):
                    d16 = dst_ch[cb, pl.ds(q * 16, 16)]
                    s16 = src_ch[cb, pl.ds(q * 16, 16)]
                    ad = plsc.load_gather(a2_loc, [d16 * 2])
                    asv = plsc.load_gather(a2_loc, [s16 * 2 + 1])
                    al = ad + asv
                    al = jnp.where(al >= 0.0, al, NEG_SLOPE * al)
                    coef_ch[pl.ds(ebase + q * 16, 16)] = jnp.exp(al)

                @pl.when(cb > 0)
                def _():
                    pltpu.make_async_copy(
                        coef_ch.at[pl.ds(0, K)],
                        denom_sh.at[dst_ch.at[0]], sem_p).wait()

                pltpu.async_copy(coef_ch.at[pl.ds(ebase, K)],
                                 denom_sh.at[dst_ch.at[cb]], sem_p, add=True)
                return wcarry

            lax.fori_loop(0, CH, win, 0)
            pltpu.make_async_copy(
                coef_ch.at[pl.ds(0, K)], denom_sh.at[dst_ch.at[0]],
                sem_p).wait()

            pltpu.async_copy(h_hbm.at[src_ch.at[0]], g_a, sem_ga)
            pltpu.async_copy(h_hbm.at[src_ch.at[1]], g_b, sem_gb)

            def pair(g, wcarry):
                wa = 2 * g
                wb = wa + 1

                pltpu.make_async_copy(
                    h_hbm.at[pl.ds(0, K)], g_a, sem_ga).wait()

                @pl.when(g > 0)
                def _():
                    pltpu.make_async_copy(
                        s_a, acc_sh.at[dst_ch.at[0]], sem_sa).wait()

                mult(g_a, s_a, wa)

                @pl.when(wa + 2 < CH)
                def _():
                    pltpu.async_copy(
                        h_hbm.at[src_ch.at[wa + 2]], g_a, sem_ga)

                pltpu.async_copy(s_a, acc_sh.at[dst_ch.at[wa]],
                                 sem_sa, add=True)

                pltpu.make_async_copy(
                    h_hbm.at[pl.ds(0, K)], g_b, sem_gb).wait()

                @pl.when(g > 0)
                def _():
                    pltpu.make_async_copy(
                        s_b, acc_sh.at[dst_ch.at[0]], sem_sb).wait()

                mult(g_b, s_b, wb)

                @pl.when(wb + 2 < CH)
                def _():
                    pltpu.async_copy(
                        h_hbm.at[src_ch.at[wb + 2]], g_b, sem_gb)

                pltpu.async_copy(s_b, acc_sh.at[dst_ch.at[wb]],
                                 sem_sb, add=True)
                return wcarry

            lax.fori_loop(0, CH // 2, pair, 0)

            pltpu.make_async_copy(
                s_a, acc_sh.at[dst_ch.at[0]], sem_sa).wait()
            pltpu.make_async_copy(
                s_b, acc_sh.at[dst_ch.at[0]], sem_sb).wait()
            return carry

        lax.fori_loop(0, NCH, sweep, 0)

        plsc.subcore_barrier()

        pltpu.sync_copy(denom_sh.at[pl.ds(row0, NROWS_T)], zbuf)

        def wblock(b, carry):
            pltpu.sync_copy(acc_sh.at[pl.ds(row0 + b * K, K), :], g_a)

            def sgrp(i, rcarry):
                inv16 = 1.0 / (zbuf[pl.ds(b * K + i * 16, 16)] + 1e-16)
                for u in range(16):
                    r = i * 16 + u
                    iv = jnp.full((16,), inv16[u], jnp.float32)
                    for j in range(DH // 16):
                        bv = bias_loc[pl.ds(c * DH + j * 16, 16)]
                        g_a[r, pl.ds(j * 16, 16)] = (
                            iv * g_a[r, pl.ds(j * 16, 16)] + bv)
                return rcarry

            lax.fori_loop(0, K // 16, sgrp, 0)
            pltpu.sync_copy(
                g_a, out_hbm.at[pl.ds(row0 + b * K, K), pl.ds(c * DH, DH)])
            return carry

        lax.fori_loop(0, NROWS_T // K, wblock, 0)

    return k(h2, aflat, bias2, src4, dst4)


def kernel(x, edge_index, weight, att, bias):
    ei = edge_index.astype(jnp.int32)
    pad_i = jnp.arange(NPAD, dtype=jnp.int32)
    src_pad = (pad_i * 997) % N
    dst_pad = N + (pad_i % NTRASH)
    src4 = jnp.concatenate([ei[0], src_pad]).reshape(NS, NCH, CH, K)
    dst4 = jnp.concatenate([ei[1], dst_pad]).reshape(NS, NCH, CH, K)
    a2 = att.reshape(2, D)
    h2, aN = _tc_prep(x, weight, a2)
    out = _sc_main(h2, aN.reshape(2 * N), bias, src4, dst4)
    return out[:N]

# --- scband reference (transcript-rebuilt; emitter-appended) ---
"""Pipeline reference for scband-graph-net-3521873183574 (READ-ONLY COPY).

The authoritative reference and input builder live on the scoring server;
editing this copy changes nothing except your own understanding.
"""

import jax, jax.numpy as jnp
import numpy as np

N_NODES = 10000
N_EDGES = 320000
IN_CH = 128
OUT_CH = 128
HEADS = 1
NEG_SLOPE = 0.2


def glorot(key, shape):
    fan = shape[0] + shape[-1] if len(shape) > 1 else shape[0]
    limit = jnp.sqrt(6.0 / (shape[-2] + shape[-1])) if len(shape) >= 2 else 0.1
    return jax.random.uniform(key, shape, dtype=jnp.float32, minval=-limit, maxval=limit)


def setup_inputs(seed: int = 0) -> dict:
    key = jax.random.key(seed)
    k_x, k_e, k_w, k_a = jax.random.split(key, 4)
    x = jax.random.normal(k_x, (N_NODES, IN_CH), dtype=jnp.float32)
    edge_index = jax.random.randint(k_e, (2, N_EDGES), 0, N_NODES, dtype=jnp.int64 if jax.config.jax_enable_x64 else jnp.int32)
    weight = glorot(k_w, (IN_CH, HEADS * OUT_CH))
    att = glorot(k_a, (1, HEADS, 2 * OUT_CH))
    bias = jnp.zeros((HEADS * OUT_CH,), dtype=jnp.float32)
    return {"x": x, "edge_index": edge_index, "weight": weight, "att": att, "bias": bias}


def _segment_softmax(alpha, seg, num_segments):
    # PyG-style softmax over edges grouped by destination node.
    amax = jax.ops.segment_max(alpha, seg, num_segments=num_segments)
    amax = jnp.where(jnp.isfinite(amax), amax, 0.0)
    alpha = alpha - amax[seg]
    ex = jnp.exp(alpha)
    denom = jax.ops.segment_sum(ex, seg, num_segments=num_segments)
    return ex / (denom[seg] + 1e-16)


def reference(x, edge_index, weight, att, bias):
    N = x.shape[0]
    # x = torch.mm(x, self.weight).view(-1, heads, out_channels)
    h = jnp.dot(x, weight).reshape(-1, HEADS, OUT_CH)
    src = edge_index[0]  # x_j source nodes
    dst = edge_index[1]  # x_i / edge_index_i destination nodes
    x_j = h[src]  # [E, heads, out]
    x_i = h[dst]  # [E, heads, out]
    # att_type == 'gat': alpha = (cat([x_i, x_j], -1) * att).sum(-1); leaky_relu
    alpha = (jnp.concatenate([x_i, x_j], axis=-1) * att).sum(axis=-1)  # [E, heads]
    alpha = jax.nn.leaky_relu(alpha, negative_slope=NEG_SLOPE)
    alpha = _segment_softmax(alpha, dst, N)
    # dropout=0, no edge_weight (normalize=False)
    neighbor = x_j * alpha[:, :, None]  # [E, heads, out]
    # agg_type='sum' -> scatter-add over destination
    out = jax.ops.segment_sum(neighbor, dst, num_segments=N)  # [N, heads, out]
    # update: concat=True -> reshape, add bias; highway=False
    out = out.reshape(N, HEADS * OUT_CH) + bias
    return out

if __name__ == "__main__":
    import jax
    _d = setup_inputs()
    print(jax.jit(kernel)(*tuple(_d.values())))

</pallas_src>

<mosaic_0001>
#map = affine_map<(d0, d1) -> (0, 0, 0)>
#map1 = affine_map<(d0, d1) -> (0)>
#map2 = affine_map<(d0, d1) -> (0, 0, 0, 0)>
#map3 = affine_map<(d0, d1) -> (0, 0)>
module attributes {stable_mosaic.version = 14 : i64} {
  func.func @k(%arg0: i32, %arg1: i32, %arg2: memref<2x10000x64xf32, #tpu.memory_space<hbm>>, %arg3: memref<20000xf32, #tpu.memory_space<hbm>>, %arg4: memref<128xf32, #tpu.memory_space<hbm>>, %arg5: memref<16x4x40x128xi32, #tpu.memory_space<hbm>>, %arg6: memref<16x4x40x128xi32, #tpu.memory_space<hbm>>, %arg7: memref<10240x128xf32, #tpu.memory_space<hbm>>, %arg8: memref<40x128xi32, #tpu.memory_space<vmem>>, %arg9: memref<40x128xi32, #tpu.memory_space<vmem>>, %arg10: memref<20000xf32, #tpu.memory_space<vmem>>, %arg11: memref<5120xf32, #tpu.memory_space<vmem>>, %arg12: memref<128x64xf32, #tpu.memory_space<vmem>>, %arg13: memref<128x64xf32, #tpu.memory_space<vmem>>, %arg14: memref<128x64xf32, #tpu.memory_space<vmem>>, %arg15: memref<128x64xf32, #tpu.memory_space<vmem>>, %arg16: memref<640xf32, #tpu.memory_space<vmem>>, %arg17: memref<128xf32, #tpu.memory_space<vmem>>, %arg18: memref<10240xf32, #tpu.memory_space<vmem_shared>>, %arg19: memref<10240x64xf32, #tpu.memory_space<vmem_shared>>, %arg20: memref<!tpu.dma_semaphore, #tpu.memory_space<semaphore_mem>>, %arg21: memref<!tpu.dma_semaphore, #tpu.memory_space<semaphore_mem>>, %arg22: memref<!tpu.dma_semaphore, #tpu.memory_space<semaphore_mem>>, %arg23: memref<!tpu.dma_semaphore, #tpu.memory_space<semaphore_mem>>, %arg24: memref<!tpu.dma_semaphore, #tpu.memory_space<semaphore_mem>>, %arg25: memref<!tpu.dma_semaphore, #tpu.memory_space<semaphore_mem>>) attributes {dimension_semantics = [#tpu.dimension_semantics<core_parallel>, #tpu.dimension_semantics<subcore_parallel>], iteration_bounds = array<i64: 2, 16>, scalar_prefetch = 0 : i64, scratch_operands = 18 : i64, tpu.core_type = #tpu.core_type<sc_vector_subcore>, window_params = [{transform_indices = #map}, {transform_indices = #map1}, {transform_indices = #map1}, {transform_indices = #map2}, {transform_indices = #map2}, {transform_indices = #map3}]} {
    "tpu.region"() ({
      %run_scoped3A = tpu.sem_alloc : memref<!tpu.dma_semaphore, #tpu.memory_space<semaphore_mem>>
      tpu.enqueue_dma source(%arg3 : memref<20000xf32, #tpu.memory_space<hbm>>) target(%arg10 : memref<20000xf32, #tpu.memory_space<vmem>>) target_semaphore(%run_scoped3A : memref<!tpu.dma_semaphore, #tpu.memory_space<semaphore_mem>>)
      tpu.wait_dma2 semaphore(%run_scoped3A : memref<!tpu.dma_semaphore, #tpu.memory_space<semaphore_mem>>) src(%arg3 : memref<20000xf32, #tpu.memory_space<hbm>>) dst(%arg10 : memref<20000xf32, #tpu.memory_space<vmem>>)
      tpu.yield
    }) : () -> ()
    "tpu.region"() ({
      %run_scoped3A = tpu.sem_alloc : memref<!tpu.dma_semaphore, #tpu.memory_space<semaphore_mem>>
      tpu.enqueue_dma source(%arg4 : memref<128xf32, #tpu.memory_space<hbm>>) target(%arg17 : memref<128xf32, #tpu.memory_space<vmem>>) target_semaphore(%run_scoped3A : memref<!tpu.dma_semaphore, #tpu.memory_space<semaphore_mem>>)
      tpu.wait_dma2 semaphore(%run_scoped3A : memref<!tpu.dma_semaphore, #tpu.memory_space<semaphore_mem>>) src(%arg4 : memref<128xf32, #tpu.memory_space<hbm>>) dst(%arg17 : memref<128xf32, #tpu.memory_space<vmem>>)
      tpu.yield
    }) : () -> ()
    %broadcast_in_dim3A = arith.constant 0.000000e+00 : f32
    %broadcast_in_dim3A_0 = vector.broadcast %broadcast_in_dim3A : f32 to vector<16xf32>
    %scan3A = arith.constant 0 : i32
    %scan3A_1 = arith.constant 0 : i32
    %scan3A_2 = arith.constant 40 : i32
    %scan3A_3 = arith.addi %scan3A_1, %scan3A_2 : i32
    %scan3A_4 = arith.constant 1 : i32
    scf.for %scan3A_75 = %scan3A_1 to %scan3A_3 step %scan3A_4  : i32 {
      %mul3A_76 = arith.constant 16 : i32
      %mul3A_77 = arith.muli %scan3A_75, %mul3A_76 : i32
      %swap3A = arith.index_cast %mul3A_77 : i32 to index
      %swap3A_78 = tpu.vector_load %arg16[%swap3A] {strides = array<i32>} : memref<640xf32, #tpu.memory_space<vmem>>, vector<16xf32>,
      tpu.vector_store %arg16[%swap3A], %broadcast_in_dim3A_0 {strides = array<i32>} : memref<640xf32, #tpu.memory_space<vmem>>, vector<16xf32>,
    }
    %scan3A_5 = arith.constant 40 : i32
    %scan3A_6 = arith.constant 0 : i32
    %scan3A_7 = arith.constant 0 : i32
    %scan3A_8 = arith.constant 128 : i32
    %scan3A_9 = arith.addi %scan3A_7, %scan3A_8 : i32
    %scan3A_10 = arith.constant 1 : i32
    scf.for %scan3A_75 = %scan3A_7 to %scan3A_9 step %scan3A_10  : i32 {
      %swap3A = arith.index_cast %scan3A_75 : i32 to index
      %swap3A_76 = arith.constant 0 : index
      %swap3A_77 = tpu.vector_load %arg14[%swap3A, %swap3A_76] {strides = array<i32>} : memref<128x64xf32, #tpu.memory_space<vmem>>, vector<16xf32>,
      tpu.vector_store %arg14[%swap3A, %swap3A_76], %broadcast_in_dim3A_0 {strides = array<i32>} : memref<128x64xf32, #tpu.memory_space<vmem>>, vector<16xf32>,
      %swap3A_78 = arith.index_cast %scan3A_75 : i32 to index
      %swap3A_79 = arith.constant 16 : index
      %swap3A_80 = tpu.vector_load %arg14[%swap3A_78, %swap3A_79] {strides = array<i32>} : memref<128x64xf32, #tpu.memory_space<vmem>>, vector<16xf32>,
      tpu.vector_store %arg14[%swap3A_78, %swap3A_79], %broadcast_in_dim3A_0 {strides = array<i32>} : memref<128x64xf32, #tpu.memory_space<vmem>>, vector<16xf32>,
      %swap3A_81 = arith.index_cast %scan3A_75 : i32 to index
      %swap3A_82 = arith.constant 32 : index
      %swap3A_83 = tpu.vector_load %arg14[%swap3A_81, %swap3A_82] {strides = array<i32>} : memref<128x64xf32, #tpu.memory_space<vmem>>, vector<16xf32>,
      tpu.vector_store %arg14[%swap3A_81, %swap3A_82], %broadcast_in_dim3A_0 {strides = array<i32>} : memref<128x64xf32, #tpu.memory_space<vmem>>, vector<16xf32>,
      %swap3A_84 = arith.index_cast %scan3A_75 : i32 to index
      %swap3A_85 = arith.constant 48 : index
      %swap3A_86 = tpu.vector_load %arg14[%swap3A_84, %swap3A_85] {strides = array<i32>} : memref<128x64xf32, #tpu.memory_space<vmem>>, vector<16xf32>,
      tpu.vector_store %arg14[%swap3A_84, %swap3A_85], %broadcast_in_dim3A_0 {strides = array<i32>} : memref<128x64xf32, #tpu.memory_space<vmem>>, vector<16xf32>,
    }
    %scan3A_11 = arith.constant 128 : i32
    %mul3A = arith.constant 640 : i32
    %mul3A_12 = arith.muli %arg1, %mul3A : i32
    %add3A = arith.constant 0 : i32
    %add3A_13 = arith.addi %mul3A_12, %add3A : i32
    %dma_start3A = arith.constant 0 : i32
    %dma_start3A_14 = tpu.memref_slice %arg19[%add3A_13, %dma_start3A] : memref<10240x64xf32, #tpu.memory_space<vmem_shared>> -> memref<128x64xf32, #tpu.memory_space<vmem_shared>>
    %dma_start3A_15 = arith.constant 0 : i32
    %dma_start3A_16 = tpu.memref_slice %arg19[%add3A_13, %dma_start3A_15] : memref<10240x64xf32, #tpu.memory_space<vmem_shared>> -> memref<128x64xf32, #tpu.memory_space<vmem_shared>>
    tpu.enqueue_dma source(%arg14 : memref<128x64xf32, #tpu.memory_space<vmem>>) target(%dma_start3A_16 : memref<128x64xf32, #tpu.memory_space<vmem_shared>>) target_semaphore(%arg25 : memref<!tpu.dma_semaphore, #tpu.memory_space<semaphore_mem>>)
    %add3A_17 = arith.constant 128 : i32
    %add3A_18 = arith.addi %mul3A_12, %add3A_17 : i32
    %dma_start3A_19 = arith.constant 0 : i32
    %dma_start3A_20 = tpu.memref_slice %arg19[%add3A_18, %dma_start3A_19] : memref<10240x64xf32, #tpu.memory_space<vmem_shared>> -> memref<128x64xf32, #tpu.memory_space<vmem_shared>>
    %dma_start3A_21 = arith.constant 0 : i32
    %dma_start3A_22 = tpu.memref_slice %arg19[%add3A_18, %dma_start3A_21] : memref<10240x64xf32, #tpu.memory_space<vmem_shared>> -> memref<128x64xf32, #tpu.memory_space<vmem_shared>>
    tpu.enqueue_dma source(%arg14 : memref<128x64xf32, #tpu.memory_space<vmem>>) target(%dma_start3A_22 : memref<128x64xf32, #tpu.memory_space<vmem_shared>>) target_semaphore(%arg25 : memref<!tpu.dma_semaphore, #tpu.memory_space<semaphore_mem>>)
    %add3A_23 = arith.constant 256 : i32
    %add3A_24 = arith.addi %mul3A_12, %add3A_23 : i32
    %dma_start3A_25 = arith.constant 0 : i32
    %dma_start3A_26 = tpu.memref_slice %arg19[%add3A_24, %dma_start3A_25] : memref<10240x64xf32, #tpu.memory_space<vmem_shared>> -> memref<128x64xf32, #tpu.memory_space<vmem_shared>>
    %dma_start3A_27 = arith.constant 0 : i32
    %dma_start3A_28 = tpu.memref_slice %arg19[%add3A_24, %dma_start3A_27] : memref<10240x64xf32, #tpu.memory_space<vmem_shared>> -> memref<128x64xf32, #tpu.memory_space<vmem_shared>>
    tpu.enqueue_dma source(%arg14 : memref<128x64xf32, #tpu.memory_space<vmem>>) target(%dma_start3A_28 : memref<128x64xf32, #tpu.memory_space<vmem_shared>>) target_semaphore(%arg25 : memref<!tpu.dma_semaphore, #tpu.memory_space<semaphore_mem>>)
    %add3A_29 = arith.constant 384 : i32
    %add3A_30 = arith.addi %mul3A_12, %add3A_29 : i32
    %dma_start3A_31 = arith.constant 0 : i32
    %dma_start3A_32 = tpu.memref_slice %arg19[%add3A_30, %dma_start3A_31] : memref<10240x64xf32, #tpu.memory_space<vmem_shared>> -> memref<128x64xf32, #tpu.memory_space<vmem_shared>>
    %dma_start3A_33 = arith.constant 0 : i32
    %dma_start3A_34 = tpu.memref_slice %arg19[%add3A_30, %dma_start3A_33] : memref<10240x64xf32, #tpu.memory_space<vmem_shared>> -> memref<128x64xf32, #tpu.memory_space<vmem_shared>>
    tpu.enqueue_dma source(%arg14 : memref<128x64xf32, #tpu.memory_space<vmem>>) target(%dma_start3A_34 : memref<128x64xf32, #tpu.memory_space<vmem_shared>>) target_semaphore(%arg25 : memref<!tpu.dma_semaphore, #tpu.memory_space<semaphore_mem>>)
    %add3A_35 = arith.constant 512 : i32
    %add3A_36 = arith.addi %mul3A_12, %add3A_35 : i32
    %dma_start3A_37 = arith.constant 0 : i32
    %dma_start3A_38 = tpu.memref_slice %arg19[%add3A_36, %dma_start3A_37] : memref<10240x64xf32, #tpu.memory_space<vmem_shared>> -> memref<128x64xf32, #tpu.memory_space<vmem_shared>>
    %dma_start3A_39 = arith.constant 0 : i32
    %dma_start3A_40 = tpu.memref_slice %arg19[%add3A_36, %dma_start3A_39] : memref<10240x64xf32, #tpu.memory_space<vmem_shared>> -> memref<128x64xf32, #tpu.memory_space<vmem_shared>>
    tpu.enqueue_dma source(%arg14 : memref<128x64xf32, #tpu.memory_space<vmem>>) target(%dma_start3A_40 : memref<128x64xf32, #tpu.memory_space<vmem_shared>>) target_semaphore(%arg25 : memref<!tpu.dma_semaphore, #tpu.memory_space<semaphore_mem>>)
    %eq3A = arith.constant 0 : i32
    %eq3A_41 = arith.cmpi eq, %arg1, %eq3A : i32
    %convert_element_type3A = arith.extui %eq3A_41 : i1 to i32
    %cond3A = arith.constant 0 : i32
    %cond3A_42 = arith.cmpi ne, %convert_element_type3A, %cond3A : i32
    scf.if %cond3A_42 {
      %scan3A_75 = arith.constant 0 : i32
      %scan3A_76 = arith.constant 0 : i32
      %scan3A_77 = arith.constant 16 : i32
      %scan3A_78 = arith.addi %scan3A_76, %scan3A_77 : i32
      %scan3A_79 = arith.constant 1 : i32
      scf.for %scan3A_81 = %scan3A_76 to %scan3A_78 step %scan3A_79  : i32 {
        %mul3A_82 = arith.constant 640 : i32
        %mul3A_83 = arith.muli %scan3A_81, %mul3A_82 : i32
        "tpu.region"() ({
          %run_scoped3A = tpu.sem_alloc : memref<!tpu.dma_semaphore, #tpu.memory_space<semaphore_mem>>
          %dma_start3A_84 = tpu.memref_slice %arg18[%mul3A_83] : memref<10240xf32, #tpu.memory_space<vmem_shared>> -> memref<640xf32, #tpu.memory_space<vmem_shared>>
          %dma_start3A_85 = tpu.memref_slice %arg18[%mul3A_83] : memref<10240xf32, #tpu.memory_space<vmem_shared>> -> memref<640xf32, #tpu.memory_space<vmem_shared>>
          tpu.enqueue_dma source(%arg16 : memref<640xf32, #tpu.memory_space<vmem>>) target(%dma_start3A_85 : memref<640xf32, #tpu.memory_space<vmem_shared>>) target_semaphore(%run_scoped3A : memref<!tpu.dma_semaphore, #tpu.memory_space<semaphore_mem>>)
          %dma_wait3A_86 = tpu.memref_slice %arg18[%mul3A_83] : memref<10240xf32, #tpu.memory_space<vmem_shared>> -> memref<640xf32, #tpu.memory_space<vmem_shared>>
          %dma_wait3A_87 = tpu.memref_slice %arg18[%mul3A_83] : memref<10240xf32, #tpu.memory_space<vmem_shared>> -> memref<640xf32, #tpu.memory_space<vmem_shared>>
          tpu.wait_dma2 semaphore(%run_scoped3A : memref<!tpu.dma_semaphore, #tpu.memory_space<semaphore_mem>>) src(%arg16 : memref<640xf32, #tpu.memory_space<vmem>>) dst(%dma_wait3A_87 : memref<640xf32, #tpu.memory_space<vmem_shared>>)
          tpu.yield
        }) : () -> ()
      }
      %scan3A_80 = arith.constant 16 : i32
    } else {
    }
    %dma_wait3A = arith.constant 0 : i32
    %dma_wait3A_43 = tpu.memref_slice %arg19[%add3A_13, %dma_wait3A] : memref<10240x64xf32, #tpu.memory_space<vmem_shared>> -> memref<128x64xf32, #tpu.memory_space<vmem_shared>>
    %dma_wait3A_44 = arith.constant 0 : i32
    %dma_wait3A_45 = tpu.memref_slice %arg19[%add3A_13, %dma_wait3A_44] : memref<10240x64xf32, #tpu.memory_space<vmem_shared>> -> memref<128x64xf32, #tpu.memory_space<vmem_shared>>
    tpu.wait_dma2 semaphore(%arg25 : memref<!tpu.dma_semaphore, #tpu.memory_space<semaphore_mem>>) src(%arg14 : memref<128x64xf32, #tpu.memory_space<vmem>>) dst(%dma_wait3A_45 : memref<128x64xf32, #tpu.memory_space<vmem_shared>>)
    %dma_wait3A_46 = arith.constant 0 : i32
    %dma_wait3A_47 = tpu.memref_slice %arg19[%add3A_18, %dma_wait3A_46] : memref<10240x64xf32, #tpu.memory_space<vmem_shared>> -> memref<128x64xf32, #tpu.memory_space<vmem_shared>>
    %dma_wait3A_48 = arith.constant 0 : i32
    %dma_wait3A_49 = tpu.memref_slice %arg19[%add3A_18, %dma_wait3A_48] : memref<10240x64xf32, #tpu.memory_space<vmem_shared>> -> memref<128x64xf32, #tpu.memory_space<vmem_shared>>
    tpu.wait_dma2 semaphore(%arg25 : memref<!tpu.dma_semaphore, #tpu.memory_space<semaphore_mem>>) src(%arg14 : memref<128x64xf32, #tpu.memory_space<vmem>>) dst(%dma_wait3A_49 : memref<128x64xf32, #tpu.memory_space<vmem_shared>>)
    %dma_wait3A_50 = arith.constant 0 : i32
    %dma_wait3A_51 = tpu.memref_slice %arg19[%add3A_24, %dma_wait3A_50] : memref<10240x64xf32, #tpu.memory_space<vmem_shared>> -> memref<128x64xf32, #tpu.memory_space<vmem_shared>>
    %dma_wait3A_52 = arith.constant 0 : i32
    %dma_wait3A_53 = tpu.memref_slice %arg19[%add3A_24, %dma_wait3A_52] : memref<10240x64xf32, #tpu.memory_space<vmem_shared>> -> memref<128x64xf32, #tpu.memory_space<vmem_shared>>
    tpu.wait_dma2 semaphore(%arg25 : memref<!tpu.dma_semaphore, #tpu.memory_space<semaphore_mem>>) src(%arg14 : memref<128x64xf32, #tpu.memory_space<vmem>>) dst(%dma_wait3A_53 : memref<128x64xf32, #tpu.memory_space<vmem_shared>>)
    %dma_wait3A_54 = arith.constant 0 : i32
    %dma_wait3A_55 = tpu.memref_slice %arg19[%add3A_30, %dma_wait3A_54] : memref<10240x64xf32, #tpu.memory_space<vmem_shared>> -> memref<128x64xf32, #tpu.memory_space<vmem_shared>>
    %dma_wait3A_56 = arith.constant 0 : i32
    %dma_wait3A_57 = tpu.memref_slice %arg19[%add3A_30, %dma_wait3A_56] : memref<10240x64xf32, #tpu.memory_space<vmem_shared>> -> memref<128x64xf32, #tpu.memory_space<vmem_shared>>
    tpu.wait_dma2 semaphore(%arg25 : memref<!tpu.dma_semaphore, #tpu.memory_space<semaphore_mem>>) src(%arg14 : memref<128x64xf32, #tpu.memory_space<vmem>>) dst(%dma_wait3A_57 : memref<128x64xf32, #tpu.memory_space<vmem_shared>>)
    %dma_wait3A_58 = arith.constant 0 : i32
    %dma_wait3A_59 = tpu.memref_slice %arg19[%add3A_36, %dma_wait3A_58] : memref<10240x64xf32, #tpu.memory_space<vmem_shared>> -> memref<128x64xf32, #tpu.memory_space<vmem_shared>>
    %dma_wait3A_60 = arith.constant 0 : i32
    %dma_wait3A_61 = tpu.memref_slice %arg19[%add3A_36, %dma_wait3A_60] : memref<10240x64xf32, #tpu.memory_space<vmem_shared>> -> memref<128x64xf32, #tpu.memory_space<vmem_shared>>
    tpu.wait_dma2 semaphore(%arg25 : memref<!tpu.dma_semaphore, #tpu.memory_space<semaphore_mem>>) src(%arg14 : memref<128x64xf32, #tpu.memory_space<vmem>>) dst(%dma_wait3A_61 : memref<128x64xf32, #tpu.memory_space<vmem_shared>>)
    %barrier3A = arith.constant 0 : index
    tpu.barrier barrier_id(%barrier3A)
    %scan3A_62 = arith.constant 0 : i32
    %scan3A_63 = arith.constant 0 : i32
    %scan3A_64 = arith.constant 4 : i32
    %scan3A_65 = arith.addi %scan3A_63, %scan3A_64 : i32
    %scan3A_66 = arith.constant 1 : i32
    scf.for %scan3A_75 = %scan3A_63 to %scan3A_65 step %scan3A_66  : i32 {
      "tpu.region"() ({
        %run_scoped3A = tpu.sem_alloc : memref<!tpu.dma_semaphore, #tpu.memory_space<semaphore_mem>>
        %dma_start3A_132 = arith.constant 0 : i32
        %dma_start3A_133 = arith.constant 0 : i32
        %dma_start3A_134 = tpu.memref_slice %arg5[%arg1, %scan3A_75, %dma_start3A_132, %dma_start3A_133] : memref<16x4x40x128xi32, #tpu.memory_space<hbm>> -> memref<1x1x40x128xi32, #tpu.memory_space<hbm>>
        %dma_start3A_135 = tpu.memref_squeeze %dma_start3A_134 : memref<1x1x40x128xi32, #tpu.memory_space<hbm>> -> memref<40x128xi32, #tpu.memory_space<hbm>>
        %dma_start3A_136 = arith.constant 0 : i32
        %dma_start3A_137 = arith.constant 0 : i32
        %dma_start3A_138 = tpu.memref_slice %arg5[%arg1, %scan3A_75, %dma_start3A_136, %dma_start3A_137] : memref<16x4x40x128xi32, #tpu.memory_space<hbm>> -> memref<1x1x40x128xi32, #tpu.memory_space<hbm>>
        %dma_start3A_139 = tpu.memref_squeeze %dma_start3A_138 : memref<1x1x40x128xi32, #tpu.memory_space<hbm>> -> memref<40x128xi32, #tpu.memory_space<hbm>>
        tpu.enqueue_dma source(%dma_start3A_139 : memref<40x128xi32, #tpu.memory_space<hbm>>) target(%arg9 : memref<40x128xi32, #tpu.memory_space<vmem>>) target_semaphore(%run_scoped3A : memref<!tpu.dma_semaphore, #tpu.memory_space<semaphore_mem>>)
        %dma_wait3A_140 = arith.constant 0 : i32
        %dma_wait3A_141 = arith.constant 0 : i32
        %dma_wait3A_142 = tpu.memref_slice %arg5[%arg1, %scan3A_75, %dma_wait3A_140, %dma_wait3A_141] : memref<16x4x40x128xi32, #tpu.memory_space<hbm>> -> memref<1x1x40x128xi32, #tpu.memory_space<hbm>>
        %dma_wait3A_143 = tpu.memref_squeeze %dma_wait3A_142 : memref<1x1x40x128xi32, #tpu.memory_space<hbm>> -> memref<40x128xi32, #tpu.memory_space<hbm>>
        %dma_wait3A_144 = arith.constant 0 : i32
        %dma_wait3A_145 = arith.constant 0 : i32
        %dma_wait3A_146 = tpu.memref_slice %arg5[%arg1, %scan3A_75, %dma_wait3A_144, %dma_wait3A_145] : memref<16x4x40x128xi32, #tpu.memory_space<hbm>> -> memref<1x1x40x128xi32, #tpu.memory_space<hbm>>
        %dma_wait3A_147 = tpu.memref_squeeze %dma_wait3A_146 : memref<1x1x40x128xi32, #tpu.memory_space<hbm>> -> memref<40x128xi32, #tpu.memory_space<hbm>>
        tpu.wait_dma2 semaphore(%run_scoped3A : memref<!tpu.dma_semaphore, #tpu.memory_space<semaphore_mem>>) src(%dma_wait3A_147 : memref<40x128xi32, #tpu.memory_space<hbm>>) dst(%arg9 : memref<40x128xi32, #tpu.memory_space<vmem>>)
        tpu.yield
      }) : () -> ()
      "tpu.region"() ({
        %run_scoped3A = tpu.sem_alloc : memref<!tpu.dma_semaphore, #tpu.memory_space<semaphore_mem>>
        %dma_start3A_132 = arith.constant 0 : i32
        %dma_start3A_133 = arith.constant 0 : i32
        %dma_start3A_134 = tpu.memref_slice %arg6[%arg1, %scan3A_75, %dma_start3A_132, %dma_start3A_133] : memref<16x4x40x128xi32, #tpu.memory_space<hbm>> -> memref<1x1x40x128xi32, #tpu.memory_space<hbm>>
        %dma_start3A_135 = tpu.memref_squeeze %dma_start3A_134 : memref<1x1x40x128xi32, #tpu.memory_space<hbm>> -> memref<40x128xi32, #tpu.memory_space<hbm>>
        %dma_start3A_136 = arith.constant 0 : i32
        %dma_start3A_137 = arith.constant 0 : i32
        %dma_start3A_138 = tpu.memref_slice %arg6[%arg1, %scan3A_75, %dma_start3A_136, %dma_start3A_137] : memref<16x4x40x128xi32, #tpu.memory_space<hbm>> -> memref<1x1x40x128xi32, #tpu.memory_space<hbm>>
        %dma_start3A_139 = tpu.memref_squeeze %dma_start3A_138 : memref<1x1x40x128xi32, #tpu.memory_space<hbm>> -> memref<40x128xi32, #tpu.memory_space<hbm>>
        tpu.enqueue_dma source(%dma_start3A_139 : memref<40x128xi32, #tpu.memory_space<hbm>>) target(%arg8 : memref<40x128xi32, #tpu.memory_space<vmem>>) target_semaphore(%run_scoped3A : memref<!tpu.dma_semaphore, #tpu.memory_space<semaphore_mem>>)
        %dma_wait3A_140 = arith.constant 0 : i32
        %dma_wait3A_141 = arith.constant 0 : i32
        %dma_wait3A_142 = tpu.memref_slice %arg6[%arg1, %scan3A_75, %dma_wait3A_140, %dma_wait3A_141] : memref<16x4x40x128xi32, #tpu.memory_space<hbm>> -> memref<1x1x40x128xi32, #tpu.memory_space<hbm>>
        %dma_wait3A_143 = tpu.memref_squeeze %dma_wait3A_142 : memref<1x1x40x128xi32, #tpu.memory_space<hbm>> -> memref<40x128xi32, #tpu.memory_space<hbm>>
        %dma_wait3A_144 = arith.constant 0 : i32
        %dma_wait3A_145 = arith.constant 0 : i32
        %dma_wait3A_146 = tpu.memref_slice %arg6[%arg1, %scan3A_75, %dma_wait3A_144, %dma_wait3A_145] : memref<16x4x40x128xi32, #tpu.memory_space<hbm>> -> memref<1x1x40x128xi32, #tpu.memory_space<hbm>>
        %dma_wait3A_147 = tpu.memref_squeeze %dma_wait3A_146 : memref<1x1x40x128xi32, #tpu.memory_space<hbm>> -> memref<40x128xi32, #tpu.memory_space<hbm>>
        tpu.wait_dma2 semaphore(%run_scoped3A : memref<!tpu.dma_semaphore, #tpu.memory_space<semaphore_mem>>) src(%dma_wait3A_147 : memref<40x128xi32, #tpu.memory_space<hbm>>) dst(%arg8 : memref<40x128xi32, #tpu.memory_space<vmem>>)
        tpu.yield
      }) : () -> ()
      %scan3A_76 = arith.constant 0 : i32
      %scan3A_77 = arith.constant 0 : i32
      %scan3A_78 = arith.constant 40 : i32
      %scan3A_79 = arith.addi %scan3A_77, %scan3A_78 : i32
      %scan3A_80 = arith.constant 1 : i32
      scf.for %scan3A_132 = %scan3A_77 to %scan3A_79 step %scan3A_80  : i32 {
        %mul3A_133 = arith.constant 128 : i32
        %mul3A_134 = arith.muli %scan3A_132, %mul3A_133 : i32
        %get3A = arith.index_cast %scan3A_132 : i32 to index
        %get3A_135 = arith.constant 0 : index
        %get3A_136 = tpu.vector_load %arg8[%get3A, %get3A_135] {strides = array<i32>} : memref<40x128xi32, #tpu.memory_space<vmem>>, vector<16xi32>,
        %get3A_137 = arith.index_cast %scan3A_132 : i32 to index
        %get3A_138 = arith.constant 0 : index
        %get3A_139 = tpu.vector_load %arg9[%get3A_137, %get3A_138] {strides = array<i32>} : memref<40x128xi32, #tpu.memory_space<vmem>>, vector<16xi32>,
        %mul3A_140 = arith.constant 2 : i32
        %mul3A_141 = vector.broadcast %mul3A_140 : i32 to vector<16xi32>
        %mul3A_142 = arith.muli %get3A_136, %mul3A_141 : vector<16xi32>
        %gather3A = tpu.vector_load_idx %arg10[%mul3A_142] : memref<20000xf32, #tpu.memory_space<vmem>>[vector<16xi32>], vector<16xf32>,
        %mul3A_143 = arith.constant 2 : i32
        %mul3A_144 = vector.broadcast %mul3A_143 : i32 to vector<16xi32>
        %mul3A_145 = arith.muli %get3A_139, %mul3A_144 : vector<16xi32>
        %add3A_146 = arith.constant 1 : i32
        %add3A_147 = vector.broadcast %add3A_146 : i32 to vector<16xi32>
        %add3A_148 = arith.addi %mul3A_145, %add3A_147 : vector<16xi32>
        %gather3A_149 = tpu.vector_load_idx %arg10[%add3A_148] : memref<20000xf32, #tpu.memory_space<vmem>>[vector<16xi32>], vector<16xf32>,
        %add3A_150 = arith.addf %gather3A, %gather3A_149 : vector<16xf32>
        %ge3A = arith.constant 0.000000e+00 : f32
        %ge3A_151 = vector.broadcast %ge3A : f32 to vector<16xf32>
        %ge3A_152 = arith.cmpf oge, %add3A_150, %ge3A_151 : vector<16xf32>
        %mul3A_153 = arith.constant 2.000000e-01 : f32
        %mul3A_154 = vector.broadcast %mul3A_153 : f32 to vector<16xf32>
        %mul3A_155 = arith.mulf %mul3A_154, %add3A_150 : vector<16xf32>
        %select_n3A = arith.select %ge3A_152, %add3A_150, %mul3A_155 : vector<16xi1>, vector<16xf32>
        %exp3A = math.exp %select_n3A : vector<16xf32>
        %add3A_156 = arith.constant 0 : i32
        %add3A_157 = arith.addi %mul3A_134, %add3A_156 : i32
        %swap3A = arith.index_cast %add3A_157 : i32 to index
        %swap3A_158 = tpu.vector_load %arg11[%swap3A] {strides = array<i32>} : memref<5120xf32, #tpu.memory_space<vmem>>, vector<16xf32>,
        tpu.vector_store %arg11[%swap3A], %exp3A {strides = array<i32>} : memref<5120xf32, #tpu.memory_space<vmem>>, vector<16xf32>,
        %get3A_159 = arith.index_cast %scan3A_132 : i32 to index
        %get3A_160 = arith.constant 16 : index
        %get3A_161 = tpu.vector_load %arg8[%get3A_159, %get3A_160] {strides = array<i32>} : memref<40x128xi32, #tpu.memory_space<vmem>>, vector<16xi32>,
        %get3A_162 = arith.index_cast %scan3A_132 : i32 to index
        %get3A_163 = arith.constant 16 : index
        %get3A_164 = tpu.vector_load %arg9[%get3A_162, %get3A_163] {strides = array<i32>} : memref<40x128xi32, #tpu.memory_space<vmem>>, vector<16xi32>,
        %mul3A_165 = arith.constant 2 : i32
        %mul3A_166 = vector.broadcast %mul3A_165 : i32 to vector<16xi32>
        %mul3A_167 = arith.muli %get3A_161, %mul3A_166 : vector<16xi32>
        %gather3A_168 = tpu.vector_load_idx %arg10[%mul3A_167] : memref<20000xf32, #tpu.memory_space<vmem>>[vector<16xi32>], vector<16xf32>,
        %mul3A_169 = arith.constant 2 : i32
        %mul3A_170 = vector.broadcast %mul3A_169 : i32 to vector<16xi32>
        %mul3A_171 = arith.muli %get3A_164, %mul3A_170 : vector<16xi32>
        %add3A_172 = arith.constant 1 : i32
        %add3A_173 = vector.broadcast %add3A_172 : i32 to vector<16xi32>
        %add3A_174 = arith.addi %mul3A_171, %add3A_173 : vector<16xi32>
        %gather3A_175 = tpu.vector_load_idx %arg10[%add3A_174] : memref<20000xf32, #tpu.memory_space<vmem>>[vector<16xi32>], vector<16xf32>,
        %add3A_176 = arith.addf %gather3A_168, %gather3A_175 : vector<16xf32>
        %ge3A_177 = arith.constant 0.000000e+00 : f32
        %ge3A_178 = vector.broadcast %ge3A_177 : f32 to vector<16xf32>
        %ge3A_179 = arith.cmpf oge, %add3A_176, %ge3A_178 : vector<16xf32>
        %mul3A_180 = arith.constant 2.000000e-01 : f32
        %mul3A_181 = vector.broadcast %mul3A_180 : f32 to vector<16xf32>
        %mul3A_182 = arith.mulf %mul3A_181, %add3A_176 : vector<16xf32>
        %select_n3A_183 = arith.select %ge3A_179, %add3A_176, %mul3A_182 : vector<16xi1>, vector<16xf32>
        %exp3A_184 = math.exp %select_n3A_183 : vector<16xf32>
        %add3A_185 = arith.constant 16 : i32
        %add3A_186 = arith.addi %mul3A_134, %add3A_185 : i32
        %swap3A_187 = arith.index_cast %add3A_186 : i32 to index
        %swap3A_188 = tpu.vector_load %arg11[%swap3A_187] {strides = array<i32>} : memref<5120xf32, #tpu.memory_space<vmem>>, vector<16xf32>,
        tpu.vector_store %arg11[%swap3A_187], %exp3A_184 {strides = array<i32>} : memref<5120xf32, #tpu.memory_space<vmem>>, vector<16xf32>,
        %get3A_189 = arith.index_cast %scan3A_132 : i32 to index
        %get3A_190 = arith.constant 32 : index
        %get3A_191 = tpu.vector_load %arg8[%get3A_189, %get3A_190] {strides = array<i32>} : memref<40x128xi32, #tpu.memory_space<vmem>>, vector<16xi32>,
        %get3A_192 = arith.index_cast %scan3A_132 : i32 to index
        %get3A_193 = arith.constant 32 : index
        %get3A_194 = tpu.vector_load %arg9[%get3A_192, %get3A_193] {strides = array<i32>} : memref<40x128xi32, #tpu.memory_space<vmem>>, vector<16xi32>,
        %mul3A_195 = arith.constant 2 : i32
        %mul3A_196 = vector.broadcast %mul3A_195 : i32 to vector<16xi32>
        %mul3A_197 = arith.muli %get3A_191, %mul3A_196 : vector<16xi32>
        %gather3A_198 = tpu.vector_load_idx %arg10[%mul3A_197] : memref<20000xf32, #tpu.memory_space<vmem>>[vector<16xi32>], vector<16xf32>,
        %mul3A_199 = arith.constant 2 : i32
        %mul3A_200 = vector.broadcast %mul3A_199 : i32 to vector<16xi32>
        %mul3A_201 = arith.muli %get3A_194, %mul3A_200 : vector<16xi32>
        %add3A_202 = arith.constant 1 : i32
        %add3A_203 = vector.broadcast %add3A_202 : i32 to vector<16xi32>
        %add3A_204 = arith.addi %mul3A_201, %add3A_203 : vector<16xi32>
        %gather3A_205 = tpu.vector_load_idx %arg10[%add3A_204] : memref<20000xf32, #tpu.memory_space<vmem>>[vector<16xi32>], vector<16xf32>,
        %add3A_206 = arith.addf %gather3A_198, %gather3A_205 : vector<16xf32>
        %ge3A_207 = arith.constant 0.000000e+00 : f32
        %ge3A_208 = vector.broadcast %ge3A_207 : f32 to vector<16xf32>
        %ge3A_209 = arith.cmpf oge, %add3A_206, %ge3A_208 : vector<16xf32>
        %mul3A_210 = arith.constant 2.000000e-01 : f32
        %mul3A_211 = vector.broadcast %mul3A_210 : f32 to vector<16xf32>
        %mul3A_212 = arith.mulf %mul3A_211, %add3A_206 : vector<16xf32>
        %select_n3A_213 = arith.select %ge3A_209, %add3A_206, %mul3A_212 : vector<16xi1>, vector<16xf32>
        %exp3A_214 = math.exp %select_n3A_213 : vector<16xf32>
        %add3A_215 = arith.constant 32 : i32
        %add3A_216 = arith.addi %mul3A_134, %add3A_215 : i32
        %swap3A_217 = arith.index_cast %add3A_216 : i32 to index
        %swap3A_218 = tpu.vector_load %arg11[%swap3A_217] {strides = array<i32>} : memref<5120xf32, #tpu.memory_space<vmem>>, vector<16xf32>,
        tpu.vector_store %arg11[%swap3A_217], %exp3A_214 {strides = array<i32>} : memref<5120xf32, #tpu.memory_space<vmem>>, vector<16xf32>,
        %get3A_219 = arith.index_cast %scan3A_132 : i32 to index
        %get3A_220 = arith.constant 48 : index
        %get3A_221 = tpu.vector_load %arg8[%get3A_219, %get3A_220] {strides = array<i32>} : memref<40x128xi32, #tpu.memory_space<vmem>>, vector<16xi32>,
        %get3A_222 = arith.index_cast %scan3A_132 : i32 to index
        %get3A_223 = arith.constant 48 : index
        %get3A_224 = tpu.vector_load %arg9[%get3A_222, %get3A_223] {strides = array<i32>} : memref<40x128xi32, #tpu.memory_space<vmem>>, vector<16xi32>,
        %mul3A_225 = arith.constant 2 : i32
        %mul3A_226 = vector.broadcast %mul3A_225 : i32 to vector<16xi32>
        %mul3A_227 = arith.muli %get3A_221, %mul3A_226 : vector<16xi32>
        %gather3A_228 = tpu.vector_load_idx %arg10[%mul3A_227] : memref<20000xf32, #tpu.memory_space<vmem>>[vector<16xi32>], vector<16xf32>,
        %mul3A_229 = arith.constant 2 : i32
        %mul3A_230 = vector.broadcast %mul3A_229 : i32 to vector<16xi32>
        %mul3A_231 = arith.muli %get3A_224, %mul3A_230 : vector<16xi32>
        %add3A_232 = arith.constant 1 : i32
        %add3A_233 = vector.broadcast %add3A_232 : i32 to vector<16xi32>
        %add3A_234 = arith.addi %mul3A_231, %add3A_233 : vector<16xi32>
        %gather3A_235 = tpu.vector_load_idx %arg10[%add3A_234] : memref<20000xf32, #tpu.memory_space<vmem>>[vector<16xi32>], vector<16xf32>,
        %add3A_236 = arith.addf %gather3A_228, %gather3A_235 : vector<16xf32>
        %ge3A_237 = arith.constant 0.000000e+00 : f32
        %ge3A_238 = vector.broadcast %ge3A_237 : f32 to vector<16xf32>
        %ge3A_239 = arith.cmpf oge, %add3A_236, %ge3A_238 : vector<16xf32>
        %mul3A_240 = arith.constant 2.000000e-01 : f32
        %mul3A_241 = vector.broadcast %mul3A_240 : f32 to vector<16xf32>
        %mul3A_242 = arith.mulf %mul3A_241, %add3A_236 : vector<16xf32>
        %select_n3A_243 = arith.select %ge3A_239, %add3A_236, %mul3A_242 : vector<16xi1>, vector<16xf32>
        %exp3A_244 = math.exp %select_n3A_243 : vector<16xf32>
        %add3A_245 = arith.constant 48 : i32
        %add3A_246 = arith.addi %mul3A_134, %add3A_245 : i32
        %swap3A_247 = arith.index_cast %add3A_246 : i32 to index
        %swap3A_248 = tpu.vector_load %arg11[%swap3A_247] {strides = array<i32>} : memref<5120xf32, #tpu.memory_space<vmem>>, vector<16xf32>,
        tpu.vector_store %arg11[%swap3A_247], %exp3A_244 {strides = array<i32>} : memref<5120xf32, #tpu.memory_space<vmem>>, vector<16xf32>,
        %get3A_249 = arith.index_cast %scan3A_132 : i32 to index
        %get3A_250 = arith.constant 64 : index
        %get3A_251 = tpu.vector_load %arg8[%get3A_249, %get3A_250] {strides = array<i32>} : memref<40x128xi32, #tpu.memory_space<vmem>>, vector<16xi32>,
        %get3A_252 = arith.index_cast %scan3A_132 : i32 to index
        %get3A_253 = arith.constant 64 : index
        %get3A_254 = tpu.vector_load %arg9[%get3A_252, %get3A_253] {strides = array<i32>} : memref<40x128xi32, #tpu.memory_space<vmem>>, vector<16xi32>,
        %mul3A_255 = arith.constant 2 : i32
        %mul3A_256 = vector.broadcast %mul3A_255 : i32 to vector<16xi32>
        %mul3A_257 = arith.muli %get3A_251, %mul3A_256 : vector<16xi32>
        %gather3A_258 = tpu.vector_load_idx %arg10[%mul3A_257] : memref<20000xf32, #tpu.memory_space<vmem>>[vector<16xi32>], vector<16xf32>,
        %mul3A_259 = arith.constant 2 : i32
        %mul3A_260 = vector.broadcast %mul3A_259 : i32 to vector<16xi32>
        %mul3A_261 = arith.muli %get3A_254, %mul3A_260 : vector<16xi32>
        %add3A_262 = arith.constant 1 : i32
        %add3A_263 = vector.broadcast %add3A_262 : i32 to vector<16xi32>
        %add3A_264 = arith.addi %mul3A_261, %add3A_263 : vector<16xi32>
        %gather3A_265 = tpu.vector_load_idx %arg10[%add3A_264] : memref<20000xf32, #tpu.memory_space<vmem>>[vector<16xi32>], vector<16xf32>,
        %add3A_266 = arith.addf %gather3A_258, %gather3A_265 : vector<16xf32>
        %ge3A_267 = arith.constant 0.000000e+00 : f32
        %ge3A_268 = vector.broadcast %ge3A_267 : f32 to vector<16xf32>
        %ge3A_269 = arith.cmpf oge, %add3A_266, %ge3A_268 : vector<16xf32>
        %mul3A_270 = arith.constant 2.000000e-01 : f32
        %mul3A_271 = vector.broadcast %mul3A_270 : f32 to vector<16xf32>
        %mul3A_272 = arith.mulf %mul3A_271, %add3A_266 : vector<16xf32>
        %select_n3A_273 = arith.select %ge3A_269, %add3A_266, %mul3A_272 : vector<16xi1>, vector<16xf32>
        %exp3A_274 = math.exp %select_n3A_273 : vector<16xf32>
        %add3A_275 = arith.constant 64 : i32
        %add3A_276 = arith.addi %mul3A_134, %add3A_275 : i32
        %swap3A_277 = arith.index_cast %add3A_276 : i32 to index
        %swap3A_278 = tpu.vector_load %arg11[%swap3A_277] {strides = array<i32>} : memref<5120xf32, #tpu.memory_space<vmem>>, vector<16xf32>,
        tpu.vector_store %arg11[%swap3A_277], %exp3A_274 {strides = array<i32>} : memref<5120xf32, #tpu.memory_space<vmem>>, vector<16xf32>,
        %get3A_279 = arith.index_cast %scan3A_132 : i32 to index
        %get3A_280 = arith.constant 80 : index
        %get3A_281 = tpu.vector_load %arg8[%get3A_279, %get3A_280] {strides = array<i32>} : memref<40x128xi32, #tpu.memory_space<vmem>>, vector<16xi32>,
        %get3A_282 = arith.index_cast %scan3A_132 : i32 to index
        %get3A_283 = arith.constant 80 : index
        %get3A_284 = tpu.vector_load %arg9[%get3A_282, %get3A_283] {strides = array<i32>} : memref<40x128xi32, #tpu.memory_space<vmem>>, vector<16xi32>,
        %mul3A_285 = arith.constant 2 : i32
        %mul3A_286 = vector.broadcast %mul3A_285 : i32 to vector<16xi32>
        %mul3A_287 = arith.muli %get3A_281, %mul3A_286 : vector<16xi32>
        %gather3A_288 = tpu.vector_load_idx %arg10[%mul3A_287] : memref<20000xf32, #tpu.memory_space<vmem>>[vector<16xi32>], vector<16xf32>,
        %mul3A_289 = arith.constant 2 : i32
        %mul3A_290 = vector.broadcast %mul3A_289 : i32 to vector<16xi32>
        %mul3A_291 = arith.muli %get3A_284, %mul3A_290 : vector<16xi32>
        %add3A_292 = arith.constant 1 : i32
        %add3A_293 = vector.broadcast %add3A_292 : i32 to vector<16xi32>
        %add3A_294 = arith.addi %mul3A_291, %add3A_293 : vector<16xi32>
        %gather3A_295 = tpu.vector_load_idx %arg10[%add3A_294] : memref<20000xf32, #tpu.memory_space<vmem>>[vector<16xi32>], vector<16xf32>,
        %add3A_296 = arith.addf %gather3A_288, %gather3A_295 : vector<16xf32>
        %ge3A_297 = arith.constant 0.000000e+00 : f32
        %ge3A_298 = vector.broadcast %ge3A_297 : f32 to vector<16xf32>
        %ge3A_299 = arith.cmpf oge, %add3A_296, %ge3A_298 : vector<16xf32>
        %mul3A_300 = arith.constant 2.000000e-01 : f32
        %mul3A_301 = vector.broadcast %mul3A_300 : f32 to vector<16xf32>
        %mul3A_302 = arith.mulf %mul3A_301, %add3A_296 : vector<16xf32>
        %select_n3A_303 = arith.select %ge3A_299, %add3A_296, %mul3A_302 : vector<16xi1>, vector<16xf32>
        %exp3A_304 = math.exp %select_n3A_303 : vector<16xf32>
        %add3A_305 = arith.constant 80 : i32
        %add3A_306 = arith.addi %mul3A_134, %add3A_305 : i32
        %swap3A_307 = arith.index_cast %add3A_306 : i32 to index
        %swap3A_308 = tpu.vector_load %arg11[%swap3A_307] {strides = array<i32>} : memref<5120xf32, #tpu.memory_space<vmem>>, vector<16xf32>,
        tpu.vector_store %arg11[%swap3A_307], %exp3A_304 {strides = array<i32>} : memref<5120xf32, #tpu.memory_space<vmem>>, vector<16xf32>,
        %get3A_309 = arith.index_cast %scan3A_132 : i32 to index
        %get3A_310 = arith.constant 96 : index
        %get3A_311 = tpu.vector_load %arg8[%get3A_309, %get3A_310] {strides = array<i32>} : memref<40x128xi32, #tpu.memory_space<vmem>>, vector<16xi32>,
        %get3A_312 = arith.index_cast %scan3A_132 : i32 to index
        %get3A_313 = arith.constant 96 : index
        %get3A_314 = tpu.vector_load %arg9[%get3A_312, %get3A_313] {strides = array<i32>} : memref<40x128xi32, #tpu.memory_space<vmem>>, vector<16xi32>,
        %mul3A_315 = arith.constant 2 : i32
        %mul3A_316 = vector.broadcast %mul3A_315 : i32 to vector<16xi32>
        %mul3A_317 = arith.muli %get3A_311, %mul3A_316 : vector<16xi32>
        %gather3A_318 = tpu.vector_load_idx %arg10[%mul3A_317] : memref<20000xf32, #tpu.memory_space<vmem>>[vector<16xi32>], vector<16xf32>,
        %mul3A_319 = arith.constant 2 : i32
        %mul3A_320 = vector.broadcast %mul3A_319 : i32 to vector<16xi32>
        %mul3A_321 = arith.muli %get3A_314, %mul3A_320 : vector<16xi32>
        %add3A_322 = arith.constant 1 : i32
        %add3A_323 = vector.broadcast %add3A_322 : i32 to vector<16xi32>
        %add3A_324 = arith.addi %mul3A_321, %add3A_323 : vector<16xi32>
        %gather3A_325 = tpu.vector_load_idx %arg10[%add3A_324] : memref<20000xf32, #tpu.memory_space<vmem>>[vector<16xi32>], vector<16xf32>,
        %add3A_326 = arith.addf %gather3A_318, %gather3A_325 : vector<16xf32>
        %ge3A_327 = arith.constant 0.000000e+00 : f32
        %ge3A_328 = vector.broadcast %ge3A_327 : f32 to vector<16xf32>
        %ge3A_329 = arith.cmpf oge, %add3A_326, %ge3A_328 : vector<16xf32>
        %mul3A_330 = arith.constant 2.000000e-01 : f32
        %mul3A_331 = vector.broadcast %mul3A_330 : f32 to vector<16xf32>
        %mul3A_332 = arith.mulf %mul3A_331, %add3A_326 : vector<16xf32>
        %select_n3A_333 = arith.select %ge3A_329, %add3A_326, %mul3A_332 : vector<16xi1>, vector<16xf32>
        %exp3A_334 = math.exp %select_n3A_333 : vector<16xf32>
        %add3A_335 = arith.constant 96 : i32
        %add3A_336 = arith.addi %mul3A_134, %add3A_335 : i32
        %swap3A_337 = arith.index_cast %add3A_336 : i32 to index
        %swap3A_338 = tpu.vector_load %arg11[%swap3A_337] {strides = array<i32>} : memref<5120xf32, #tpu.memory_space<vmem>>, vector<16xf32>,
        tpu.vector_store %arg11[%swap3A_337], %exp3A_334 {strides = array<i32>} : memref<5120xf32, #tpu.memory_space<vmem>>, vector<16xf32>,
        %get3A_339 = arith.index_cast %scan3A_132 : i32 to index
        %get3A_340 = arith.constant 112 : index
        %get3A_341 = tpu.vector_load %arg8[%get3A_339, %get3A_340] {strides = array<i32>} : memref<40x128xi32, #tpu.memory_space<vmem>>, vector<16xi32>,
        %get3A_342 = arith.index_cast %scan3A_132 : i32 to index
        %get3A_343 = arith.constant 112 : index
        %get3A_344 = tpu.vector_load %arg9[%get3A_342, %get3A_343] {strides = array<i32>} : memref<40x128xi32, #tpu.memory_space<vmem>>, vector<16xi32>,
        %mul3A_345 = arith.constant 2 : i32
        %mul3A_346 = vector.broadcast %mul3A_345 : i32 to vector<16xi32>
        %mul3A_347 = arith.muli %get3A_341, %mul3A_346 : vector<16xi32>
        %gather3A_348 = tpu.vector_load_idx %arg10[%mul3A_347] : memref<20000xf32, #tpu.memory_space<vmem>>[vector<16xi32>], vector<16xf32>,
        %mul3A_349 = arith.constant 2 : i32
        %mul3A_350 = vector.broadcast %mul3A_349 : i32 to vector<16xi32>
        %mul3A_351 = arith.muli %get3A_344, %mul3A_350 : vector<16xi32>
        %add3A_352 = arith.constant 1 : i32
        %add3A_353 = vector.broadcast %add3A_352 : i32 to vector<16xi32>
        %add3A_354 = arith.addi %mul3A_351, %add3A_353 : vector<16xi32>
        %gather3A_355 = tpu.vector_load_idx %arg10[%add3A_354] : memref<20000xf32, #tpu.memory_space<vmem>>[vector<16xi32>], vector<16xf32>,
        %add3A_356 = arith.addf %gather3A_348, %gather3A_355 : vector<16xf32>
        %ge3A_357 = arith.constant 0.000000e+00 : f32
        %ge3A_358 = vector.broadcast %ge3A_357 : f32 to vector<16xf32>
        %ge3A_359 = arith.cmpf oge, %add3A_356, %ge3A_358 : vector<16xf32>
        %mul3A_360 = arith.constant 2.000000e-01 : f32
        %mul3A_361 = vector.broadcast %mul3A_360 : f32 to vector<16xf32>
        %mul3A_362 = arith.mulf %mul3A_361, %add3A_356 : vector<16xf32>
        %select_n3A_363 = arith.select %ge3A_359, %add3A_356, %mul3A_362 : vector<16xi1>, vector<16xf32>
        %exp3A_364 = math.exp %select_n3A_363 : vector<16xf32>
        %add3A_365 = arith.constant 112 : i32
        %add3A_366 = arith.addi %mul3A_134, %add3A_365 : i32
        %swap3A_367 = arith.index_cast %add3A_366 : i32 to index
        %swap3A_368 = tpu.vector_load %arg11[%swap3A_367] {strides = array<i32>} : memref<5120xf32, #tpu.memory_space<vmem>>, vector<16xf32>,
        tpu.vector_store %arg11[%swap3A_367], %exp3A_364 {strides = array<i32>} : memref<5120xf32, #tpu.memory_space<vmem>>, vector<16xf32>,
        %gt3A = arith.constant 0 : i32
        %gt3A_369 = arith.cmpi sgt, %scan3A_132, %gt3A : i32
        %convert_element_type3A_370 = arith.extui %gt3A_369 : i1 to i32
        %cond3A_371 = arith.constant 0 : i32
        %cond3A_372 = arith.cmpi ne, %convert_element_type3A_370, %cond3A_371 : i32
        scf.if %cond3A_372 {
          %dma_wait3A_379 = arith.constant 0 : i32
          %dma_wait3A_380 = arith.constant 0 : i32
          %dma_wait3A_381 = tpu.memref_slice %arg11[%dma_wait3A_380] : memref<5120xf32, #tpu.memory_space<vmem>> -> memref<128xf32, #tpu.memory_space<vmem>>
          %dma_wait3A_382 = arith.constant 0 : i32
          %dma_wait3A_383 = tpu.memref_slice %arg8[%dma_wait3A_379, %dma_wait3A_382] : memref<40x128xi32, #tpu.memory_space<vmem>> -> memref<1x128xi32, #tpu.memory_space<vmem>>
          %dma_wait3A_384 = tpu.memref_squeeze %dma_wait3A_383 : memref<1x128xi32, #tpu.memory_space<vmem>> -> memref<128xi32, #tpu.memory_space<vmem>>
          %dma_wait3A_385 = arith.constant 0 : i32
          %dma_wait3A_386 = tpu.memref_slice %arg18[%dma_wait3A_385] : memref<10240xf32, #tpu.memory_space<vmem_shared>> -> memref<10240xf32, #tpu.memory_space<vmem_shared>>
          tpu.wait_indirect_dma semaphore(%arg24 : memref<!tpu.dma_semaphore, #tpu.memory_space<semaphore_mem>>) src(%dma_wait3A_381 : memref<128xf32, #tpu.memory_space<vmem>>) dst(%dma_wait3A_386 : memref<10240xf32, #tpu.memory_space<vmem_shared>>)
        } else {
        }
        %dma_start3A_373 = tpu.memref_slice %arg11[%mul3A_134] : memref<5120xf32, #tpu.memory_space<vmem>> -> memref<128xf32, #tpu.memory_space<vmem>>
        %dma_start3A_374 = arith.constant 0 : i32
        %dma_start3A_375 = tpu.memref_slice %arg8[%scan3A_132, %dma_start3A_374] : memref<40x128xi32, #tpu.memory_space<vmem>> -> memref<1x128xi32, #tpu.memory_space<vmem>>
        %dma_start3A_376 = tpu.memref_squeeze %dma_start3A_375 : memref<1x128xi32, #tpu.memory_space<vmem>> -> memref<128xi32, #tpu.memory_space<vmem>>
        %dma_start3A_377 = arith.constant 0 : i32
        %dma_start3A_378 = tpu.memref_slice %arg18[%dma_start3A_377] : memref<10240xf32, #tpu.memory_space<vmem_shared>> -> memref<10240xf32, #tpu.memory_space<vmem_shared>>
        tpu.enqueue_indirect_dma source(%dma_start3A_373 : memref<128xf32, #tpu.memory_space<vmem>>) target(%dma_start3A_378 : memref<10240xf32, #tpu.memory_space<vmem_shared>>) offsets(%dma_start3A_376 : memref<128xi32, #tpu.memory_space<vmem>>) semaphore(%arg24 : memref<!tpu.dma_semaphore, #tpu.memory_space<semaphore_mem>>) {add = true}
      }
      %scan3A_81 = arith.constant 40 : i32
      %dma_wait3A_82 = arith.constant 0 : i32
      %dma_wait3A_83 = arith.constant 0 : i32
      %dma_wait3A_84 = tpu.memref_slice %arg11[%dma_wait3A_83] : memref<5120xf32, #tpu.memory_space<vmem>> -> memref<128xf32, #tpu.memory_space<vmem>>
      %dma_wait3A_85 = arith.constant 0 : i32
      %dma_wait3A_86 = tpu.memref_slice %arg8[%dma_wait3A_82, %dma_wait3A_85] : memref<40x128xi32, #tpu.memory_space<vmem>> -> memref<1x128xi32, #tpu.memory_space<vmem>>
      %dma_wait3A_87 = tpu.memref_squeeze %dma_wait3A_86 : memref<1x128xi32, #tpu.memory_space<vmem>> -> memref<128xi32, #tpu.memory_space<vmem>>
      %dma_wait3A_88 = arith.constant 0 : i32
      %dma_wait3A_89 = tpu.memref_slice %arg18[%dma_wait3A_88] : memref<10240xf32, #tpu.memory_space<vmem_shared>> -> memref<10240xf32, #tpu.memory_space<vmem_shared>>
      tpu.wait_indirect_dma semaphore(%arg24 : memref<!tpu.dma_semaphore, #tpu.memory_space<semaphore_mem>>) src(%dma_wait3A_84 : memref<128xf32, #tpu.memory_space<vmem>>) dst(%dma_wait3A_89 : memref<10240xf32, #tpu.memory_space<vmem_shared>>)
      %dma_start3A_90 = arith.constant 0 : i32
      %dma_start3A_91 = arith.constant 0 : i32
      %dma_start3A_92 = tpu.memref_slice %arg9[%dma_start3A_90, %dma_start3A_91] : memref<40x128xi32, #tpu.memory_space<vmem>> -> memref<1x128xi32, #tpu.memory_space<vmem>>
      %dma_start3A_93 = tpu.memref_squeeze %dma_start3A_92 : memref<1x128xi32, #tpu.memory_space<vmem>> -> memref<128xi32, #tpu.memory_space<vmem>>
      %dma_start3A_94 = arith.constant 0 : i32
      %dma_start3A_95 = arith.constant 0 : i32
      %dma_start3A_96 = tpu.memref_slice %arg2[%arg0, %dma_start3A_94, %dma_start3A_95] : memref<2x10000x64xf32, #tpu.memory_space<hbm>> -> memref<1x10000x64xf32, #tpu.memory_space<hbm>>
      %dma_start3A_97 = tpu.memref_squeeze %dma_start3A_96 : memref<1x10000x64xf32, #tpu.memory_space<hbm>> -> memref<10000x64xf32, #tpu.memory_space<hbm>>
      %dma_start3A_98 = arith.constant 0 : i32
      %dma_start3A_99 = arith.constant 0 : i32
      %dma_start3A_100 = tpu.memref_slice %dma_start3A_97[%dma_start3A_98, %dma_start3A_99] : memref<10000x64xf32, #tpu.memory_space<hbm>> -> memref<10000x64xf32, #tpu.memory_space<hbm>>
      tpu.enqueue_indirect_dma source(%dma_start3A_100 : memref<10000x64xf32, #tpu.memory_space<hbm>>) target(%arg12 : memref<128x64xf32, #tpu.memory_space<vmem>>) offsets(%dma_start3A_93 : memref<128xi32, #tpu.memory_space<vmem>>) semaphore(%arg20 : memref<!tpu.dma_semaphore, #tpu.memory_space<semaphore_mem>>)
      %dma_start3A_101 = arith.constant 1 : i32
      %dma_start3A_102 = arith.constant 0 : i32
      %dma_start3A_103 = tpu.memref_slice %arg9[%dma_start3A_101, %dma_start3A_102] : memref<40x128xi32, #tpu.memory_space<vmem>> -> memref<1x128xi32, #tpu.memory_space<vmem>>
      %dma_start3A_104 = tpu.memref_squeeze %dma_start3A_103 : memref<1x128xi32, #tpu.memory_space<vmem>> -> memref<128xi32, #tpu.memory_space<vmem>>
      %dma_start3A_105 = arith.constant 0 : i32
      %dma_start3A_106 = arith.constant 0 : i32
      %dma_start3A_107 = tpu.memref_slice %arg2[%arg0, %dma_start3A_105, %dma_start3A_106] : memref<2x10000x64xf32, #tpu.memory_space<hbm>> -> memref<1x10000x64xf32, #tpu.memory_space<hbm>>
      %dma_start3A_108 = tpu.memref_squeeze %dma_start3A_107 : memref<1x10000x64xf32, #tpu.memory_space<hbm>> -> memref<10000x64xf32, #tpu.memory_space<hbm>>
      %dma_start3A_109 = arith.constant 0 : i32
      %dma_start3A_110 = arith.constant 0 : i32
      %dma_start3A_111 = tpu.memref_slice %dma_start3A_108[%dma_start3A_109, %dma_start3A_110] : memref<10000x64xf32, #tpu.memory_space<hbm>> -> memref<10000x64xf32, #tpu.memory_space<hbm>>
      tpu.enqueue_indirect_dma source(%dma_start3A_111 : memref<10000x64xf32, #tpu.memory_space<hbm>>) target(%arg13 : memref<128x64xf32, #tpu.memory_space<vmem>>) offsets(%dma_start3A_104 : memref<128xi32, #tpu.memory_space<vmem>>) semaphore(%arg21 : memref<!tpu.dma_semaphore, #tpu.memory_space<semaphore_mem>>)
      %scan3A_112 = arith.constant 0 : i32
      %scan3A_113 = arith.constant 0 : i32
      %scan3A_114 = arith.constant 20 : i32
      %scan3A_115 = arith.addi %scan3A_113, %scan3A_114 : i32
      %scan3A_116 = arith.constant 1 : i32
      scf.for %scan3A_132 = %scan3A_113 to %scan3A_115 step %scan3A_116  : i32 {
        %mul3A_133 = arith.constant 2 : i32
        %mul3A_134 = arith.muli %mul3A_133, %scan3A_132 : i32
        %add3A_135 = arith.constant 1 : i32
        %add3A_136 = arith.addi %mul3A_134, %add3A_135 : i32
        %dma_wait3A_137 = arith.constant 0 : i32
        %dma_wait3A_138 = arith.constant 0 : i32
        %dma_wait3A_139 = tpu.memref_slice %arg2[%arg0, %dma_wait3A_137, %dma_wait3A_138] : memref<2x10000x64xf32, #tpu.memory_space<hbm>> -> memref<1x10000x64xf32, #tpu.memory_space<hbm>>
        %dma_wait3A_140 = tpu.memref_squeeze %dma_wait3A_139 : memref<1x10000x64xf32, #tpu.memory_space<hbm>> -> memref<10000x64xf32, #tpu.memory_space<hbm>>
        %dma_wait3A_141 = arith.constant 0 : i32
        %dma_wait3A_142 = arith.constant 0 : i32
        %dma_wait3A_143 = tpu.memref_slice %dma_wait3A_140[%dma_wait3A_141, %dma_wait3A_142] : memref<10000x64xf32, #tpu.memory_space<hbm>> -> memref<128x64xf32, #tpu.memory_space<hbm>>
        %dma_wait3A_144 = arith.constant 0 : i32
        %dma_wait3A_145 = arith.constant 0 : i32
        %dma_wait3A_146 = tpu.memref_slice %arg2[%arg0, %dma_wait3A_144, %dma_wait3A_145] : memref<2x10000x64xf32, #tpu.memory_space<hbm>> -> memref<1x10000x64xf32, #tpu.memory_space<hbm>>
        %dma_wait3A_147 = tpu.memref_squeeze %dma_wait3A_146 : memref<1x10000x64xf32, #tpu.memory_space<hbm>> -> memref<10000x64xf32, #tpu.memory_space<hbm>>
        %dma_wait3A_148 = arith.constant 0 : i32
        %dma_wait3A_149 = arith.constant 0 : i32
        %dma_wait3A_150 = tpu.memref_slice %dma_wait3A_147[%dma_wait3A_148, %dma_wait3A_149] : memref<10000x64xf32, #tpu.memory_space<hbm>> -> memref<128x64xf32, #tpu.memory_space<hbm>>
        tpu.wait_dma2 semaphore(%arg20 : memref<!tpu.dma_semaphore, #tpu.memory_space<semaphore_mem>>) src(%dma_wait3A_150 : memref<128x64xf32, #tpu.memory_space<hbm>>) dst(%arg12 : memref<128x64xf32, #tpu.memory_space<vmem>>)
        %gt3A = arith.constant 0 : i32
        %gt3A_151 = arith.cmpi sgt, %scan3A_132, %gt3A : i32
        %convert_element_type3A_152 = arith.extui %gt3A_151 : i1 to i32
        %cond3A_153 = arith.constant 0 : i32
        %cond3A_154 = arith.cmpi ne, %convert_element_type3A_152, %cond3A_153 : i32
        scf.if %cond3A_154 {
          %dma_wait3A_211 = arith.constant 0 : i32
          %dma_wait3A_212 = arith.constant 0 : i32
          %dma_wait3A_213 = tpu.memref_slice %arg8[%dma_wait3A_211, %dma_wait3A_212] : memref<40x128xi32, #tpu.memory_space<vmem>> -> memref<1x128xi32, #tpu.memory_space<vmem>>
          %dma_wait3A_214 = tpu.memref_squeeze %dma_wait3A_213 : memref<1x128xi32, #tpu.memory_space<vmem>> -> memref<128xi32, #tpu.memory_space<vmem>>
          %dma_wait3A_215 = arith.constant 0 : i32
          %dma_wait3A_216 = arith.constant 0 : i32
          %dma_wait3A_217 = tpu.memref_slice %arg19[%dma_wait3A_215, %dma_wait3A_216] : memref<10240x64xf32, #tpu.memory_space<vmem_shared>> -> memref<10240x64xf32, #tpu.memory_space<vmem_shared>>
          tpu.wait_indirect_dma semaphore(%arg22 : memref<!tpu.dma_semaphore, #tpu.memory_space<semaphore_mem>>) src(%arg14 : memref<128x64xf32, #tpu.memory_space<vmem>>) dst(%dma_wait3A_217 : memref<10240x64xf32, #tpu.memory_space<vmem_shared>>)
        } else {
        }
        %scan3A_155 = arith.constant 0 : i32
        %scan3A_156 = arith.constant 0 : i32
        %scan3A_157 = arith.constant 8 : i32
        %scan3A_158 = arith.addi %scan3A_156, %scan3A_157 : i32
        %scan3A_159 = arith.constant 1 : i32
        scf.for %scan3A_211 = %scan3A_156 to %scan3A_158 step %scan3A_159  : i32 {
          %mul3A_212 = arith.constant 128 : i32
          %mul3A_213 = arith.muli %mul3A_134, %mul3A_212 : i32
          %mul3A_214 = arith.constant 16 : i32
          %mul3A_215 = arith.muli %scan3A_211, %mul3A_214 : i32
          %add3A_216 = arith.addi %mul3A_213, %mul3A_215 : i32
          %get3A = arith.index_cast %add3A_216 : i32 to index
          %get3A_217 = tpu.vector_load %arg11[%get3A] {strides = array<i32>} : memref<5120xf32, #tpu.memory_space<vmem>>, vector<16xf32>,
          %mul3A_218 = arith.constant 16 : i32
          %mul3A_219 = arith.muli %scan3A_211, %mul3A_218 : i32
          %add3A_220 = arith.constant 0 : i32
          %add3A_221 = arith.addi %mul3A_219, %add3A_220 : i32
          %slice3A = vector.extract_strided_slice %get3A_217 {offsets = [0], sizes = [1], strides = [1]} : vector<16xf32> to vector<1xf32>
          %squeeze3A = vector.extract %slice3A[0] : f32 from vector<1xf32>
          %broadcast_in_dim3A_222 = vector.broadcast %squeeze3A : f32 to vector<16xf32>
          %get3A_223 = arith.index_cast %add3A_221 : i32 to index
          %get3A_224 = arith.constant 0 : index
          %get3A_225 = tpu.vector_load %arg12[%get3A_223, %get3A_224] {strides = array<i32>} : memref<128x64xf32, #tpu.memory_space<vmem>>, vector<16xf32>,
          %mul3A_226 = arith.mulf %broadcast_in_dim3A_222, %get3A_225 : vector<16xf32>
          %swap3A = arith.index_cast %add3A_221 : i32 to index
          %swap3A_227 = arith.constant 0 : index
          %swap3A_228 = tpu.vector_load %arg14[%swap3A, %swap3A_227] {strides = array<i32>} : memref<128x64xf32, #tpu.memory_space<vmem>>, vector<16xf32>,
          tpu.vector_store %arg14[%swap3A, %swap3A_227], %mul3A_226 {strides = array<i32>} : memref<128x64xf32, #tpu.memory_space<vmem>>, vector<16xf32>,
          %get3A_229 = arith.index_cast %add3A_221 : i32 to index
          %get3A_230 = arith.constant 16 : index
          %get3A_231 = tpu.vector_load %arg12[%get3A_229, %get3A_230] {strides = array<i32>} : memref<128x64xf32, #tpu.memory_space<vmem>>, vector<16xf32>,
          %mul3A_232 = arith.mulf %broadcast_in_dim3A_222, %get3A_231 : vector<16xf32>
          %swap3A_233 = arith.index_cast %add3A_221 : i32 to index
          %swap3A_234 = arith.constant 16 : index
          %swap3A_235 = tpu.vector_load %arg14[%swap3A_233, %swap3A_234] {strides = array<i32>} : memref<128x64xf32, #tpu.memory_space<vmem>>, vector<16xf32>,
          tpu.vector_store %arg14[%swap3A_233, %swap3A_234], %mul3A_232 {strides = array<i32>} : memref<128x64xf32, #tpu.memory_space<vmem>>, vector<16xf32>,
          %get3A_236 = arith.index_cast %add3A_221 : i32 to index
          %get3A_237 = arith.constant 32 : index
          %get3A_238 = tpu.vector_load %arg12[%get3A_236, %get3A_237] {strides = array<i32>} : memref<128x64xf32, #tpu.memory_space<vmem>>, vector<16xf32>,
          %mul3A_239 = arith.mulf %broadcast_in_dim3A_222, %get3A_238 : vector<16xf32>
          %swap3A_240 = arith.index_cast %add3A_221 : i32 to index
          %swap3A_241 = arith.constant 32 : index
          %swap3A_242 = tpu.vector_load %arg14[%swap3A_240, %swap3A_241] {strides = array<i32>} : memref<128x64xf32, #tpu.memory_space<vmem>>, vector<16xf32>,
          tpu.vector_store %arg14[%swap3A_240, %swap3A_241], %mul3A_239 {strides = array<i32>} : memref<128x64xf32, #tpu.memory_space<vmem>>, vector<16xf32>,
          %get3A_243 = arith.index_cast %add3A_221 : i32 to index
          %get3A_244 = arith.constant 48 : index
          %get3A_245 = tpu.vector_load %arg12[%get3A_243, %get3A_244] {strides = array<i32>} : memref<128x64xf32, #tpu.memory_space<vmem>>, vector<16xf32>,
          %mul3A_246 = arith.mulf %broadcast_in_dim3A_222, %get3A_245 : vector<16xf32>
          %swap3A_247 = arith.index_cast %add3A_221 : i32 to index
          %swap3A_248 = arith.constant 48 : index
          %swap3A_249 = tpu.vector_load %arg14[%swap3A_247, %swap3A_248] {strides = array<i32>} : memref<128x64xf32, #tpu.memory_space<vmem>>, vector<16xf32>,
          tpu.vector_store %arg14[%swap3A_247, %swap3A_248], %mul3A_246 {strides = array<i32>} : memref<128x64xf32, #tpu.memory_space<vmem>>, vector<16xf32>,
          %mul3A_250 = arith.constant 16 : i32
          %mul3A_251 = arith.muli %scan3A_211, %mul3A_250 : i32
          %add3A_252 = arith.constant 1 : i32
          %add3A_253 = arith.addi %mul3A_251, %add3A_252 : i32
          %slice3A_254 = vector.extract_strided_slice %get3A_217 {offsets = [1], sizes = [1], strides = [1]} : vector<16xf32> to vector<1xf32>
          %squeeze3A_255 = vector.extract %slice3A_254[0] : f32 from vector<1xf32>
          %broadcast_in_dim3A_256 = vector.broadcast %squeeze3A_255 : f32 to vector<16xf32>
          %get3A_257 = arith.index_cast %add3A_253 : i32 to index
          %get3A_258 = arith.constant 0 : index
          %get3A_259 = tpu.vector_load %arg12[%get3A_257, %get3A_258] {strides = array<i32>} : memref<128x64xf32, #tpu.memory_space<vmem>>, vector<16xf32>,
          %mul3A_260 = arith.mulf %broadcast_in_dim3A_256, %get3A_259 : vector<16xf32>
          %swap3A_261 = arith.index_cast %add3A_253 : i32 to index
          %swap3A_262 = arith.constant 0 : index
          %swap3A_263 = tpu.vector_load %arg14[%swap3A_261, %swap3A_262] {strides = array<i32>} : memref<128x64xf32, #tpu.memory_space<vmem>>, vector<16xf32>,
          tpu.vector_store %arg14[%swap3A_261, %swap3A_262], %mul3A_260 {strides = array<i32>} : memref<128x64xf32, #tpu.memory_space<vmem>>, vector<16xf32>,
          %get3A_264 = arith.index_cast %add3A_253 : i32 to index
          %get3A_265 = arith.constant 16 : index
          %get3A_266 = tpu.vector_load %arg12[%get3A_264, %get3A_265] {strides = array<i32>} : memref<128x64xf32, #tpu.memory_space<vmem>>, vector<16xf32>,
          %mul3A_267 = arith.mulf %broadcast_in_dim3A_256, %get3A_266 : vector<16xf32>
          %swap3A_268 = arith.index_cast %add3A_253 : i32 to index
          %swap3A_269 = arith.constant 16 : index
          %swap3A_270 = tpu.vector_load %arg14[%swap3A_268, %swap3A_269] {strides = array<i32>} : memref<128x64xf32, #tpu.memory_space<vmem>>, vector<16xf32>,
          tpu.vector_store %arg14[%swap3A_268, %swap3A_269], %mul3A_267 {strides = array<i32>} : memref<128x64xf32, #tpu.memory_space<vmem>>, vector<16xf32>,
          %get3A_271 = arith.index_cast %add3A_253 : i32 to index
          %get3A_272 = arith.constant 32 : index
          %get3A_273 = tpu.vector_load %arg12[%get3A_271, %get3A_272] {strides = array<i32>} : memref<128x64xf32, #tpu.memory_space<vmem>>, vector<16xf32>,
          %mul3A_274 = arith.mulf %broadcast_in_dim3A_256, %get3A_273 : vector<16xf32>
          %swap3A_275 = arith.index_cast %add3A_253 : i32 to index
          %swap3A_276 = arith.constant 32 : index
          %swap3A_277 = tpu.vector_load %arg14[%swap3A_275, %swap3A_276] {strides = array<i32>} : memref<128x64xf32, #tpu.memory_space<vmem>>, vector<16xf32>,
          tpu.vector_store %arg14[%swap3A_275, %swap3A_276], %mul3A_274 {strides = array<i32>} : memref<128x64xf32, #tpu.memory_space<vmem>>, vector<16xf32>,
          %get3A_278 = arith.index_cast %add3A_253 : i32 to index
          %get3A_279 = arith.constant 48 : index
          %get3A_280 = tpu.vector_load %arg12[%get3A_278, %get3A_279] {strides = array<i32>} : memref<128x64xf32, #tpu.memory_space<vmem>>, vector<16xf32>,
          %mul3A_281 = arith.mulf %broadcast_in_dim3A_256, %get3A_280 : vector<16xf32>
          %swap3A_282 = arith.index_cast %add3A_253 : i32 to index
          %swap3A_283 = arith.constant 48 : index
          %swap3A_284 = tpu.vector_load %arg14[%swap3A_282, %swap3A_283] {strides = array<i32>} : memref<128x64xf32, #tpu.memory_space<vmem>>, vector<16xf32>,
          tpu.vector_store %arg14[%swap3A_282, %swap3A_283], %mul3A_281 {strides = array<i32>} : memref<128x64xf32, #tpu.memory_space<vmem>>, vector<16xf32>,
          %mul3A_285 = arith.constant 16 : i32
          %mul3A_286 = arith.muli %scan3A_211, %mul3A_285 : i32
          %add3A_287 = arith.constant 2 : i32
          %add3A_288 = arith.addi %mul3A_286, %add3A_287 : i32
          %slice3A_289 = vector.extract_strided_slice %get3A_217 {offsets = [2], sizes = [1], strides = [1]} : vector<16xf32> to vector<1xf32>
          %squeeze3A_290 = vector.extract %slice3A_289[0] : f32 from vector<1xf32>
          %broadcast_in_dim3A_291 = vector.broadcast %squeeze3A_290 : f32 to vector<16xf32>
          %get3A_292 = arith.index_cast %add3A_288 : i32 to index
          %get3A_293 = arith.constant 0 : index
          %get3A_294 = tpu.vector_load %arg12[%get3A_292, %get3A_293] {strides = array<i32>} : memref<128x64xf32, #tpu.memory_space<vmem>>, vector<16xf32>,
          %mul3A_295 = arith.mulf %broadcast_in_dim3A_291, %get3A_294 : vector<16xf32>
          %swap3A_296 = arith.index_cast %add3A_288 : i32 to index
          %swap3A_297 = arith.constant 0 : index
          %swap3A_298 = tpu.vector_load %arg14[%swap3A_296, %swap3A_297] {strides = array<i32>} : memref<128x64xf32, #tpu.memory_space<vmem>>, vector<16xf32>,
          tpu.vector_store %arg14[%swap3A_296, %swap3A_297], %mul3A_295 {strides = array<i32>} : memref<128x64xf32, #tpu.memory_space<vmem>>, vector<16xf32>,
          %get3A_299 = arith.index_cast %add3A_288 : i32 to index
          %get3A_300 = arith.constant 16 : index
          %get3A_301 = tpu.vector_load %arg12[%get3A_299, %get3A_300] {strides = array<i32>} : memref<128x64xf32, #tpu.memory_space<vmem>>, vector<16xf32>,
          %mul3A_302 = arith.mulf %broadcast_in_dim3A_291, %get3A_301 : vector<16xf32>
          %swap3A_303 = arith.index_cast %add3A_288 : i32 to index
          %swap3A_304 = arith.constant 16 : index
          %swap3A_305 = tpu.vector_load %arg14[%swap3A_303, %swap3A_304] {strides = array<i32>} : memref<128x64xf32, #tpu.memory_space<vmem>>, vector<16xf32>,
          tpu.vector_store %arg14[%swap3A_303, %swap3A_304], %mul3A_302 {strides = array<i32>} : memref<128x64xf32, #tpu.memory_space<vmem>>, vector<16xf32>,
          %get3A_306 = arith.index_cast %add3A_288 : i32 to index
          %get3A_307 = arith.constant 32 : index
          %get3A_308 = tpu.vector_load %arg12[%get3A_306, %get3A_307] {strides = array<i32>} : memref<128x64xf32, #tpu.memory_space<vmem>>, vector<16xf32>,
          %mul3A_309 = arith.mulf %broadcast_in_dim3A_291, %get3A_308 : vector<16xf32>
          %swap3A_310 = arith.index_cast %add3A_288 : i32 to index
          %swap3A_311 = arith.constant 32 : index
          %swap3A_312 = tpu.vector_load %arg14[%swap3A_310, %swap3A_311] {strides = array<i32>} : memref<128x64xf32, #tpu.memory_space<vmem>>, vector<16xf32>,
          tpu.vector_store %arg14[%swap3A_310, %swap3A_311], %mul3A_309 {strides = array<i32>} : memref<128x64xf32, #tpu.memory_space<vmem>>, vector<16xf32>,
          %get3A_313 = arith.index_cast %add3A_288 : i32 to index
          %get3A_314 = arith.constant 48 : index
          %get3A_315 = tpu.vector_load %arg12[%get3A_313, %get3A_314] {strides = array<i32>} : memref<128x64xf32, #tpu.memory_space<vmem>>, vector<16xf32>,
          %mul3A_316 = arith.mulf %broadcast_in_dim3A_291, %get3A_315 : vector<16xf32>
          %swap3A_317 = arith.index_cast %add3A_288 : i32 to index
          %swap3A_318 = arith.constant 48 : index
          %swap3A_319 = tpu.vector_load %arg14[%swap3A_317, %swap3A_318] {strides = array<i32>} : memref<128x64xf32, #tpu.memory_space<vmem>>, vector<16xf32>,
          tpu.vector_store %arg14[%swap3A_317, %swap3A_318], %mul3A_316 {strides = array<i32>} : memref<128x64xf32, #tpu.memory_space<vmem>>, vector<16xf32>,
          %mul3A_320 = arith.constant 16 : i32
          %mul3A_321 = arith.muli %scan3A_211, %mul3A_320 : i32
          %add3A_322 = arith.constant 3 : i32
          %add3A_323 = arith.addi %mul3A_321, %add3A_322 : i32
          %slice3A_324 = vector.extract_strided_slice %get3A_217 {offsets = [3], sizes = [1], strides = [1]} : vector<16xf32> to vector<1xf32>
          %squeeze3A_325 = vector.extract %slice3A_324[0] : f32 from vector<1xf32>
          %broadcast_in_dim3A_326 = vector.broadcast %squeeze3A_325 : f32 to vector<16xf32>
          %get3A_327 = arith.index_cast %add3A_323 : i32 to index
          %get3A_328 = arith.constant 0 : index
          %get3A_329 = tpu.vector_load %arg12[%get3A_327, %get3A_328] {strides = array<i32>} : memref<128x64xf32, #tpu.memory_space<vmem>>, vector<16xf32>,
          %mul3A_330 = arith.mulf %broadcast_in_dim3A_326, %get3A_329 : vector<16xf32>
          %swap3A_331 = arith.index_cast %add3A_323 : i32 to index
          %swap3A_332 = arith.constant 0 : index
          %swap3A_333 = tpu.vector_load %arg14[%swap3A_331, %swap3A_332] {strides = array<i32>} : memref<128x64xf32, #tpu.memory_space<vmem>>, vector<16xf32>,
          tpu.vector_store %arg14[%swap3A_331, %swap3A_332], %mul3A_330 {strides = array<i32>} : memref<128x64xf32, #tpu.memory_space<vmem>>, vector<16xf32>,
          %get3A_334 = arith.index_cast %add3A_323 : i32 to index
          %get3A_335 = arith.constant 16 : index
          %get3A_336 = tpu.vector_load %arg12[%get3A_334, %get3A_335] {strides = array<i32>} : memref<128x64xf32, #tpu.memory_space<vmem>>, vector<16xf32>,
          %mul3A_337 = arith.mulf %broadcast_in_dim3A_326, %get3A_336 : vector<16xf32>
          %swap3A_338 = arith.index_cast %add3A_323 : i32 to index
          %swap3A_339 = arith.constant 16 : index
          %swap3A_340 = tpu.vector_load %arg14[%swap3A_338, %swap3A_339] {strides = array<i32>} : memref<128x64xf32, #tpu.memory_space<vmem>>, vector<16xf32>,
          tpu.vector_store %arg14[%swap3A_338, %swap3A_339], %mul3A_337 {strides = array<i32>} : memref<128x64xf32, #tpu.memory_space<vmem>>, vector<16xf32>,
          %get3A_341 = arith.index_cast %add3A_323 : i32 to index
          %get3A_342 = arith.constant 32 : index
          %get3A_343 = tpu.vector_load %arg12[%get3A_341, %get3A_342] {strides = array<i32>} : memref<128x64xf32, #tpu.memory_space<vmem>>, vector<16xf32>,
          %mul3A_344 = arith.mulf %broadcast_in_dim3A_326, %get3A_343 : vector<16xf32>
          %swap3A_345 = arith.index_cast %add3A_323 : i32 to index
          %swap3A_346 = arith.constant 32 : index
          %swap3A_347 = tpu.vector_load %arg14[%swap3A_345, %swap3A_346] {strides = array<i32>} : memref<128x64xf32, #tpu.memory_space<vmem>>, vector<16xf32>,
          tpu.vector_store %arg14[%swap3A_345, %swap3A_346], %mul3A_344 {strides = array<i32>} : memref<128x64xf32, #tpu.memory_space<vmem>>, vector<16xf32>,
          %get3A_348 = arith.index_cast %add3A_323 : i32 to index
          %get3A_349 = arith.constant 48 : index
          %get3A_350 = tpu.vector_load %arg12[%get3A_348, %get3A_349] {strides = array<i32>} : memref<128x64xf32, #tpu.memory_space<vmem>>, vector<16xf32>,
          %mul3A_351 = arith.mulf %broadcast_in_dim3A_326, %get3A_350 : vector<16xf32>
          %swap3A_352 = arith.index_cast %add3A_323 : i32 to index
          %swap3A_353 = arith.constant 48 : index
          %swap3A_354 = tpu.vector_load %arg14[%swap3A_352, %swap3A_353] {strides = array<i32>} : memref<128x64xf32, #tpu.memory_space<vmem>>, vector<16xf32>,
          tpu.vector_store %arg14[%swap3A_352, %swap3A_353], %mul3A_351 {strides = array<i32>} : memref<128x64xf32, #tpu.memory_space<vmem>>, vector<16xf32>,
          %mul3A_355 = arith.constant 16 : i32
          %mul3A_356 = arith.muli %scan3A_211, %mul3A_355 : i32
          %add3A_357 = arith.constant 4 : i32
          %add3A_358 = arith.addi %mul3A_356, %add3A_357 : i32
          %slice3A_359 = vector.extract_strided_slice %get3A_217 {offsets = [4], sizes = [1], strides = [1]} : vector<16xf32> to vector<1xf32>
          %squeeze3A_360 = vector.extract %slice3A_359[0] : f32 from vector<1xf32>
          %broadcast_in_dim3A_361 = vector.broadcast %squeeze3A_360 : f32 to vector<16xf32>
          %get3A_362 = arith.index_cast %add3A_358 : i32 to index
          %get3A_363 = arith.constant 0 : index
          %get3A_364 = tpu.vector_load %arg12[%get3A_362, %get3A_363] {strides = array<i32>} : memref<128x64xf32, #tpu.memory_space<vmem>>, vector<16xf32>,
          %mul3A_365 = arith.mulf %broadcast_in_dim3A_361, %get3A_364 : vector<16xf32>
          %swap3A_366 = arith.index_cast %add3A_358 : i32 to index
          %swap3A_367 = arith.constant 0 : index
          %swap3A_368 = tpu.vector_load %arg14[%swap3A_366, %swap3A_367] {strides = array<i32>} : memref<128x64xf32, #tpu.memory_space<vmem>>, vector<16xf32>,
          tpu.vector_store %arg14[%swap3A_366, %swap3A_367], %mul3A_365 {strides = array<i32>} : memref<128x64xf32, #tpu.memory_space<vmem>>, vector<16xf32>,
          %get3A_369 = arith.index_cast %add3A_358 : i32 to index
          %get3A_370 = arith.constant 16 : index
          %get3A_371 = tpu.vector_load %arg12[%get3A_369, %get3A_370] {strides = array<i32>} : memref<128x64xf32, #tpu.memory_space<vmem>>, vector<16xf32>,
          %mul3A_372 = arith.mulf %broadcast_in_dim3A_361, %get3A_371 : vector<16xf32>
          %swap3A_373 = arith.index_cast %add3A_358 : i32 to index
          %swap3A_374 = arith.constant 16 : index
          %swap3A_375 = tpu.vector_load %arg14[%swap3A_373, %swap3A_374] {strides = array<i32>} : memref<128x64xf32, #tpu.memory_space<vmem>>, vector<16xf32>,
          tpu.vector_store %arg14[%swap3A_373, %swap3A_374], %mul3A_372 {strides = array<i32>} : memref<128x64xf32, #tpu.memory_space<vmem>>, vector<16xf32>,
          %get3A_376 = arith.index_cast %add3A_358 : i32 to index
          %get3A_377 = arith.constant 32 : index
          %get3A_378 = tpu.vector_load %arg12[%get3A_376, %get3A_377] {strides = array<i32>} : memref<128x64xf32, #tpu.memory_space<vmem>>, vector<16xf32>,
          %mul3A_379 = arith.mulf %broadcast_in_dim3A_361, %get3A_378 : vector<16xf32>
          %swap3A_380 = arith.index_cast %add3A_358 : i32 to index
          %swap3A_381 = arith.constant 32 : index
          %swap3A_382 = tpu.vector_load %arg14[%swap3A_380, %swap3A_381] {strides = array<i32>} : memref<128x64xf32, #tpu.memory_space<vmem>>, vector<16xf32>,
          tpu.vector_store %arg14[%swap3A_380, %swap3A_381], %mul3A_379 {strides = array<i32>} : memref<128x64xf32, #tpu.memory_space<vmem>>, vector<16xf32>,
          %get3A_383 = arith.index_cast %add3A_358 : i32 to index
          %get3A_384 = arith.constant 48 : index
          %get3A_385 = tpu.vector_load %arg12[%get3A_383, %get3A_384] {strides = array<i32>} : memref<128x64xf32, #tpu.memory_space<vmem>>, vector<16xf32>,
          %mul3A_386 = arith.mulf %broadcast_in_dim3A_361, %get3A_385 : vector<16xf32>
          %swap3A_387 = arith.index_cast %add3A_358 : i32 to index
          %swap3A_388 = arith.constant 48 : index
          %swap3A_389 = tpu.vector_load %arg14[%swap3A_387, %swap3A_388] {strides = array<i32>} : memref<128x64xf32, #tpu.memory_space<vmem>>, vector<16xf32>,
          tpu.vector_store %arg14[%swap3A_387, %swap3A_388], %mul3A_386 {strides = array<i32>} : memref<128x64xf32, #tpu.memory_space<vmem>>, vector<16xf32>,
          %mul3A_390 = arith.constant 16 : i32
          %mul3A_391 = arith.muli %scan3A_211, %mul3A_390 : i32
          %add3A_392 = arith.constant 5 : i32
          %add3A_393 = arith.addi %mul3A_391, %add3A_392 : i32
          %slice3A_394 = vector.extract_strided_slice %get3A_217 {offsets = [5], sizes = [1], strides = [1]} : vector<16xf32> to vector<1xf32>
          %squeeze3A_395 = vector.extract %slice3A_394[0] : f32 from vector<1xf32>
          %broadcast_in_dim3A_396 = vector.broadcast %squeeze3A_395 : f32 to vector<16xf32>
          %get3A_397 = arith.index_cast %add3A_393 : i32 to index
          %get3A_398 = arith.constant 0 : index
          %get3A_399 = tpu.vector_load %arg12[%get3A_397, %get3A_398] {strides = array<i32>} : memref<128x64xf32, #tpu.memory_space<vmem>>, vector<16xf32>,
          %mul3A_400 = arith.mulf %broadcast_in_dim3A_396, %get3A_399 : vector<16xf32>
          %swap3A_401 = arith.index_cast %add3A_393 : i32 to index
          %swap3A_402 = arith.constant 0 : index
          %swap3A_403 = tpu.vector_load %arg14[%swap3A_401, %swap3A_402] {strides = array<i32>} : memref<128x64xf32, #tpu.memory_space<vmem>>, vector<16xf32>,
          tpu.vector_store %arg14[%swap3A_401, %swap3A_402], %mul3A_400 {strides = array<i32>} : memref<128x64xf32, #tpu.memory_space<vmem>>, vector<16xf32>,
          %get3A_404 = arith.index_cast %add3A_393 : i32 to index
          %get3A_405 = arith.constant 16 : index
          %get3A_406 = tpu.vector_load %arg12[%get3A_404, %get3A_405] {strides = array<i32>} : memref<128x64xf32, #tpu.memory_space<vmem>>, vector<16xf32>,
          %mul3A_407 = arith.mulf %broadcast_in_dim3A_396, %get3A_406 : vector<16xf32>
          %swap3A_408 = arith.index_cast %add3A_393 : i32 to index
          %swap3A_409 = arith.constant 16 : index
          %swap3A_410 = tpu.vector_load %arg14[%swap3A_408, %swap3A_409] {strides = array<i32>} : memref<128x64xf32, #tpu.memory_space<vmem>>, vector<16xf32>,
          tpu.vector_store %arg14[%swap3A_408, %swap3A_409], %mul3A_407 {strides = array<i32>} : memref<128x64xf32, #tpu.memory_space<vmem>>, vector<16xf32>,
          %get3A_411 = arith.index_cast %add3A_393 : i32 to index
          %get3A_412 = arith.constant 32 : index
          %get3A_413 = tpu.vector_load %arg12[%get3A_411, %get3A_412] {strides = array<i32>} : memref<128x64xf32, #tpu.memory_space<vmem>>, vector<16xf32>,
          %mul3A_414 = arith.mulf %broadcast_in_dim3A_396, %get3A_413 : vector<16xf32>
          %swap3A_415 = arith.index_cast %add3A_393 : i32 to index
          %swap3A_416 = arith.constant 32 : index
          %swap3A_417 = tpu.vector_load %arg14[%swap3A_415, %swap3A_416] {strides = array<i32>} : memref<128x64xf32, #tpu.memory_space<vmem>>, vector<16xf32>,
          tpu.vector_store %arg14[%swap3A_415, %swap3A_416], %mul3A_414 {strides = array<i32>} : memref<128x64xf32, #tpu.memory_space<vmem>>, vector<16xf32>,
          %get3A_418 = arith.index_cast %add3A_393 : i32 to index
          %get3A_419 = arith.constant 48 : index
          %get3A_420 = tpu.vector_load %arg12[%get3A_418, %get3A_419] {strides = array<i32>} : memref<128x64xf32, #tpu.memory_space<vmem>>, vector<16xf32>,
          %mul3A_421 = arith.mulf %broadcast_in_dim3A_396, %get3A_420 : vector<16xf32>
          %swap3A_422 = arith.index_cast %add3A_393 : i32 to index
          %swap3A_423 = arith.constant 48 : index
          %swap3A_424 = tpu.vector_load %arg14[%swap3A_422, %swap3A_423] {strides = array<i32>} : memref<128x64xf32, #tpu.memory_space<vmem>>, vector<16xf32>,
          tpu.vector_store %arg14[%swap3A_422, %swap3A_423], %mul3A_421 {strides = array<i32>} : memref<128x64xf32, #tpu.memory_space<vmem>>, vector<16xf32>,
          %mul3A_425 = arith.constant 16 : i32
          %mul3A_426 = arith.muli %scan3A_211, %mul3A_425 : i32
          %add3A_427 = arith.constant 6 : i32
          %add3A_428 = arith.addi %mul3A_426, %add3A_427 : i32
          %slice3A_429 = vector.extract_strided_slice %get3A_217 {offsets = [6], sizes = [1], strides = [1]} : vector<16xf32> to vector<1xf32>
          %squeeze3A_430 = vector.extract %slice3A_429[0] : f32 from vector<1xf32>
          %broadcast_in_dim3A_431 = vector.broadcast %squeeze3A_430 : f32 to vector<16xf32>
          %get3A_432 = arith.index_cast %add3A_428 : i32 to index
          %get3A_433 = arith.constant 0 : index
          %get3A_434 = tpu.vector_load %arg12[%get3A_432, %get3A_433] {strides = array<i32>} : memref<128x64xf32, #tpu.memory_space<vmem>>, vector<16xf32>,
          %mul3A_435 = arith.mulf %broadcast_in_dim3A_431, %get3A_434 : vector<16xf32>
          %swap3A_436 = arith.index_cast %add3A_428 : i32 to index
          %swap3A_437 = arith.constant 0 : index
          %swap3A_438 = tpu.vector_load %arg14[%swap3A_436, %swap3A_437] {strides = array<i32>} : memref<128x64xf32, #tpu.memory_space<vmem>>, vector<16xf32>,
          tpu.vector_store %arg14[%swap3A_436, %swap3A_437], %mul3A_435 {strides = array<i32>} : memref<128x64xf32, #tpu.memory_space<vmem>>, vector<16xf32>,
          %get3A_439 = arith.index_cast %add3A_428 : i32 to index
          %get3A_440 = arith.constant 16 : index
          %get3A_441 = tpu.vector_load %arg12[%get3A_439, %get3A_440] {strides = array<i32>} : memref<128x64xf32, #tpu.memory_space<vmem>>, vector<16xf32>,
          %mul3A_442 = arith.mulf %broadcast_in_dim3A_431, %get3A_441 : vector<16xf32>
          %swap3A_443 = arith.index_cast %add3A_428 : i32 to index
          %swap3A_444 = arith.constant 16 : index
          %swap3A_445 = tpu.vector_load %arg14[%swap3A_443, %swap3A_444] {strides = array<i32>} : memref<128x64xf32, #tpu.memory_space<vmem>>, vector<16xf32>,
          tpu.vector_store %arg14[%swap3A_443, %swap3A_444], %mul3A_442 {strides = array<i32>} : memref<128x64xf32, #tpu.memory_space<vmem>>, vector<16xf32>,
          %get3A_446 = arith.index_cast %add3A_428 : i32 to index
          %get3A_447 = arith.constant 32 : index
          %get3A_448 = tpu.vector_load %arg12[%get3A_446, %get3A_447] {strides = array<i32>} : memref<128x64xf32, #tpu.memory_space<vmem>>, vector<16xf32>,
          %mul3A_449 = arith.mulf %broadcast_in_dim3A_431, %get3A_448 : vector<16xf32>
          %swap3A_450 = arith.index_cast %add3A_428 : i32 to index
          %swap3A_451 = arith.constant 32 : index
          %swap3A_452 = tpu.vector_load %arg14[%swap3A_450, %swap3A_451] {strides = array<i32>} : memref<128x64xf32, #tpu.memory_space<vmem>>, vector<16xf32>,
          tpu.vector_store %arg14[%swap3A_450, %swap3A_451], %mul3A_449 {strides = array<i32>} : memref<128x64xf32, #tpu.memory_space<vmem>>, vector<16xf32>,
          %get3A_453 = arith.index_cast %add3A_428 : i32 to index
          %get3A_454 = arith.constant 48 : index
          %get3A_455 = tpu.vector_load %arg12[%get3A_453, %get3A_454] {strides = array<i32>} : memref<128x64xf32, #tpu.memory_space<vmem>>, vector<16xf32>,
          %mul3A_456 = arith.mulf %broadcast_in_dim3A_431, %get3A_455 : vector<16xf32>
          %swap3A_457 = arith.index_cast %add3A_428 : i32 to index
          %swap3A_458 = arith.constant 48 : index
          %swap3A_459 = tpu.vector_load %arg14[%swap3A_457, %swap3A_458] {strides = array<i32>} : memref<128x64xf32, #tpu.memory_space<vmem>>, vector<16xf32>,
          tpu.vector_store %arg14[%swap3A_457, %swap3A_458], %mul3A_456 {strides = array<i32>} : memref<128x64xf32, #tpu.memory_space<vmem>>, vector<16xf32>,
          %mul3A_460 = arith.constant 16 : i32
          %mul3A_461 = arith.muli %scan3A_211, %mul3A_460 : i32
          %add3A_462 = arith.constant 7 : i32
          %add3A_463 = arith.addi %mul3A_461, %add3A_462 : i32
          %slice3A_464 = vector.extract_strided_slice %get3A_217 {offsets = [7], sizes = [1], strides = [1]} : vector<16xf32> to vector<1xf32>
          %squeeze3A_465 = vector.extract %slice3A_464[0] : f32 from vector<1xf32>
          %broadcast_in_dim3A_466 = vector.broadcast %squeeze3A_465 : f32 to vector<16xf32>
          %get3A_467 = arith.index_cast %add3A_463 : i32 to index
          %get3A_468 = arith.constant 0 : index
          %get3A_469 = tpu.vector_load %arg12[%get3A_467, %get3A_468] {strides = array<i32>} : memref<128x64xf32, #tpu.memory_space<vmem>>, vector<16xf32>,
          %mul3A_470 = arith.mulf %broadcast_in_dim3A_466, %get3A_469 : vector<16xf32>
          %swap3A_471 = arith.index_cast %add3A_463 : i32 to index
          %swap3A_472 = arith.constant 0 : index
          %swap3A_473 = tpu.vector_load %arg14[%swap3A_471, %swap3A_472] {strides = array<i32>} : memref<128x64xf32, #tpu.memory_space<vmem>>, vector<16xf32>,
          tpu.vector_store %arg14[%swap3A_471, %swap3A_472], %mul3A_470 {strides = array<i32>} : memref<128x64xf32, #tpu.memory_space<vmem>>, vector<16xf32>,
          %get3A_474 = arith.index_cast %add3A_463 : i32 to index
          %get3A_475 = arith.constant 16 : index
          %get3A_476 = tpu.vector_load %arg12[%get3A_474, %get3A_475] {strides = array<i32>} : memref<128x64xf32, #tpu.memory_space<vmem>>, vector<16xf32>,
          %mul3A_477 = arith.mulf %broadcast_in_dim3A_466, %get3A_476 : vector<16xf32>
          %swap3A_478 = arith.index_cast %add3A_463 : i32 to index
          %swap3A_479 = arith.constant 16 : index
          %swap3A_480 = tpu.vector_load %arg14[%swap3A_478, %swap3A_479] {strides = array<i32>} : memref<128x64xf32, #tpu.memory_space<vmem>>, vector<16xf32>,
          tpu.vector_store %arg14[%swap3A_478, %swap3A_479], %mul3A_477 {strides = array<i32>} : memref<128x64xf32, #tpu.memory_space<vmem>>, vector<16xf32>,
          %get3A_481 = arith.index_cast %add3A_463 : i32 to index
          %get3A_482 = arith.constant 32 : index
          %get3A_483 = tpu.vector_load %arg12[%get3A_481, %get3A_482] {strides = array<i32>} : memref<128x64xf32, #tpu.memory_space<vmem>>, vector<16xf32>,
          %mul3A_484 = arith.mulf %broadcast_in_dim3A_466, %get3A_483 : vector<16xf32>
          %swap3A_485 = arith.index_cast %add3A_463 : i32 to index
          %swap3A_486 = arith.constant 32 : index
          %swap3A_487 = tpu.vector_load %arg14[%swap3A_485, %swap3A_486] {strides = array<i32>} : memref<128x64xf32, #tpu.memory_space<vmem>>, vector<16xf32>,
          tpu.vector_store %arg14[%swap3A_485, %swap3A_486], %mul3A_484 {strides = array<i32>} : memref<128x64xf32, #tpu.memory_space<vmem>>, vector<16xf32>,
          %get3A_488 = arith.index_cast %add3A_463 : i32 to index
          %get3A_489 = arith.constant 48 : index
          %get3A_490 = tpu.vector_load %arg12[%get3A_488, %get3A_489] {strides = array<i32>} : memref<128x64xf32, #tpu.memory_space<vmem>>, vector<16xf32>,
          %mul3A_491 = arith.mulf %broadcast_in_dim3A_466, %get3A_490 : vector<16xf32>
          %swap3A_492 = arith.index_cast %add3A_463 : i32 to index
          %swap3A_493 = arith.constant 48 : index
          %swap3A_494 = tpu.vector_load %arg14[%swap3A_492, %swap3A_493] {strides = array<i32>} : memref<128x64xf32, #tpu.memory_space<vmem>>, vector<16xf32>,
          tpu.vector_store %arg14[%swap3A_492, %swap3A_493], %mul3A_491 {strides = array<i32>} : memref<128x64xf32, #tpu.memory_space<vmem>>, vector<16xf32>,
          %mul3A_495 = arith.constant 16 : i32
          %mul3A_496 = arith.muli %scan3A_211, %mul3A_495 : i32
          %add3A_497 = arith.constant 8 : i32
          %add3A_498 = arith.addi %mul3A_496, %add3A_497 : i32
          %slice3A_499 = vector.extract_strided_slice %get3A_217 {offsets = [8], sizes = [1], strides = [1]} : vector<16xf32> to vector<1xf32>
          %squeeze3A_500 = vector.extract %slice3A_499[0] : f32 from vector<1xf32>
          %broadcast_in_dim3A_501 = vector.broadcast %squeeze3A_500 : f32 to vector<16xf32>
          %get3A_502 = arith.index_cast %add3A_498 : i32 to index
          %get3A_503 = arith.constant 0 : index
          %get3A_504 = tpu.vector_load %arg12[%get3A_502, %get3A_503] {strides = array<i32>} : memref<128x64xf32, #tpu.memory_space<vmem>>, vector<16xf32>,
          %mul3A_505 = arith.mulf %broadcast_in_dim3A_501, %get3A_504 : vector<16xf32>
          %swap3A_506 = arith.index_cast %add3A_498 : i32 to index
          %swap3A_507 = arith.constant 0 : index
          %swap3A_508 = tpu.vector_load %arg14[%swap3A_506, %swap3A_507] {strides = array<i32>} : memref<128x64xf32, #tpu.memory_space<vmem>>, vector<16xf32>,
          tpu.vector_store %arg14[%swap3A_506, %swap3A_507], %mul3A_505 {strides = array<i32>} : memref<128x64xf32, #tpu.memory_space<vmem>>, vector<16xf32>,
          %get3A_509 = arith.index_cast %add3A_498 : i32 to index
          %get3A_510 = arith.constant 16 : index
          %get3A_511 = tpu.vector_load %arg12[%get3A_509, %get3A_510] {strides = array<i32>} : memref<128x64xf32, #tpu.memory_space<vmem>>, vector<16xf32>,
          %mul3A_512 = arith.mulf %broadcast_in_dim3A_501, %get3A_511 : vector<16xf32>
          %swap3A_513 = arith.index_cast %add3A_498 : i32 to index
          %swap3A_514 = arith.constant 16 : index
          %swap3A_515 = tpu.vector_load %arg14[%swap3A_513, %swap3A_514] {strides = array<i32>} : memref<128x64xf32, #tpu.memory_space<vmem>>, vector<16xf32>,
          tpu.vector_store %arg14[%swap3A_513, %swap3A_514], %mul3A_512 {strides = array<i32>} : memref<128x64xf32, #tpu.memory_space<vmem>>, vector<16xf32>,
          %get3A_516 = arith.index_cast %add3A_498 : i32 to index
          %get3A_517 = arith.constant 32 : index
          %get3A_518 = tpu.vector_load %arg12[%get3A_516, %get3A_517] {strides = array<i32>} : memref<128x64xf32, #tpu.memory_space<vmem>>, vector<16xf32>,
          %mul3A_519 = arith.mulf %broadcast_in_dim3A_501, %get3A_518 : vector<16xf32>
          %swap3A_520 = arith.index_cast %add3A_498 : i32 to index
          %swap3A_521 = arith.constant 32 : index
          %swap3A_522 = tpu.vector_load %arg14[%swap3A_520, %swap3A_521] {strides = array<i32>} : memref<128x64xf32, #tpu.memory_space<vmem>>, vector<16xf32>,
          tpu.vector_store %arg14[%swap3A_520, %swap3A_521], %mul3A_519 {strides = array<i32>} : memref<128x64xf32, #tpu.memory_space<vmem>>, vector<16xf32>,
          %get3A_523 = arith.index_cast %add3A_498 : i32 to index
          %get3A_524 = arith.constant 48 : index
          %get3A_525 = tpu.vector_load %arg12[%get3A_523, %get3A_524] {strides = array<i32>} : memref<128x64xf32, #tpu.memory_space<vmem>>, vector<16xf32>,
          %mul3A_526 = arith.mulf %broadcast_in_dim3A_501, %get3A_525 : vector<16xf32>
          %swap3A_527 = arith.index_cast %add3A_498 : i32 to index
          %swap3A_528 = arith.constant 48 : index
          %swap3A_529 = tpu.vector_load %arg14[%swap3A_527, %swap3A_528] {strides = array<i32>} : memref<128x64xf32, #tpu.memory_space<vmem>>, vector<16xf32>,
          tpu.vector_store %arg14[%swap3A_527, %swap3A_528], %mul3A_526 {strides = array<i32>} : memref<128x64xf32, #tpu.memory_space<vmem>>, vector<16xf32>,
          %mul3A_530 = arith.constant 16 : i32
          %mul3A_531 = arith.muli %scan3A_211, %mul3A_530 : i32
          %add3A_532 = arith.constant 9 : i32
          %add3A_533 = arith.addi %mul3A_531, %add3A_532 : i32
          %slice3A_534 = vector.extract_strided_slice %get3A_217 {offsets = [9], sizes = [1], strides = [1]} : vector<16xf32> to vector<1xf32>
          %squeeze3A_535 = vector.extract %slice3A_534[0] : f32 from vector<1xf32>
          %broadcast_in_dim3A_536 = vector.broadcast %squeeze3A_535 : f32 to vector<16xf32>
          %get3A_537 = arith.index_cast %add3A_533 : i32 to index
          %get3A_538 = arith.constant 0 : index
          %get3A_539 = tpu.vector_load %arg12[%get3A_537, %get3A_538] {strides = array<i32>} : memref<128x64xf32, #tpu.memory_space<vmem>>, vector<16xf32>,
          %mul3A_540 = arith.mulf %broadcast_in_dim3A_536, %get3A_539 : vector<16xf32>
          %swap3A_541 = arith.index_cast %add3A_533 : i32 to index
          %swap3A_542 = arith.constant 0 : index
          %swap3A_543 = tpu.vector_load %arg14[%swap3A_541, %swap3A_542] {strides = array<i32>} : memref<128x64xf32, #tpu.memory_space<vmem>>, vector<16xf32>,
          tpu.vector_store %arg14[%swap3A_541, %swap3A_542], %mul3A_540 {strides = array<i32>} : memref<128x64xf32, #tpu.memory_space<vmem>>, vector<16xf32>,
          %get3A_544 = arith.index_cast %add3A_533 : i32 to index
          %get3A_545 = arith.constant 16 : index
          %get3A_546 = tpu.vector_load %arg12[%get3A_544, %get3A_545] {strides = array<i32>} : memref<128x64xf32, #tpu.memory_space<vmem>>, vector<16xf32>,
          %mul3A_547 = arith.mulf %broadcast_in_dim3A_536, %get3A_546 : vector<16xf32>
          %swap3A_548 = arith.index_cast %add3A_533 : i32 to index
          %swap3A_549 = arith.constant 16 : index
          %swap3A_550 = tpu.vector_load %arg14[%swap3A_548, %swap3A_549] {strides = array<i32>} : memref<128x64xf32, #tpu.memory_space<vmem>>, vector<16xf32>,
          tpu.vector_store %arg14[%swap3A_548, %swap3A_549], %mul3A_547 {strides = array<i32>} : memref<128x64xf32, #tpu.memory_space<vmem>>, vector<16xf32>,
          %get3A_551 = arith.index_cast %add3A_533 : i32 to index
          %get3A_552 = arith.constant 32 : index
          %get3A_553 = tpu.vector_load %arg12[%get3A_551, %get3A_552] {strides = array<i32>} : memref<128x64xf32, #tpu.memory_space<vmem>>, vector<16xf32>,
          %mul3A_554 = arith.mulf %broadcast_in_dim3A_536, %get3A_553 : vector<16xf32>
          %swap3A_555 = arith.index_cast %add3A_533 : i32 to index
          %swap3A_556 = arith.constant 32 : index
          %swap3A_557 = tpu.vector_load %arg14[%swap3A_555, %swap3A_556] {strides = array<i32>} : memref<128x64xf32, #tpu.memory_space<vmem>>, vector<16xf32>,
          tpu.vector_store %arg14[%swap3A_555, %swap3A_556], %mul3A_554 {strides = array<i32>} : memref<128x64xf32, #tpu.memory_space<vmem>>, vector<16xf32>,
          %get3A_558 = arith.index_cast %add3A_533 : i32 to index
          %get3A_559 = arith.constant 48 : index
          %get3A_560 = tpu.vector_load %arg12[%get3A_558, %get3A_559] {strides = array<i32>} : memref<128x64xf32, #tpu.memory_space<vmem>>, vector<16xf32>,
          %mul3A_561 = arith.mulf %broadcast_in_dim3A_536, %get3A_560 : vector<16xf32>
          %swap3A_562 = arith.index_cast %add3A_533 : i32 to index
          %swap3A_563 = arith.constant 48 : index
          %swap3A_564 = tpu.vector_load %arg14[%swap3A_562, %swap3A_563] {strides = array<i32>} : memref<128x64xf32, #tpu.memory_space<vmem>>, vector<16xf32>,
          tpu.vector_store %arg14[%swap3A_562, %swap3A_563], %mul3A_561 {strides = array<i32>} : memref<128x64xf32, #tpu.memory_space<vmem>>, vector<16xf32>,
          %mul3A_565 = arith.constant 16 : i32
          %mul3A_566 = arith.muli %scan3A_211, %mul3A_565 : i32
          %add3A_567 = arith.constant 10 : i32
          %add3A_568 = arith.addi %mul3A_566, %add3A_567 : i32
          %slice3A_569 = vector.extract_strided_slice %get3A_217 {offsets = [10], sizes = [1], strides = [1]} : vector<16xf32> to vector<1xf32>
          %squeeze3A_570 = vector.extract %slice3A_569[0] : f32 from vector<1xf32>
          %broadcast_in_dim3A_571 = vector.broadcast %squeeze3A_570 : f32 to vector<16xf32>
          %get3A_572 = arith.index_cast %add3A_568 : i32 to index
          %get3A_573 = arith.constant 0 : index
          %get3A_574 = tpu.vector_load %arg12[%get3A_572, %get3A_573] {strides = array<i32>} : memref<128x64xf32, #tpu.memory_space<vmem>>, vector<16xf32>,
          %mul3A_575 = arith.mulf %broadcast_in_dim3A_571, %get3A_574 : vector<16xf32>
          %swap3A_576 = arith.index_cast %add3A_568 : i32 to index
          %swap3A_577 = arith.constant 0 : index
          %swap3A_578 = tpu.vector_load %arg14[%swap3A_576, %swap3A_577] {strides = array<i32>} : memref<128x64xf32, #tpu.memory_space<vmem>>, vector<16xf32>,
          tpu.vector_store %arg14[%swap3A_576, %swap3A_577], %mul3A_575 {strides = array<i32>} : memref<128x64xf32, #tpu.memory_space<vmem>>, vector<16xf32>,
          %get3A_579 = arith.index_cast %add3A_568 : i32 to index
          %get3A_580 = arith.constant 16 : index
          %get3A_581 = tpu.vector_load %arg12[%get3A_579, %get3A_580] {strides = array<i32>} : memref<128x64xf32, #tpu.memory_space<vmem>>, vector<16xf32>,
          %mul3A_582 = arith.mulf %broadcast_in_dim3A_571, %get3A_581 : vector<16xf32>
          %swap3A_583 = arith.index_cast %add3A_568 : i32 to index
          %swap3A_584 = arith.constant 16 : index
          %swap3A_585 = tpu.vector_load %arg14[%swap3A_583, %swap3A_584] {strides = array<i32>} : memref<128x64xf32, #tpu.memory_space<vmem>>, vector<16xf32>,
          tpu.vector_store %arg14[%swap3A_583, %swap3A_584], %mul3A_582 {strides = array<i32>} : memref<128x64xf32, #tpu.memory_space<vmem>>, vector<16xf32>,
          %get3A_586 = arith.index_cast %add3A_568 : i32 to index
          %get3A_587 = arith.constant 32 : index
          %get3A_588 = tpu.vector_load %arg12[%get3A_586, %get3A_587] {strides = array<i32>} : memref<128x64xf32, #tpu.memory_space<vmem>>, vector<16xf32>,
          %mul3A_589 = arith.mulf %broadcast_in_dim3A_571, %get3A_588 : vector<16xf32>
          %swap3A_590 = arith.index_cast %add3A_568 : i32 to index
          %swap3A_591 = arith.constant 32 : index
          %swap3A_592 = tpu.vector_load %arg14[%swap3A_590, %swap3A_591] {strides = array<i32>} : memref<128x64xf32, #tpu.memory_space<vmem>>, vector<16xf32>,
          tpu.vector_store %arg14[%swap3A_590, %swap3A_591], %mul3A_589 {strides = array<i32>} : memref<128x64xf32, #tpu.memory_space<vmem>>, vector<16xf32>,
          %get3A_593 = arith.index_cast %add3A_568 : i32 to index
          %get3A_594 = arith.constant 48 : index
          %get3A_595 = tpu.vector_load %arg12[%get3A_593, %get3A_594] {strides = array<i32>} : memref<128x64xf32, #tpu.memory_space<vmem>>, vector<16xf32>,
          %mul3A_596 = arith.mulf %broadcast_in_dim3A_571, %get3A_595 : vector<16xf32>
          %swap3A_597 = arith.index_cast %add3A_568 : i32 to index
          %swap3A_598 = arith.constant 48 : index
          %swap3A_599 = tpu.vector_load %arg14[%swap3A_597, %swap3A_598] {strides = array<i32>} : memref<128x64xf32, #tpu.memory_space<vmem>>, vector<16xf32>,
          tpu.vector_store %arg14[%swap3A_597, %swap3A_598], %mul3A_596 {strides = array<i32>} : memref<128x64xf32, #tpu.memory_space<vmem>>, vector<16xf32>,
          %mul3A_600 = arith.constant 16 : i32
          %mul3A_601 = arith.muli %scan3A_211, %mul3A_600 : i32
          %add3A_602 = arith.constant 11 : i32
          %add3A_603 = arith.addi %mul3A_601, %add3A_602 : i32
          %slice3A_604 = vector.extract_strided_slice %get3A_217 {offsets = [11], sizes = [1], strides = [1]} : vector<16xf32> to vector<1xf32>
          %squeeze3A_605 = vector.extract %slice3A_604[0] : f32 from vector<1xf32>
          %broadcast_in_dim3A_606 = vector.broadcast %squeeze3A_605 : f32 to vector<16xf32>
          %get3A_607 = arith.index_cast %add3A_603 : i32 to index
          %get3A_608 = arith.constant 0 : index
          %get3A_609 = tpu.vector_load %arg12[%get3A_607, %get3A_608] {strides = array<i32>} : memref<128x64xf32, #tpu.memory_space<vmem>>, vector<16xf32>,
          %mul3A_610 = arith.mulf %broadcast_in_dim3A_606, %get3A_609 : vector<16xf32>
          %swap3A_611 = arith.index_cast %add3A_603 : i32 to index
          %swap3A_612 = arith.constant 0 : index
          %swap3A_613 = tpu.vector_load %arg14[%swap3A_611, %swap3A_612] {strides = array<i32>} : memref<128x64xf32, #tpu.memory_space<vmem>>, vector<16xf32>,
          tpu.vector_store %arg14[%swap3A_611, %swap3A_612], %mul3A_610 {strides = array<i32>} : memref<128x64xf32, #tpu.memory_space<vmem>>, vector<16xf32>,
          %get3A_614 = arith.index_cast %add3A_603 : i32 to index
          %get3A_615 = arith.constant 16 : index
          %get3A_616 = tpu.vector_load %arg12[%get3A_614, %get3A_615] {strides = array<i32>} : memref<128x64xf32, #tpu.memory_space<vmem>>, vector<16xf32>,
          %mul3A_617 = arith.mulf %broadcast_in_dim3A_606, %get3A_616 : vector<16xf32>
          %swap3A_618 = arith.index_cast %add3A_603 : i32 to index
          %swap3A_619 = arith.constant 16 : index
          %swap3A_620 = tpu.vector_load %arg14[%swap3A_618, %swap3A_619] {strides = array<i32>} : memref<128x64xf32, #tpu.memory_space<vmem>>, vector<16xf32>,
          tpu.vector_store %arg14[%swap3A_618, %swap3A_619], %mul3A_617 {strides = array<i32>} : memref<128x64xf32, #tpu.memory_space<vmem>>, vector<16xf32>,
          %get3A_621 = arith.index_cast %add3A_603 : i32 to index
          %get3A_622 = arith.constant 32 : index
          %get3A_623 = tpu.vector_load %arg12[%get3A_621, %get3A_622] {strides = array<i32>} : memref<128x64xf32, #tpu.memory_space<vmem>>, vector<16xf32>,
          %mul3A_624 = arith.mulf %broadcast_in_dim3A_606, %get3A_623 : vector<16xf32>
          %swap3A_625 = arith.index_cast %add3A_603 : i32 to index
          %swap3A_626 = arith.constant 32 : index
          %swap3A_627 = tpu.vector_load %arg14[%swap3A_625, %swap3A_626] {strides = array<i32>} : memref<128x64xf32, #tpu.memory_space<vmem>>, vector<16xf32>,
          tpu.vector_store %arg14[%swap3A_625, %swap3A_626], %mul3A_624 {strides = array<i32>} : memref<128x64xf32, #tpu.memory_space<vmem>>, vector<16xf32>,
          %get3A_628 = arith.index_cast %add3A_603 : i32 to index
          %get3A_629 = arith.constant 48 : index
          %get3A_630 = tpu.vector_load %arg12[%get3A_628, %get3A_629] {strides = array<i32>} : memref<128x64xf32, #tpu.memory_space<vmem>>, vector<16xf32>,
          %mul3A_631 = arith.mulf %broadcast_in_dim3A_606, %get3A_630 : vector<16xf32>
          %swap3A_632 = arith.index_cast %add3A_603 : i32 to index
          %swap3A_633 = arith.constant 48 : index
          %swap3A_634 = tpu.vector_load %arg14[%swap3A_632, %swap3A_633] {strides = array<i32>} : memref<128x64xf32, #tpu.memory_space<vmem>>, vector<16xf32>,
          tpu.vector_store %arg14[%swap3A_632, %swap3A_633], %mul3A_631 {strides = array<i32>} : memref<128x64xf32, #tpu.memory_space<vmem>>, vector<16xf32>,
          %mul3A_635 = arith.constant 16 : i32
          %mul3A_636 = arith.muli %scan3A_211, %mul3A_635 : i32
          %add3A_637 = arith.constant 12 : i32
          %add3A_638 = arith.addi %mul3A_636, %add3A_637 : i32
          %slice3A_639 = vector.extract_strided_slice %get3A_217 {offsets = [12], sizes = [1], strides = [1]} : vector<16xf32> to vector<1xf32>
          %squeeze3A_640 = vector.extract %slice3A_639[0] : f32 from vector<1xf32>
          %broadcast_in_dim3A_641 = vector.broadcast %squeeze3A_640 : f32 to vector<16xf32>
          %get3A_642 = arith.index_cast %add3A_638 : i32 to index
          %get3A_643 = arith.constant 0 : index
          %get3A_644 = tpu.vector_load %arg12[%get3A_642, %get3A_643] {strides = array<i32>} : memref<128x64xf32, #tpu.memory_space<vmem>>, vector<16xf32>,
          %mul3A_645 = arith.mulf %broadcast_in_dim3A_641, %get3A_644 : vector<16xf32>
          %swap3A_646 = arith.index_cast %add3A_638 : i32 to index
          %swap3A_647 = arith.constant 0 : index
          %swap3A_648 = tpu.vector_load %arg14[%swap3A_646, %swap3A_647] {strides = array<i32>} : memref<128x64xf32, #tpu.memory_space<vmem>>, vector<16xf32>,
          tpu.vector_store %arg14[%swap3A_646, %swap3A_647], %mul3A_645 {strides = array<i32>} : memref<128x64xf32, #tpu.memory_space<vmem>>, vector<16xf32>,
          %get3A_649 = arith.index_cast %add3A_638 : i32 to index
          %get3A_650 = arith.constant 16 : index
          %get3A_651 = tpu.vector_load %arg12[%get3A_649, %get3A_650] {strides = array<i32>} : memref<128x64xf32, #tpu.memory_space<vmem>>, vector<16xf32>,
          %mul3A_652 = arith.mulf %broadcast_in_dim3A_641, %get3A_651 : vector<16xf32>
          %swap3A_653 = arith.index_cast %add3A_638 : i32 to index
          %swap3A_654 = arith.constant 16 : index
          %swap3A_655 = tpu.vector_load %arg14[%swap3A_653, %swap3A_654] {strides = array<i32>} : memref<128x64xf32, #tpu.memory_space<vmem>>, vector<16xf32>,
          tpu.vector_store %arg14[%swap3A_653, %swap3A_654], %mul3A_652 {strides = array<i32>} : memref<128x64xf32, #tpu.memory_space<vmem>>, vector<16xf32>,
          %get3A_656 = arith.index_cast %add3A_638 : i32 to index
          %get3A_657 = arith.constant 32 : index
          %get3A_658 = tpu.vector_load %arg12[%get3A_656, %get3A_657] {strides = array<i32>} : memref<128x64xf32, #tpu.memory_space<vmem>>, vector<16xf32>,
          %mul3A_659 = arith.mulf %broadcast_in_dim3A_641, %get3A_658 : vector<16xf32>
          %swap3A_660 = arith.index_cast %add3A_638 : i32 to index
          %swap3A_661 = arith.constant 32 : index
          %swap3A_662 = tpu.vector_load %arg14[%swap3A_660, %swap3A_661] {strides = array<i32>} : memref<128x64xf32, #tpu.memory_space<vmem>>, vector<16xf32>,
          tpu.vector_store %arg14[%swap3A_660, %swap3A_661], %mul3A_659 {strides = array<i32>} : memref<128x64xf32, #tpu.memory_space<vmem>>, vector<16xf32>,
          %get3A_663 = arith.index_cast %add3A_638 : i32 to index
          %get3A_664 = arith.constant 48 : index
          %get3A_665 = tpu.vector_load %arg12[%get3A_663, %get3A_664] {strides = array<i32>} : memref<128x64xf32, #tpu.memory_space<vmem>>, vector<16xf32>,
          %mul3A_666 = arith.mulf %broadcast_in_dim3A_641, %get3A_665 : vector<16xf32>
          %swap3A_667 = arith.index_cast %add3A_638 : i32 to index
          %swap3A_668 = arith.constant 48 : index
          %swap3A_669 = tpu.vector_load %arg14[%swap3A_667, %swap3A_668] {strides = array<i32>} : memref<128x64xf32, #tpu.memory_space<vmem>>, vector<16xf32>,
          tpu.vector_store %arg14[%swap3A_667, %swap3A_668], %mul3A_666 {strides = array<i32>} : memref<128x64xf32, #tpu.memory_space<vmem>>, vector<16xf32>,
          %mul3A_670 = arith.constant 16 : i32
          %mul3A_671 = arith.muli %scan3A_211, %mul3A_670 : i32
          %add3A_672 = arith.constant 13 : i32
          %add3A_673 = arith.addi %mul3A_671, %add3A_672 : i32
          %slice3A_674 = vector.extract_strided_slice %get3A_217 {offsets = [13], sizes = [1], strides = [1]} : vector<16xf32> to vector<1xf32>
          %squeeze3A_675 = vector.extract %slice3A_674[0] : f32 from vector<1xf32>
          %broadcast_in_dim3A_676 = vector.broadcast %squeeze3A_675 : f32 to vector<16xf32>
          %get3A_677 = arith.index_cast %add3A_673 : i32 to index
          %get3A_678 = arith.constant 0 : index
          %get3A_679 = tpu.vector_load %arg12[%get3A_677, %get3A_678] {strides = array<i32>} : memref<128x64xf32, #tpu.memory_space<vmem>>, vector<16xf32>,
          %mul3A_680 = arith.mulf %broadcast_in_dim3A_676, %get3A_679 : vector<16xf32>
          %swap3A_681 = arith.index_cast %add3A_673 : i32 to index
          %swap3A_682 = arith.constant 0 : index
          %swap3A_683 = tpu.vector_load %arg14[%swap3A_681, %swap3A_682] {strides = array<i32>} : memref<128x64xf32, #tpu.memory_space<vmem>>, vector<16xf32>,
          tpu.vector_store %arg14[%swap3A_681, %swap3A_682], %mul3A_680 {strides = array<i32>} : memref<128x64xf32, #tpu.memory_space<vmem>>, vector<16xf32>,
          %get3A_684 = arith.index_cast %add3A_673 : i32 to index
          %get3A_685 = arith.constant 16 : index
          %get3A_686 = tpu.vector_load %arg12[%get3A_684, %get3A_685] {strides = array<i32>} : memref<128x64xf32, #tpu.memory_space<vmem>>, vector<16xf32>,
          %mul3A_687 = arith.mulf %broadcast_in_dim3A_676, %get3A_686 : vector<16xf32>
          %swap3A_688 = arith.index_cast %add3A_673 : i32 to index
          %swap3A_689 = arith.constant 16 : index
          %swap3A_690 = tpu.vector_load %arg14[%swap3A_688, %swap3A_689] {strides = array<i32>} : memref<128x64xf32, #tpu.memory_space<vmem>>, vector<16xf32>,
          tpu.vector_store %arg14[%swap3A_688, %swap3A_689], %mul3A_687 {strides = array<i32>} : memref<128x64xf32, #tpu.memory_space<vmem>>, vector<16xf32>,
          %get3A_691 = arith.index_cast %add3A_673 : i32 to index
          %get3A_692 = arith.constant 32 : index
          %get3A_693 = tpu.vector_load %arg12[%get3A_691, %get3A_692] {strides = array<i32>} : memref<128x64xf32, #tpu.memory_space<vmem>>, vector<16xf32>,
          %mul3A_694 = arith.mulf %broadcast_in_dim3A_676, %get3A_693 : vector<16xf32>
          %swap3A_695 = arith.index_cast %add3A_673 : i32 to index
          %swap3A_696 = arith.constant 32 : index
          %swap3A_697 = tpu.vector_load %arg14[%swap3A_695, %swap3A_696] {strides = array<i32>} : memref<128x64xf32, #tpu.memory_space<vmem>>, vector<16xf32>,
          tpu.vector_store %arg14[%swap3A_695, %swap3A_696], %mul3A_694 {strides = array<i32>} : memref<128x64xf32, #tpu.memory_space<vmem>>, vector<16xf32>,
          %get3A_698 = arith.index_cast %add3A_673 : i32 to index
          %get3A_699 = arith.constant 48 : index
          %get3A_700 = tpu.vector_load %arg12[%get3A_698, %get3A_699] {strides = array<i32>} : memref<128x64xf32, #tpu.memory_space<vmem>>, vector<16xf32>,
          %mul3A_701 = arith.mulf %broadcast_in_dim3A_676, %get3A_700 : vector<16xf32>
          %swap3A_702 = arith.index_cast %add3A_673 : i32 to index
          %swap3A_703 = arith.constant 48 : index
          %swap3A_704 = tpu.vector_load %arg14[%swap3A_702, %swap3A_703] {strides = array<i32>} : memref<128x64xf32, #tpu.memory_space<vmem>>, vector<16xf32>,
          tpu.vector_store %arg14[%swap3A_702, %swap3A_703], %mul3A_701 {strides = array<i32>} : memref<128x64xf32, #tpu.memory_space<vmem>>, vector<16xf32>,
          %mul3A_705 = arith.constant 16 : i32
          %mul3A_706 = arith.muli %scan3A_211, %mul3A_705 : i32
          %add3A_707 = arith.constant 14 : i32
          %add3A_708 = arith.addi %mul3A_706, %add3A_707 : i32
          %slice3A_709 = vector.extract_strided_slice %get3A_217 {offsets = [14], sizes = [1], strides = [1]} : vector<16xf32> to vector<1xf32>
          %squeeze3A_710 = vector.extract %slice3A_709[0] : f32 from vector<1xf32>
          %broadcast_in_dim3A_711 = vector.broadcast %squeeze3A_710 : f32 to vector<16xf32>
          %get3A_712 = arith.index_cast %add3A_708 : i32 to index
          %get3A_713 = arith.constant 0 : index
          %get3A_714 = tpu.vector_load %arg12[%get3A_712, %get3A_713] {strides = array<i32>} : memref<128x64xf32, #tpu.memory_space<vmem>>, vector<16xf32>,
          %mul3A_715 = arith.mulf %broadcast_in_dim3A_711, %get3A_714 : vector<16xf32>
          %swap3A_716 = arith.index_cast %add3A_708 : i32 to index
          %swap3A_717 = arith.constant 0 : index
          %swap3A_718 = tpu.vector_load %arg14[%swap3A_716, %swap3A_717] {strides = array<i32>} : memref<128x64xf32, #tpu.memory_space<vmem>>, vector<16xf32>,
          tpu.vector_store %arg14[%swap3A_716, %swap3A_717], %mul3A_715 {strides = array<i32>} : memref<128x64xf32, #tpu.memory_space<vmem>>, vector<16xf32>,
          %get3A_719 = arith.index_cast %add3A_708 : i32 to index
          %get3A_720 = arith.constant 16 : index
          %get3A_721 = tpu.vector_load %arg12[%get3A_719, %get3A_720] {strides = array<i32>} : memref<128x64xf32, #tpu.memory_space<vmem>>, vector<16xf32>,
          %mul3A_722 = arith.mulf %broadcast_in_dim3A_711, %get3A_721 : vector<16xf32>
          %swap3A_723 = arith.index_cast %add3A_708 : i32 to index
          %swap3A_724 = arith.constant 16 : index
          %swap3A_725 = tpu.vector_load %arg14[%swap3A_723, %swap3A_724] {strides = array<i32>} : memref<128x64xf32, #tpu.memory_space<vmem>>, vector<16xf32>,
          tpu.vector_store %arg14[%swap3A_723, %swap3A_724], %mul3A_722 {strides = array<i32>} : memref<128x64xf32, #tpu.memory_space<vmem>>, vector<16xf32>,
          %get3A_726 = arith.index_cast %add3A_708 : i32 to index
          %get3A_727 = arith.constant 32 : index
          %get3A_728 = tpu.vector_load %arg12[%get3A_726, %get3A_727] {strides = array<i32>} : memref<128x64xf32, #tpu.memory_space<vmem>>, vector<16xf32>,
          %mul3A_729 = arith.mulf %broadcast_in_dim3A_711, %get3A_728 : vector<16xf32>
          %swap3A_730 = arith.index_cast %add3A_708 : i32 to index
          %swap3A_731 = arith.constant 32 : index
          %swap3A_732 = tpu.vector_load %arg14[%swap3A_730, %swap3A_731] {strides = array<i32>} : memref<128x64xf32, #tpu.memory_space<vmem>>, vector<16xf32>,
          tpu.vector_store %arg14[%swap3A_730, %swap3A_731], %mul3A_729 {strides = array<i32>} : memref<128x64xf32, #tpu.memory_space<vmem>>, vector<16xf32>,
          %get3A_733 = arith.index_cast %add3A_708 : i32 to index
          %get3A_734 = arith.constant 48 : index
          %get3A_735 = tpu.vector_load %arg12[%get3A_733, %get3A_734] {strides = array<i32>} : memref<128x64xf32, #tpu.memory_space<vmem>>, vector<16xf32>,
          %mul3A_736 = arith.mulf %broadcast_in_dim3A_711, %get3A_735 : vector<16xf32>
          %swap3A_737 = arith.index_cast %add3A_708 : i32 to index
          %swap3A_738 = arith.constant 48 : index
          %swap3A_739 = tpu.vector_load %arg14[%swap3A_737, %swap3A_738] {strides = array<i32>} : memref<128x64xf32, #tpu.memory_space<vmem>>, vector<16xf32>,
          tpu.vector_store %arg14[%swap3A_737, %swap3A_738], %mul3A_736 {strides = array<i32>} : memref<128x64xf32, #tpu.memory_space<vmem>>, vector<16xf32>,
          %mul3A_740 = arith.constant 16 : i32
          %mul3A_741 = arith.muli %scan3A_211, %mul3A_740 : i32
          %add3A_742 = arith.constant 15 : i32
          %add3A_743 = arith.addi %mul3A_741, %add3A_742 : i32
          %slice3A_744 = vector.extract_strided_slice %get3A_217 {offsets = [15], sizes = [1], strides = [1]} : vector<16xf32> to vector<1xf32>
          %squeeze3A_745 = vector.extract %slice3A_744[0] : f32 from vector<1xf32>
          %broadcast_in_dim3A_746 = vector.broadcast %squeeze3A_745 : f32 to vector<16xf32>
          %get3A_747 = arith.index_cast %add3A_743 : i32 to index
          %get3A_748 = arith.constant 0 : index
          %get3A_749 = tpu.vector_load %arg12[%get3A_747, %get3A_748] {strides = array<i32>} : memref<128x64xf32, #tpu.memory_space<vmem>>, vector<16xf32>,
          %mul3A_750 = arith.mulf %broadcast_in_dim3A_746, %get3A_749 : vector<16xf32>
          %swap3A_751 = arith.index_cast %add3A_743 : i32 to index
          %swap3A_752 = arith.constant 0 : index
          %swap3A_753 = tpu.vector_load %arg14[%swap3A_751, %swap3A_752] {strides = array<i32>} : memref<128x64xf32, #tpu.memory_space<vmem>>, vector<16xf32>,
          tpu.vector_store %arg14[%swap3A_751, %swap3A_752], %mul3A_750 {strides = array<i32>} : memref<128x64xf32, #tpu.memory_space<vmem>>, vector<16xf32>,
          %get3A_754 = arith.index_cast %add3A_743 : i32 to index
          %get3A_755 = arith.constant 16 : index
          %get3A_756 = tpu.vector_load %arg12[%get3A_754, %get3A_755] {strides = array<i32>} : memref<128x64xf32, #tpu.memory_space<vmem>>, vector<16xf32>,
          %mul3A_757 = arith.mulf %broadcast_in_dim3A_746, %get3A_756 : vector<16xf32>
          %swap3A_758 = arith.index_cast %add3A_743 : i32 to index
          %swap3A_759 = arith.constant 16 : index
          %swap3A_760 = tpu.vector_load %arg14[%swap3A_758, %swap3A_759] {strides = array<i32>} : memref<128x64xf32, #tpu.memory_space<vmem>>, vector<16xf32>,
          tpu.vector_store %arg14[%swap3A_758, %swap3A_759], %mul3A_757 {strides = array<i32>} : memref<128x64xf32, #tpu.memory_space<vmem>>, vector<16xf32>,
          %get3A_761 = arith.index_cast %add3A_743 : i32 to index
          %get3A_762 = arith.constant 32 : index
          %get3A_763 = tpu.vector_load %arg12[%get3A_761, %get3A_762] {strides = array<i32>} : memref<128x64xf32, #tpu.memory_space<vmem>>, vector<16xf32>,
          %mul3A_764 = arith.mulf %broadcast_in_dim3A_746, %get3A_763 : vector<16xf32>
          %swap3A_765 = arith.index_cast %add3A_743 : i32 to index
          %swap3A_766 = arith.constant 32 : index
          %swap3A_767 = tpu.vector_load %arg14[%swap3A_765, %swap3A_766] {strides = array<i32>} : memref<128x64xf32, #tpu.memory_space<vmem>>, vector<16xf32>,
          tpu.vector_store %arg14[%swap3A_765, %swap3A_766], %mul3A_764 {strides = array<i32>} : memref<128x64xf32, #tpu.memory_space<vmem>>, vector<16xf32>,
          %get3A_768 = arith.index_cast %add3A_743 : i32 to index
          %get3A_769 = arith.constant 48 : index
          %get3A_770 = tpu.vector_load %arg12[%get3A_768, %get3A_769] {strides = array<i32>} : memref<128x64xf32, #tpu.memory_space<vmem>>, vector<16xf32>,
          %mul3A_771 = arith.mulf %broadcast_in_dim3A_746, %get3A_770 : vector<16xf32>
          %swap3A_772 = arith.index_cast %add3A_743 : i32 to index
          %swap3A_773 = arith.constant 48 : index
          %swap3A_774 = tpu.vector_load %arg14[%swap3A_772, %swap3A_773] {strides = array<i32>} : memref<128x64xf32, #tpu.memory_space<vmem>>, vector<16xf32>,
          tpu.vector_store %arg14[%swap3A_772, %swap3A_773], %mul3A_771 {strides = array<i32>} : memref<128x64xf32, #tpu.memory_space<vmem>>, vector<16xf32>,
        }
        %scan3A_160 = arith.constant 8 : i32
        %add3A_161 = arith.constant 2 : i32
        %add3A_162 = arith.addi %mul3A_134, %add3A_161 : i32
        %lt3A = arith.constant 40 : i32
        %lt3A_163 = arith.cmpi slt, %add3A_162, %lt3A : i32
        %convert_element_type3A_164 = arith.extui %lt3A_163 : i1 to i32
        %cond3A_165 = arith.constant 0 : i32
        %cond3A_166 = arith.cmpi ne, %convert_element_type3A_164, %cond3A_165 : i32
        scf.if %cond3A_166 {
          %add3A_211 = arith.constant 2 : i32
          %add3A_212 = arith.addi %mul3A_134, %add3A_211 : i32
          %dma_start3A_213 = arith.constant 0 : i32
          %dma_start3A_214 = tpu.memref_slice %arg9[%add3A_212, %dma_start3A_213] : memref<40x128xi32, #tpu.memory_space<vmem>> -> memref<1x128xi32, #tpu.memory_space<vmem>>
          %dma_start3A_215 = tpu.memref_squeeze %dma_start3A_214 : memref<1x128xi32, #tpu.memory_space<vmem>> -> memref<128xi32, #tpu.memory_space<vmem>>
          %dma_start3A_216 = arith.constant 0 : i32
          %dma_start3A_217 = arith.constant 0 : i32
          %dma_start3A_218 = tpu.memref_slice %arg2[%arg0, %dma_start3A_216, %dma_start3A_217] : memref<2x10000x64xf32, #tpu.memory_space<hbm>> -> memref<1x10000x64xf32, #tpu.memory_space<hbm>>
          %dma_start3A_219 = tpu.memref_squeeze %dma_start3A_218 : memref<1x10000x64xf32, #tpu.memory_space<hbm>> -> memref<10000x64xf32, #tpu.memory_space<hbm>>
          %dma_start3A_220 = arith.constant 0 : i32
          %dma_start3A_221 = arith.constant 0 : i32
          %dma_start3A_222 = tpu.memref_slice %dma_start3A_219[%dma_start3A_220, %dma_start3A_221] : memref<10000x64xf32, #tpu.memory_space<hbm>> -> memref<10000x64xf32, #tpu.memory_space<hbm>>
          tpu.enqueue_indirect_dma source(%dma_start3A_222 : memref<10000x64xf32, #tpu.memory_space<hbm>>) target(%arg12 : memref<128x64xf32, #tpu.memory_space<vmem>>) offsets(%dma_start3A_215 : memref<128xi32, #tpu.memory_space<vmem>>) semaphore(%arg20 : memref<!tpu.dma_semaphore, #tpu.memory_space<semaphore_mem>>)
        } else {
        }
        %dma_start3A_167 = arith.constant 0 : i32
        %dma_start3A_168 = tpu.memref_slice %arg8[%mul3A_134, %dma_start3A_167] : memref<40x128xi32, #tpu.memory_space<vmem>> -> memref<1x128xi32, #tpu.memory_space<vmem>>
        %dma_start3A_169 = tpu.memref_squeeze %dma_start3A_168 : memref<1x128xi32, #tpu.memory_space<vmem>> -> memref<128xi32, #tpu.memory_space<vmem>>
        %dma_start3A_170 = arith.constant 0 : i32
        %dma_start3A_171 = arith.constant 0 : i32
        %dma_start3A_172 = tpu.memref_slice %arg19[%dma_start3A_170, %dma_start3A_171] : memref<10240x64xf32, #tpu.memory_space<vmem_shared>> -> memref<10240x64xf32, #tpu.memory_space<vmem_shared>>
        tpu.enqueue_indirect_dma source(%arg14 : memref<128x64xf32, #tpu.memory_space<vmem>>) target(%dma_start3A_172 : memref<10240x64xf32, #tpu.memory_space<vmem_shared>>) offsets(%dma_start3A_169 : memref<128xi32, #tpu.memory_space<vmem>>) semaphore(%arg22 : memref<!tpu.dma_semaphore, #tpu.memory_space<semaphore_mem>>) {add = true}
        %dma_wait3A_173 = arith.constant 0 : i32
        %dma_wait3A_174 = arith.constant 0 : i32
        %dma_wait3A_175 = tpu.memref_slice %arg2[%arg0, %dma_wait3A_173, %dma_wait3A_174] : memref<2x10000x64xf32, #tpu.memory_space<hbm>> -> memref<1x10000x64xf32, #tpu.memory_space<hbm>>
        %dma_wait3A_176 = tpu.memref_squeeze %dma_wait3A_175 : memref<1x10000x64xf32, #tpu.memory_space<hbm>> -> memref<10000x64xf32, #tpu.memory_space<hbm>>
        %dma_wait3A_177 = arith.constant 0 : i32
        %dma_wait3A_178 = arith.constant 0 : i32
        %dma_wait3A_179 = tpu.memref_slice %dma_wait3A_176[%dma_wait3A_177, %dma_wait3A_178] : memref<10000x64xf32, #tpu.memory_space<hbm>> -> memref<128x64xf32, #tpu.memory_space<hbm>>
        %dma_wait3A_180 = arith.constant 0 : i32
        %dma_wait3A_181 = arith.constant 0 : i32
        %dma_wait3A_182 = tpu.memref_slice %arg2[%arg0, %dma_wait3A_180, %dma_wait3A_181] : memref<2x10000x64xf32, #tpu.memory_space<hbm>> -> memref<1x10000x64xf32, #tpu.memory_space<hbm>>
        %dma_wait3A_183 = tpu.memref_squeeze %dma_wait3A_182 : memref<1x10000x64xf32, #tpu.memory_space<hbm>> -> memref<10000x64xf32, #tpu.memory_space<hbm>>
        %dma_wait3A_184 = arith.constant 0 : i32
        %dma_wait3A_185 = arith.constant 0 : i32
        %dma_wait3A_186 = tpu.memref_slice %dma_wait3A_183[%dma_wait3A_184, %dma_wait3A_185] : memref<10000x64xf32, #tpu.memory_space<hbm>> -> memref<128x64xf32, #tpu.memory_space<hbm>>
        tpu.wait_dma2 semaphore(%arg21 : memref<!tpu.dma_semaphore, #tpu.memory_space<semaphore_mem>>) src(%dma_wait3A_186 : memref<128x64xf32, #tpu.memory_space<hbm>>) dst(%arg13 : memref<128x64xf32, #tpu.memory_space<vmem>>)
        %gt3A_187 = arith.constant 0 : i32
        %gt3A_188 = arith.cmpi sgt, %scan3A_132, %gt3A_187 : i32
        %convert_element_type3A_189 = arith.extui %gt3A_188 : i1 to i32
        %cond3A_190 = arith.constant 0 : i32
        %cond3A_191 = arith.cmpi ne, %convert_element_type3A_189, %cond3A_190 : i32
        scf.if %cond3A_191 {
          %dma_wait3A_211 = arith.constant 0 : i32
          %dma_wait3A_212 = arith.constant 0 : i32
          %dma_wait3A_213 = tpu.memref_slice %arg8[%dma_wait3A_211, %dma_wait3A_212] : memref<40x128xi32, #tpu.memory_space<vmem>> -> memref<1x128xi32, #tpu.memory_space<vmem>>
          %dma_wait3A_214 = tpu.memref_squeeze %dma_wait3A_213 : memref<1x128xi32, #tpu.memory_space<vmem>> -> memref<128xi32, #tpu.memory_space<vmem>>
          %dma_wait3A_215 = arith.constant 0 : i32
          %dma_wait3A_216 = arith.constant 0 : i32
          %dma_wait3A_217 = tpu.memref_slice %arg19[%dma_wait3A_215, %dma_wait3A_216] : memref<10240x64xf32, #tpu.memory_space<vmem_shared>> -> memref<10240x64xf32, #tpu.memory_space<vmem_shared>>
          tpu.wait_indirect_dma semaphore(%arg23 : memref<!tpu.dma_semaphore, #tpu.memory_space<semaphore_mem>>) src(%arg15 : memref<128x64xf32, #tpu.memory_space<vmem>>) dst(%dma_wait3A_217 : memref<10240x64xf32, #tpu.memory_space<vmem_shared>>)
        } else {
        }
        %scan3A_192 = arith.constant 0 : i32
        %scan3A_193 = arith.constant 0 : i32
        %scan3A_194 = arith.constant 8 : i32
        %scan3A_195 = arith.addi %scan3A_193, %scan3A_194 : i32
        %scan3A_196 = arith.constant 1 : i32
        scf.for %scan3A_211 = %scan3A_193 to %scan3A_195 step %scan3A_196  : i32 {
          %mul3A_212 = arith.constant 128 : i32
          %mul3A_213 = arith.muli %add3A_136, %mul3A_212 : i32
          %mul3A_214 = arith.constant 16 : i32
          %mul3A_215 = arith.muli %scan3A_211, %mul3A_214 : i32
          %add3A_216 = arith.addi %mul3A_213, %mul3A_215 : i32
          %get3A = arith.index_cast %add3A_216 : i32 to index
          %get3A_217 = tpu.vector_load %arg11[%get3A] {strides = array<i32>} : memref<5120xf32, #tpu.memory_space<vmem>>, vector<16xf32>,
          %mul3A_218 = arith.constant 16 : i32
          %mul3A_219 = arith.muli %scan3A_211, %mul3A_218 : i32
          %add3A_220 = arith.constant 0 : i32
          %add3A_221 = arith.addi %mul3A_219, %add3A_220 : i32
          %slice3A = vector.extract_strided_slice %get3A_217 {offsets = [0], sizes = [1], strides = [1]} : vector<16xf32> to vector<1xf32>
          %squeeze3A = vector.extract %slice3A[0] : f32 from vector<1xf32>
          %broadcast_in_dim3A_222 = vector.broadcast %squeeze3A : f32 to vector<16xf32>
          %get3A_223 = arith.index_cast %add3A_221 : i32 to index
          %get3A_224 = arith.constant 0 : index
          %get3A_225 = tpu.vector_load %arg13[%get3A_223, %get3A_224] {strides = array<i32>} : memref<128x64xf32, #tpu.memory_space<vmem>>, vector<16xf32>,
          %mul3A_226 = arith.mulf %broadcast_in_dim3A_222, %get3A_225 : vector<16xf32>
          %swap3A = arith.index_cast %add3A_221 : i32 to index
          %swap3A_227 = arith.constant 0 : index
          %swap3A_228 = tpu.vector_load %arg15[%swap3A, %swap3A_227] {strides = array<i32>} : memref<128x64xf32, #tpu.memory_space<vmem>>, vector<16xf32>,
          tpu.vector_store %arg15[%swap3A, %swap3A_227], %mul3A_226 {strides = array<i32>} : memref<128x64xf32, #tpu.memory_space<vmem>>, vector<16xf32>,
          %get3A_229 = arith.index_cast %add3A_221 : i32 to index
          %get3A_230 = arith.constant 16 : index
          %get3A_231 = tpu.vector_load %arg13[%get3A_229, %get3A_230] {strides = array<i32>} : memref<128x64xf32, #tpu.memory_space<vmem>>, vector<16xf32>,
          %mul3A_232 = arith.mulf %broadcast_in_dim3A_222, %get3A_231 : vector<16xf32>
          %swap3A_233 = arith.index_cast %add3A_221 : i32 to index
          %swap3A_234 = arith.constant 16 : index
          %swap3A_235 = tpu.vector_load %arg15[%swap3A_233, %swap3A_234] {strides = array<i32>} : memref<128x64xf32, #tpu.memory_space<vmem>>, vector<16xf32>,
          tpu.vector_store %arg15[%swap3A_233, %swap3A_234], %mul3A_232 {strides = array<i32>} : memref<128x64xf32, #tpu.memory_space<vmem>>, vector<16xf32>,
          %get3A_236 = arith.index_cast %add3A_221 : i32 to index
          %get3A_237 = arith.constant 32 : index
          %get3A_238 = tpu.vector_load %arg13[%get3A_236, %get3A_237] {strides = array<i32>} : memref<128x64xf32, #tpu.memory_space<vmem>>, vector<16xf32>,
          %mul3A_239 = arith.mulf %broadcast_in_dim3A_222, %get3A_238 : vector<16xf32>
          %swap3A_240 = arith.index_cast %add3A_221 : i32 to index
          %swap3A_241 = arith.constant 32 : index
          %swap3A_242 = tpu.vector_load %arg15[%swap3A_240, %swap3A_241] {strides = array<i32>} : memref<128x64xf32, #tpu.memory_space<vmem>>, vector<16xf32>,
          tpu.vector_store %arg15[%swap3A_240, %swap3A_241], %mul3A_239 {strides = array<i32>} : memref<128x64xf32, #tpu.memory_space<vmem>>, vector<16xf32>,
          %get3A_243 = arith.index_cast %add3A_221 : i32 to index
          %get3A_244 = arith.constant 48 : index
          %get3A_245 = tpu.vector_load %arg13[%get3A_243, %get3A_244] {strides = array<i32>} : memref<128x64xf32, #tpu.memory_space<vmem>>, vector<16xf32>,
          %mul3A_246 = arith.mulf %broadcast_in_dim3A_222, %get3A_245 : vector<16xf32>
          %swap3A_247 = arith.index_cast %add3A_221 : i32 to index
          %swap3A_248 = arith.constant 48 : index
          %swap3A_249 = tpu.vector_load %arg15[%swap3A_247, %swap3A_248] {strides = array<i32>} : memref<128x64xf32, #tpu.memory_space<vmem>>, vector<16xf32>,
          tpu.vector_store %arg15[%swap3A_247, %swap3A_248], %mul3A_246 {strides = array<i32>} : memref<128x64xf32, #tpu.memory_space<vmem>>, vector<16xf32>,
          %mul3A_250 = arith.constant 16 : i32
          %mul3A_251 = arith.muli %scan3A_211, %mul3A_250 : i32
          %add3A_252 = arith.constant 1 : i32
          %add3A_253 = arith.addi %mul3A_251, %add3A_252 : i32
          %slice3A_254 = vector.extract_strided_slice %get3A_217 {offsets = [1], sizes = [1], strides = [1]} : vector<16xf32> to vector<1xf32>
          %squeeze3A_255 = vector.extract %slice3A_254[0] : f32 from vector<1xf32>
          %broadcast_in_dim3A_256 = vector.broadcast %squeeze3A_255 : f32 to vector<16xf32>
          %get3A_257 = arith.index_cast %add3A_253 : i32 to index
          %get3A_258 = arith.constant 0 : index
          %get3A_259 = tpu.vector_load %arg13[%get3A_257, %get3A_258] {strides = array<i32>} : memref<128x64xf32, #tpu.memory_space<vmem>>, vector<16xf32>,
          %mul3A_260 = arith.mulf %broadcast_in_dim3A_256, %get3A_259 : vector<16xf32>
          %swap3A_261 = arith.index_cast %add3A_253 : i32 to index
          %swap3A_262 = arith.constant 0 : index
          %swap3A_263 = tpu.vector_load %arg15[%swap3A_261, %swap3A_262] {strides = array<i32>} : memref<128x64xf32, #tpu.memory_space<vmem>>, vector<16xf32>,
          tpu.vector_store %arg15[%swap3A_261, %swap3A_262], %mul3A_260 {strides = array<i32>} : memref<128x64xf32, #tpu.memory_space<vmem>>, vector<16xf32>,
          %get3A_264 = arith.index_cast %add3A_253 : i32 to index
          %get3A_265 = arith.constant 16 : index
          %get3A_266 = tpu.vector_load %arg13[%get3A_264, %get3A_265] {strides = array<i32>} : memref<128x64xf32, #tpu.memory_space<vmem>>, vector<16xf32>,
          %mul3A_267 = arith.mulf %broadcast_in_dim3A_256, %get3A_266 : vector<16xf32>
          %swap3A_268 = arith.index_cast %add3A_253 : i32 to index
          %swap3A_269 = arith.constant 16 : index
          %swap3A_270 = tpu.vector_load %arg15[%swap3A_268, %swap3A_269] {strides = array<i32>} : memref<128x64xf32, #tpu.memory_space<vmem>>, vector<16xf32>,
          tpu.vector_store %arg15[%swap3A_268, %swap3A_269], %mul3A_267 {strides = array<i32>} : memref<128x64xf32, #tpu.memory_space<vmem>>, vector<16xf32>,
          %get3A_271 = arith.index_cast %add3A_253 : i32 to index
          %get3A_272 = arith.constant 32 : index
          %get3A_273 = tpu.vector_load %arg13[%get3A_271, %get3A_272] {strides = array<i32>} : memref<128x64xf32, #tpu.memory_space<vmem>>, vector<16xf32>,
          %mul3A_274 = arith.mulf %broadcast_in_dim3A_256, %get3A_273 : vector<16xf32>
          %swap3A_275 = arith.index_cast %add3A_253 : i32 to index
          %swap3A_276 = arith.constant 32 : index
          %swap3A_277 = tpu.vector_load %arg15[%swap3A_275, %swap3A_276] {strides = array<i32>} : memref<128x64xf32, #tpu.memory_space<vmem>>, vector<16xf32>,
          tpu.vector_store %arg15[%swap3A_275, %swap3A_276], %mul3A_274 {strides = array<i32>} : memref<128x64xf32, #tpu.memory_space<vmem>>, vector<16xf32>,
          %get3A_278 = arith.index_cast %add3A_253 : i32 to index
          %get3A_279 = arith.constant 48 : index
          %get3A_280 = tpu.vector_load %arg13[%get3A_278, %get3A_279] {strides = array<i32>} : memref<128x64xf32, #tpu.memory_space<vmem>>, vector<16xf32>,
          %mul3A_281 = arith.mulf %broadcast_in_dim3A_256, %get3A_280 : vector<16xf32>
          %swap3A_282 = arith.index_cast %add3A_253 : i32 to index
          %swap3A_283 = arith.constant 48 : index
          %swap3A_284 = tpu.vector_load %arg15[%swap3A_282, %swap3A_283] {strides = array<i32>} : memref<128x64xf32, #tpu.memory_space<vmem>>, vector<16xf32>,
          tpu.vector_store %arg15[%swap3A_282, %swap3A_283], %mul3A_281 {strides = array<i32>} : memref<128x64xf32, #tpu.memory_space<vmem>>, vector<16xf32>,
          %mul3A_285 = arith.constant 16 : i32
          %mul3A_286 = arith.muli %scan3A_211, %mul3A_285 : i32
          %add3A_287 = arith.constant 2 : i32
          %add3A_288 = arith.addi %mul3A_286, %add3A_287 : i32
          %slice3A_289 = vector.extract_strided_slice %get3A_217 {offsets = [2], sizes = [1], strides = [1]} : vector<16xf32> to vector<1xf32>
          %squeeze3A_290 = vector.extract %slice3A_289[0] : f32 from vector<1xf32>
          %broadcast_in_dim3A_291 = vector.broadcast %squeeze3A_290 : f32 to vector<16xf32>
          %get3A_292 = arith.index_cast %add3A_288 : i32 to index
          %get3A_293 = arith.constant 0 : index
          %get3A_294 = tpu.vector_load %arg13[%get3A_292, %get3A_293] {strides = array<i32>} : memref<128x64xf32, #tpu.memory_space<vmem>>, vector<16xf32>,
          %mul3A_295 = arith.mulf %broadcast_in_dim3A_291, %get3A_294 : vector<16xf32>
          %swap3A_296 = arith.index_cast %add3A_288 : i32 to index
          %swap3A_297 = arith.constant 0 : index
          %swap3A_298 = tpu.vector_load %arg15[%swap3A_296, %swap3A_297] {strides = array<i32>} : memref<128x64xf32, #tpu.memory_space<vmem>>, vector<16xf32>,
          tpu.vector_store %arg15[%swap3A_296, %swap3A_297], %mul3A_295 {strides = array<i32>} : memref<128x64xf32, #tpu.memory_space<vmem>>, vector<16xf32>,
          %get3A_299 = arith.index_cast %add3A_288 : i32 to index
          %get3A_300 = arith.constant 16 : index
          %get3A_301 = tpu.vector_load %arg13[%get3A_299, %get3A_300] {strides = array<i32>} : memref<128x64xf32, #tpu.memory_space<vmem>>, vector<16xf32>,
          %mul3A_302 = arith.mulf %broadcast_in_dim3A_291, %get3A_301 : vector<16xf32>
          %swap3A_303 = arith.index_cast %add3A_288 : i32 to index
          %swap3A_304 = arith.constant 16 : index
          %swap3A_305 = tpu.vector_load %arg15[%swap3A_303, %swap3A_304] {strides = array<i32>} : memref<128x64xf32, #tpu.memory_space<vmem>>, vector<16xf32>,
          tpu.vector_store %arg15[%swap3A_303, %swap3A_304], %mul3A_302 {strides = array<i32>} : memref<128x64xf32, #tpu.memory_space<vmem>>, vector<16xf32>,
          %get3A_306 = arith.index_cast %add3A_288 : i32 to index
          %get3A_307 = arith.constant 32 : index
          %get3A_308 = tpu.vector_load %arg13[%get3A_306, %get3A_307] {strides = array<i32>} : memref<128x64xf32, #tpu.memory_space<vmem>>, vector<16xf32>,
          %mul3A_309 = arith.mulf %broadcast_in_dim3A_291, %get3A_308 : vector<16xf32>
          %swap3A_310 = arith.index_cast %add3A_288 : i32 to index
          %swap3A_311 = arith.constant 32 : index
          %swap3A_312 = tpu.vector_load %arg15[%swap3A_310, %swap3A_311] {strides = array<i32>} : memref<128x64xf32, #tpu.memory_space<vmem>>, vector<16xf32>,
          tpu.vector_store %arg15[%swap3A_310, %swap3A_311], %mul3A_309 {strides = array<i32>} : memref<128x64xf32, #tpu.memory_space<vmem>>, vector<16xf32>,
          %get3A_313 = arith.index_cast %add3A_288 : i32 to index
          %get3A_314 = arith.constant 48 : index
          %get3A_315 = tpu.vector_load %arg13[%get3A_313, %get3A_314] {strides = array<i32>} : memref<128x64xf32, #tpu.memory_space<vmem>>, vector<16xf32>,
          %mul3A_316 = arith.mulf %broadcast_in_dim3A_291, %get3A_315 : vector<16xf32>
          %swap3A_317 = arith.index_cast %add3A_288 : i32 to index
          %swap3A_318 = arith.constant 48 : index
          %swap3A_319 = tpu.vector_load %arg15[%swap3A_317, %swap3A_318] {strides = array<i32>} : memref<128x64xf32, #tpu.memory_space<vmem>>, vector<16xf32>,
          tpu.vector_store %arg15[%swap3A_317, %swap3A_318], %mul3A_316 {strides = array<i32>} : memref<128x64xf32, #tpu.memory_space<vmem>>, vector<16xf32>,
          %mul3A_320 = arith.constant 16 : i32
          %mul3A_321 = arith.muli %scan3A_211, %mul3A_320 : i32
          %add3A_322 = arith.constant 3 : i32
          %add3A_323 = arith.addi %mul3A_321, %add3A_322 : i32
          %slice3A_324 = vector.extract_strided_slice %get3A_217 {offsets = [3], sizes = [1], strides = [1]} : vector<16xf32> to vector<1xf32>
          %squeeze3A_325 = vector.extract %slice3A_324[0] : f32 from vector<1xf32>
          %broadcast_in_dim3A_326 = vector.broadcast %squeeze3A_325 : f32 to vector<16xf32>
          %get3A_327 = arith.index_cast %add3A_323 : i32 to index
          %get3A_328 = arith.constant 0 : index
          %get3A_329 = tpu.vector_load %arg13[%get3A_327, %get3A_328] {strides = array<i32>} : memref<128x64xf32, #tpu.memory_space<vmem>>, vector<16xf32>,
          %mul3A_330 = arith.mulf %broadcast_in_dim3A_326, %get3A_329 : vector<16xf32>
          %swap3A_331 = arith.index_cast %add3A_323 : i32 to index
          %swap3A_332 = arith.constant 0 : index
          %swap3A_333 = tpu.vector_load %arg15[%swap3A_331, %swap3A_332] {strides = array<i32>} : memref<128x64xf32, #tpu.memory_space<vmem>>, vector<16xf32>,
          tpu.vector_store %arg15[%swap3A_331, %swap3A_332], %mul3A_330 {strides = array<i32>} : memref<128x64xf32, #tpu.memory_space<vmem>>, vector<16xf32>,
          %get3A_334 = arith.index_cast %add3A_323 : i32 to index
          %get3A_335 = arith.constant 16 : index
          %get3A_336 = tpu.vector_load %arg13[%get3A_334, %get3A_335] {strides = array<i32>} : memref<128x64xf32, #tpu.memory_space<vmem>>, vector<16xf32>,
          %mul3A_337 = arith.mulf %broadcast_in_dim3A_326, %get3A_336 : vector<16xf32>
          %swap3A_338 = arith.index_cast %add3A_323 : i32 to index
          %swap3A_339 = arith.constant 16 : index
          %swap3A_340 = tpu.vector_load %arg15[%swap3A_338, %swap3A_339] {strides = array<i32>} : memref<128x64xf32, #tpu.memory_space<vmem>>, vector<16xf32>,
          tpu.vector_store %arg15[%swap3A_338, %swap3A_339], %mul3A_337 {strides = array<i32>} : memref<128x64xf32, #tpu.memory_space<vmem>>, vector<16xf32>,
          %get3A_341 = arith.index_cast %add3A_323 : i32 to index
          %get3A_342 = arith.constant 32 : index
          %get3A_343 = tpu.vector_load %arg13[%get3A_341, %get3A_342] {strides = array<i32>} : memref<128x64xf32, #tpu.memory_space<vmem>>, vector<16xf32>,
          %mul3A_344 = arith.mulf %broadcast_in_dim3A_326, %get3A_343 : vector<16xf32>
          %swap3A_345 = arith.index_cast %add3A_323 : i32 to index
          %swap3A_346 = arith.constant 32 : index
          %swap3A_347 = tpu.vector_load %arg15[%swap3A_345, %swap3A_346] {strides = array<i32>} : memref<128x64xf32, #tpu.memory_space<vmem>>, vector<16xf32>,
          tpu.vector_store %arg15[%swap3A_345, %swap3A_346], %mul3A_344 {strides = array<i32>} : memref<128x64xf32, #tpu.memory_space<vmem>>, vector<16xf32>,
          %get3A_348 = arith.index_cast %add3A_323 : i32 to index
          %get3A_349 = arith.constant 48 : index
          %get3A_350 = tpu.vector_load %arg13[%get3A_348, %get3A_349] {strides = array<i32>} : memref<128x64xf32, #tpu.memory_space<vmem>>, vector<16xf32>,
          %mul3A_351 = arith.mulf %broadcast_in_dim3A_326, %get3A_350 : vector<16xf32>
          %swap3A_352 = arith.index_cast %add3A_323 : i32 to index
          %swap3A_353 = arith.constant 48 : index
          %swap3A_354 = tpu.vector_load %arg15[%swap3A_352, %swap3A_353] {strides = array<i32>} : memref<128x64xf32, #tpu.memory_space<vmem>>, vector<16xf32>,
          tpu.vector_store %arg15[%swap3A_352, %swap3A_353], %mul3A_351 {strides = array<i32>} : memref<128x64xf32, #tpu.memory_space<vmem>>, vector<16xf32>,
          %mul3A_355 = arith.constant 16 : i32
          %mul3A_356 = arith.muli %scan3A_211, %mul3A_355 : i32
          %add3A_357 = arith.constant 4 : i32
          %add3A_358 = arith.addi %mul3A_356, %add3A_357 : i32
          %slice3A_359 = vector.extract_strided_slice %get3A_217 {offsets = [4], sizes = [1], strides = [1]} : vector<16xf32> to vector<1xf32>
          %squeeze3A_360 = vector.extract %slice3A_359[0] : f32 from vector<1xf32>
          %broadcast_in_dim3A_361 = vector.broadcast %squeeze3A_360 : f32 to vector<16xf32>
          %get3A_362 = arith.index_cast %add3A_358 : i32 to index
          %get3A_363 = arith.constant 0 : index
          %get3A_364 = tpu.vector_load %arg13[%get3A_362, %get3A_363] {strides = array<i32>} : memref<128x64xf32, #tpu.memory_space<vmem>>, vector<16xf32>,
          %mul3A_365 = arith.mulf %broadcast_in_dim3A_361, %get3A_364 : vector<16xf32>
          %swap3A_366 = arith.index_cast %add3A_358 : i32 to index
          %swap3A_367 = arith.constant 0 : index
          %swap3A_368 = tpu.vector_load %arg15[%swap3A_366, %swap3A_367] {strides = array<i32>} : memref<128x64xf32, #tpu.memory_space<vmem>>, vector<16xf32>,
          tpu.vector_store %arg15[%swap3A_366, %swap3A_367], %mul3A_365 {strides = array<i32>} : memref<128x64xf32, #tpu.memory_space<vmem>>, vector<16xf32>,
          %get3A_369 = arith.index_cast %add3A_358 : i32 to index
          %get3A_370 = arith.constant 16 : index
          %get3A_371 = tpu.vector_load %arg13[%get3A_369, %get3A_370] {strides = array<i32>} : memref<128x64xf32, #tpu.memory_space<vmem>>, vector<16xf32>,
          %mul3A_372 = arith.mulf %broadcast_in_dim3A_361, %get3A_371 : vector<16xf32>
          %swap3A_373 = arith.index_cast %add3A_358 : i32 to index
          %swap3A_374 = arith.constant 16 : index
          %swap3A_375 = tpu.vector_load %arg15[%swap3A_373, %swap3A_374] {strides = array<i32>} : memref<128x64xf32, #tpu.memory_space<vmem>>, vector<16xf32>,
          tpu.vector_store %arg15[%swap3A_373, %swap3A_374], %mul3A_372 {strides = array<i32>} : memref<128x64xf32, #tpu.memory_space<vmem>>, vector<16xf32>,
          %get3A_376 = arith.index_cast %add3A_358 : i32 to index
          %get3A_377 = arith.constant 32 : index
          %get3A_378 = tpu.vector_load %arg13[%get3A_376, %get3A_377] {strides = array<i32>} : memref<128x64xf32, #tpu.memory_space<vmem>>, vector<16xf32>,
          %mul3A_379 = arith.mulf %broadcast_in_dim3A_361, %get3A_378 : vector<16xf32>
          %swap3A_380 = arith.index_cast %add3A_358 : i32 to index
          %swap3A_381 = arith.constant 32 : index
          %swap3A_382 = tpu.vector_load %arg15[%swap3A_380, %swap3A_381] {strides = array<i32>} : memref<128x64xf32, #tpu.memory_space<vmem>>, vector<16xf32>,
          tpu.vector_store %arg15[%swap3A_380, %swap3A_381], %mul3A_379 {strides = array<i32>} : memref<128x64xf32, #tpu.memory_space<vmem>>, vector<16xf32>,
          %get3A_383 = arith.index_cast %add3A_358 : i32 to index
          %get3A_384 = arith.constant 48 : index
          %get3A_385 = tpu.vector_load %arg13[%get3A_383, %get3A_384] {strides = array<i32>} : memref<128x64xf32, #tpu.memory_space<vmem>>, vector<16xf32>,
          %mul3A_386 = arith.mulf %broadcast_in_dim3A_361, %get3A_385 : vector<16xf32>
          %swap3A_387 = arith.index_cast %add3A_358 : i32 to index
          %swap3A_388 = arith.constant 48 : index
          %swap3A_389 = tpu.vector_load %arg15[%swap3A_387, %swap3A_388] {strides = array<i32>} : memref<128x64xf32, #tpu.memory_space<vmem>>, vector<16xf32>,
          tpu.vector_store %arg15[%swap3A_387, %swap3A_388], %mul3A_386 {strides = array<i32>} : memref<128x64xf32, #tpu.memory_space<vmem>>, vector<16xf32>,
          %mul3A_390 = arith.constant 16 : i32
          %mul3A_391 = arith.muli %scan3A_211, %mul3A_390 : i32
          %add3A_392 = arith.constant 5 : i32
          %add3A_393 = arith.addi %mul3A_391, %add3A_392 : i32
          %slice3A_394 = vector.extract_strided_slice %get3A_217 {offsets = [5], sizes = [1], strides = [1]} : vector<16xf32> to vector<1xf32>
          %squeeze3A_395 = vector.extract %slice3A_394[0] : f32 from vector<1xf32>
          %broadcast_in_dim3A_396 = vector.broadcast %squeeze3A_395 : f32 to vector<16xf32>
          %get3A_397 = arith.index_cast %add3A_393 : i32 to index
          %get3A_398 = arith.constant 0 : index
          %get3A_399 = tpu.vector_load %arg13[%get3A_397, %get3A_398] {strides = array<i32>} : memref<128x64xf32, #tpu.memory_space<vmem>>, vector<16xf32>,
          %mul3A_400 = arith.mulf %broadcast_in_dim3A_396, %get3A_399 : vector<16xf32>
          %swap3A_401 = arith.index_cast %add3A_393 : i32 to index
          %swap3A_402 = arith.constant 0 : index
          %swap3A_403 = tpu.vector_load %arg15[%swap3A_401, %swap3A_402] {strides = array<i32>} : memref<128x64xf32, #tpu.memory_space<vmem>>, vector<16xf32>,
          tpu.vector_store %arg15[%swap3A_401, %swap3A_402], %mul3A_400 {strides = array<i32>} : memref<128x64xf32, #tpu.memory_space<vmem>>, vector<16xf32>,
          %get3A_404 = arith.index_cast %add3A_393 : i32 to index
          %get3A_405 = arith.constant 16 : index
          %get3A_406 = tpu.vector_load %arg13[%get3A_404, %get3A_405] {strides = array<i32>} : memref<128x64xf32, #tpu.memory_space<vmem>>, vector<16xf32>,
          %mul3A_407 = arith.mulf %broadcast_in_dim3A_396, %get3A_406 : vector<16xf32>
          %swap3A_408 = arith.index_cast %add3A_393 : i32 to index
          %swap3A_409 = arith.constant 16 : index
          %swap3A_410 = tpu.vector_load %arg15[%swap3A_408, %swap3A_409] {strides = array<i32>} : memref<128x64xf32, #tpu.memory_space<vmem>>, vector<16xf32>,
          tpu.vector_store %arg15[%swap3A_408, %swap3A_409], %mul3A_407 {strides = array<i32>} : memref<128x64xf32, #tpu.memory_space<vmem>>, vector<16xf32>,
          %get3A_411 = arith.index_cast %add3A_393 : i32 to index
          %get3A_412 = arith.constant 32 : index
          %get3A_413 = tpu.vector_load %arg13[%get3A_411, %get3A_412] {strides = array<i32>} : memref<128x64xf32, #tpu.memory_space<vmem>>, vector<16xf32>,
          %mul3A_414 = arith.mulf %broadcast_in_dim3A_396, %get3A_413 : vector<16xf32>
          %swap3A_415 = arith.index_cast %add3A_393 : i32 to index
          %swap3A_416 = arith.constant 32 : index
          %swap3A_417 = tpu.vector_load %arg15[%swap3A_415, %swap3A_416] {strides = array<i32>} : memref<128x64xf32, #tpu.memory_space<vmem>>, vector<16xf32>,
          tpu.vector_store %arg15[%swap3A_415, %swap3A_416], %mul3A_414 {strides = array<i32>} : memref<128x64xf32, #tpu.memory_space<vmem>>, vector<16xf32>,
          %get3A_418 = arith.index_cast %add3A_393 : i32 to index
          %get3A_419 = arith.constant 48 : index
          %get3A_420 = tpu.vector_load %arg13[%get3A_418, %get3A_419] {strides = array<i32>} : memref<128x64xf32, #tpu.memory_space<vmem>>, vector<16xf32>,
          %mul3A_421 = arith.mulf %broadcast_in_dim3A_396, %get3A_420 : vector<16xf32>
          %swap3A_422 = arith.index_cast %add3A_393 : i32 to index
          %swap3A_423 = arith.constant 48 : index
          %swap3A_424 = tpu.vector_load %arg15[%swap3A_422, %swap3A_423] {strides = array<i32>} : memref<128x64xf32, #tpu.memory_space<vmem>>, vector<16xf32>,
          tpu.vector_store %arg15[%swap3A_422, %swap3A_423], %mul3A_421 {strides = array<i32>} : memref<128x64xf32, #tpu.memory_space<vmem>>, vector<16xf32>,
          %mul3A_425 = arith.constant 16 : i32
          %mul3A_426 = arith.muli %scan3A_211, %mul3A_425 : i32
          %add3A_427 = arith.constant 6 : i32
          %add3A_428 = arith.addi %mul3A_426, %add3A_427 : i32
          %slice3A_429 = vector.extract_strided_slice %get3A_217 {offsets = [6], sizes = [1], strides = [1]} : vector<16xf32> to vector<1xf32>
          %squeeze3A_430 = vector.extract %slice3A_429[0] : f32 from vector<1xf32>
          %broadcast_in_dim3A_431 = vector.broadcast %squeeze3A_430 : f32 to vector<16xf32>
          %get3A_432 = arith.index_cast %add3A_428 : i32 to index
          %get3A_433 = arith.constant 0 : index
          %get3A_434 = tpu.vector_load %arg13[%get3A_432, %get3A_433] {strides = array<i32>} : memref<128x64xf32, #tpu.memory_space<vmem>>, vector<16xf32>,
          %mul3A_435 = arith.mulf %broadcast_in_dim3A_431, %get3A_434 : vector<16xf32>
          %swap3A_436 = arith.index_cast %add3A_428 : i32 to index
          %swap3A_437 = arith.constant 0 : index
          %swap3A_438 = tpu.vector_load %arg15[%swap3A_436, %swap3A_437] {strides = array<i32>} : memref<128x64xf32, #tpu.memory_space<vmem>>, vector<16xf32>,
          tpu.vector_store %arg15[%swap3A_436, %swap3A_437], %mul3A_435 {strides = array<i32>} : memref<128x64xf32, #tpu.memory_space<vmem>>, vector<16xf32>,
          %get3A_439 = arith.index_cast %add3A_428 : i32 to index
          %get3A_440 = arith.constant 16 : index
          %get3A_441 = tpu.vector_load %arg13[%get3A_439, %get3A_440] {strides = array<i32>} : memref<128x64xf32, #tpu.memory_space<vmem>>, vector<16xf32>,
          %mul3A_442 = arith.mulf %broadcast_in_dim3A_431, %get3A_441 : vector<16xf32>
          %swap3A_443 = arith.index_cast %add3A_428 : i32 to index
          %swap3A_444 = arith.constant 16 : index
          %swap3A_445 = tpu.vector_load %arg15[%swap3A_443, %swap3A_444] {strides = array<i32>} : memref<128x64xf32, #tpu.memory_space<vmem>>, vector<16xf32>,
          tpu.vector_store %arg15[%swap3A_443, %swap3A_444], %mul3A_442 {strides = array<i32>} : memref<128x64xf32, #tpu.memory_space<vmem>>, vector<16xf32>,
          %get3A_446 = arith.index_cast %add3A_428 : i32 to index
          %get3A_447 = arith.constant 32 : index
          %get3A_448 = tpu.vector_load %arg13[%get3A_446, %get3A_447] {strides = array<i32>} : memref<128x64xf32, #tpu.memory_space<vmem>>, vector<16xf32>,
          %mul3A_449 = arith.mulf %broadcast_in_dim3A_431, %get3A_448 : vector<16xf32>
          %swap3A_450 = arith.index_cast %add3A_428 : i32 to index
          %swap3A_451 = arith.constant 32 : index
          %swap3A_452 = tpu.vector_load %arg15[%swap3A_450, %swap3A_451] {strides = array<i32>} : memref<128x64xf32, #tpu.memory_space<vmem>>, vector<16xf32>,
          tpu.vector_store %arg15[%swap3A_450, %swap3A_451], %mul3A_449 {strides = array<i32>} : memref<128x64xf32, #tpu.memory_space<vmem>>, vector<16xf32>,
          %get3A_453 = arith.index_cast %add3A_428 : i32 to index
          %get3A_454 = arith.constant 48 : index
          %get3A_455 = tpu.vector_load %arg13[%get3A_453, %get3A_454] {strides = array<i32>} : memref<128x64xf32, #tpu.memory_space<vmem>>, vector<16xf32>,
          %mul3A_456 = arith.mulf %broadcast_in_dim3A_431, %get3A_455 : vector<16xf32>
          %swap3A_457 = arith.index_cast %add3A_428 : i32 to index
          %swap3A_458 = arith.constant 48 : index
          %swap3A_459 = tpu.vector_load %arg15[%swap3A_457, %swap3A_458] {strides = array<i32>} : memref<128x64xf32, #tpu.memory_space<vmem>>, vector<16xf32>,
          tpu.vector_store %arg15[%swap3A_457, %swap3A_458], %mul3A_456 {strides = array<i32>} : memref<128x64xf32, #tpu.memory_space<vmem>>, vector<16xf32>,
          %mul3A_460 = arith.constant 16 : i32
          %mul3A_461 = arith.muli %scan3A_211, %mul3A_460 : i32
          %add3A_462 = arith.constant 7 : i32
          %add3A_463 = arith.addi %mul3A_461, %add3A_462 : i32
          %slice3A_464 = vector.extract_strided_slice %get3A_217 {offsets = [7], sizes = [1], strides = [1]} : vector<16xf32> to vector<1xf32>
          %squeeze3A_465 = vector.extract %slice3A_464[0] : f32 from vector<1xf32>
          %broadcast_in_dim3A_466 = vector.broadcast %squeeze3A_465 : f32 to vector<16xf32>
          %get3A_467 = arith.index_cast %add3A_463 : i32 to index
          %get3A_468 = arith.constant 0 : index
          %get3A_469 = tpu.vector_load %arg13[%get3A_467, %get3A_468] {strides = array<i32>} : memref<128x64xf32, #tpu.memory_space<vmem>>, vector<16xf32>,
          %mul3A_470 = arith.mulf %broadcast_in_dim3A_466, %get3A_469 : vector<16xf32>
          %swap3A_471 = arith.index_cast %add3A_463 : i32 to index
          %swap3A_472 = arith.constant 0 : index
          %swap3A_473 = tpu.vector_load %arg15[%swap3A_471, %swap3A_472] {strides = array<i32>} : memref<128x64xf32, #tpu.memory_space<vmem>>, vector<16xf32>,
          tpu.vector_store %arg15[%swap3A_471, %swap3A_472], %mul3A_470 {strides = array<i32>} : memref<128x64xf32, #tpu.memory_space<vmem>>, vector<16xf32>,
          %get3A_474 = arith.index_cast %add3A_463 : i32 to index
          %get3A_475 = arith.constant 16 : index
          %get3A_476 = tpu.vector_load %arg13[%get3A_474, %get3A_475] {strides = array<i32>} : memref<128x64xf32, #tpu.memory_space<vmem>>, vector<16xf32>,
          %mul3A_477 = arith.mulf %broadcast_in_dim3A_466, %get3A_476 : vector<16xf32>
          %swap3A_478 = arith.index_cast %add3A_463 : i32 to index
          %swap3A_479 = arith.constant 16 : index
          %swap3A_480 = tpu.vector_load %arg15[%swap3A_478, %swap3A_479] {strides = array<i32>} : memref<128x64xf32, #tpu.memory_space<vmem>>, vector<16xf32>,
          tpu.vector_store %arg15[%swap3A_478, %swap3A_479], %mul3A_477 {strides = array<i32>} : memref<128x64xf32, #tpu.memory_space<vmem>>, vector<16xf32>,
          %get3A_481 = arith.index_cast %add3A_463 : i32 to index
          %get3A_482 = arith.constant 32 : index
          %get3A_483 = tpu.vector_load %arg13[%get3A_481, %get3A_482] {strides = array<i32>} : memref<128x64xf32, #tpu.memory_space<vmem>>, vector<16xf32>,
          %mul3A_484 = arith.mulf %broadcast_in_dim3A_466, %get3A_483 : vector<16xf32>
          %swap3A_485 = arith.index_cast %add3A_463 : i32 to index
          %swap3A_486 = arith.constant 32 : index
          %swap3A_487 = tpu.vector_load %arg15[%swap3A_485, %swap3A_486] {strides = array<i32>} : memref<128x64xf32, #tpu.memory_space<vmem>>, vector<16xf32>,
          tpu.vector_store %arg15[%swap3A_485, %swap3A_486], %mul3A_484 {strides = array<i32>} : memref<128x64xf32, #tpu.memory_space<vmem>>, vector<16xf32>,
          %get3A_488 = arith.index_cast %add3A_463 : i32 to index
          %get3A_489 = arith.constant 48 : index
          %get3A_490 = tpu.vector_load %arg13[%get3A_488, %get3A_489] {strides = array<i32>} : memref<128x64xf32, #tpu.memory_space<vmem>>, vector<16xf32>,
          %mul3A_491 = arith.mulf %broadcast_in_dim3A_466, %get3A_490 : vector<16xf32>
          %swap3A_492 = arith.index_cast %add3A_463 : i32 to index
          %swap3A_493 = arith.constant 48 : index
          %swap3A_494 = tpu.vector_load %arg15[%swap3A_492, %swap3A_493] {strides = array<i32>} : memref<128x64xf32, #tpu.memory_space<vmem>>, vector<16xf32>,
          tpu.vector_store %arg15[%swap3A_492, %swap3A_493], %mul3A_491 {strides = array<i32>} : memref<128x64xf32, #tpu.memory_space<vmem>>, vector<16xf32>,
          %mul3A_495 = arith.constant 16 : i32
          %mul3A_496 = arith.muli %scan3A_211, %mul3A_495 : i32
          %add3A_497 = arith.constant 8 : i32
          %add3A_498 = arith.addi %mul3A_496, %add3A_497 : i32
          %slice3A_499 = vector.extract_strided_slice %get3A_217 {offsets = [8], sizes = [1], strides = [1]} : vector<16xf32> to vector<1xf32>
          %squeeze3A_500 = vector.extract %slice3A_499[0] : f32 from vector<1xf32>
          %broadcast_in_dim3A_501 = vector.broadcast %squeeze3A_500 : f32 to vector<16xf32>
          %get3A_502 = arith.index_cast %add3A_498 : i32 to index
          %get3A_503 = arith.constant 0 : index
          %get3A_504 = tpu.vector_load %arg13[%get3A_502, %get3A_503] {strides = array<i32>} : memref<128x64xf32, #tpu.memory_space<vmem>>, vector<16xf32>,
          %mul3A_505 = arith.mulf %broadcast_in_dim3A_501, %get3A_504 : vector<16xf32>
          %swap3A_506 = arith.index_cast %add3A_498 : i32 to index
          %swap3A_507 = arith.constant 0 : index
          %swap3A_508 = tpu.vector_load %arg15[%swap3A_506, %swap3A_507] {strides = array<i32>} : memref<128x64xf32, #tpu.memory_space<vmem>>, vector<16xf32>,
          tpu.vector_store %arg15[%swap3A_506, %swap3A_507], %mul3A_505 {strides = array<i32>} : memref<128x64xf32, #tpu.memory_space<vmem>>, vector<16xf32>,
          %get3A_509 = arith.index_cast %add3A_498 : i32 to index
          %get3A_510 = arith.constant 16 : index
          %get3A_511 = tpu.vector_load %arg13[%get3A_509, %get3A_510] {strides = array<i32>} : memref<128x64xf32, #tpu.memory_space<vmem>>, vector<16xf32>,
          %mul3A_512 = arith.mulf %broadcast_in_dim3A_501, %get3A_511 : vector<16xf32>
          %swap3A_513 = arith.index_cast %add3A_498 : i32 to index
          %swap3A_514 = arith.constant 16 : index
          %swap3A_515 = tpu.vector_load %arg15[%swap3A_513, %swap3A_514] {strides = array<i32>} : memref<128x64xf32, #tpu.memory_space<vmem>>, vector<16xf32>,
          tpu.vector_store %arg15[%swap3A_513, %swap3A_514], %mul3A_512 {strides = array<i32>} : memref<128x64xf32, #tpu.memory_space<vmem>>, vector<16xf32>,
          %get3A_516 = arith.index_cast %add3A_498 : i32 to index
          %get3A_517 = arith.constant 32 : index
          %get3A_518 = tpu.vector_load %arg13[%get3A_516, %get3A_517] {strides = array<i32>} : memref<128x64xf32, #tpu.memory_space<vmem>>, vector<16xf32>,
          %mul3A_519 = arith.mulf %broadcast_in_dim3A_501, %get3A_518 : vector<16xf32>
          %swap3A_520 = arith.index_cast %add3A_498 : i32 to index
          %swap3A_521 = arith.constant 32 : index
          %swap3A_522 = tpu.vector_load %arg15[%swap3A_520, %swap3A_521] {strides = array<i32>} : memref<128x64xf32, #tpu.memory_space<vmem>>, vector<16xf32>,
          tpu.vector_store %arg15[%swap3A_520, %swap3A_521], %mul3A_519 {strides = array<i32>} : memref<128x64xf32, #tpu.memory_space<vmem>>, vector<16xf32>,
          %get3A_523 = arith.index_cast %add3A_498 : i32 to index
          %get3A_524 = arith.constant 48 : index
          %get3A_525 = tpu.vector_load %arg13[%get3A_523, %get3A_524] {strides = array<i32>} : memref<128x64xf32, #tpu.memory_space<vmem>>, vector<16xf32>,
          %mul3A_526 = arith.mulf %broadcast_in_dim3A_501, %get3A_525 : vector<16xf32>
          %swap3A_527 = arith.index_cast %add3A_498 : i32 to index
          %swap3A_528 = arith.constant 48 : index
          %swap3A_529 = tpu.vector_load %arg15[%swap3A_527, %swap3A_528] {strides = array<i32>} : memref<128x64xf32, #tpu.memory_space<vmem>>, vector<16xf32>,
          tpu.vector_store %arg15[%swap3A_527, %swap3A_528], %mul3A_526 {strides = array<i32>} : memref<128x64xf32, #tpu.memory_space<vmem>>, vector<16xf32>,
          %mul3A_530 = arith.constant 16 : i32
          %mul3A_531 = arith.muli %scan3A_211, %mul3A_530 : i32
          %add3A_532 = arith.constant 9 : i32
          %add3A_533 = arith.addi %mul3A_531, %add3A_532 : i32
          %slice3A_534 = vector.extract_strided_slice %get3A_217 {offsets = [9], sizes = [1], strides = [1]} : vector<16xf32> to vector<1xf32>
          %squeeze3A_535 = vector.extract %slice3A_534[0] : f32 from vector<1xf32>
          %broadcast_in_dim3A_536 = vector.broadcast %squeeze3A_535 : f32 to vector<16xf32>
          %get3A_537 = arith.index_cast %add3A_533 : i32 to index
          %get3A_538 = arith.constant 0 : index
          %get3A_539 = tpu.vector_load %arg13[%get3A_537, %get3A_538] {strides = array<i32>} : memref<128x64xf32, #tpu.memory_space<vmem>>, vector<16xf32>,
          %mul3A_540 = arith.mulf %broadcast_in_dim3A_536, %get3A_539 : vector<16xf32>
          %swap3A_541 = arith.index_cast %add3A_533 : i32 to index
          %swap3A_542 = arith.constant 0 : index
          %swap3A_543 = tpu.vector_load %arg15[%swap3A_541, %swap3A_542] {strides = array<i32>} : memref<128x64xf32, #tpu.memory_space<vmem>>, vector<16xf32>,
          tpu.vector_store %arg15[%swap3A_541, %swap3A_542], %mul3A_540 {strides = array<i32>} : memref<128x64xf32, #tpu.memory_space<vmem>>, vector<16xf32>,
          %get3A_544 = arith.index_cast %add3A_533 : i32 to index
          %get3A_545 = arith.constant 16 : index
          %get3A_546 = tpu.vector_load %arg13[%get3A_544, %get3A_545] {strides = array<i32>} : memref<128x64xf32, #tpu.memory_space<vmem>>, vector<16xf32>,
          %mul3A_547 = arith.mulf %broadcast_in_dim3A_536, %get3A_546 : vector<16xf32>
          %swap3A_548 = arith.index_cast %add3A_533 : i32 to index
          %swap3A_549 = arith.constant 16 : index
          %swap3A_550 = tpu.vector_load %arg15[%swap3A_548, %swap3A_549] {strides = array<i32>} : memref<128x64xf32, #tpu.memory_space<vmem>>, vector<16xf32>,
          tpu.vector_store %arg15[%swap3A_548, %swap3A_549], %mul3A_547 {strides = array<i32>} : memref<128x64xf32, #tpu.memory_space<vmem>>, vector<16xf32>,
          %get3A_551 = arith.index_cast %add3A_533 : i32 to index
          %get3A_552 = arith.constant 32 : index
          %get3A_553 = tpu.vector_load %arg13[%get3A_551, %get3A_552] {strides = array<i32>} : memref<128x64xf32, #tpu.memory_space<vmem>>, vector<16xf32>,
          %mul3A_554 = arith.mulf %broadcast_in_dim3A_536, %get3A_553 : vector<16xf32>
          %swap3A_555 = arith.index_cast %add3A_533 : i32 to index
          %swap3A_556 = arith.constant 32 : index
          %swap3A_557 = tpu.vector_load %arg15[%swap3A_555, %swap3A_556] {strides = array<i32>} : memref<128x64xf32, #tpu.memory_space<vmem>>, vector<16xf32>,
          tpu.vector_store %arg15[%swap3A_555, %swap3A_556], %mul3A_554 {strides = array<i32>} : memref<128x64xf32, #tpu.memory_space<vmem>>, vector<16xf32>,
          %get3A_558 = arith.index_cast %add3A_533 : i32 to index
          %get3A_559 = arith.constant 48 : index
          %get3A_560 = tpu.vector_load %arg13[%get3A_558, %get3A_559] {strides = array<i32>} : memref<128x64xf32, #tpu.memory_space<vmem>>, vector<16xf32>,
          %mul3A_561 = arith.mulf %broadcast_in_dim3A_536, %get3A_560 : vector<16xf32>
          %swap3A_562 = arith.index_cast %add3A_533 : i32 to index
          %swap3A_563 = arith.constant 48 : index
          %swap3A_564 = tpu.vector_load %arg15[%swap3A_562, %swap3A_563] {strides = array<i32>} : memref<128x64xf32, #tpu.memory_space<vmem>>, vector<16xf32>,
          tpu.vector_store %arg15[%swap3A_562, %swap3A_563], %mul3A_561 {strides = array<i32>} : memref<128x64xf32, #tpu.memory_space<vmem>>, vector<16xf32>,
          %mul3A_565 = arith.constant 16 : i32
          %mul3A_566 = arith.muli %scan3A_211, %mul3A_565 : i32
          %add3A_567 = arith.constant 10 : i32
          %add3A_568 = arith.addi %mul3A_566, %add3A_567 : i32
          %slice3A_569 = vector.extract_strided_slice %get3A_217 {offsets = [10], sizes = [1], strides = [1]} : vector<16xf32> to vector<1xf32>
          %squeeze3A_570 = vector.extract %slice3A_569[0] : f32 from vector<1xf32>
          %broadcast_in_dim3A_571 = vector.broadcast %squeeze3A_570 : f32 to vector<16xf32>
          %get3A_572 = arith.index_cast %add3A_568 : i32 to index
          %get3A_573 = arith.constant 0 : index
          %get3A_574 = tpu.vector_load %arg13[%get3A_572, %get3A_573] {strides = array<i32>} : memref<128x64xf32, #tpu.memory_space<vmem>>, vector<16xf32>,
          %mul3A_575 = arith.mulf %broadcast_in_dim3A_571, %get3A_574 : vector<16xf32>
          %swap3A_576 = arith.index_cast %add3A_568 : i32 to index
          %swap3A_577 = arith.constant 0 : index
          %swap3A_578 = tpu.vector_load %arg15[%swap3A_576, %swap3A_577] {strides = array<i32>} : memref<128x64xf32, #tpu.memory_space<vmem>>, vector<16xf32>,
          tpu.vector_store %arg15[%swap3A_576, %swap3A_577], %mul3A_575 {strides = array<i32>} : memref<128x64xf32, #tpu.memory_space<vmem>>, vector<16xf32>,
          %get3A_579 = arith.index_cast %add3A_568 : i32 to index
          %get3A_580 = arith.constant 16 : index
          %get3A_581 = tpu.vector_load %arg13[%get3A_579, %get3A_580] {strides = array<i32>} : memref<128x64xf32, #tpu.memory_space<vmem>>, vector<16xf32>,
          %mul3A_582 = arith.mulf %broadcast_in_dim3A_571, %get3A_581 : vector<16xf32>
          %swap3A_583 = arith.index_cast %add3A_568 : i32 to index
          %swap3A_584 = arith.constant 16 : index
          %swap3A_585 = tpu.vector_load %arg15[%swap3A_583, %swap3A_584] {strides = array<i32>} : memref<128x64xf32, #tpu.memory_space<vmem>>, vector<16xf32>,
          tpu.vector_store %arg15[%swap3A_583, %swap3A_584], %mul3A_582 {strides = array<i32>} : memref<128x64xf32, #tpu.memory_space<vmem>>, vector<16xf32>,
          %get3A_586 = arith.index_cast %add3A_568 : i32 to index
          %get3A_587 = arith.constant 32 : index
          %get3A_588 = tpu.vector_load %arg13[%get3A_586, %get3A_587] {strides = array<i32>} : memref<128x64xf32, #tpu.memory_space<vmem>>, vector<16xf32>,
          %mul3A_589 = arith.mulf %broadcast_in_dim3A_571, %get3A_588 : vector<16xf32>
          %swap3A_590 = arith.index_cast %add3A_568 : i32 to index
          %swap3A_591 = arith.constant 32 : index
          %swap3A_592 = tpu.vector_load %arg15[%swap3A_590, %swap3A_591] {strides = array<i32>} : memref<128x64xf32, #tpu.memory_space<vmem>>, vector<16xf32>,
          tpu.vector_store %arg15[%swap3A_590, %swap3A_591], %mul3A_589 {strides = array<i32>} : memref<128x64xf32, #tpu.memory_space<vmem>>, vector<16xf32>,
          %get3A_593 = arith.index_cast %add3A_568 : i32 to index
          %get3A_594 = arith.constant 48 : index
          %get3A_595 = tpu.vector_load %arg13[%get3A_593, %get3A_594] {strides = array<i32>} : memref<128x64xf32, #tpu.memory_space<vmem>>, vector<16xf32>,
          %mul3A_596 = arith.mulf %broadcast_in_dim3A_571, %get3A_595 : vector<16xf32>
          %swap3A_597 = arith.index_cast %add3A_568 : i32 to index
          %swap3A_598 = arith.constant 48 : index
          %swap3A_599 = tpu.vector_load %arg15[%swap3A_597, %swap3A_598] {strides = array<i32>} : memref<128x64xf32, #tpu.memory_space<vmem>>, vector<16xf32>,
          tpu.vector_store %arg15[%swap3A_597, %swap3A_598], %mul3A_596 {strides = array<i32>} : memref<128x64xf32, #tpu.memory_space<vmem>>, vector<16xf32>,
          %mul3A_600 = arith.constant 16 : i32
          %mul3A_601 = arith.muli %scan3A_211, %mul3A_600 : i32
          %add3A_602 = arith.constant 11 : i32
          %add3A_603 = arith.addi %mul3A_601, %add3A_602 : i32
          %slice3A_604 = vector.extract_strided_slice %get3A_217 {offsets = [11], sizes = [1], strides = [1]} : vector<16xf32> to vector<1xf32>
          %squeeze3A_605 = vector.extract %slice3A_604[0] : f32 from vector<1xf32>
          %broadcast_in_dim3A_606 = vector.broadcast %squeeze3A_605 : f32 to vector<16xf32>
          %get3A_607 = arith.index_cast %add3A_603 : i32 to index
          %get3A_608 = arith.constant 0 : index
          %get3A_609 = tpu.vector_load %arg13[%get3A_607, %get3A_608] {strides = array<i32>} : memref<128x64xf32, #tpu.memory_space<vmem>>, vector<16xf32>,
          %mul3A_610 = arith.mulf %broadcast_in_dim3A_606, %get3A_609 : vector<16xf32>
          %swap3A_611 = arith.index_cast %add3A_603 : i32 to index
          %swap3A_612 = arith.constant 0 : index
          %swap3A_613 = tpu.vector_load %arg15[%swap3A_611, %swap3A_612] {strides = array<i32>} : memref<128x64xf32, #tpu.memory_space<vmem>>, vector<16xf32>,
          tpu.vector_store %arg15[%swap3A_611, %swap3A_612], %mul3A_610 {strides = array<i32>} : memref<128x64xf32, #tpu.memory_space<vmem>>, vector<16xf32>,
          %get3A_614 = arith.index_cast %add3A_603 : i32 to index
          %get3A_615 = arith.constant 16 : index
          %get3A_616 = tpu.vector_load %arg13[%get3A_614, %get3A_615] {strides = array<i32>} : memref<128x64xf32, #tpu.memory_space<vmem>>, vector<16xf32>,
          %mul3A_617 = arith.mulf %broadcast_in_dim3A_606, %get3A_616 : vector<16xf32>
          %swap3A_618 = arith.index_cast %add3A_603 : i32 to index
          %swap3A_619 = arith.constant 16 : index
          %swap3A_620 = tpu.vector_load %arg15[%swap3A_618, %swap3A_619] {strides = array<i32>} : memref<128x64xf32, #tpu.memory_space<vmem>>, vector<16xf32>,
          tpu.vector_store %arg15[%swap3A_618, %swap3A_619], %mul3A_617 {strides = array<i32>} : memref<128x64xf32, #tpu.memory_space<vmem>>, vector<16xf32>,
          %get3A_621 = arith.index_cast %add3A_603 : i32 to index
          %get3A_622 = arith.constant 32 : index
          %get3A_623 = tpu.vector_load %arg13[%get3A_621, %get3A_622] {strides = array<i32>} : memref<128x64xf32, #tpu.memory_space<vmem>>, vector<16xf32>,
          %mul3A_624 = arith.mulf %broadcast_in_dim3A_606, %get3A_623 : vector<16xf32>
          %swap3A_625 = arith.index_cast %add3A_603 : i32 to index
          %swap3A_626 = arith.constant 32 : index
          %swap3A_627 = tpu.vector_load %arg15[%swap3A_625, %swap3A_626] {strides = array<i32>} : memref<128x64xf32, #tpu.memory_space<vmem>>, vector<16xf32>,
          tpu.vector_store %arg15[%swap3A_625, %swap3A_626], %mul3A_624 {strides = array<i32>} : memref<128x64xf32, #tpu.memory_space<vmem>>, vector<16xf32>,
          %get3A_628 = arith.index_cast %add3A_603 : i32 to index
          %get3A_629 = arith.constant 48 : index
          %get3A_630 = tpu.vector_load %arg13[%get3A_628, %get3A_629] {strides = array<i32>} : memref<128x64xf32, #tpu.memory_space<vmem>>, vector<16xf32>,
          %mul3A_631 = arith.mulf %broadcast_in_dim3A_606, %get3A_630 : vector<16xf32>
          %swap3A_632 = arith.index_cast %add3A_603 : i32 to index
          %swap3A_633 = arith.constant 48 : index
          %swap3A_634 = tpu.vector_load %arg15[%swap3A_632, %swap3A_633] {strides = array<i32>} : memref<128x64xf32, #tpu.memory_space<vmem>>, vector<16xf32>,
          tpu.vector_store %arg15[%swap3A_632, %swap3A_633], %mul3A_631 {strides = array<i32>} : memref<128x64xf32, #tpu.memory_space<vmem>>, vector<16xf32>,
          %mul3A_635 = arith.constant 16 : i32
          %mul3A_636 = arith.muli %scan3A_211, %mul3A_635 : i32
          %add3A_637 = arith.constant 12 : i32
          %add3A_638 = arith.addi %mul3A_636, %add3A_637 : i32
          %slice3A_639 = vector.extract_strided_slice %get3A_217 {offsets = [12], sizes = [1], strides = [1]} : vector<16xf32> to vector<1xf32>
          %squeeze3A_640 = vector.extract %slice3A_639[0] : f32 from vector<1xf32>
          %broadcast_in_dim3A_641 = vector.broadcast %squeeze3A_640 : f32 to vector<16xf32>
          %get3A_642 = arith.index_cast %add3A_638 : i32 to index
          %get3A_643 = arith.constant 0 : index
          %get3A_644 = tpu.vector_load %arg13[%get3A_642, %get3A_643] {strides = array<i32>} : memref<128x64xf32, #tpu.memory_space<vmem>>, vector<16xf32>,
          %mul3A_645 = arith.mulf %broadcast_in_dim3A_641, %get3A_644 : vector<16xf32>
          %swap3A_646 = arith.index_cast %add3A_638 : i32 to index
          %swap3A_647 = arith.constant 0 : index
          %swap3A_648 = tpu.vector_load %arg15[%swap3A_646, %swap3A_647] {strides = array<i32>} : memref<128x64xf32, #tpu.memory_space<vmem>>, vector<16xf32>,
          tpu.vector_store %arg15[%swap3A_646, %swap3A_647], %mul3A_645 {strides = array<i32>} : memref<128x64xf32, #tpu.memory_space<vmem>>, vector<16xf32>,
          %get3A_649 = arith.index_cast %add3A_638 : i32 to index
          %get3A_650 = arith.constant 16 : index
          %get3A_651 = tpu.vector_load %arg13[%get3A_649, %get3A_650] {strides = array<i32>} : memref<128x64xf32, #tpu.memory_space<vmem>>, vector<16xf32>,
          %mul3A_652 = arith.mulf %broadcast_in_dim3A_641, %get3A_651 : vector<16xf32>
          %swap3A_653 = arith.index_cast %add3A_638 : i32 to index
          %swap3A_654 = arith.constant 16 : index
          %swap3A_655 = tpu.vector_load %arg15[%swap3A_653, %swap3A_654] {strides = array<i32>} : memref<128x64xf32, #tpu.memory_space<vmem>>, vector<16xf32>,
          tpu.vector_store %arg15[%swap3A_653, %swap3A_654], %mul3A_652 {strides = array<i32>} : memref<128x64xf32, #tpu.memory_space<vmem>>, vector<16xf32>,
          %get3A_656 = arith.index_cast %add3A_638 : i32 to index
          %get3A_657 = arith.constant 32 : index
          %get3A_658 = tpu.vector_load %arg13[%get3A_656, %get3A_657] {strides = array<i32>} : memref<128x64xf32, #tpu.memory_space<vmem>>, vector<16xf32>,
          %mul3A_659 = arith.mulf %broadcast_in_dim3A_641, %get3A_658 : vector<16xf32>
          %swap3A_660 = arith.index_cast %add3A_638 : i32 to index
          %swap3A_661 = arith.constant 32 : index
          %swap3A_662 = tpu.vector_load %arg15[%swap3A_660, %swap3A_661] {strides = array<i32>} : memref<128x64xf32, #tpu.memory_space<vmem>>, vector<16xf32>,
          tpu.vector_store %arg15[%swap3A_660, %swap3A_661], %mul3A_659 {strides = array<i32>} : memref<128x64xf32, #tpu.memory_space<vmem>>, vector<16xf32>,
          %get3A_663 = arith.index_cast %add3A_638 : i32 to index
          %get3A_664 = arith.constant 48 : index
          %get3A_665 = tpu.vector_load %arg13[%get3A_663, %get3A_664] {strides = array<i32>} : memref<128x64xf32, #tpu.memory_space<vmem>>, vector<16xf32>,
          %mul3A_666 = arith.mulf %broadcast_in_dim3A_641, %get3A_665 : vector<16xf32>
          %swap3A_667 = arith.index_cast %add3A_638 : i32 to index
          %swap3A_668 = arith.constant 48 : index
          %swap3A_669 = tpu.vector_load %arg15[%swap3A_667, %swap3A_668] {strides = array<i32>} : memref<128x64xf32, #tpu.memory_space<vmem>>, vector<16xf32>,
          tpu.vector_store %arg15[%swap3A_667, %swap3A_668], %mul3A_666 {strides = array<i32>} : memref<128x64xf32, #tpu.memory_space<vmem>>, vector<16xf32>,
          %mul3A_670 = arith.constant 16 : i32
          %mul3A_671 = arith.muli %scan3A_211, %mul3A_670 : i32
          %add3A_672 = arith.constant 13 : i32
          %add3A_673 = arith.addi %mul3A_671, %add3A_672 : i32
          %slice3A_674 = vector.extract_strided_slice %get3A_217 {offsets = [13], sizes = [1], strides = [1]} : vector<16xf32> to vector<1xf32>
          %squeeze3A_675 = vector.extract %slice3A_674[0] : f32 from vector<1xf32>
          %broadcast_in_dim3A_676 = vector.broadcast %squeeze3A_675 : f32 to vector<16xf32>
          %get3A_677 = arith.index_cast %add3A_673 : i32 to index
          %get3A_678 = arith.constant 0 : index
          %get3A_679 = tpu.vector_load %arg13[%get3A_677, %get3A_678] {strides = array<i32>} : memref<128x64xf32, #tpu.memory_space<vmem>>, vector<16xf32>,
          %mul3A_680 = arith.mulf %broadcast_in_dim3A_676, %get3A_679 : vector<16xf32>
          %swap3A_681 = arith.index_cast %add3A_673 : i32 to index
          %swap3A_682 = arith.constant 0 : index
          %swap3A_683 = tpu.vector_load %arg15[%swap3A_681, %swap3A_682] {strides = array<i32>} : memref<128x64xf32, #tpu.memory_space<vmem>>, vector<16xf32>,
          tpu.vector_store %arg15[%swap3A_681, %swap3A_682], %mul3A_680 {strides = array<i32>} : memref<128x64xf32, #tpu.memory_space<vmem>>, vector<16xf32>,
          %get3A_684 = arith.index_cast %add3A_673 : i32 to index
          %get3A_685 = arith.constant 16 : index
          %get3A_686 = tpu.vector_load %arg13[%get3A_684, %get3A_685] {strides = array<i32>} : memref<128x64xf32, #tpu.memory_space<vmem>>, vector<16xf32>,
          %mul3A_687 = arith.mulf %broadcast_in_dim3A_676, %get3A_686 : vector<16xf32>
          %swap3A_688 = arith.index_cast %add3A_673 : i32 to index
          %swap3A_689 = arith.constant 16 : index
          %swap3A_690 = tpu.vector_load %arg15[%swap3A_688, %swap3A_689] {strides = array<i32>} : memref<128x64xf32, #tpu.memory_space<vmem>>, vector<16xf32>,
          tpu.vector_store %arg15[%swap3A_688, %swap3A_689], %mul3A_687 {strides = array<i32>} : memref<128x64xf32, #tpu.memory_space<vmem>>, vector<16xf32>,
          %get3A_691 = arith.index_cast %add3A_673 : i32 to index
          %get3A_692 = arith.constant 32 : index
          %get3A_693 = tpu.vector_load %arg13[%get3A_691, %get3A_692] {strides = array<i32>} : memref<128x64xf32, #tpu.memory_space<vmem>>, vector<16xf32>,
          %mul3A_694 = arith.mulf %broadcast_in_dim3A_676, %get3A_693 : vector<16xf32>
          %swap3A_695 = arith.index_cast %add3A_673 : i32 to index
          %swap3A_696 = arith.constant 32 : index
          %swap3A_697 = tpu.vector_load %arg15[%swap3A_695, %swap3A_696] {strides = array<i32>} : memref<128x64xf32, #tpu.memory_space<vmem>>, vector<16xf32>,
          tpu.vector_store %arg15[%swap3A_695, %swap3A_696], %mul3A_694 {strides = array<i32>} : memref<128x64xf32, #tpu.memory_space<vmem>>, vector<16xf32>,
          %get3A_698 = arith.index_cast %add3A_673 : i32 to index
          %get3A_699 = arith.constant 48 : index
          %get3A_700 = tpu.vector_load %arg13[%get3A_698, %get3A_699] {strides = array<i32>} : memref<128x64xf32, #tpu.memory_space<vmem>>, vector<16xf32>,
          %mul3A_701 = arith.mulf %broadcast_in_dim3A_676, %get3A_700 : vector<16xf32>
          %swap3A_702 = arith.index_cast %add3A_673 : i32 to index
          %swap3A_703 = arith.constant 48 : index
          %swap3A_704 = tpu.vector_load %arg15[%swap3A_702, %swap3A_703] {strides = array<i32>} : memref<128x64xf32, #tpu.memory_space<vmem>>, vector<16xf32>,
          tpu.vector_store %arg15[%swap3A_702, %swap3A_703], %mul3A_701 {strides = array<i32>} : memref<128x64xf32, #tpu.memory_space<vmem>>, vector<16xf32>,
          %mul3A_705 = arith.constant 16 : i32
          %mul3A_706 = arith.muli %scan3A_211, %mul3A_705 : i32
          %add3A_707 = arith.constant 14 : i32
          %add3A_708 = arith.addi %mul3A_706, %add3A_707 : i32
          %slice3A_709 = vector.extract_strided_slice %get3A_217 {offsets = [14], sizes = [1], strides = [1]} : vector<16xf32> to vector<1xf32>
          %squeeze3A_710 = vector.extract %slice3A_709[0] : f32 from vector<1xf32>
          %broadcast_in_dim3A_711 = vector.broadcast %squeeze3A_710 : f32 to vector<16xf32>
          %get3A_712 = arith.index_cast %add3A_708 : i32 to index
          %get3A_713 = arith.constant 0 : index
          %get3A_714 = tpu.vector_load %arg13[%get3A_712, %get3A_713] {strides = array<i32>} : memref<128x64xf32, #tpu.memory_space<vmem>>, vector<16xf32>,
          %mul3A_715 = arith.mulf %broadcast_in_dim3A_711, %get3A_714 : vector<16xf32>
          %swap3A_716 = arith.index_cast %add3A_708 : i32 to index
          %swap3A_717 = arith.constant 0 : index
          %swap3A_718 = tpu.vector_load %arg15[%swap3A_716, %swap3A_717] {strides = array<i32>} : memref<128x64xf32, #tpu.memory_space<vmem>>, vector<16xf32>,
          tpu.vector_store %arg15[%swap3A_716, %swap3A_717], %mul3A_715 {strides = array<i32>} : memref<128x64xf32, #tpu.memory_space<vmem>>, vector<16xf32>,
          %get3A_719 = arith.index_cast %add3A_708 : i32 to index
          %get3A_720 = arith.constant 16 : index
          %get3A_721 = tpu.vector_load %arg13[%get3A_719, %get3A_720] {strides = array<i32>} : memref<128x64xf32, #tpu.memory_space<vmem>>, vector<16xf32>,
          %mul3A_722 = arith.mulf %broadcast_in_dim3A_711, %get3A_721 : vector<16xf32>
          %swap3A_723 = arith.index_cast %add3A_708 : i32 to index
          %swap3A_724 = arith.constant 16 : index
          %swap3A_725 = tpu.vector_load %arg15[%swap3A_723, %swap3A_724] {strides = array<i32>} : memref<128x64xf32, #tpu.memory_space<vmem>>, vector<16xf32>,
          tpu.vector_store %arg15[%swap3A_723, %swap3A_724], %mul3A_722 {strides = array<i32>} : memref<128x64xf32, #tpu.memory_space<vmem>>, vector<16xf32>,
          %get3A_726 = arith.index_cast %add3A_708 : i32 to index
          %get3A_727 = arith.constant 32 : index
          %get3A_728 = tpu.vector_load %arg13[%get3A_726, %get3A_727] {strides = array<i32>} : memref<128x64xf32, #tpu.memory_space<vmem>>, vector<16xf32>,
          %mul3A_729 = arith.mulf %broadcast_in_dim3A_711, %get3A_728 : vector<16xf32>
          %swap3A_730 = arith.index_cast %add3A_708 : i32 to index
          %swap3A_731 = arith.constant 32 : index
          %swap3A_732 = tpu.vector_load %arg15[%swap3A_730, %swap3A_731] {strides = array<i32>} : memref<128x64xf32, #tpu.memory_space<vmem>>, vector<16xf32>,
          tpu.vector_store %arg15[%swap3A_730, %swap3A_731], %mul3A_729 {strides = array<i32>} : memref<128x64xf32, #tpu.memory_space<vmem>>, vector<16xf32>,
          %get3A_733 = arith.index_cast %add3A_708 : i32 to index
          %get3A_734 = arith.constant 48 : index
          %get3A_735 = tpu.vector_load %arg13[%get3A_733, %get3A_734] {strides = array<i32>} : memref<128x64xf32, #tpu.memory_space<vmem>>, vector<16xf32>,
          %mul3A_736 = arith.mulf %broadcast_in_dim3A_711, %get3A_735 : vector<16xf32>
          %swap3A_737 = arith.index_cast %add3A_708 : i32 to index
          %swap3A_738 = arith.constant 48 : index
          %swap3A_739 = tpu.vector_load %arg15[%swap3A_737, %swap3A_738] {strides = array<i32>} : memref<128x64xf32, #tpu.memory_space<vmem>>, vector<16xf32>,
          tpu.vector_store %arg15[%swap3A_737, %swap3A_738], %mul3A_736 {strides = array<i32>} : memref<128x64xf32, #tpu.memory_space<vmem>>, vector<16xf32>,
          %mul3A_740 = arith.constant 16 : i32
          %mul3A_741 = arith.muli %scan3A_211, %mul3A_740 : i32
          %add3A_742 = arith.constant 15 : i32
          %add3A_743 = arith.addi %mul3A_741, %add3A_742 : i32
          %slice3A_744 = vector.extract_strided_slice %get3A_217 {offsets = [15], sizes = [1], strides = [1]} : vector<16xf32> to vector<1xf32>
          %squeeze3A_745 = vector.extract %slice3A_744[0] : f32 from vector<1xf32>
          %broadcast_in_dim3A_746 = vector.broadcast %squeeze3A_745 : f32 to vector<16xf32>
          %get3A_747 = arith.index_cast %add3A_743 : i32 to index
          %get3A_748 = arith.constant 0 : index
          %get3A_749 = tpu.vector_load %arg13[%get3A_747, %get3A_748] {strides = array<i32>} : memref<128x64xf32, #tpu.memory_space<vmem>>, vector<16xf32>,
          %mul3A_750 = arith.mulf %broadcast_in_dim3A_746, %get3A_749 : vector<16xf32>
          %swap3A_751 = arith.index_cast %add3A_743 : i32 to index
          %swap3A_752 = arith.constant 0 : index
          %swap3A_753 = tpu.vector_load %arg15[%swap3A_751, %swap3A_752] {strides = array<i32>} : memref<128x64xf32, #tpu.memory_space<vmem>>, vector<16xf32>,
          tpu.vector_store %arg15[%swap3A_751, %swap3A_752], %mul3A_750 {strides = array<i32>} : memref<128x64xf32, #tpu.memory_space<vmem>>, vector<16xf32>,
          %get3A_754 = arith.index_cast %add3A_743 : i32 to index
          %get3A_755 = arith.constant 16 : index
          %get3A_756 = tpu.vector_load %arg13[%get3A_754, %get3A_755] {strides = array<i32>} : memref<128x64xf32, #tpu.memory_space<vmem>>, vector<16xf32>,
          %mul3A_757 = arith.mulf %broadcast_in_dim3A_746, %get3A_756 : vector<16xf32>
          %swap3A_758 = arith.index_cast %add3A_743 : i32 to index
          %swap3A_759 = arith.constant 16 : index
          %swap3A_760 = tpu.vector_load %arg15[%swap3A_758, %swap3A_759] {strides = array<i32>} : memref<128x64xf32, #tpu.memory_space<vmem>>, vector<16xf32>,
          tpu.vector_store %arg15[%swap3A_758, %swap3A_759], %mul3A_757 {strides = array<i32>} : memref<128x64xf32, #tpu.memory_space<vmem>>, vector<16xf32>,
          %get3A_761 = arith.index_cast %add3A_743 : i32 to index
          %get3A_762 = arith.constant 32 : index
          %get3A_763 = tpu.vector_load %arg13[%get3A_761, %get3A_762] {strides = array<i32>} : memref<128x64xf32, #tpu.memory_space<vmem>>, vector<16xf32>,
          %mul3A_764 = arith.mulf %broadcast_in_dim3A_746, %get3A_763 : vector<16xf32>
          %swap3A_765 = arith.index_cast %add3A_743 : i32 to index
          %swap3A_766 = arith.constant 32 : index
          %swap3A_767 = tpu.vector_load %arg15[%swap3A_765, %swap3A_766] {strides = array<i32>} : memref<128x64xf32, #tpu.memory_space<vmem>>, vector<16xf32>,
          tpu.vector_store %arg15[%swap3A_765, %swap3A_766], %mul3A_764 {strides = array<i32>} : memref<128x64xf32, #tpu.memory_space<vmem>>, vector<16xf32>,
          %get3A_768 = arith.index_cast %add3A_743 : i32 to index
          %get3A_769 = arith.constant 48 : index
          %get3A_770 = tpu.vector_load %arg13[%get3A_768, %get3A_769] {strides = array<i32>} : memref<128x64xf32, #tpu.memory_space<vmem>>, vector<16xf32>,
          %mul3A_771 = arith.mulf %broadcast_in_dim3A_746, %get3A_770 : vector<16xf32>
          %swap3A_772 = arith.index_cast %add3A_743 : i32 to index
          %swap3A_773 = arith.constant 48 : index
          %swap3A_774 = tpu.vector_load %arg15[%swap3A_772, %swap3A_773] {strides = array<i32>} : memref<128x64xf32, #tpu.memory_space<vmem>>, vector<16xf32>,
          tpu.vector_store %arg15[%swap3A_772, %swap3A_773], %mul3A_771 {strides = array<i32>} : memref<128x64xf32, #tpu.memory_space<vmem>>, vector<16xf32>,
        }
        %scan3A_197 = arith.constant 8 : i32
        %add3A_198 = arith.constant 2 : i32
        %add3A_199 = arith.addi %add3A_136, %add3A_198 : i32
        %lt3A_200 = arith.constant 40 : i32
        %lt3A_201 = arith.cmpi slt, %add3A_199, %lt3A_200 : i32
        %convert_element_type3A_202 = arith.extui %lt3A_201 : i1 to i32
        %cond3A_203 = arith.constant 0 : i32
        %cond3A_204 = arith.cmpi ne, %convert_element_type3A_202, %cond3A_203 : i32
        scf.if %cond3A_204 {
          %add3A_211 = arith.constant 2 : i32
          %add3A_212 = arith.addi %add3A_136, %add3A_211 : i32
          %dma_start3A_213 = arith.constant 0 : i32
          %dma_start3A_214 = tpu.memref_slice %arg9[%add3A_212, %dma_start3A_213] : memref<40x128xi32, #tpu.memory_space<vmem>> -> memref<1x128xi32, #tpu.memory_space<vmem>>
          %dma_start3A_215 = tpu.memref_squeeze %dma_start3A_214 : memref<1x128xi32, #tpu.memory_space<vmem>> -> memref<128xi32, #tpu.memory_space<vmem>>
          %dma_start3A_216 = arith.constant 0 : i32
          %dma_start3A_217 = arith.constant 0 : i32
          %dma_start3A_218 = tpu.memref_slice %arg2[%arg0, %dma_start3A_216, %dma_start3A_217] : memref<2x10000x64xf32, #tpu.memory_space<hbm>> -> memref<1x10000x64xf32, #tpu.memory_space<hbm>>
          %dma_start3A_219 = tpu.memref_squeeze %dma_start3A_218 : memref<1x10000x64xf32, #tpu.memory_space<hbm>> -> memref<10000x64xf32, #tpu.memory_space<hbm>>
          %dma_start3A_220 = arith.constant 0 : i32
          %dma_start3A_221 = arith.constant 0 : i32
          %dma_start3A_222 = tpu.memref_slice %dma_start3A_219[%dma_start3A_220, %dma_start3A_221] : memref<10000x64xf32, #tpu.memory_space<hbm>> -> memref<10000x64xf32, #tpu.memory_space<hbm>>
          tpu.enqueue_indirect_dma source(%dma_start3A_222 : memref<10000x64xf32, #tpu.memory_space<hbm>>) target(%arg13 : memref<128x64xf32, #tpu.memory_space<vmem>>) offsets(%dma_start3A_215 : memref<128xi32, #tpu.memory_space<vmem>>) semaphore(%arg21 : memref<!tpu.dma_semaphore, #tpu.memory_space<semaphore_mem>>)
        } else {
        }
        %dma_start3A_205 = arith.constant 0 : i32
        %dma_start3A_206 = tpu.memref_slice %arg8[%add3A_136, %dma_start3A_205] : memref<40x128xi32, #tpu.memory_space<vmem>> -> memref<1x128xi32, #tpu.memory_space<vmem>>
        %dma_start3A_207 = tpu.memref_squeeze %dma_start3A_206 : memref<1x128xi32, #tpu.memory_space<vmem>> -> memref<128xi32, #tpu.memory_space<vmem>>
        %dma_start3A_208 = arith.constant 0 : i32
        %dma_start3A_209 = arith.constant 0 : i32
        %dma_start3A_210 = tpu.memref_slice %arg19[%dma_start3A_208, %dma_start3A_209] : memref<10240x64xf32, #tpu.memory_space<vmem_shared>> -> memref<10240x64xf32, #tpu.memory_space<vmem_shared>>
        tpu.enqueue_indirect_dma source(%arg15 : memref<128x64xf32, #tpu.memory_space<vmem>>) target(%dma_start3A_210 : memref<10240x64xf32, #tpu.memory_space<vmem_shared>>) offsets(%dma_start3A_207 : memref<128xi32, #tpu.memory_space<vmem>>) semaphore(%arg23 : memref<!tpu.dma_semaphore, #tpu.memory_space<semaphore_mem>>) {add = true}
      }
      %scan3A_117 = arith.constant 20 : i32
      %dma_wait3A_118 = arith.constant 0 : i32
      %dma_wait3A_119 = arith.constant 0 : i32
      %dma_wait3A_120 = tpu.memref_slice %arg8[%dma_wait3A_118, %dma_wait3A_119] : memref<40x128xi32, #tpu.memory_space<vmem>> -> memref<1x128xi32, #tpu.memory_space<vmem>>
      %dma_wait3A_121 = tpu.memref_squeeze %dma_wait3A_120 : memref<1x128xi32, #tpu.memory_space<vmem>> -> memref<128xi32, #tpu.memory_space<vmem>>
      %dma_wait3A_122 = arith.constant 0 : i32
      %dma_wait3A_123 = arith.constant 0 : i32
      %dma_wait3A_124 = tpu.memref_slice %arg19[%dma_wait3A_122, %dma_wait3A_123] : memref<10240x64xf32, #tpu.memory_space<vmem_shared>> -> memref<10240x64xf32, #tpu.memory_space<vmem_shared>>
      tpu.wait_indirect_dma semaphore(%arg22 : memref<!tpu.dma_semaphore, #tpu.memory_space<semaphore_mem>>) src(%arg14 : memref<128x64xf32, #tpu.memory_space<vmem>>) dst(%dma_wait3A_124 : memref<10240x64xf32, #tpu.memory_space<vmem_shared>>)
      %dma_wait3A_125 = arith.constant 0 : i32
      %dma_wait3A_126 = arith.constant 0 : i32
      %dma_wait3A_127 = tpu.memref_slice %arg8[%dma_wait3A_125, %dma_wait3A_126] : memref<40x128xi32, #tpu.memory_space<vmem>> -> memref<1x128xi32, #tpu.memory_space<vmem>>
      %dma_wait3A_128 = tpu.memref_squeeze %dma_wait3A_127 : memref<1x128xi32, #tpu.memory_space<vmem>> -> memref<128xi32, #tpu.memory_space<vmem>>
      %dma_wait3A_129 = arith.constant 0 : i32
      %dma_wait3A_130 = arith.constant 0 : i32
      %dma_wait3A_131 = tpu.memref_slice %arg19[%dma_wait3A_129, %dma_wait3A_130] : memref<10240x64xf32, #tpu.memory_space<vmem_shared>> -> memref<10240x64xf32, #tpu.memory_space<vmem_shared>>
      tpu.wait_indirect_dma semaphore(%arg23 : memref<!tpu.dma_semaphore, #tpu.memory_space<semaphore_mem>>) src(%arg15 : memref<128x64xf32, #tpu.memory_space<vmem>>) dst(%dma_wait3A_131 : memref<10240x64xf32, #tpu.memory_space<vmem_shared>>)
    }
    %scan3A_67 = arith.constant 4 : i32
    %barrier3A_68 = arith.constant 0 : index
    tpu.barrier barrier_id(%barrier3A_68)
    "tpu.region"() ({
      %run_scoped3A = tpu.sem_alloc : memref<!tpu.dma_semaphore, #tpu.memory_space<semaphore_mem>>
      %dma_start3A_75 = tpu.memref_slice %arg18[%mul3A_12] : memref<10240xf32, #tpu.memory_space<vmem_shared>> -> memref<640xf32, #tpu.memory_space<vmem_shared>>
      %dma_start3A_76 = tpu.memref_slice %arg18[%mul3A_12] : memref<10240xf32, #tpu.memory_space<vmem_shared>> -> memref<640xf32, #tpu.memory_space<vmem_shared>>
      tpu.enqueue_dma source(%dma_start3A_76 : memref<640xf32, #tpu.memory_space<vmem_shared>>) target(%arg16 : memref<640xf32, #tpu.memory_space<vmem>>) target_semaphore(%run_scoped3A : memref<!tpu.dma_semaphore, #tpu.memory_space<semaphore_mem>>)
      %dma_wait3A_77 = tpu.memref_slice %arg18[%mul3A_12] : memref<10240xf32, #tpu.memory_space<vmem_shared>> -> memref<640xf32, #tpu.memory_space<vmem_shared>>
      %dma_wait3A_78 = tpu.memref_slice %arg18[%mul3A_12] : memref<10240xf32, #tpu.memory_space<vmem_shared>> -> memref<640xf32, #tpu.memory_space<vmem_shared>>
      tpu.wait_dma2 semaphore(%run_scoped3A : memref<!tpu.dma_semaphore, #tpu.memory_space<semaphore_mem>>) src(%dma_wait3A_78 : memref<640xf32, #tpu.memory_space<vmem_shared>>) dst(%arg16 : memref<640xf32, #tpu.memory_space<vmem>>)
      tpu.yield
    }) : () -> ()
    %scan3A_69 = arith.constant 0 : i32
    %scan3A_70 = arith.constant 0 : i32
    %scan3A_71 = arith.constant 5 : i32
    %scan3A_72 = arith.addi %scan3A_70, %scan3A_71 : i32
    %scan3A_73 = arith.constant 1 : i32
    scf.for %scan3A_75 = %scan3A_70 to %scan3A_72 step %scan3A_73  : i32 {
      %mul3A_76 = arith.constant 128 : i32
      %mul3A_77 = arith.muli %scan3A_75, %mul3A_76 : i32
      %add3A_78 = arith.addi %mul3A_12, %mul3A_77 : i32
      "tpu.region"() ({
        %run_scoped3A = tpu.sem_alloc : memref<!tpu.dma_semaphore, #tpu.memory_space<semaphore_mem>>
        %dma_start3A_90 = arith.constant 0 : i32
        %dma_start3A_91 = tpu.memref_slice %arg19[%add3A_78, %dma_start3A_90] : memref<10240x64xf32, #tpu.memory_space<vmem_shared>> -> memref<128x64xf32, #tpu.memory_space<vmem_shared>>
        %dma_start3A_92 = arith.constant 0 : i32
        %dma_start3A_93 = tpu.memref_slice %arg19[%add3A_78, %dma_start3A_92] : memref<10240x64xf32, #tpu.memory_space<vmem_shared>> -> memref<128x64xf32, #tpu.memory_space<vmem_shared>>
        tpu.enqueue_dma source(%dma_start3A_93 : memref<128x64xf32, #tpu.memory_space<vmem_shared>>) target(%arg12 : memref<128x64xf32, #tpu.memory_space<vmem>>) target_semaphore(%run_scoped3A : memref<!tpu.dma_semaphore, #tpu.memory_space<semaphore_mem>>)
        %dma_wait3A_94 = arith.constant 0 : i32
        %dma_wait3A_95 = tpu.memref_slice %arg19[%add3A_78, %dma_wait3A_94] : memref<10240x64xf32, #tpu.memory_space<vmem_shared>> -> memref<128x64xf32, #tpu.memory_space<vmem_shared>>
        %dma_wait3A_96 = arith.constant 0 : i32
        %dma_wait3A_97 = tpu.memref_slice %arg19[%add3A_78, %dma_wait3A_96] : memref<10240x64xf32, #tpu.memory_space<vmem_shared>> -> memref<128x64xf32, #tpu.memory_space<vmem_shared>>
        tpu.wait_dma2 semaphore(%run_scoped3A : memref<!tpu.dma_semaphore, #tpu.memory_space<semaphore_mem>>) src(%dma_wait3A_97 : memref<128x64xf32, #tpu.memory_space<vmem_shared>>) dst(%arg12 : memref<128x64xf32, #tpu.memory_space<vmem>>)
        tpu.yield
      }) : () -> ()
      %scan3A_79 = arith.constant 0 : i32
      %scan3A_80 = arith.constant 0 : i32
      %scan3A_81 = arith.constant 8 : i32
      %scan3A_82 = arith.addi %scan3A_80, %scan3A_81 : i32
      %scan3A_83 = arith.constant 1 : i32
      scf.for %scan3A_90 = %scan3A_80 to %scan3A_82 step %scan3A_83  : i32 {
        %mul3A_91 = arith.constant 128 : i32
        %mul3A_92 = arith.muli %scan3A_75, %mul3A_91 : i32
        %mul3A_93 = arith.constant 16 : i32
        %mul3A_94 = arith.muli %scan3A_90, %mul3A_93 : i32
        %add3A_95 = arith.addi %mul3A_92, %mul3A_94 : i32
        %get3A = arith.index_cast %add3A_95 : i32 to index
        %get3A_96 = tpu.vector_load %arg16[%get3A] {strides = array<i32>} : memref<640xf32, #tpu.memory_space<vmem>>, vector<16xf32>,
        %add3A_97 = arith.constant 1.000000e-16 : f32
        %add3A_98 = vector.broadcast %add3A_97 : f32 to vector<16xf32>
        %add3A_99 = arith.addf %get3A_96, %add3A_98 : vector<16xf32>
        %div3A = arith.constant 1.000000e+00 : f32
        %div3A_100 = vector.broadcast %div3A : f32 to vector<16xf32>
        %div3A_101 = arith.divf %div3A_100, %add3A_99 : vector<16xf32>
        %mul3A_102 = arith.constant 16 : i32
        %mul3A_103 = arith.muli %scan3A_90, %mul3A_102 : i32
        %add3A_104 = arith.constant 0 : i32
        %add3A_105 = arith.addi %mul3A_103, %add3A_104 : i32
        %slice3A = vector.extract_strided_slice %div3A_101 {offsets = [0], sizes = [1], strides = [1]} : vector<16xf32> to vector<1xf32>
        %squeeze3A = vector.extract %slice3A[0] : f32 from vector<1xf32>
        %broadcast_in_dim3A_106 = vector.broadcast %squeeze3A : f32 to vector<16xf32>
        %mul3A_107 = arith.constant 64 : i32
        %mul3A_108 = arith.muli %arg0, %mul3A_107 : i32
        %add3A_109 = arith.constant 0 : i32
        %add3A_110 = arith.addi %mul3A_108, %add3A_109 : i32
        %get3A_111 = arith.index_cast %add3A_110 : i32 to index
        %get3A_112 = tpu.vector_load %arg17[%get3A_111] {strides = array<i32>} : memref<128xf32, #tpu.memory_space<vmem>>, vector<16xf32>,
        %get3A_113 = arith.index_cast %add3A_105 : i32 to index
        %get3A_114 = arith.constant 0 : index
        %get3A_115 = tpu.vector_load %arg12[%get3A_113, %get3A_114] {strides = array<i32>} : memref<128x64xf32, #tpu.memory_space<vmem>>, vector<16xf32>,
        %mul3A_116 = arith.mulf %broadcast_in_dim3A_106, %get3A_115 : vector<16xf32>
        %add3A_117 = arith.addf %mul3A_116, %get3A_112 : vector<16xf32>
        %swap3A = arith.index_cast %add3A_105 : i32 to index
        %swap3A_118 = arith.constant 0 : index
        %swap3A_119 = tpu.vector_load %arg12[%swap3A, %swap3A_118] {strides = array<i32>} : memref<128x64xf32, #tpu.memory_space<vmem>>, vector<16xf32>,
        tpu.vector_store %arg12[%swap3A, %swap3A_118], %add3A_117 {strides = array<i32>} : memref<128x64xf32, #tpu.memory_space<vmem>>, vector<16xf32>,
        %mul3A_120 = arith.constant 64 : i32
        %mul3A_121 = arith.muli %arg0, %mul3A_120 : i32
        %add3A_122 = arith.constant 16 : i32
        %add3A_123 = arith.addi %mul3A_121, %add3A_122 : i32
        %get3A_124 = arith.index_cast %add3A_123 : i32 to index
        %get3A_125 = tpu.vector_load %arg17[%get3A_124] {strides = array<i32>} : memref<128xf32, #tpu.memory_space<vmem>>, vector<16xf32>,
        %get3A_126 = arith.index_cast %add3A_105 : i32 to index
        %get3A_127 = arith.constant 16 : index
        %get3A_128 = tpu.vector_load %arg12[%get3A_126, %get3A_127] {strides = array<i32>} : memref<128x64xf32, #tpu.memory_space<vmem>>, vector<16xf32>,
        %mul3A_129 = arith.mulf %broadcast_in_dim3A_106, %get3A_128 : vector<16xf32>
        %add3A_130 = arith.addf %mul3A_129, %get3A_125 : vector<16xf32>
        %swap3A_131 = arith.index_cast %add3A_105 : i32 to index
        %swap3A_132 = arith.constant 16 : index
        %swap3A_133 = tpu.vector_load %arg12[%swap3A_131, %swap3A_132] {strides = array<i32>} : memref<128x64xf32, #tpu.memory_space<vmem>>, vector<16xf32>,
        tpu.vector_store %arg12[%swap3A_131, %swap3A_132], %add3A_130 {strides = array<i32>} : memref<128x64xf32, #tpu.memory_space<vmem>>, vector<16xf32>,
        %mul3A_134 = arith.constant 64 : i32
        %mul3A_135 = arith.muli %arg0, %mul3A_134 : i32
        %add3A_136 = arith.constant 32 : i32
        %add3A_137 = arith.addi %mul3A_135, %add3A_136 : i32
        %get3A_138 = arith.index_cast %add3A_137 : i32 to index
        %get3A_139 = tpu.vector_load %arg17[%get3A_138] {strides = array<i32>} : memref<128xf32, #tpu.memory_space<vmem>>, vector<16xf32>,
        %get3A_140 = arith.index_cast %add3A_105 : i32 to index
        %get3A_141 = arith.constant 32 : index
        %get3A_142 = tpu.vector_load %arg12[%get3A_140, %get3A_141] {strides = array<i32>} : memref<128x64xf32, #tpu.memory_space<vmem>>, vector<16xf32>,
        %mul3A_143 = arith.mulf %broadcast_in_dim3A_106, %get3A_142 : vector<16xf32>
        %add3A_144 = arith.addf %mul3A_143, %get3A_139 : vector<16xf32>
        %swap3A_145 = arith.index_cast %add3A_105 : i32 to index
        %swap3A_146 = arith.constant 32 : index
        %swap3A_147 = tpu.vector_load %arg12[%swap3A_145, %swap3A_146] {strides = array<i32>} : memref<128x64xf32, #tpu.memory_space<vmem>>, vector<16xf32>,
        tpu.vector_store %arg12[%swap3A_145, %swap3A_146], %add3A_144 {strides = array<i32>} : memref<128x64xf32, #tpu.memory_space<vmem>>, vector<16xf32>,
        %mul3A_148 = arith.constant 64 : i32
        %mul3A_149 = arith.muli %arg0, %mul3A_148 : i32
        %add3A_150 = arith.constant 48 : i32
        %add3A_151 = arith.addi %mul3A_149, %add3A_150 : i32
        %get3A_152 = arith.index_cast %add3A_151 : i32 to index
        %get3A_153 = tpu.vector_load %arg17[%get3A_152] {strides = array<i32>} : memref<128xf32, #tpu.memory_space<vmem>>, vector<16xf32>,
        %get3A_154 = arith.index_cast %add3A_105 : i32 to index
        %get3A_155 = arith.constant 48 : index
        %get3A_156 = tpu.vector_load %arg12[%get3A_154, %get3A_155] {strides = array<i32>} : memref<128x64xf32, #tpu.memory_space<vmem>>, vector<16xf32>,
        %mul3A_157 = arith.mulf %broadcast_in_dim3A_106, %get3A_156 : vector<16xf32>
        %add3A_158 = arith.addf %mul3A_157, %get3A_153 : vector<16xf32>
        %swap3A_159 = arith.index_cast %add3A_105 : i32 to index
        %swap3A_160 = arith.constant 48 : index
        %swap3A_161 = tpu.vector_load %arg12[%swap3A_159, %swap3A_160] {strides = array<i32>} : memref<128x64xf32, #tpu.memory_space<vmem>>, vector<16xf32>,
        tpu.vector_store %arg12[%swap3A_159, %swap3A_160], %add3A_158 {strides = array<i32>} : memref<128x64xf32, #tpu.memory_space<vmem>>, vector<16xf32>,
        %mul3A_162 = arith.constant 16 : i32
        %mul3A_163 = arith.muli %scan3A_90, %mul3A_162 : i32
        %add3A_164 = arith.constant 1 : i32
        %add3A_165 = arith.addi %mul3A_163, %add3A_164 : i32
        %slice3A_166 = vector.extract_strided_slice %div3A_101 {offsets = [1], sizes = [1], strides = [1]} : vector<16xf32> to vector<1xf32>
        %squeeze3A_167 = vector.extract %slice3A_166[0] : f32 from vector<1xf32>
        %broadcast_in_dim3A_168 = vector.broadcast %squeeze3A_167 : f32 to vector<16xf32>
        %mul3A_169 = arith.constant 64 : i32
        %mul3A_170 = arith.muli %arg0, %mul3A_169 : i32
        %add3A_171 = arith.constant 0 : i32
        %add3A_172 = arith.addi %mul3A_170, %add3A_171 : i32
        %get3A_173 = arith.index_cast %add3A_172 : i32 to index
        %get3A_174 = tpu.vector_load %arg17[%get3A_173] {strides = array<i32>} : memref<128xf32, #tpu.memory_space<vmem>>, vector<16xf32>,
        %get3A_175 = arith.index_cast %add3A_165 : i32 to index
        %get3A_176 = arith.constant 0 : index
        %get3A_177 = tpu.vector_load %arg12[%get3A_175, %get3A_176] {strides = array<i32>} : memref<128x64xf32, #tpu.memory_space<vmem>>, vector<16xf32>,
        %mul3A_178 = arith.mulf %broadcast_in_dim3A_168, %get3A_177 : vector<16xf32>
        %add3A_179 = arith.addf %mul3A_178, %get3A_174 : vector<16xf32>
        %swap3A_180 = arith.index_cast %add3A_165 : i32 to index
        %swap3A_181 = arith.constant 0 : index
        %swap3A_182 = tpu.vector_load %arg12[%swap3A_180, %swap3A_181] {strides = array<i32>} : memref<128x64xf32, #tpu.memory_space<vmem>>, vector<16xf32>,
        tpu.vector_store %arg12[%swap3A_180, %swap3A_181], %add3A_179 {strides = array<i32>} : memref<128x64xf32, #tpu.memory_space<vmem>>, vector<16xf32>,
        %mul3A_183 = arith.constant 64 : i32
        %mul3A_184 = arith.muli %arg0, %mul3A_183 : i32
        %add3A_185 = arith.constant 16 : i32
        %add3A_186 = arith.addi %mul3A_184, %add3A_185 : i32
        %get3A_187 = arith.index_cast %add3A_186 : i32 to index
        %get3A_188 = tpu.vector_load %arg17[%get3A_187] {strides = array<i32>} : memref<128xf32, #tpu.memory_space<vmem>>, vector<16xf32>,
        %get3A_189 = arith.index_cast %add3A_165 : i32 to index
        %get3A_190 = arith.constant 16 : index
        %get3A_191 = tpu.vector_load %arg12[%get3A_189, %get3A_190] {strides = array<i32>} : memref<128x64xf32, #tpu.memory_space<vmem>>, vector<16xf32>,
        %mul3A_192 = arith.mulf %broadcast_in_dim3A_168, %get3A_191 : vector<16xf32>
        %add3A_193 = arith.addf %mul3A_192, %get3A_188 : vector<16xf32>
        %swap3A_194 = arith.index_cast %add3A_165 : i32 to index
        %swap3A_195 = arith.constant 16 : index
        %swap3A_196 = tpu.vector_load %arg12[%swap3A_194, %swap3A_195] {strides = array<i32>} : memref<128x64xf32, #tpu.memory_space<vmem>>, vector<16xf32>,
        tpu.vector_store %arg12[%swap3A_194, %swap3A_195], %add3A_193 {strides = array<i32>} : memref<128x64xf32, #tpu.memory_space<vmem>>, vector<16xf32>,
        %mul3A_197 = arith.constant 64 : i32
        %mul3A_198 = arith.muli %arg0, %mul3A_197 : i32
        %add3A_199 = arith.constant 32 : i32
        %add3A_200 = arith.addi %mul3A_198, %add3A_199 : i32
        %get3A_201 = arith.index_cast %add3A_200 : i32 to index
        %get3A_202 = tpu.vector_load %arg17[%get3A_201] {strides = array<i32>} : memref<128xf32, #tpu.memory_space<vmem>>, vector<16xf32>,
        %get3A_203 = arith.index_cast %add3A_165 : i32 to index
        %get3A_204 = arith.constant 32 : index
        %get3A_205 = tpu.vector_load %arg12[%get3A_203, %get3A_204] {strides = array<i32>} : memref<128x64xf32, #tpu.memory_space<vmem>>, vector<16xf32>,
        %mul3A_206 = arith.mulf %broadcast_in_dim3A_168, %get3A_205 : vector<16xf32>
        %add3A_207 = arith.addf %mul3A_206, %get3A_202 : vector<16xf32>
        %swap3A_208 = arith.index_cast %add3A_165 : i32 to index
        %swap3A_209 = arith.constant 32 : index
        %swap3A_210 = tpu.vector_load %arg12[%swap3A_208, %swap3A_209] {strides = array<i32>} : memref<128x64xf32, #tpu.memory_space<vmem>>, vector<16xf32>,
        tpu.vector_store %arg12[%swap3A_208, %swap3A_209], %add3A_207 {strides = array<i32>} : memref<128x64xf32, #tpu.memory_space<vmem>>, vector<16xf32>,
        %mul3A_211 = arith.constant 64 : i32
        %mul3A_212 = arith.muli %arg0, %mul3A_211 : i32
        %add3A_213 = arith.constant 48 : i32
        %add3A_214 = arith.addi %mul3A_212, %add3A_213 : i32
        %get3A_215 = arith.index_cast %add3A_214 : i32 to index
        %get3A_216 = tpu.vector_load %arg17[%get3A_215] {strides = array<i32>} : memref<128xf32, #tpu.memory_space<vmem>>, vector<16xf32>,
        %get3A_217 = arith.index_cast %add3A_165 : i32 to index
        %get3A_218 = arith.constant 48 : index
        %get3A_219 = tpu.vector_load %arg12[%get3A_217, %get3A_218] {strides = array<i32>} : memref<128x64xf32, #tpu.memory_space<vmem>>, vector<16xf32>,
        %mul3A_220 = arith.mulf %broadcast_in_dim3A_168, %get3A_219 : vector<16xf32>
        %add3A_221 = arith.addf %mul3A_220, %get3A_216 : vector<16xf32>
        %swap3A_222 = arith.index_cast %add3A_165 : i32 to index
        %swap3A_223 = arith.constant 48 : index
        %swap3A_224 = tpu.vector_load %arg12[%swap3A_222, %swap3A_223] {strides = array<i32>} : memref<128x64xf32, #tpu.memory_space<vmem>>, vector<16xf32>,
        tpu.vector_store %arg12[%swap3A_222, %swap3A_223], %add3A_221 {strides = array<i32>} : memref<128x64xf32, #tpu.memory_space<vmem>>, vector<16xf32>,
        %mul3A_225 = arith.constant 16 : i32
        %mul3A_226 = arith.muli %scan3A_90, %mul3A_225 : i32
        %add3A_227 = arith.constant 2 : i32
        %add3A_228 = arith.addi %mul3A_226, %add3A_227 : i32
        %slice3A_229 = vector.extract_strided_slice %div3A_101 {offsets = [2], sizes = [1], strides = [1]} : vector<16xf32> to vector<1xf32>
        %squeeze3A_230 = vector.extract %slice3A_229[0] : f32 from vector<1xf32>
        %broadcast_in_dim3A_231 = vector.broadcast %squeeze3A_230 : f32 to vector<16xf32>
        %mul3A_232 = arith.constant 64 : i32
        %mul3A_233 = arith.muli %arg0, %mul3A_232 : i32
        %add3A_234 = arith.constant 0 : i32
        %add3A_235 = arith.addi %mul3A_233, %add3A_234 : i32
        %get3A_236 = arith.index_cast %add3A_235 : i32 to index
        %get3A_237 = tpu.vector_load %arg17[%get3A_236] {strides = array<i32>} : memref<128xf32, #tpu.memory_space<vmem>>, vector<16xf32>,
        %get3A_238 = arith.index_cast %add3A_228 : i32 to index
        %get3A_239 = arith.constant 0 : index
        %get3A_240 = tpu.vector_load %arg12[%get3A_238, %get3A_239] {strides = array<i32>} : memref<128x64xf32, #tpu.memory_space<vmem>>, vector<16xf32>,
        %mul3A_241 = arith.mulf %broadcast_in_dim3A_231, %get3A_240 : vector<16xf32>
        %add3A_242 = arith.addf %mul3A_241, %get3A_237 : vector<16xf32>
        %swap3A_243 = arith.index_cast %add3A_228 : i32 to index
        %swap3A_244 = arith.constant 0 : index
        %swap3A_245 = tpu.vector_load %arg12[%swap3A_243, %swap3A_244] {strides = array<i32>} : memref<128x64xf32, #tpu.memory_space<vmem>>, vector<16xf32>,
        tpu.vector_store %arg12[%swap3A_243, %swap3A_244], %add3A_242 {strides = array<i32>} : memref<128x64xf32, #tpu.memory_space<vmem>>, vector<16xf32>,
        %mul3A_246 = arith.constant 64 : i32
        %mul3A_247 = arith.muli %arg0, %mul3A_246 : i32
        %add3A_248 = arith.constant 16 : i32
        %add3A_249 = arith.addi %mul3A_247, %add3A_248 : i32
        %get3A_250 = arith.index_cast %add3A_249 : i32 to index
        %get3A_251 = tpu.vector_load %arg17[%get3A_250] {strides = array<i32>} : memref<128xf32, #tpu.memory_space<vmem>>, vector<16xf32>,
        %get3A_252 = arith.index_cast %add3A_228 : i32 to index
        %get3A_253 = arith.constant 16 : index
        %get3A_254 = tpu.vector_load %arg12[%get3A_252, %get3A_253] {strides = array<i32>} : memref<128x64xf32, #tpu.memory_space<vmem>>, vector<16xf32>,
        %mul3A_255 = arith.mulf %broadcast_in_dim3A_231, %get3A_254 : vector<16xf32>
        %add3A_256 = arith.addf %mul3A_255, %get3A_251 : vector<16xf32>
        %swap3A_257 = arith.index_cast %add3A_228 : i32 to index
        %swap3A_258 = arith.constant 16 : index
        %swap3A_259 = tpu.vector_load %arg12[%swap3A_257, %swap3A_258] {strides = array<i32>} : memref<128x64xf32, #tpu.memory_space<vmem>>, vector<16xf32>,
        tpu.vector_store %arg12[%swap3A_257, %swap3A_258], %add3A_256 {strides = array<i32>} : memref<128x64xf32, #tpu.memory_space<vmem>>, vector<16xf32>,
        %mul3A_260 = arith.constant 64 : i32
        %mul3A_261 = arith.muli %arg0, %mul3A_260 : i32
        %add3A_262 = arith.constant 32 : i32
        %add3A_263 = arith.addi %mul3A_261, %add3A_262 : i32
        %get3A_264 = arith.index_cast %add3A_263 : i32 to index
        %get3A_265 = tpu.vector_load %arg17[%get3A_264] {strides = array<i32>} : memref<128xf32, #tpu.memory_space<vmem>>, vector<16xf32>,
        %get3A_266 = arith.index_cast %add3A_228 : i32 to index
        %get3A_267 = arith.constant 32 : index
        %get3A_268 = tpu.vector_load %arg12[%get3A_266, %get3A_267] {strides = array<i32>} : memref<128x64xf32, #tpu.memory_space<vmem>>, vector<16xf32>,
        %mul3A_269 = arith.mulf %broadcast_in_dim3A_231, %get3A_268 : vector<16xf32>
        %add3A_270 = arith.addf %mul3A_269, %get3A_265 : vector<16xf32>
        %swap3A_271 = arith.index_cast %add3A_228 : i32 to index
        %swap3A_272 = arith.constant 32 : index
        %swap3A_273 = tpu.vector_load %arg12[%swap3A_271, %swap3A_272] {strides = array<i32>} : memref<128x64xf32, #tpu.memory_space<vmem>>, vector<16xf32>,
        tpu.vector_store %arg12[%swap3A_271, %swap3A_272], %add3A_270 {strides = array<i32>} : memref<128x64xf32, #tpu.memory_space<vmem>>, vector<16xf32>,
        %mul3A_274 = arith.constant 64 : i32
        %mul3A_275 = arith.muli %arg0, %mul3A_274 : i32
        %add3A_276 = arith.constant 48 : i32
        %add3A_277 = arith.addi %mul3A_275, %add3A_276 : i32
        %get3A_278 = arith.index_cast %add3A_277 : i32 to index
        %get3A_279 = tpu.vector_load %arg17[%get3A_278] {strides = array<i32>} : memref<128xf32, #tpu.memory_space<vmem>>, vector<16xf32>,
        %get3A_280 = arith.index_cast %add3A_228 : i32 to index
        %get3A_281 = arith.constant 48 : index
        %get3A_282 = tpu.vector_load %arg12[%get3A_280, %get3A_281] {strides = array<i32>} : memref<128x64xf32, #tpu.memory_space<vmem>>, vector<16xf32>,
        %mul3A_283 = arith.mulf %broadcast_in_dim3A_231, %get3A_282 : vector<16xf32>
        %add3A_284 = arith.addf %mul3A_283, %get3A_279 : vector<16xf32>
        %swap3A_285 = arith.index_cast %add3A_228 : i32 to index
        %swap3A_286 = arith.constant 48 : index
        %swap3A_287 = tpu.vector_load %arg12[%swap3A_285, %swap3A_286] {strides = array<i32>} : memref<128x64xf32, #tpu.memory_space<vmem>>, vector<16xf32>,
        tpu.vector_store %arg12[%swap3A_285, %swap3A_286], %add3A_284 {strides = array<i32>} : memref<128x64xf32, #tpu.memory_space<vmem>>, vector<16xf32>,
        %mul3A_288 = arith.constant 16 : i32
        %mul3A_289 = arith.muli %scan3A_90, %mul3A_288 : i32
        %add3A_290 = arith.constant 3 : i32
        %add3A_291 = arith.addi %mul3A_289, %add3A_290 : i32
        %slice3A_292 = vector.extract_strided_slice %div3A_101 {offsets = [3], sizes = [1], strides = [1]} : vector<16xf32> to vector<1xf32>
        %squeeze3A_293 = vector.extract %slice3A_292[0] : f32 from vector<1xf32>
        %broadcast_in_dim3A_294 = vector.broadcast %squeeze3A_293 : f32 to vector<16xf32>
        %mul3A_295 = arith.constant 64 : i32
        %mul3A_296 = arith.muli %arg0, %mul3A_295 : i32
        %add3A_297 = arith.constant 0 : i32
        %add3A_298 = arith.addi %mul3A_296, %add3A_297 : i32
        %get3A_299 = arith.index_cast %add3A_298 : i32 to index
        %get3A_300 = tpu.vector_load %arg17[%get3A_299] {strides = array<i32>} : memref<128xf32, #tpu.memory_space<vmem>>, vector<16xf32>,
        %get3A_301 = arith.index_cast %add3A_291 : i32 to index
        %get3A_302 = arith.constant 0 : index
        %get3A_303 = tpu.vector_load %arg12[%get3A_301, %get3A_302] {strides = array<i32>} : memref<128x64xf32, #tpu.memory_space<vmem>>, vector<16xf32>,
        %mul3A_304 = arith.mulf %broadcast_in_dim3A_294, %get3A_303 : vector<16xf32>
        %add3A_305 = arith.addf %mul3A_304, %get3A_300 : vector<16xf32>
        %swap3A_306 = arith.index_cast %add3A_291 : i32 to index
        %swap3A_307 = arith.constant 0 : index
        %swap3A_308 = tpu.vector_load %arg12[%swap3A_306, %swap3A_307] {strides = array<i32>} : memref<128x64xf32, #tpu.memory_space<vmem>>, vector<16xf32>,
        tpu.vector_store %arg12[%swap3A_306, %swap3A_307], %add3A_305 {strides = array<i32>} : memref<128x64xf32, #tpu.memory_space<vmem>>, vector<16xf32>,
        %mul3A_309 = arith.constant 64 : i32
        %mul3A_310 = arith.muli %arg0, %mul3A_309 : i32
        %add3A_311 = arith.constant 16 : i32
        %add3A_312 = arith.addi %mul3A_310, %add3A_311 : i32
        %get3A_313 = arith.index_cast %add3A_312 : i32 to index
        %get3A_314 = tpu.vector_load %arg17[%get3A_313] {strides = array<i32>} : memref<128xf32, #tpu.memory_space<vmem>>, vector<16xf32>,
        %get3A_315 = arith.index_cast %add3A_291 : i32 to index
        %get3A_316 = arith.constant 16 : index
        %get3A_317 = tpu.vector_load %arg12[%get3A_315, %get3A_316] {strides = array<i32>} : memref<128x64xf32, #tpu.memory_space<vmem>>, vector<16xf32>,
        %mul3A_318 = arith.mulf %broadcast_in_dim3A_294, %get3A_317 : vector<16xf32>
        %add3A_319 = arith.addf %mul3A_318, %get3A_314 : vector<16xf32>
        %swap3A_320 = arith.index_cast %add3A_291 : i32 to index
        %swap3A_321 = arith.constant 16 : index
        %swap3A_322 = tpu.vector_load %arg12[%swap3A_320, %swap3A_321] {strides = array<i32>} : memref<128x64xf32, #tpu.memory_space<vmem>>, vector<16xf32>,
        tpu.vector_store %arg12[%swap3A_320, %swap3A_321], %add3A_319 {strides = array<i32>} : memref<128x64xf32, #tpu.memory_space<vmem>>, vector<16xf32>,
        %mul3A_323 = arith.constant 64 : i32
        %mul3A_324 = arith.muli %arg0, %mul3A_323 : i32
        %add3A_325 = arith.constant 32 : i32
        %add3A_326 = arith.addi %mul3A_324, %add3A_325 : i32
        %get3A_327 = arith.index_cast %add3A_326 : i32 to index
        %get3A_328 = tpu.vector_load %arg17[%get3A_327] {strides = array<i32>} : memref<128xf32, #tpu.memory_space<vmem>>, vector<16xf32>,
        %get3A_329 = arith.index_cast %add3A_291 : i32 to index
        %get3A_330 = arith.constant 32 : index
        %get3A_331 = tpu.vector_load %arg12[%get3A_329, %get3A_330] {strides = array<i32>} : memref<128x64xf32, #tpu.memory_space<vmem>>, vector<16xf32>,
        %mul3A_332 = arith.mulf %broadcast_in_dim3A_294, %get3A_331 : vector<16xf32>
        %add3A_333 = arith.addf %mul3A_332, %get3A_328 : vector<16xf32>
        %swap3A_334 = arith.index_cast %add3A_291 : i32 to index
        %swap3A_335 = arith.constant 32 : index
        %swap3A_336 = tpu.vector_load %arg12[%swap3A_334, %swap3A_335] {strides = array<i32>} : memref<128x64xf32, #tpu.memory_space<vmem>>, vector<16xf32>,
        tpu.vector_store %arg12[%swap3A_334, %swap3A_335], %add3A_333 {strides = array<i32>} : memref<128x64xf32, #tpu.memory_space<vmem>>, vector<16xf32>,
        %mul3A_337 = arith.constant 64 : i32
        %mul3A_338 = arith.muli %arg0, %mul3A_337 : i32
        %add3A_339 = arith.constant 48 : i32
        %add3A_340 = arith.addi %mul3A_338, %add3A_339 : i32
        %get3A_341 = arith.index_cast %add3A_340 : i32 to index
        %get3A_342 = tpu.vector_load %arg17[%get3A_341] {strides = array<i32>} : memref<128xf32, #tpu.memory_space<vmem>>, vector<16xf32>,
        %get3A_343 = arith.index_cast %add3A_291 : i32 to index
        %get3A_344 = arith.constant 48 : index
        %get3A_345 = tpu.vector_load %arg12[%get3A_343, %get3A_344] {strides = array<i32>} : memref<128x64xf32, #tpu.memory_space<vmem>>, vector<16xf32>,
        %mul3A_346 = arith.mulf %broadcast_in_dim3A_294, %get3A_345 : vector<16xf32>
        %add3A_347 = arith.addf %mul3A_346, %get3A_342 : vector<16xf32>
        %swap3A_348 = arith.index_cast %add3A_291 : i32 to index
        %swap3A_349 = arith.constant 48 : index
        %swap3A_350 = tpu.vector_load %arg12[%swap3A_348, %swap3A_349] {strides = array<i32>} : memref<128x64xf32, #tpu.memory_space<vmem>>, vector<16xf32>,
        tpu.vector_store %arg12[%swap3A_348, %swap3A_349], %add3A_347 {strides = array<i32>} : memref<128x64xf32, #tpu.memory_space<vmem>>, vector<16xf32>,
        %mul3A_351 = arith.constant 16 : i32
        %mul3A_352 = arith.muli %scan3A_90, %mul3A_351 : i32
        %add3A_353 = arith.constant 4 : i32
        %add3A_354 = arith.addi %mul3A_352, %add3A_353 : i32
        %slice3A_355 = vector.extract_strided_slice %div3A_101 {offsets = [4], sizes = [1], strides = [1]} : vector<16xf32> to vector<1xf32>
        %squeeze3A_356 = vector.extract %slice3A_355[0] : f32 from vector<1xf32>
        %broadcast_in_dim3A_357 = vector.broadcast %squeeze3A_356 : f32 to vector<16xf32>
        %mul3A_358 = arith.constant 64 : i32
        %mul3A_359 = arith.muli %arg0, %mul3A_358 : i32
        %add3A_360 = arith.constant 0 : i32
        %add3A_361 = arith.addi %mul3A_359, %add3A_360 : i32
        %get3A_362 = arith.index_cast %add3A_361 : i32 to index
        %get3A_363 = tpu.vector_load %arg17[%get3A_362] {strides = array<i32>} : memref<128xf32, #tpu.memory_space<vmem>>, vector<16xf32>,
        %get3A_364 = arith.index_cast %add3A_354 : i32 to index
        %get3A_365 = arith.constant 0 : index
        %get3A_366 = tpu.vector_load %arg12[%get3A_364, %get3A_365] {strides = array<i32>} : memref<128x64xf32, #tpu.memory_space<vmem>>, vector<16xf32>,
        %mul3A_367 = arith.mulf %broadcast_in_dim3A_357, %get3A_366 : vector<16xf32>
        %add3A_368 = arith.addf %mul3A_367, %get3A_363 : vector<16xf32>
        %swap3A_369 = arith.index_cast %add3A_354 : i32 to index
        %swap3A_370 = arith.constant 0 : index
        %swap3A_371 = tpu.vector_load %arg12[%swap3A_369, %swap3A_370] {strides = array<i32>} : memref<128x64xf32, #tpu.memory_space<vmem>>, vector<16xf32>,
        tpu.vector_store %arg12[%swap3A_369, %swap3A_370], %add3A_368 {strides = array<i32>} : memref<128x64xf32, #tpu.memory_space<vmem>>, vector<16xf32>,
        %mul3A_372 = arith.constant 64 : i32
        %mul3A_373 = arith.muli %arg0, %mul3A_372 : i32
        %add3A_374 = arith.constant 16 : i32
        %add3A_375 = arith.addi %mul3A_373, %add3A_374 : i32
        %get3A_376 = arith.index_cast %add3A_375 : i32 to index
        %get3A_377 = tpu.vector_load %arg17[%get3A_376] {strides = array<i32>} : memref<128xf32, #tpu.memory_space<vmem>>, vector<16xf32>,
        %get3A_378 = arith.index_cast %add3A_354 : i32 to index
        %get3A_379 = arith.constant 16 : index
        %get3A_380 = tpu.vector_load %arg12[%get3A_378, %get3A_379] {strides = array<i32>} : memref<128x64xf32, #tpu.memory_space<vmem>>, vector<16xf32>,
        %mul3A_381 = arith.mulf %broadcast_in_dim3A_357, %get3A_380 : vector<16xf32>
        %add3A_382 = arith.addf %mul3A_381, %get3A_377 : vector<16xf32>
        %swap3A_383 = arith.index_cast %add3A_354 : i32 to index
        %swap3A_384 = arith.constant 16 : index
        %swap3A_385 = tpu.vector_load %arg12[%swap3A_383, %swap3A_384] {strides = array<i32>} : memref<128x64xf32, #tpu.memory_space<vmem>>, vector<16xf32>,
        tpu.vector_store %arg12[%swap3A_383, %swap3A_384], %add3A_382 {strides = array<i32>} : memref<128x64xf32, #tpu.memory_space<vmem>>, vector<16xf32>,
        %mul3A_386 = arith.constant 64 : i32
        %mul3A_387 = arith.muli %arg0, %mul3A_386 : i32
        %add3A_388 = arith.constant 32 : i32
        %add3A_389 = arith.addi %mul3A_387, %add3A_388 : i32
        %get3A_390 = arith.index_cast %add3A_389 : i32 to index
        %get3A_391 = tpu.vector_load %arg17[%get3A_390] {strides = array<i32>} : memref<128xf32, #tpu.memory_space<vmem>>, vector<16xf32>,
        %get3A_392 = arith.index_cast %add3A_354 : i32 to index
        %get3A_393 = arith.constant 32 : index
        %get3A_394 = tpu.vector_load %arg12[%get3A_392, %get3A_393] {strides = array<i32>} : memref<128x64xf32, #tpu.memory_space<vmem>>, vector<16xf32>,
        %mul3A_395 = arith.mulf %broadcast_in_dim3A_357, %get3A_394 : vector<16xf32>
        %add3A_396 = arith.addf %mul3A_395, %get3A_391 : vector<16xf32>
        %swap3A_397 = arith.index_cast %add3A_354 : i32 to index
        %swap3A_398 = arith.constant 32 : index
        %swap3A_399 = tpu.vector_load %arg12[%swap3A_397, %swap3A_398] {strides = array<i32>} : memref<128x64xf32, #tpu.memory_space<vmem>>, vector<16xf32>,
        tpu.vector_store %arg12[%swap3A_397, %swap3A_398], %add3A_396 {strides = array<i32>} : memref<128x64xf32, #tpu.memory_space<vmem>>, vector<16xf32>,
        %mul3A_400 = arith.constant 64 : i32
        %mul3A_401 = arith.muli %arg0, %mul3A_400 : i32
        %add3A_402 = arith.constant 48 : i32
        %add3A_403 = arith.addi %mul3A_401, %add3A_402 : i32
        %get3A_404 = arith.index_cast %add3A_403 : i32 to index
        %get3A_405 = tpu.vector_load %arg17[%get3A_404] {strides = array<i32>} : memref<128xf32, #tpu.memory_space<vmem>>, vector<16xf32>,
        %get3A_406 = arith.index_cast %add3A_354 : i32 to index
        %get3A_407 = arith.constant 48 : index
        %get3A_408 = tpu.vector_load %arg12[%get3A_406, %get3A_407] {strides = array<i32>} : memref<128x64xf32, #tpu.memory_space<vmem>>, vector<16xf32>,
        %mul3A_409 = arith.mulf %broadcast_in_dim3A_357, %get3A_408 : vector<16xf32>
        %add3A_410 = arith.addf %mul3A_409, %get3A_405 : vector<16xf32>
        %swap3A_411 = arith.index_cast %add3A_354 : i32 to index
        %swap3A_412 = arith.constant 48 : index
        %swap3A_413 = tpu.vector_load %arg12[%swap3A_411, %swap3A_412] {strides = array<i32>} : memref<128x64xf32, #tpu.memory_space<vmem>>, vector<16xf32>,
        tpu.vector_store %arg12[%swap3A_411, %swap3A_412], %add3A_410 {strides = array<i32>} : memref<128x64xf32, #tpu.memory_space<vmem>>, vector<16xf32>,
        %mul3A_414 = arith.constant 16 : i32
        %mul3A_415 = arith.muli %scan3A_90, %mul3A_414 : i32
        %add3A_416 = arith.constant 5 : i32
        %add3A_417 = arith.addi %mul3A_415, %add3A_416 : i32
        %slice3A_418 = vector.extract_strided_slice %div3A_101 {offsets = [5], sizes = [1], strides = [1]} : vector<16xf32> to vector<1xf32>
        %squeeze3A_419 = vector.extract %slice3A_418[0] : f32 from vector<1xf32>
        %broadcast_in_dim3A_420 = vector.broadcast %squeeze3A_419 : f32 to vector<16xf32>
        %mul3A_421 = arith.constant 64 : i32
        %mul3A_422 = arith.muli %arg0, %mul3A_421 : i32
        %add3A_423 = arith.constant 0 : i32
        %add3A_424 = arith.addi %mul3A_422, %add3A_423 : i32
        %get3A_425 = arith.index_cast %add3A_424 : i32 to index
        %get3A_426 = tpu.vector_load %arg17[%get3A_425] {strides = array<i32>} : memref<128xf32, #tpu.memory_space<vmem>>, vector<16xf32>,
        %get3A_427 = arith.index_cast %add3A_417 : i32 to index
        %get3A_428 = arith.constant 0 : index
        %get3A_429 = tpu.vector_load %arg12[%get3A_427, %get3A_428] {strides = array<i32>} : memref<128x64xf32, #tpu.memory_space<vmem>>, vector<16xf32>,
        %mul3A_430 = arith.mulf %broadcast_in_dim3A_420, %get3A_429 : vector<16xf32>
        %add3A_431 = arith.addf %mul3A_430, %get3A_426 : vector<16xf32>
        %swap3A_432 = arith.index_cast %add3A_417 : i32 to index
        %swap3A_433 = arith.constant 0 : index
        %swap3A_434 = tpu.vector_load %arg12[%swap3A_432, %swap3A_433] {strides = array<i32>} : memref<128x64xf32, #tpu.memory_space<vmem>>, vector<16xf32>,
        tpu.vector_store %arg12[%swap3A_432, %swap3A_433], %add3A_431 {strides = array<i32>} : memref<128x64xf32, #tpu.memory_space<vmem>>, vector<16xf32>,
        %mul3A_435 = arith.constant 64 : i32
        %mul3A_436 = arith.muli %arg0, %mul3A_435 : i32
        %add3A_437 = arith.constant 16 : i32
        %add3A_438 = arith.addi %mul3A_436, %add3A_437 : i32
        %get3A_439 = arith.index_cast %add3A_438 : i32 to index
        %get3A_440 = tpu.vector_load %arg17[%get3A_439] {strides = array<i32>} : memref<128xf32, #tpu.memory_space<vmem>>, vector<16xf32>,
        %get3A_441 = arith.index_cast %add3A_417 : i32 to index
        %get3A_442 = arith.constant 16 : index
        %get3A_443 = tpu.vector_load %arg12[%get3A_441, %get3A_442] {strides = array<i32>} : memref<128x64xf32, #tpu.memory_space<vmem>>, vector<16xf32>,
        %mul3A_444 = arith.mulf %broadcast_in_dim3A_420, %get3A_443 : vector<16xf32>
        %add3A_445 = arith.addf %mul3A_444, %get3A_440 : vector<16xf32>
        %swap3A_446 = arith.index_cast %add3A_417 : i32 to index
        %swap3A_447 = arith.constant 16 : index
        %swap3A_448 = tpu.vector_load %arg12[%swap3A_446, %swap3A_447] {strides = array<i32>} : memref<128x64xf32, #tpu.memory_space<vmem>>, vector<16xf32>,
        tpu.vector_store %arg12[%swap3A_446, %swap3A_447], %add3A_445 {strides = array<i32>} : memref<128x64xf32, #tpu.memory_space<vmem>>, vector<16xf32>,
        %mul3A_449 = arith.constant 64 : i32
        %mul3A_450 = arith.muli %arg0, %mul3A_449 : i32
        %add3A_451 = arith.constant 32 : i32
        %add3A_452 = arith.addi %mul3A_450, %add3A_451 : i32
        %get3A_453 = arith.index_cast %add3A_452 : i32 to index
        %get3A_454 = tpu.vector_load %arg17[%get3A_453] {strides = array<i32>} : memref<128xf32, #tpu.memory_space<vmem>>, vector<16xf32>,
        %get3A_455 = arith.index_cast %add3A_417 : i32 to index
        %get3A_456 = arith.constant 32 : index
        %get3A_457 = tpu.vector_load %arg12[%get3A_455, %get3A_456] {strides = array<i32>} : memref<128x64xf32, #tpu.memory_space<vmem>>, vector<16xf32>,
        %mul3A_458 = arith.mulf %broadcast_in_dim3A_420, %get3A_457 : vector<16xf32>
        %add3A_459 = arith.addf %mul3A_458, %get3A_454 : vector<16xf32>
        %swap3A_460 = arith.index_cast %add3A_417 : i32 to index
        %swap3A_461 = arith.constant 32 : index
        %swap3A_462 = tpu.vector_load %arg12[%swap3A_460, %swap3A_461] {strides = array<i32>} : memref<128x64xf32, #tpu.memory_space<vmem>>, vector<16xf32>,
        tpu.vector_store %arg12[%swap3A_460, %swap3A_461], %add3A_459 {strides = array<i32>} : memref<128x64xf32, #tpu.memory_space<vmem>>, vector<16xf32>,
        %mul3A_463 = arith.constant 64 : i32
        %mul3A_464 = arith.muli %arg0, %mul3A_463 : i32
        %add3A_465 = arith.constant 48 : i32
        %add3A_466 = arith.addi %mul3A_464, %add3A_465 : i32
        %get3A_467 = arith.index_cast %add3A_466 : i32 to index
        %get3A_468 = tpu.vector_load %arg17[%get3A_467] {strides = array<i32>} : memref<128xf32, #tpu.memory_space<vmem>>, vector<16xf32>,
        %get3A_469 = arith.index_cast %add3A_417 : i32 to index
        %get3A_470 = arith.constant 48 : index
        %get3A_471 = tpu.vector_load %arg12[%get3A_469, %get3A_470] {strides = array<i32>} : memref<128x64xf32, #tpu.memory_space<vmem>>, vector<16xf32>,
        %mul3A_472 = arith.mulf %broadcast_in_dim3A_420, %get3A_471 : vector<16xf32>
        %add3A_473 = arith.addf %mul3A_472, %get3A_468 : vector<16xf32>
        %swap3A_474 = arith.index_cast %add3A_417 : i32 to index
        %swap3A_475 = arith.constant 48 : index
        %swap3A_476 = tpu.vector_load %arg12[%swap3A_474, %swap3A_475] {strides = array<i32>} : memref<128x64xf32, #tpu.memory_space<vmem>>, vector<16xf32>,
        tpu.vector_store %arg12[%swap3A_474, %swap3A_475], %add3A_473 {strides = array<i32>} : memref<128x64xf32, #tpu.memory_space<vmem>>, vector<16xf32>,
        %mul3A_477 = arith.constant 16 : i32
        %mul3A_478 = arith.muli %scan3A_90, %mul3A_477 : i32
        %add3A_479 = arith.constant 6 : i32
        %add3A_480 = arith.addi %mul3A_478, %add3A_479 : i32
        %slice3A_481 = vector.extract_strided_slice %div3A_101 {offsets = [6], sizes = [1], strides = [1]} : vector<16xf32> to vector<1xf32>
        %squeeze3A_482 = vector.extract %slice3A_481[0] : f32 from vector<1xf32>
        %broadcast_in_dim3A_483 = vector.broadcast %squeeze3A_482 : f32 to vector<16xf32>
        %mul3A_484 = arith.constant 64 : i32
        %mul3A_485 = arith.muli %arg0, %mul3A_484 : i32
        %add3A_486 = arith.constant 0 : i32
        %add3A_487 = arith.addi %mul3A_485, %add3A_486 : i32
        %get3A_488 = arith.index_cast %add3A_487 : i32 to index
        %get3A_489 = tpu.vector_load %arg17[%get3A_488] {strides = array<i32>} : memref<128xf32, #tpu.memory_space<vmem>>, vector<16xf32>,
        %get3A_490 = arith.index_cast %add3A_480 : i32 to index
        %get3A_491 = arith.constant 0 : index
        %get3A_492 = tpu.vector_load %arg12[%get3A_490, %get3A_491] {strides = array<i32>} : memref<128x64xf32, #tpu.memory_space<vmem>>, vector<16xf32>,
        %mul3A_493 = arith.mulf %broadcast_in_dim3A_483, %get3A_492 : vector<16xf32>
        %add3A_494 = arith.addf %mul3A_493, %get3A_489 : vector<16xf32>
        %swap3A_495 = arith.index_cast %add3A_480 : i32 to index
        %swap3A_496 = arith.constant 0 : index
        %swap3A_497 = tpu.vector_load %arg12[%swap3A_495, %swap3A_496] {strides = array<i32>} : memref<128x64xf32, #tpu.memory_space<vmem>>, vector<16xf32>,
        tpu.vector_store %arg12[%swap3A_495, %swap3A_496], %add3A_494 {strides = array<i32>} : memref<128x64xf32, #tpu.memory_space<vmem>>, vector<16xf32>,
        %mul3A_498 = arith.constant 64 : i32
        %mul3A_499 = arith.muli %arg0, %mul3A_498 : i32
        %add3A_500 = arith.constant 16 : i32
        %add3A_501 = arith.addi %mul3A_499, %add3A_500 : i32
        %get3A_502 = arith.index_cast %add3A_501 : i32 to index
        %get3A_503 = tpu.vector_load %arg17[%get3A_502] {strides = array<i32>} : memref<128xf32, #tpu.memory_space<vmem>>, vector<16xf32>,
        %get3A_504 = arith.index_cast %add3A_480 : i32 to index
        %get3A_505 = arith.constant 16 : index
        %get3A_506 = tpu.vector_load %arg12[%get3A_504, %get3A_505] {strides = array<i32>} : memref<128x64xf32, #tpu.memory_space<vmem>>, vector<16xf32>,
        %mul3A_507 = arith.mulf %broadcast_in_dim3A_483, %get3A_506 : vector<16xf32>
        %add3A_508 = arith.addf %mul3A_507, %get3A_503 : vector<16xf32>
        %swap3A_509 = arith.index_cast %add3A_480 : i32 to index
        %swap3A_510 = arith.constant 16 : index
        %swap3A_511 = tpu.vector_load %arg12[%swap3A_509, %swap3A_510] {strides = array<i32>} : memref<128x64xf32, #tpu.memory_space<vmem>>, vector<16xf32>,
        tpu.vector_store %arg12[%swap3A_509, %swap3A_510], %add3A_508 {strides = array<i32>} : memref<128x64xf32, #tpu.memory_space<vmem>>, vector<16xf32>,
        %mul3A_512 = arith.constant 64 : i32
        %mul3A_513 = arith.muli %arg0, %mul3A_512 : i32
        %add3A_514 = arith.constant 32 : i32
        %add3A_515 = arith.addi %mul3A_513, %add3A_514 : i32
        %get3A_516 = arith.index_cast %add3A_515 : i32 to index
        %get3A_517 = tpu.vector_load %arg17[%get3A_516] {strides = array<i32>} : memref<128xf32, #tpu.memory_space<vmem>>, vector<16xf32>,
        %get3A_518 = arith.index_cast %add3A_480 : i32 to index
        %get3A_519 = arith.constant 32 : index
        %get3A_520 = tpu.vector_load %arg12[%get3A_518, %get3A_519] {strides = array<i32>} : memref<128x64xf32, #tpu.memory_space<vmem>>, vector<16xf32>,
        %mul3A_521 = arith.mulf %broadcast_in_dim3A_483, %get3A_520 : vector<16xf32>
        %add3A_522 = arith.addf %mul3A_521, %get3A_517 : vector<16xf32>
        %swap3A_523 = arith.index_cast %add3A_480 : i32 to index
        %swap3A_524 = arith.constant 32 : index
        %swap3A_525 = tpu.vector_load %arg12[%swap3A_523, %swap3A_524] {strides = array<i32>} : memref<128x64xf32, #tpu.memory_space<vmem>>, vector<16xf32>,
        tpu.vector_store %arg12[%swap3A_523, %swap3A_524], %add3A_522 {strides = array<i32>} : memref<128x64xf32, #tpu.memory_space<vmem>>, vector<16xf32>,
        %mul3A_526 = arith.constant 64 : i32
        %mul3A_527 = arith.muli %arg0, %mul3A_526 : i32
        %add3A_528 = arith.constant 48 : i32
        %add3A_529 = arith.addi %mul3A_527, %add3A_528 : i32
        %get3A_530 = arith.index_cast %add3A_529 : i32 to index
        %get3A_531 = tpu.vector_load %arg17[%get3A_530] {strides = array<i32>} : memref<128xf32, #tpu.memory_space<vmem>>, vector<16xf32>,
        %get3A_532 = arith.index_cast %add3A_480 : i32 to index
        %get3A_533 = arith.constant 48 : index
        %get3A_534 = tpu.vector_load %arg12[%get3A_532, %get3A_533] {strides = array<i32>} : memref<128x64xf32, #tpu.memory_space<vmem>>, vector<16xf32>,
        %mul3A_535 = arith.mulf %broadcast_in_dim3A_483, %get3A_534 : vector<16xf32>
        %add3A_536 = arith.addf %mul3A_535, %get3A_531 : vector<16xf32>
        %swap3A_537 = arith.index_cast %add3A_480 : i32 to index
        %swap3A_538 = arith.constant 48 : index
        %swap3A_539 = tpu.vector_load %arg12[%swap3A_537, %swap3A_538] {strides = array<i32>} : memref<128x64xf32, #tpu.memory_space<vmem>>, vector<16xf32>,
        tpu.vector_store %arg12[%swap3A_537, %swap3A_538], %add3A_536 {strides = array<i32>} : memref<128x64xf32, #tpu.memory_space<vmem>>, vector<16xf32>,
        %mul3A_540 = arith.constant 16 : i32
        %mul3A_541 = arith.muli %scan3A_90, %mul3A_540 : i32
        %add3A_542 = arith.constant 7 : i32
        %add3A_543 = arith.addi %mul3A_541, %add3A_542 : i32
        %slice3A_544 = vector.extract_strided_slice %div3A_101 {offsets = [7], sizes = [1], strides = [1]} : vector<16xf32> to vector<1xf32>
        %squeeze3A_545 = vector.extract %slice3A_544[0] : f32 from vector<1xf32>
        %broadcast_in_dim3A_546 = vector.broadcast %squeeze3A_545 : f32 to vector<16xf32>
        %mul3A_547 = arith.constant 64 : i32
        %mul3A_548 = arith.muli %arg0, %mul3A_547 : i32
        %add3A_549 = arith.constant 0 : i32
        %add3A_550 = arith.addi %mul3A_548, %add3A_549 : i32
        %get3A_551 = arith.index_cast %add3A_550 : i32 to index
        %get3A_552 = tpu.vector_load %arg17[%get3A_551] {strides = array<i32>} : memref<128xf32, #tpu.memory_space<vmem>>, vector<16xf32>,
        %get3A_553 = arith.index_cast %add3A_543 : i32 to index
        %get3A_554 = arith.constant 0 : index
        %get3A_555 = tpu.vector_load %arg12[%get3A_553, %get3A_554] {strides = array<i32>} : memref<128x64xf32, #tpu.memory_space<vmem>>, vector<16xf32>,
        %mul3A_556 = arith.mulf %broadcast_in_dim3A_546, %get3A_555 : vector<16xf32>
        %add3A_557 = arith.addf %mul3A_556, %get3A_552 : vector<16xf32>
        %swap3A_558 = arith.index_cast %add3A_543 : i32 to index
        %swap3A_559 = arith.constant 0 : index
        %swap3A_560 = tpu.vector_load %arg12[%swap3A_558, %swap3A_559] {strides = array<i32>} : memref<128x64xf32, #tpu.memory_space<vmem>>, vector<16xf32>,
        tpu.vector_store %arg12[%swap3A_558, %swap3A_559], %add3A_557 {strides = array<i32>} : memref<128x64xf32, #tpu.memory_space<vmem>>, vector<16xf32>,
        %mul3A_561 = arith.constant 64 : i32
        %mul3A_562 = arith.muli %arg0, %mul3A_561 : i32
        %add3A_563 = arith.constant 16 : i32
        %add3A_564 = arith.addi %mul3A_562, %add3A_563 : i32
        %get3A_565 = arith.index_cast %add3A_564 : i32 to index
        %get3A_566 = tpu.vector_load %arg17[%get3A_565] {strides = array<i32>} : memref<128xf32, #tpu.memory_space<vmem>>, vector<16xf32>,
        %get3A_567 = arith.index_cast %add3A_543 : i32 to index
        %get3A_568 = arith.constant 16 : index
        %get3A_569 = tpu.vector_load %arg12[%get3A_567, %get3A_568] {strides = array<i32>} : memref<128x64xf32, #tpu.memory_space<vmem>>, vector<16xf32>,
        %mul3A_570 = arith.mulf %broadcast_in_dim3A_546, %get3A_569 : vector<16xf32>
        %add3A_571 = arith.addf %mul3A_570, %get3A_566 : vector<16xf32>
        %swap3A_572 = arith.index_cast %add3A_543 : i32 to index
        %swap3A_573 = arith.constant 16 : index
        %swap3A_574 = tpu.vector_load %arg12[%swap3A_572, %swap3A_573] {strides = array<i32>} : memref<128x64xf32, #tpu.memory_space<vmem>>, vector<16xf32>,
        tpu.vector_store %arg12[%swap3A_572, %swap3A_573], %add3A_571 {strides = array<i32>} : memref<128x64xf32, #tpu.memory_space<vmem>>, vector<16xf32>,
        %mul3A_575 = arith.constant 64 : i32
        %mul3A_576 = arith.muli %arg0, %mul3A_575 : i32
        %add3A_577 = arith.constant 32 : i32
        %add3A_578 = arith.addi %mul3A_576, %add3A_577 : i32
        %get3A_579 = arith.index_cast %add3A_578 : i32 to index
        %get3A_580 = tpu.vector_load %arg17[%get3A_579] {strides = array<i32>} : memref<128xf32, #tpu.memory_space<vmem>>, vector<16xf32>,
        %get3A_581 = arith.index_cast %add3A_543 : i32 to index
        %get3A_582 = arith.constant 32 : index
        %get3A_583 = tpu.vector_load %arg12[%get3A_581, %get3A_582] {strides = array<i32>} : memref<128x64xf32, #tpu.memory_space<vmem>>, vector<16xf32>,
        %mul3A_584 = arith.mulf %broadcast_in_dim3A_546, %get3A_583 : vector<16xf32>
        %add3A_585 = arith.addf %mul3A_584, %get3A_580 : vector<16xf32>
        %swap3A_586 = arith.index_cast %add3A_543 : i32 to index
        %swap3A_587 = arith.constant 32 : index
        %swap3A_588 = tpu.vector_load %arg12[%swap3A_586, %swap3A_587] {strides = array<i32>} : memref<128x64xf32, #tpu.memory_space<vmem>>, vector<16xf32>,
        tpu.vector_store %arg12[%swap3A_586, %swap3A_587], %add3A_585 {strides = array<i32>} : memref<128x64xf32, #tpu.memory_space<vmem>>, vector<16xf32>,
        %mul3A_589 = arith.constant 64 : i32
        %mul3A_590 = arith.muli %arg0, %mul3A_589 : i32
        %add3A_591 = arith.constant 48 : i32
        %add3A_592 = arith.addi %mul3A_590, %add3A_591 : i32
        %get3A_593 = arith.index_cast %add3A_592 : i32 to index
        %get3A_594 = tpu.vector_load %arg17[%get3A_593] {strides = array<i32>} : memref<128xf32, #tpu.memory_space<vmem>>, vector<16xf32>,
        %get3A_595 = arith.index_cast %add3A_543 : i32 to index
        %get3A_596 = arith.constant 48 : index
        %get3A_597 = tpu.vector_load %arg12[%get3A_595, %get3A_596] {strides = array<i32>} : memref<128x64xf32, #tpu.memory_space<vmem>>, vector<16xf32>,
        %mul3A_598 = arith.mulf %broadcast_in_dim3A_546, %get3A_597 : vector<16xf32>
        %add3A_599 = arith.addf %mul3A_598, %get3A_594 : vector<16xf32>
        %swap3A_600 = arith.index_cast %add3A_543 : i32 to index
        %swap3A_601 = arith.constant 48 : index
        %swap3A_602 = tpu.vector_load %arg12[%swap3A_600, %swap3A_601] {strides = array<i32>} : memref<128x64xf32, #tpu.memory_space<vmem>>, vector<16xf32>,
        tpu.vector_store %arg12[%swap3A_600, %swap3A_601], %add3A_599 {strides = array<i32>} : memref<128x64xf32, #tpu.memory_space<vmem>>, vector<16xf32>,
        %mul3A_603 = arith.constant 16 : i32
        %mul3A_604 = arith.muli %scan3A_90, %mul3A_603 : i32
        %add3A_605 = arith.constant 8 : i32
        %add3A_606 = arith.addi %mul3A_604, %add3A_605 : i32
        %slice3A_607 = vector.extract_strided_slice %div3A_101 {offsets = [8], sizes = [1], strides = [1]} : vector<16xf32> to vector<1xf32>
        %squeeze3A_608 = vector.extract %slice3A_607[0] : f32 from vector<1xf32>
        %broadcast_in_dim3A_609 = vector.broadcast %squeeze3A_608 : f32 to vector<16xf32>
        %mul3A_610 = arith.constant 64 : i32
        %mul3A_611 = arith.muli %arg0, %mul3A_610 : i32
        %add3A_612 = arith.constant 0 : i32
        %add3A_613 = arith.addi %mul3A_611, %add3A_612 : i32
        %get3A_614 = arith.index_cast %add3A_613 : i32 to index
        %get3A_615 = tpu.vector_load %arg17[%get3A_614] {strides = array<i32>} : memref<128xf32, #tpu.memory_space<vmem>>, vector<16xf32>,
        %get3A_616 = arith.index_cast %add3A_606 : i32 to index
        %get3A_617 = arith.constant 0 : index
        %get3A_618 = tpu.vector_load %arg12[%get3A_616, %get3A_617] {strides = array<i32>} : memref<128x64xf32, #tpu.memory_space<vmem>>, vector<16xf32>,
        %mul3A_619 = arith.mulf %broadcast_in_dim3A_609, %get3A_618 : vector<16xf32>
        %add3A_620 = arith.addf %mul3A_619, %get3A_615 : vector<16xf32>
        %swap3A_621 = arith.index_cast %add3A_606 : i32 to index
        %swap3A_622 = arith.constant 0 : index
        %swap3A_623 = tpu.vector_load %arg12[%swap3A_621, %swap3A_622] {strides = array<i32>} : memref<128x64xf32, #tpu.memory_space<vmem>>, vector<16xf32>,
        tpu.vector_store %arg12[%swap3A_621, %swap3A_622], %add3A_620 {strides = array<i32>} : memref<128x64xf32, #tpu.memory_space<vmem>>, vector<16xf32>,
        %mul3A_624 = arith.constant 64 : i32
        %mul3A_625 = arith.muli %arg0, %mul3A_624 : i32
        %add3A_626 = arith.constant 16 : i32
        %add3A_627 = arith.addi %mul3A_625, %add3A_626 : i32
        %get3A_628 = arith.index_cast %add3A_627 : i32 to index
        %get3A_629 = tpu.vector_load %arg17[%get3A_628] {strides = array<i32>} : memref<128xf32, #tpu.memory_space<vmem>>, vector<16xf32>,
        %get3A_630 = arith.index_cast %add3A_606 : i32 to index
        %get3A_631 = arith.constant 16 : index
        %get3A_632 = tpu.vector_load %arg12[%get3A_630, %get3A_631] {strides = array<i32>} : memref<128x64xf32, #tpu.memory_space<vmem>>, vector<16xf32>,
        %mul3A_633 = arith.mulf %broadcast_in_dim3A_609, %get3A_632 : vector<16xf32>
        %add3A_634 = arith.addf %mul3A_633, %get3A_629 : vector<16xf32>
        %swap3A_635 = arith.index_cast %add3A_606 : i32 to index
        %swap3A_636 = arith.constant 16 : index
        %swap3A_637 = tpu.vector_load %arg12[%swap3A_635, %swap3A_636] {strides = array<i32>} : memref<128x64xf32, #tpu.memory_space<vmem>>, vector<16xf32>,
        tpu.vector_store %arg12[%swap3A_635, %swap3A_636], %add3A_634 {strides = array<i32>} : memref<128x64xf32, #tpu.memory_space<vmem>>, vector<16xf32>,
        %mul3A_638 = arith.constant 64 : i32
        %mul3A_639 = arith.muli %arg0, %mul3A_638 : i32
        %add3A_640 = arith.constant 32 : i32
        %add3A_641 = arith.addi %mul3A_639, %add3A_640 : i32
        %get3A_642 = arith.index_cast %add3A_641 : i32 to index
        %get3A_643 = tpu.vector_load %arg17[%get3A_642] {strides = array<i32>} : memref<128xf32, #tpu.memory_space<vmem>>, vector<16xf32>,
        %get3A_644 = arith.index_cast %add3A_606 : i32 to index
        %get3A_645 = arith.constant 32 : index
        %get3A_646 = tpu.vector_load %arg12[%get3A_644, %get3A_645] {strides = array<i32>} : memref<128x64xf32, #tpu.memory_space<vmem>>, vector<16xf32>,
        %mul3A_647 = arith.mulf %broadcast_in_dim3A_609, %get3A_646 : vector<16xf32>
        %add3A_648 = arith.addf %mul3A_647, %get3A_643 : vector<16xf32>
        %swap3A_649 = arith.index_cast %add3A_606 : i32 to index
        %swap3A_650 = arith.constant 32 : index
        %swap3A_651 = tpu.vector_load %arg12[%swap3A_649, %swap3A_650] {strides = array<i32>} : memref<128x64xf32, #tpu.memory_space<vmem>>, vector<16xf32>,
        tpu.vector_store %arg12[%swap3A_649, %swap3A_650], %add3A_648 {strides = array<i32>} : memref<128x64xf32, #tpu.memory_space<vmem>>, vector<16xf32>,
        %mul3A_652 = arith.constant 64 : i32
        %mul3A_653 = arith.muli %arg0, %mul3A_652 : i32
        %add3A_654 = arith.constant 48 : i32
        %add3A_655 = arith.addi %mul3A_653, %add3A_654 : i32
        %get3A_656 = arith.index_cast %add3A_655 : i32 to index
        %get3A_657 = tpu.vector_load %arg17[%get3A_656] {strides = array<i32>} : memref<128xf32, #tpu.memory_space<vmem>>, vector<16xf32>,
        %get3A_658 = arith.index_cast %add3A_606 : i32 to index
        %get3A_659 = arith.constant 48 : index
        %get3A_660 = tpu.vector_load %arg12[%get3A_658, %get3A_659] {strides = array<i32>} : memref<128x64xf32, #tpu.memory_space<vmem>>, vector<16xf32>,
        %mul3A_661 = arith.mulf %broadcast_in_dim3A_609, %get3A_660 : vector<16xf32>
        %add3A_662 = arith.addf %mul3A_661, %get3A_657 : vector<16xf32>
        %swap3A_663 = arith.index_cast %add3A_606 : i32 to index
        %swap3A_664 = arith.constant 48 : index
        %swap3A_665 = tpu.vector_load %arg12[%swap3A_663, %swap3A_664] {strides = array<i32>} : memref<128x64xf32, #tpu.memory_space<vmem>>, vector<16xf32>,
        tpu.vector_store %arg12[%swap3A_663, %swap3A_664], %add3A_662 {strides = array<i32>} : memref<128x64xf32, #tpu.memory_space<vmem>>, vector<16xf32>,
        %mul3A_666 = arith.constant 16 : i32
        %mul3A_667 = arith.muli %scan3A_90, %mul3A_666 : i32
        %add3A_668 = arith.constant 9 : i32
        %add3A_669 = arith.addi %mul3A_667, %add3A_668 : i32
        %slice3A_670 = vector.extract_strided_slice %div3A_101 {offsets = [9], sizes = [1], strides = [1]} : vector<16xf32> to vector<1xf32>
        %squeeze3A_671 = vector.extract %slice3A_670[0] : f32 from vector<1xf32>
        %broadcast_in_dim3A_672 = vector.broadcast %squeeze3A_671 : f32 to vector<16xf32>
        %mul3A_673 = arith.constant 64 : i32
        %mul3A_674 = arith.muli %arg0, %mul3A_673 : i32
        %add3A_675 = arith.constant 0 : i32
        %add3A_676 = arith.addi %mul3A_674, %add3A_675 : i32
        %get3A_677 = arith.index_cast %add3A_676 : i32 to index
        %get3A_678 = tpu.vector_load %arg17[%get3A_677] {strides = array<i32>} : memref<128xf32, #tpu.memory_space<vmem>>, vector<16xf32>,
        %get3A_679 = arith.index_cast %add3A_669 : i32 to index
        %get3A_680 = arith.constant 0 : index
        %get3A_681 = tpu.vector_load %arg12[%get3A_679, %get3A_680] {strides = array<i32>} : memref<128x64xf32, #tpu.memory_space<vmem>>, vector<16xf32>,
        %mul3A_682 = arith.mulf %broadcast_in_dim3A_672, %get3A_681 : vector<16xf32>
        %add3A_683 = arith.addf %mul3A_682, %get3A_678 : vector<16xf32>
        %swap3A_684 = arith.index_cast %add3A_669 : i32 to index
        %swap3A_685 = arith.constant 0 : index
        %swap3A_686 = tpu.vector_load %arg12[%swap3A_684, %swap3A_685] {strides = array<i32>} : memref<128x64xf32, #tpu.memory_space<vmem>>, vector<16xf32>,
        tpu.vector_store %arg12[%swap3A_684, %swap3A_685], %add3A_683 {strides = array<i32>} : memref<128x64xf32, #tpu.memory_space<vmem>>, vector<16xf32>,
        %mul3A_687 = arith.constant 64 : i32
        %mul3A_688 = arith.muli %arg0, %mul3A_687 : i32
        %add3A_689 = arith.constant 16 : i32
        %add3A_690 = arith.addi %mul3A_688, %add3A_689 : i32
        %get3A_691 = arith.index_cast %add3A_690 : i32 to index
        %get3A_692 = tpu.vector_load %arg17[%get3A_691] {strides = array<i32>} : memref<128xf32, #tpu.memory_space<vmem>>, vector<16xf32>,
        %get3A_693 = arith.index_cast %add3A_669 : i32 to index
        %get3A_694 = arith.constant 16 : index
        %get3A_695 = tpu.vector_load %arg12[%get3A_693, %get3A_694] {strides = array<i32>} : memref<128x64xf32, #tpu.memory_space<vmem>>, vector<16xf32>,
        %mul3A_696 = arith.mulf %broadcast_in_dim3A_672, %get3A_695 : vector<16xf32>
        %add3A_697 = arith.addf %mul3A_696, %get3A_692 : vector<16xf32>
        %swap3A_698 = arith.index_cast %add3A_669 : i32 to index
        %swap3A_699 = arith.constant 16 : index
        %swap3A_700 = tpu.vector_load %arg12[%swap3A_698, %swap3A_699] {strides = array<i32>} : memref<128x64xf32, #tpu.memory_space<vmem>>, vector<16xf32>,
        tpu.vector_store %arg12[%swap3A_698, %swap3A_699], %add3A_697 {strides = array<i32>} : memref<128x64xf32, #tpu.memory_space<vmem>>, vector<16xf32>,
        %mul3A_701 = arith.constant 64 : i32
        %mul3A_702 = arith.muli %arg0, %mul3A_701 : i32
        %add3A_703 = arith.constant 32 : i32
        %add3A_704 = arith.addi %mul3A_702, %add3A_703 : i32
        %get3A_705 = arith.index_cast %add3A_704 : i32 to index
        %get3A_706 = tpu.vector_load %arg17[%get3A_705] {strides = array<i32>} : memref<128xf32, #tpu.memory_space<vmem>>, vector<16xf32>,
        %get3A_707 = arith.index_cast %add3A_669 : i32 to index
        %get3A_708 = arith.constant 32 : index
        %get3A_709 = tpu.vector_load %arg12[%get3A_707, %get3A_708] {strides = array<i32>} : memref<128x64xf32, #tpu.memory_space<vmem>>, vector<16xf32>,
        %mul3A_710 = arith.mulf %broadcast_in_dim3A_672, %get3A_709 : vector<16xf32>
        %add3A_711 = arith.addf %mul3A_710, %get3A_706 : vector<16xf32>
        %swap3A_712 = arith.index_cast %add3A_669 : i32 to index
        %swap3A_713 = arith.constant 32 : index
        %swap3A_714 = tpu.vector_load %arg12[%swap3A_712, %swap3A_713] {strides = array<i32>} : memref<128x64xf32, #tpu.memory_space<vmem>>, vector<16xf32>,
        tpu.vector_store %arg12[%swap3A_712, %swap3A_713], %add3A_711 {strides = array<i32>} : memref<128x64xf32, #tpu.memory_space<vmem>>, vector<16xf32>,
        %mul3A_715 = arith.constant 64 : i32
        %mul3A_716 = arith.muli %arg0, %mul3A_715 : i32
        %add3A_717 = arith.constant 48 : i32
        %add3A_718 = arith.addi %mul3A_716, %add3A_717 : i32
        %get3A_719 = arith.index_cast %add3A_718 : i32 to index
        %get3A_720 = tpu.vector_load %arg17[%get3A_719] {strides = array<i32>} : memref<128xf32, #tpu.memory_space<vmem>>, vector<16xf32>,
        %get3A_721 = arith.index_cast %add3A_669 : i32 to index
        %get3A_722 = arith.constant 48 : index
        %get3A_723 = tpu.vector_load %arg12[%get3A_721, %get3A_722] {strides = array<i32>} : memref<128x64xf32, #tpu.memory_space<vmem>>, vector<16xf32>,
        %mul3A_724 = arith.mulf %broadcast_in_dim3A_672, %get3A_723 : vector<16xf32>
        %add3A_725 = arith.addf %mul3A_724, %get3A_720 : vector<16xf32>
        %swap3A_726 = arith.index_cast %add3A_669 : i32 to index
        %swap3A_727 = arith.constant 48 : index
        %swap3A_728 = tpu.vector_load %arg12[%swap3A_726, %swap3A_727] {strides = array<i32>} : memref<128x64xf32, #tpu.memory_space<vmem>>, vector<16xf32>,
        tpu.vector_store %arg12[%swap3A_726, %swap3A_727], %add3A_725 {strides = array<i32>} : memref<128x64xf32, #tpu.memory_space<vmem>>, vector<16xf32>,
        %mul3A_729 = arith.constant 16 : i32
        %mul3A_730 = arith.muli %scan3A_90, %mul3A_729 : i32
        %add3A_731 = arith.constant 10 : i32
        %add3A_732 = arith.addi %mul3A_730, %add3A_731 : i32
        %slice3A_733 = vector.extract_strided_slice %div3A_101 {offsets = [10], sizes = [1], strides = [1]} : vector<16xf32> to vector<1xf32>
        %squeeze3A_734 = vector.extract %slice3A_733[0] : f32 from vector<1xf32>
        %broadcast_in_dim3A_735 = vector.broadcast %squeeze3A_734 : f32 to vector<16xf32>
        %mul3A_736 = arith.constant 64 : i32
        %mul3A_737 = arith.muli %arg0, %mul3A_736 : i32
        %add3A_738 = arith.constant 0 : i32
        %add3A_739 = arith.addi %mul3A_737, %add3A_738 : i32
        %get3A_740 = arith.index_cast %add3A_739 : i32 to index
        %get3A_741 = tpu.vector_load %arg17[%get3A_740] {strides = array<i32>} : memref<128xf32, #tpu.memory_space<vmem>>, vector<16xf32>,
        %get3A_742 = arith.index_cast %add3A_732 : i32 to index
        %get3A_743 = arith.constant 0 : index
        %get3A_744 = tpu.vector_load %arg12[%get3A_742, %get3A_743] {strides = array<i32>} : memref<128x64xf32, #tpu.memory_space<vmem>>, vector<16xf32>,
        %mul3A_745 = arith.mulf %broadcast_in_dim3A_735, %get3A_744 : vector<16xf32>
        %add3A_746 = arith.addf %mul3A_745, %get3A_741 : vector<16xf32>
        %swap3A_747 = arith.index_cast %add3A_732 : i32 to index
        %swap3A_748 = arith.constant 0 : index
        %swap3A_749 = tpu.vector_load %arg12[%swap3A_747, %swap3A_748] {strides = array<i32>} : memref<128x64xf32, #tpu.memory_space<vmem>>, vector<16xf32>,
        tpu.vector_store %arg12[%swap3A_747, %swap3A_748], %add3A_746 {strides = array<i32>} : memref<128x64xf32, #tpu.memory_space<vmem>>, vector<16xf32>,
        %mul3A_750 = arith.constant 64 : i32
        %mul3A_751 = arith.muli %arg0, %mul3A_750 : i32
        %add3A_752 = arith.constant 16 : i32
        %add3A_753 = arith.addi %mul3A_751, %add3A_752 : i32
        %get3A_754 = arith.index_cast %add3A_753 : i32 to index
        %get3A_755 = tpu.vector_load %arg17[%get3A_754] {strides = array<i32>} : memref<128xf32, #tpu.memory_space<vmem>>, vector<16xf32>,
        %get3A_756 = arith.index_cast %add3A_732 : i32 to index
        %get3A_757 = arith.constant 16 : index
        %get3A_758 = tpu.vector_load %arg12[%get3A_756, %get3A_757] {strides = array<i32>} : memref<128x64xf32, #tpu.memory_space<vmem>>, vector<16xf32>,
        %mul3A_759 = arith.mulf %broadcast_in_dim3A_735, %get3A_758 : vector<16xf32>
        %add3A_760 = arith.addf %mul3A_759, %get3A_755 : vector<16xf32>
        %swap3A_761 = arith.index_cast %add3A_732 : i32 to index
        %swap3A_762 = arith.constant 16 : index
        %swap3A_763 = tpu.vector_load %arg12[%swap3A_761, %swap3A_762] {strides = array<i32>} : memref<128x64xf32, #tpu.memory_space<vmem>>, vector<16xf32>,
        tpu.vector_store %arg12[%swap3A_761, %swap3A_762], %add3A_760 {strides = array<i32>} : memref<128x64xf32, #tpu.memory_space<vmem>>, vector<16xf32>,
        %mul3A_764 = arith.constant 64 : i32
        %mul3A_765 = arith.muli %arg0, %mul3A_764 : i32
        %add3A_766 = arith.constant 32 : i32
        %add3A_767 = arith.addi %mul3A_765, %add3A_766 : i32
        %get3A_768 = arith.index_cast %add3A_767 : i32 to index
        %get3A_769 = tpu.vector_load %arg17[%get3A_768] {strides = array<i32>} : memref<128xf32, #tpu.memory_space<vmem>>, vector<16xf32>,
        %get3A_770 = arith.index_cast %add3A_732 : i32 to index
        %get3A_771 = arith.constant 32 : index
        %get3A_772 = tpu.vector_load %arg12[%get3A_770, %get3A_771] {strides = array<i32>} : memref<128x64xf32, #tpu.memory_space<vmem>>, vector<16xf32>,
        %mul3A_773 = arith.mulf %broadcast_in_dim3A_735, %get3A_772 : vector<16xf32>
        %add3A_774 = arith.addf %mul3A_773, %get3A_769 : vector<16xf32>
        %swap3A_775 = arith.index_cast %add3A_732 : i32 to index
        %swap3A_776 = arith.constant 32 : index
        %swap3A_777 = tpu.vector_load %arg12[%swap3A_775, %swap3A_776] {strides = array<i32>} : memref<128x64xf32, #tpu.memory_space<vmem>>, vector<16xf32>,
        tpu.vector_store %arg12[%swap3A_775, %swap3A_776], %add3A_774 {strides = array<i32>} : memref<128x64xf32, #tpu.memory_space<vmem>>, vector<16xf32>,
        %mul3A_778 = arith.constant 64 : i32
        %mul3A_779 = arith.muli %arg0, %mul3A_778 : i32
        %add3A_780 = arith.constant 48 : i32
        %add3A_781 = arith.addi %mul3A_779, %add3A_780 : i32
        %get3A_782 = arith.index_cast %add3A_781 : i32 to index
        %get3A_783 = tpu.vector_load %arg17[%get3A_782] {strides = array<i32>} : memref<128xf32, #tpu.memory_space<vmem>>, vector<16xf32>,
        %get3A_784 = arith.index_cast %add3A_732 : i32 to index
        %get3A_785 = arith.constant 48 : index
        %get3A_786 = tpu.vector_load %arg12[%get3A_784, %get3A_785] {strides = array<i32>} : memref<128x64xf32, #tpu.memory_space<vmem>>, vector<16xf32>,
        %mul3A_787 = arith.mulf %broadcast_in_dim3A_735, %get3A_786 : vector<16xf32>
        %add3A_788 = arith.addf %mul3A_787, %get3A_783 : vector<16xf32>
        %swap3A_789 = arith.index_cast %add3A_732 : i32 to index
        %swap3A_790 = arith.constant 48 : index
        %swap3A_791 = tpu.vector_load %arg12[%swap3A_789, %swap3A_790] {strides = array<i32>} : memref<128x64xf32, #tpu.memory_space<vmem>>, vector<16xf32>,
        tpu.vector_store %arg12[%swap3A_789, %swap3A_790], %add3A_788 {strides = array<i32>} : memref<128x64xf32, #tpu.memory_space<vmem>>, vector<16xf32>,
        %mul3A_792 = arith.constant 16 : i32
        %mul3A_793 = arith.muli %scan3A_90, %mul3A_792 : i32
        %add3A_794 = arith.constant 11 : i32
        %add3A_795 = arith.addi %mul3A_793, %add3A_794 : i32
        %slice3A_796 = vector.extract_strided_slice %div3A_101 {offsets = [11], sizes = [1], strides = [1]} : vector<16xf32> to vector<1xf32>
        %squeeze3A_797 = vector.extract %slice3A_796[0] : f32 from vector<1xf32>
        %broadcast_in_dim3A_798 = vector.broadcast %squeeze3A_797 : f32 to vector<16xf32>
        %mul3A_799 = arith.constant 64 : i32
        %mul3A_800 = arith.muli %arg0, %mul3A_799 : i32
        %add3A_801 = arith.constant 0 : i32
        %add3A_802 = arith.addi %mul3A_800, %add3A_801 : i32
        %get3A_803 = arith.index_cast %add3A_802 : i32 to index
        %get3A_804 = tpu.vector_load %arg17[%get3A_803] {strides = array<i32>} : memref<128xf32, #tpu.memory_space<vmem>>, vector<16xf32>,
        %get3A_805 = arith.index_cast %add3A_795 : i32 to index
        %get3A_806 = arith.constant 0 : index
        %get3A_807 = tpu.vector_load %arg12[%get3A_805, %get3A_806] {strides = array<i32>} : memref<128x64xf32, #tpu.memory_space<vmem>>, vector<16xf32>,
        %mul3A_808 = arith.mulf %broadcast_in_dim3A_798, %get3A_807 : vector<16xf32>
        %add3A_809 = arith.addf %mul3A_808, %get3A_804 : vector<16xf32>
        %swap3A_810 = arith.index_cast %add3A_795 : i32 to index
        %swap3A_811 = arith.constant 0 : index
        %swap3A_812 = tpu.vector_load %arg12[%swap3A_810, %swap3A_811] {strides = array<i32>} : memref<128x64xf32, #tpu.memory_space<vmem>>, vector<16xf32>,
        tpu.vector_store %arg12[%swap3A_810, %swap3A_811], %add3A_809 {strides = array<i32>} : memref<128x64xf32, #tpu.memory_space<vmem>>, vector<16xf32>,
        %mul3A_813 = arith.constant 64 : i32
        %mul3A_814 = arith.muli %arg0, %mul3A_813 : i32
        %add3A_815 = arith.constant 16 : i32
        %add3A_816 = arith.addi %mul3A_814, %add3A_815 : i32
        %get3A_817 = arith.index_cast %add3A_816 : i32 to index
        %get3A_818 = tpu.vector_load %arg17[%get3A_817] {strides = array<i32>} : memref<128xf32, #tpu.memory_space<vmem>>, vector<16xf32>,
        %get3A_819 = arith.index_cast %add3A_795 : i32 to index
        %get3A_820 = arith.constant 16 : index
        %get3A_821 = tpu.vector_load %arg12[%get3A_819, %get3A_820] {strides = array<i32>} : memref<128x64xf32, #tpu.memory_space<vmem>>, vector<16xf32>,
        %mul3A_822 = arith.mulf %broadcast_in_dim3A_798, %get3A_821 : vector<16xf32>
        %add3A_823 = arith.addf %mul3A_822, %get3A_818 : vector<16xf32>
        %swap3A_824 = arith.index_cast %add3A_795 : i32 to index
        %swap3A_825 = arith.constant 16 : index
        %swap3A_826 = tpu.vector_load %arg12[%swap3A_824, %swap3A_825] {strides = array<i32>} : memref<128x64xf32, #tpu.memory_space<vmem>>, vector<16xf32>,
        tpu.vector_store %arg12[%swap3A_824, %swap3A_825], %add3A_823 {strides = array<i32>} : memref<128x64xf32, #tpu.memory_space<vmem>>, vector<16xf32>,
        %mul3A_827 = arith.constant 64 : i32
        %mul3A_828 = arith.muli %arg0, %mul3A_827 : i32
        %add3A_829 = arith.constant 32 : i32
        %add3A_830 = arith.addi %mul3A_828, %add3A_829 : i32
        %get3A_831 = arith.index_cast %add3A_830 : i32 to index
        %get3A_832 = tpu.vector_load %arg17[%get3A_831] {strides = array<i32>} : memref<128xf32, #tpu.memory_space<vmem>>, vector<16xf32>,
        %get3A_833 = arith.index_cast %add3A_795 : i32 to index
        %get3A_834 = arith.constant 32 : index
        %get3A_835 = tpu.vector_load %arg12[%get3A_833, %get3A_834] {strides = array<i32>} : memref<128x64xf32, #tpu.memory_space<vmem>>, vector<16xf32>,
        %mul3A_836 = arith.mulf %broadcast_in_dim3A_798, %get3A_835 : vector<16xf32>
        %add3A_837 = arith.addf %mul3A_836, %get3A_832 : vector<16xf32>
        %swap3A_838 = arith.index_cast %add3A_795 : i32 to index
        %swap3A_839 = arith.constant 32 : index
        %swap3A_840 = tpu.vector_load %arg12[%swap3A_838, %swap3A_839] {strides = array<i32>} : memref<128x64xf32, #tpu.memory_space<vmem>>, vector<16xf32>,
        tpu.vector_store %arg12[%swap3A_838, %swap3A_839], %add3A_837 {strides = array<i32>} : memref<128x64xf32, #tpu.memory_space<vmem>>, vector<16xf32>,
        %mul3A_841 = arith.constant 64 : i32
        %mul3A_842 = arith.muli %arg0, %mul3A_841 : i32
        %add3A_843 = arith.constant 48 : i32
        %add3A_844 = arith.addi %mul3A_842, %add3A_843 : i32
        %get3A_845 = arith.index_cast %add3A_844 : i32 to index
        %get3A_846 = tpu.vector_load %arg17[%get3A_845] {strides = array<i32>} : memref<128xf32, #tpu.memory_space<vmem>>, vector<16xf32>,
        %get3A_847 = arith.index_cast %add3A_795 : i32 to index
        %get3A_848 = arith.constant 48 : index
        %get3A_849 = tpu.vector_load %arg12[%get3A_847, %get3A_848] {strides = array<i32>} : memref<128x64xf32, #tpu.memory_space<vmem>>, vector<16xf32>,
        %mul3A_850 = arith.mulf %broadcast_in_dim3A_798, %get3A_849 : vector<16xf32>
        %add3A_851 = arith.addf %mul3A_850, %get3A_846 : vector<16xf32>
        %swap3A_852 = arith.index_cast %add3A_795 : i32 to index
        %swap3A_853 = arith.constant 48 : index
        %swap3A_854 = tpu.vector_load %arg12[%swap3A_852, %swap3A_853] {strides = array<i32>} : memref<128x64xf32, #tpu.memory_space<vmem>>, vector<16xf32>,
        tpu.vector_store %arg12[%swap3A_852, %swap3A_853], %add3A_851 {strides = array<i32>} : memref<128x64xf32, #tpu.memory_space<vmem>>, vector<16xf32>,
        %mul3A_855 = arith.constant 16 : i32
        %mul3A_856 = arith.muli %scan3A_90, %mul3A_855 : i32
        %add3A_857 = arith.constant 12 : i32
        %add3A_858 = arith.addi %mul3A_856, %add3A_857 : i32
        %slice3A_859 = vector.extract_strided_slice %div3A_101 {offsets = [12], sizes = [1], strides = [1]} : vector<16xf32> to vector<1xf32>
        %squeeze3A_860 = vector.extract %slice3A_859[0] : f32 from vector<1xf32>
        %broadcast_in_dim3A_861 = vector.broadcast %squeeze3A_860 : f32 to vector<16xf32>
        %mul3A_862 = arith.constant 64 : i32
        %mul3A_863 = arith.muli %arg0, %mul3A_862 : i32
        %add3A_864 = arith.constant 0 : i32
        %add3A_865 = arith.addi %mul3A_863, %add3A_864 : i32
        %get3A_866 = arith.index_cast %add3A_865 : i32 to index
        %get3A_867 = tpu.vector_load %arg17[%get3A_866] {strides = array<i32>} : memref<128xf32, #tpu.memory_space<vmem>>, vector<16xf32>,
        %get3A_868 = arith.index_cast %add3A_858 : i32 to index
        %get3A_869 = arith.constant 0 : index
        %get3A_870 = tpu.vector_load %arg12[%get3A_868, %get3A_869] {strides = array<i32>} : memref<128x64xf32, #tpu.memory_space<vmem>>, vector<16xf32>,
        %mul3A_871 = arith.mulf %broadcast_in_dim3A_861, %get3A_870 : vector<16xf32>
        %add3A_872 = arith.addf %mul3A_871, %get3A_867 : vector<16xf32>
        %swap3A_873 = arith.index_cast %add3A_858 : i32 to index
        %swap3A_874 = arith.constant 0 : index
        %swap3A_875 = tpu.vector_load %arg12[%swap3A_873, %swap3A_874] {strides = array<i32>} : memref<128x64xf32, #tpu.memory_space<vmem>>, vector<16xf32>,
        tpu.vector_store %arg12[%swap3A_873, %swap3A_874], %add3A_872 {strides = array<i32>} : memref<128x64xf32, #tpu.memory_space<vmem>>, vector<16xf32>,
        %mul3A_876 = arith.constant 64 : i32
        %mul3A_877 = arith.muli %arg0, %mul3A_876 : i32
        %add3A_878 = arith.constant 16 : i32
        %add3A_879 = arith.addi %mul3A_877, %add3A_878 : i32
        %get3A_880 = arith.index_cast %add3A_879 : i32 to index
        %get3A_881 = tpu.vector_load %arg17[%get3A_880] {strides = array<i32>} : memref<128xf32, #tpu.memory_space<vmem>>, vector<16xf32>,
        %get3A_882 = arith.index_cast %add3A_858 : i32 to index
        %get3A_883 = arith.constant 16 : index
        %get3A_884 = tpu.vector_load %arg12[%get3A_882, %get3A_883] {strides = array<i32>} : memref<128x64xf32, #tpu.memory_space<vmem>>, vector<16xf32>,
        %mul3A_885 = arith.mulf %broadcast_in_dim3A_861, %get3A_884 : vector<16xf32>
        %add3A_886 = arith.addf %mul3A_885, %get3A_881 : vector<16xf32>
        %swap3A_887 = arith.index_cast %add3A_858 : i32 to index
        %swap3A_888 = arith.constant 16 : index
        %swap3A_889 = tpu.vector_load %arg12[%swap3A_887, %swap3A_888] {strides = array<i32>} : memref<128x64xf32, #tpu.memory_space<vmem>>, vector<16xf32>,
        tpu.vector_store %arg12[%swap3A_887, %swap3A_888], %add3A_886 {strides = array<i32>} : memref<128x64xf32, #tpu.memory_space<vmem>>, vector<16xf32>,
        %mul3A_890 = arith.constant 64 : i32
        %mul3A_891 = arith.muli %arg0, %mul3A_890 : i32
        %add3A_892 = arith.constant 32 : i32
        %add3A_893 = arith.addi %mul3A_891, %add3A_892 : i32
        %get3A_894 = arith.index_cast %add3A_893 : i32 to index
        %get3A_895 = tpu.vector_load %arg17[%get3A_894] {strides = array<i32>} : memref<128xf32, #tpu.memory_space<vmem>>, vector<16xf32>,
        %get3A_896 = arith.index_cast %add3A_858 : i32 to index
        %get3A_897 = arith.constant 32 : index
        %get3A_898 = tpu.vector_load %arg12[%get3A_896, %get3A_897] {strides = array<i32>} : memref<128x64xf32, #tpu.memory_space<vmem>>, vector<16xf32>,
        %mul3A_899 = arith.mulf %broadcast_in_dim3A_861, %get3A_898 : vector<16xf32>
        %add3A_900 = arith.addf %mul3A_899, %get3A_895 : vector<16xf32>
        %swap3A_901 = arith.index_cast %add3A_858 : i32 to index
        %swap3A_902 = arith.constant 32 : index
        %swap3A_903 = tpu.vector_load %arg12[%swap3A_901, %swap3A_902] {strides = array<i32>} : memref<128x64xf32, #tpu.memory_space<vmem>>, vector<16xf32>,
        tpu.vector_store %arg12[%swap3A_901, %swap3A_902], %add3A_900 {strides = array<i32>} : memref<128x64xf32, #tpu.memory_space<vmem>>, vector<16xf32>,
        %mul3A_904 = arith.constant 64 : i32
        %mul3A_905 = arith.muli %arg0, %mul3A_904 : i32
        %add3A_906 = arith.constant 48 : i32
        %add3A_907 = arith.addi %mul3A_905, %add3A_906 : i32
        %get3A_908 = arith.index_cast %add3A_907 : i32 to index
        %get3A_909 = tpu.vector_load %arg17[%get3A_908] {strides = array<i32>} : memref<128xf32, #tpu.memory_space<vmem>>, vector<16xf32>,
        %get3A_910 = arith.index_cast %add3A_858 : i32 to index
        %get3A_911 = arith.constant 48 : index
        %get3A_912 = tpu.vector_load %arg12[%get3A_910, %get3A_911] {strides = array<i32>} : memref<128x64xf32, #tpu.memory_space<vmem>>, vector<16xf32>,
        %mul3A_913 = arith.mulf %broadcast_in_dim3A_861, %get3A_912 : vector<16xf32>
        %add3A_914 = arith.addf %mul3A_913, %get3A_909 : vector<16xf32>
        %swap3A_915 = arith.index_cast %add3A_858 : i32 to index
        %swap3A_916 = arith.constant 48 : index
        %swap3A_917 = tpu.vector_load %arg12[%swap3A_915, %swap3A_916] {strides = array<i32>} : memref<128x64xf32, #tpu.memory_space<vmem>>, vector<16xf32>,
        tpu.vector_store %arg12[%swap3A_915, %swap3A_916], %add3A_914 {strides = array<i32>} : memref<128x64xf32, #tpu.memory_space<vmem>>, vector<16xf32>,
        %mul3A_918 = arith.constant 16 : i32
        %mul3A_919 = arith.muli %scan3A_90, %mul3A_918 : i32
        %add3A_920 = arith.constant 13 : i32
        %add3A_921 = arith.addi %mul3A_919, %add3A_920 : i32
        %slice3A_922 = vector.extract_strided_slice %div3A_101 {offsets = [13], sizes = [1], strides = [1]} : vector<16xf32> to vector<1xf32>
        %squeeze3A_923 = vector.extract %slice3A_922[0] : f32 from vector<1xf32>
        %broadcast_in_dim3A_924 = vector.broadcast %squeeze3A_923 : f32 to vector<16xf32>
        %mul3A_925 = arith.constant 64 : i32
        %mul3A_926 = arith.muli %arg0, %mul3A_925 : i32
        %add3A_927 = arith.constant 0 : i32
        %add3A_928 = arith.addi %mul3A_926, %add3A_927 : i32
        %get3A_929 = arith.index_cast %add3A_928 : i32 to index
        %get3A_930 = tpu.vector_load %arg17[%get3A_929] {strides = array<i32>} : memref<128xf32, #tpu.memory_space<vmem>>, vector<16xf32>,
        %get3A_931 = arith.index_cast %add3A_921 : i32 to index
        %get3A_932 = arith.constant 0 : index
        %get3A_933 = tpu.vector_load %arg12[%get3A_931, %get3A_932] {strides = array<i32>} : memref<128x64xf32, #tpu.memory_space<vmem>>, vector<16xf32>,
        %mul3A_934 = arith.mulf %broadcast_in_dim3A_924, %get3A_933 : vector<16xf32>
        %add3A_935 = arith.addf %mul3A_934, %get3A_930 : vector<16xf32>
        %swap3A_936 = arith.index_cast %add3A_921 : i32 to index
        %swap3A_937 = arith.constant 0 : index
        %swap3A_938 = tpu.vector_load %arg12[%swap3A_936, %swap3A_937] {strides = array<i32>} : memref<128x64xf32, #tpu.memory_space<vmem>>, vector<16xf32>,
        tpu.vector_store %arg12[%swap3A_936, %swap3A_937], %add3A_935 {strides = array<i32>} : memref<128x64xf32, #tpu.memory_space<vmem>>, vector<16xf32>,
        %mul3A_939 = arith.constant 64 : i32
        %mul3A_940 = arith.muli %arg0, %mul3A_939 : i32
        %add3A_941 = arith.constant 16 : i32
        %add3A_942 = arith.addi %mul3A_940, %add3A_941 : i32
        %get3A_943 = arith.index_cast %add3A_942 : i32 to index
        %get3A_944 = tpu.vector_load %arg17[%get3A_943] {strides = array<i32>} : memref<128xf32, #tpu.memory_space<vmem>>, vector<16xf32>,
        %get3A_945 = arith.index_cast %add3A_921 : i32 to index
        %get3A_946 = arith.constant 16 : index
        %get3A_947 = tpu.vector_load %arg12[%get3A_945, %get3A_946] {strides = array<i32>} : memref<128x64xf32, #tpu.memory_space<vmem>>, vector<16xf32>,
        %mul3A_948 = arith.mulf %broadcast_in_dim3A_924, %get3A_947 : vector<16xf32>
        %add3A_949 = arith.addf %mul3A_948, %get3A_944 : vector<16xf32>
        %swap3A_950 = arith.index_cast %add3A_921 : i32 to index
        %swap3A_951 = arith.constant 16 : index
        %swap3A_952 = tpu.vector_load %arg12[%swap3A_950, %swap3A_951] {strides = array<i32>} : memref<128x64xf32, #tpu.memory_space<vmem>>, vector<16xf32>,
        tpu.vector_store %arg12[%swap3A_950, %swap3A_951], %add3A_949 {strides = array<i32>} : memref<128x64xf32, #tpu.memory_space<vmem>>, vector<16xf32>,
        %mul3A_953 = arith.constant 64 : i32
        %mul3A_954 = arith.muli %arg0, %mul3A_953 : i32
        %add3A_955 = arith.constant 32 : i32
        %add3A_956 = arith.addi %mul3A_954, %add3A_955 : i32
        %get3A_957 = arith.index_cast %add3A_956 : i32 to index
        %get3A_958 = tpu.vector_load %arg17[%get3A_957] {strides = array<i32>} : memref<128xf32, #tpu.memory_space<vmem>>, vector<16xf32>,
        %get3A_959 = arith.index_cast %add3A_921 : i32 to index
        %get3A_960 = arith.constant 32 : index
        %get3A_961 = tpu.vector_load %arg12[%get3A_959, %get3A_960] {strides = array<i32>} : memref<128x64xf32, #tpu.memory_space<vmem>>, vector<16xf32>,
        %mul3A_962 = arith.mulf %broadcast_in_dim3A_924, %get3A_961 : vector<16xf32>
        %add3A_963 = arith.addf %mul3A_962, %get3A_958 : vector<16xf32>
        %swap3A_964 = arith.index_cast %add3A_921 : i32 to index
        %swap3A_965 = arith.constant 32 : index
        %swap3A_966 = tpu.vector_load %arg12[%swap3A_964, %swap3A_965] {strides = array<i32>} : memref<128x64xf32, #tpu.memory_space<vmem>>, vector<16xf32>,
        tpu.vector_store %arg12[%swap3A_964, %swap3A_965], %add3A_963 {strides = array<i32>} : memref<128x64xf32, #tpu.memory_space<vmem>>, vector<16xf32>,
        %mul3A_967 = arith.constant 64 : i32
        %mul3A_968 = arith.muli %arg0, %mul3A_967 : i32
        %add3A_969 = arith.constant 48 : i32
        %add3A_970 = arith.addi %mul3A_968, %add3A_969 : i32
        %get3A_971 = arith.index_cast %add3A_970 : i32 to index
        %get3A_972 = tpu.vector_load %arg17[%get3A_971] {strides = array<i32>} : memref<128xf32, #tpu.memory_space<vmem>>, vector<16xf32>,
        %get3A_973 = arith.index_cast %add3A_921 : i32 to index
        %get3A_974 = arith.constant 48 : index
        %get3A_975 = tpu.vector_load %arg12[%get3A_973, %get3A_974] {strides = array<i32>} : memref<128x64xf32, #tpu.memory_space<vmem>>, vector<16xf32>,
        %mul3A_976 = arith.mulf %broadcast_in_dim3A_924, %get3A_975 : vector<16xf32>
        %add3A_977 = arith.addf %mul3A_976, %get3A_972 : vector<16xf32>
        %swap3A_978 = arith.index_cast %add3A_921 : i32 to index
        %swap3A_979 = arith.constant 48 : index
        %swap3A_980 = tpu.vector_load %arg12[%swap3A_978, %swap3A_979] {strides = array<i32>} : memref<128x64xf32, #tpu.memory_space<vmem>>, vector<16xf32>,
        tpu.vector_store %arg12[%swap3A_978, %swap3A_979], %add3A_977 {strides = array<i32>} : memref<128x64xf32, #tpu.memory_space<vmem>>, vector<16xf32>,
        %mul3A_981 = arith.constant 16 : i32
        %mul3A_982 = arith.muli %scan3A_90, %mul3A_981 : i32
        %add3A_983 = arith.constant 14 : i32
        %add3A_984 = arith.addi %mul3A_982, %add3A_983 : i32
        %slice3A_985 = vector.extract_strided_slice %div3A_101 {offsets = [14], sizes = [1], strides = [1]} : vector<16xf32> to vector<1xf32>
        %squeeze3A_986 = vector.extract %slice3A_985[0] : f32 from vector<1xf32>
        %broadcast_in_dim3A_987 = vector.broadcast %squeeze3A_986 : f32 to vector<16xf32>
        %mul3A_988 = arith.constant 64 : i32
        %mul3A_989 = arith.muli %arg0, %mul3A_988 : i32
        %add3A_990 = arith.constant 0 : i32
        %add3A_991 = arith.addi %mul3A_989, %add3A_990 : i32
        %get3A_992 = arith.index_cast %add3A_991 : i32 to index
        %get3A_993 = tpu.vector_load %arg17[%get3A_992] {strides = array<i32>} : memref<128xf32, #tpu.memory_space<vmem>>, vector<16xf32>,
        %get3A_994 = arith.index_cast %add3A_984 : i32 to index
        %get3A_995 = arith.constant 0 : index
        %get3A_996 = tpu.vector_load %arg12[%get3A_994, %get3A_995] {strides = array<i32>} : memref<128x64xf32, #tpu.memory_space<vmem>>, vector<16xf32>,
        %mul3A_997 = arith.mulf %broadcast_in_dim3A_987, %get3A_996 : vector<16xf32>
        %add3A_998 = arith.addf %mul3A_997, %get3A_993 : vector<16xf32>
        %swap3A_999 = arith.index_cast %add3A_984 : i32 to index
        %swap3A_1000 = arith.constant 0 : index
        %swap3A_1001 = tpu.vector_load %arg12[%swap3A_999, %swap3A_1000] {strides = array<i32>} : memref<128x64xf32, #tpu.memory_space<vmem>>, vector<16xf32>,
        tpu.vector_store %arg12[%swap3A_999, %swap3A_1000], %add3A_998 {strides = array<i32>} : memref<128x64xf32, #tpu.memory_space<vmem>>, vector<16xf32>,
        %mul3A_1002 = arith.constant 64 : i32
        %mul3A_1003 = arith.muli %arg0, %mul3A_1002 : i32
        %add3A_1004 = arith.constant 16 : i32
        %add3A_1005 = arith.addi %mul3A_1003, %add3A_1004 : i32
        %get3A_1006 = arith.index_cast %add3A_1005 : i32 to index
        %get3A_1007 = tpu.vector_load %arg17[%get3A_1006] {strides = array<i32>} : memref<128xf32, #tpu.memory_space<vmem>>, vector<16xf32>,
        %get3A_1008 = arith.index_cast %add3A_984 : i32 to index
        %get3A_1009 = arith.constant 16 : index
        %get3A_1010 = tpu.vector_load %arg12[%get3A_1008, %get3A_1009] {strides = array<i32>} : memref<128x64xf32, #tpu.memory_space<vmem>>, vector<16xf32>,
        %mul3A_1011 = arith.mulf %broadcast_in_dim3A_987, %get3A_1010 : vector<16xf32>
        %add3A_1012 = arith.addf %mul3A_1011, %get3A_1007 : vector<16xf32>
        %swap3A_1013 = arith.index_cast %add3A_984 : i32 to index
        %swap3A_1014 = arith.constant 16 : index
        %swap3A_1015 = tpu.vector_load %arg12[%swap3A_1013, %swap3A_1014] {strides = array<i32>} : memref<128x64xf32, #tpu.memory_space<vmem>>, vector<16xf32>,
        tpu.vector_store %arg12[%swap3A_1013, %swap3A_1014], %add3A_1012 {strides = array<i32>} : memref<128x64xf32, #tpu.memory_space<vmem>>, vector<16xf32>,
        %mul3A_1016 = arith.constant 64 : i32
        %mul3A_1017 = arith.muli %arg0, %mul3A_1016 : i32
        %add3A_1018 = arith.constant 32 : i32
        %add3A_1019 = arith.addi %mul3A_1017, %add3A_1018 : i32
        %get3A_1020 = arith.index_cast %add3A_1019 : i32 to index
        %get3A_1021 = tpu.vector_load %arg17[%get3A_1020] {strides = array<i32>} : memref<128xf32, #tpu.memory_space<vmem>>, vector<16xf32>,
        %get3A_1022 = arith.index_cast %add3A_984 : i32 to index
        %get3A_1023 = arith.constant 32 : index
        %get3A_1024 = tpu.vector_load %arg12[%get3A_1022, %get3A_1023] {strides = array<i32>} : memref<128x64xf32, #tpu.memory_space<vmem>>, vector<16xf32>,
        %mul3A_1025 = arith.mulf %broadcast_in_dim3A_987, %get3A_1024 : vector<16xf32>
        %add3A_1026 = arith.addf %mul3A_1025, %get3A_1021 : vector<16xf32>
        %swap3A_1027 = arith.index_cast %add3A_984 : i32 to index
        %swap3A_1028 = arith.constant 32 : index
        %swap3A_1029 = tpu.vector_load %arg12[%swap3A_1027, %swap3A_1028] {strides = array<i32>} : memref<128x64xf32, #tpu.memory_space<vmem>>, vector<16xf32>,
        tpu.vector_store %arg12[%swap3A_1027, %swap3A_1028], %add3A_1026 {strides = array<i32>} : memref<128x64xf32, #tpu.memory_space<vmem>>, vector<16xf32>,
        %mul3A_1030 = arith.constant 64 : i32
        %mul3A_1031 = arith.muli %arg0, %mul3A_1030 : i32
        %add3A_1032 = arith.constant 48 : i32
        %add3A_1033 = arith.addi %mul3A_1031, %add3A_1032 : i32
        %get3A_1034 = arith.index_cast %add3A_1033 : i32 to index
        %get3A_1035 = tpu.vector_load %arg17[%get3A_1034] {strides = array<i32>} : memref<128xf32, #tpu.memory_space<vmem>>, vector<16xf32>,
        %get3A_1036 = arith.index_cast %add3A_984 : i32 to index
        %get3A_1037 = arith.constant 48 : index
        %get3A_1038 = tpu.vector_load %arg12[%get3A_1036, %get3A_1037] {strides = array<i32>} : memref<128x64xf32, #tpu.memory_space<vmem>>, vector<16xf32>,
        %mul3A_1039 = arith.mulf %broadcast_in_dim3A_987, %get3A_1038 : vector<16xf32>
        %add3A_1040 = arith.addf %mul3A_1039, %get3A_1035 : vector<16xf32>
        %swap3A_1041 = arith.index_cast %add3A_984 : i32 to index
        %swap3A_1042 = arith.constant 48 : index
        %swap3A_1043 = tpu.vector_load %arg12[%swap3A_1041, %swap3A_1042] {strides = array<i32>} : memref<128x64xf32, #tpu.memory_space<vmem>>, vector<16xf32>,
        tpu.vector_store %arg12[%swap3A_1041, %swap3A_1042], %add3A_1040 {strides = array<i32>} : memref<128x64xf32, #tpu.memory_space<vmem>>, vector<16xf32>,
        %mul3A_1044 = arith.constant 16 : i32
        %mul3A_1045 = arith.muli %scan3A_90, %mul3A_1044 : i32
        %add3A_1046 = arith.constant 15 : i32
        %add3A_1047 = arith.addi %mul3A_1045, %add3A_1046 : i32
        %slice3A_1048 = vector.extract_strided_slice %div3A_101 {offsets = [15], sizes = [1], strides = [1]} : vector<16xf32> to vector<1xf32>
        %squeeze3A_1049 = vector.extract %slice3A_1048[0] : f32 from vector<1xf32>
        %broadcast_in_dim3A_1050 = vector.broadcast %squeeze3A_1049 : f32 to vector<16xf32>
        %mul3A_1051 = arith.constant 64 : i32
        %mul3A_1052 = arith.muli %arg0, %mul3A_1051 : i32
        %add3A_1053 = arith.constant 0 : i32
        %add3A_1054 = arith.addi %mul3A_1052, %add3A_1053 : i32
        %get3A_1055 = arith.index_cast %add3A_1054 : i32 to index
        %get3A_1056 = tpu.vector_load %arg17[%get3A_1055] {strides = array<i32>} : memref<128xf32, #tpu.memory_space<vmem>>, vector<16xf32>,
        %get3A_1057 = arith.index_cast %add3A_1047 : i32 to index
        %get3A_1058 = arith.constant 0 : index
        %get3A_1059 = tpu.vector_load %arg12[%get3A_1057, %get3A_1058] {strides = array<i32>} : memref<128x64xf32, #tpu.memory_space<vmem>>, vector<16xf32>,
        %mul3A_1060 = arith.mulf %broadcast_in_dim3A_1050, %get3A_1059 : vector<16xf32>
        %add3A_1061 = arith.addf %mul3A_1060, %get3A_1056 : vector<16xf32>
        %swap3A_1062 = arith.index_cast %add3A_1047 : i32 to index
        %swap3A_1063 = arith.constant 0 : index
        %swap3A_1064 = tpu.vector_load %arg12[%swap3A_1062, %swap3A_1063] {strides = array<i32>} : memref<128x64xf32, #tpu.memory_space<vmem>>, vector<16xf32>,
        tpu.vector_store %arg12[%swap3A_1062, %swap3A_1063], %add3A_1061 {strides = array<i32>} : memref<128x64xf32, #tpu.memory_space<vmem>>, vector<16xf32>,
        %mul3A_1065 = arith.constant 64 : i32
        %mul3A_1066 = arith.muli %arg0, %mul3A_1065 : i32
        %add3A_1067 = arith.constant 16 : i32
        %add3A_1068 = arith.addi %mul3A_1066, %add3A_1067 : i32
        %get3A_1069 = arith.index_cast %add3A_1068 : i32 to index
        %get3A_1070 = tpu.vector_load %arg17[%get3A_1069] {strides = array<i32>} : memref<128xf32, #tpu.memory_space<vmem>>, vector<16xf32>,
        %get3A_1071 = arith.index_cast %add3A_1047 : i32 to index
        %get3A_1072 = arith.constant 16 : index
        %get3A_1073 = tpu.vector_load %arg12[%get3A_1071, %get3A_1072] {strides = array<i32>} : memref<128x64xf32, #tpu.memory_space<vmem>>, vector<16xf32>,
        %mul3A_1074 = arith.mulf %broadcast_in_dim3A_1050, %get3A_1073 : vector<16xf32>
        %add3A_1075 = arith.addf %mul3A_1074, %get3A_1070 : vector<16xf32>
        %swap3A_1076 = arith.index_cast %add3A_1047 : i32 to index
        %swap3A_1077 = arith.constant 16 : index
        %swap3A_1078 = tpu.vector_load %arg12[%swap3A_1076, %swap3A_1077] {strides = array<i32>} : memref<128x64xf32, #tpu.memory_space<vmem>>, vector<16xf32>,
        tpu.vector_store %arg12[%swap3A_1076, %swap3A_1077], %add3A_1075 {strides = array<i32>} : memref<128x64xf32, #tpu.memory_space<vmem>>, vector<16xf32>,
        %mul3A_1079 = arith.constant 64 : i32
        %mul3A_1080 = arith.muli %arg0, %mul3A_1079 : i32
        %add3A_1081 = arith.constant 32 : i32
        %add3A_1082 = arith.addi %mul3A_1080, %add3A_1081 : i32
        %get3A_1083 = arith.index_cast %add3A_1082 : i32 to index
        %get3A_1084 = tpu.vector_load %arg17[%get3A_1083] {strides = array<i32>} : memref<128xf32, #tpu.memory_space<vmem>>, vector<16xf32>,
        %get3A_1085 = arith.index_cast %add3A_1047 : i32 to index
        %get3A_1086 = arith.constant 32 : index
        %get3A_1087 = tpu.vector_load %arg12[%get3A_1085, %get3A_1086] {strides = array<i32>} : memref<128x64xf32, #tpu.memory_space<vmem>>, vector<16xf32>,
        %mul3A_1088 = arith.mulf %broadcast_in_dim3A_1050, %get3A_1087 : vector<16xf32>
        %add3A_1089 = arith.addf %mul3A_1088, %get3A_1084 : vector<16xf32>
        %swap3A_1090 = arith.index_cast %add3A_1047 : i32 to index
        %swap3A_1091 = arith.constant 32 : index
        %swap3A_1092 = tpu.vector_load %arg12[%swap3A_1090, %swap3A_1091] {strides = array<i32>} : memref<128x64xf32, #tpu.memory_space<vmem>>, vector<16xf32>,
        tpu.vector_store %arg12[%swap3A_1090, %swap3A_1091], %add3A_1089 {strides = array<i32>} : memref<128x64xf32, #tpu.memory_space<vmem>>, vector<16xf32>,
        %mul3A_1093 = arith.constant 64 : i32
        %mul3A_1094 = arith.muli %arg0, %mul3A_1093 : i32
        %add3A_1095 = arith.constant 48 : i32
        %add3A_1096 = arith.addi %mul3A_1094, %add3A_1095 : i32
        %get3A_1097 = arith.index_cast %add3A_1096 : i32 to index
        %get3A_1098 = tpu.vector_load %arg17[%get3A_1097] {strides = array<i32>} : memref<128xf32, #tpu.memory_space<vmem>>, vector<16xf32>,
        %get3A_1099 = arith.index_cast %add3A_1047 : i32 to index
        %get3A_1100 = arith.constant 48 : index
        %get3A_1101 = tpu.vector_load %arg12[%get3A_1099, %get3A_1100] {strides = array<i32>} : memref<128x64xf32, #tpu.memory_space<vmem>>, vector<16xf32>,
        %mul3A_1102 = arith.mulf %broadcast_in_dim3A_1050, %get3A_1101 : vector<16xf32>
        %add3A_1103 = arith.addf %mul3A_1102, %get3A_1098 : vector<16xf32>
        %swap3A_1104 = arith.index_cast %add3A_1047 : i32 to index
        %swap3A_1105 = arith.constant 48 : index
        %swap3A_1106 = tpu.vector_load %arg12[%swap3A_1104, %swap3A_1105] {strides = array<i32>} : memref<128x64xf32, #tpu.memory_space<vmem>>, vector<16xf32>,
        tpu.vector_store %arg12[%swap3A_1104, %swap3A_1105], %add3A_1103 {strides = array<i32>} : memref<128x64xf32, #tpu.memory_space<vmem>>, vector<16xf32>,
      }
      %scan3A_84 = arith.constant 8 : i32
      %mul3A_85 = arith.constant 128 : i32
      %mul3A_86 = arith.muli %scan3A_75, %mul3A_85 : i32
      %add3A_87 = arith.addi %mul3A_12, %mul3A_86 : i32
      %mul3A_88 = arith.constant 64 : i32
      %mul3A_89 = arith.muli %arg0, %mul3A_88 : i32
      "tpu.region"() ({
        %run_scoped3A = tpu.sem_alloc : memref<!tpu.dma_semaphore, #tpu.memory_space<semaphore_mem>>
        %dma_start3A_90 = tpu.memref_slice %arg7[%add3A_87, %mul3A_89] : memref<10240x128xf32, #tpu.memory_space<hbm>> -> memref<128x64xf32, #tpu.memory_space<hbm>>
        %dma_start3A_91 = tpu.memref_slice %arg7[%add3A_87, %mul3A_89] : memref<10240x128xf32, #tpu.memory_space<hbm>> -> memref<128x64xf32, #tpu.memory_space<hbm>>
        tpu.enqueue_dma source(%arg12 : memref<128x64xf32, #tpu.memory_space<vmem>>) target(%dma_start3A_91 : memref<128x64xf32, #tpu.memory_space<hbm>>) target_semaphore(%run_scoped3A : memref<!tpu.dma_semaphore, #tpu.memory_space<semaphore_mem>>)
        %dma_wait3A_92 = tpu.memref_slice %arg7[%add3A_87, %mul3A_89] : memref<10240x128xf32, #tpu.memory_space<hbm>> -> memref<128x64xf32, #tpu.memory_space<hbm>>
        %dma_wait3A_93 = tpu.memref_slice %arg7[%add3A_87, %mul3A_89] : memref<10240x128xf32, #tpu.memory_space<hbm>> -> memref<128x64xf32, #tpu.memory_space<hbm>>
        tpu.wait_dma2 semaphore(%run_scoped3A : memref<!tpu.dma_semaphore, #tpu.memory_space<semaphore_mem>>) src(%arg12 : memref<128x64xf32, #tpu.memory_space<vmem>>) dst(%dma_wait3A_93 : memref<128x64xf32, #tpu.memory_space<hbm>>)
        tpu.yield
      }) : () -> ()
    }
    %scan3A_74 = arith.constant 5 : i32
    return
  }
}

module attributes {stable_mosaic.version = 14 : i64} {
  func.func @body(%arg0: i32, %arg1: memref<1000x128xf32, #tpu.memory_space<vmem>>, %arg2: memref<128x128xf32, #tpu.memory_space<vmem>>, %arg3: memref<2x128xf32, #tpu.memory_space<vmem>>, %arg4: memref<2x1000x64xf32, #tpu.memory_space<vmem>>, %arg5: memref<1000x2xf32, #tpu.memory_space<vmem>>) attributes {dimension_semantics = [#tpu.dimension_semantics<arbitrary>], iteration_bounds = array<i64: 10>, scalar_prefetch = 0 : i64, scratch_operands = 0 : i64, tpu.core_type = #tpu.core_type<tc>, window_params = [{transform_indices = @transform_0, window_bounds = array<i64: 1000, 128>}, {pipeline_mode = #tpu.pipeline_mode<synchronous>, transform_indices = @transform_1, window_bounds = array<i64: 128, 128>}, {pipeline_mode = #tpu.pipeline_mode<synchronous>, transform_indices = @transform_2, window_bounds = array<i64: 2, 128>}, {transform_indices = @transform_3, window_bounds = array<i64: 2, 1000, 64>}, {transform_indices = @transform_4, window_bounds = array<i64: 1000, 2>}]} {
    %get3A = arith.constant 0 : index
    %get3A_0 = arith.constant 0 : index
    %get3A_1 = vector.load %arg1[%get3A, %get3A_0] : memref<1000x128xf32, #tpu.memory_space<vmem>>, vector<1000x128xf32>
    %get3A_2 = arith.constant 0 : index
    %get3A_3 = arith.constant 0 : index
    %get3A_4 = vector.load %arg2[%get3A_2, %get3A_3] : memref<128x128xf32, #tpu.memory_space<vmem>>, vector<128x128xf32>
    %dot_general3A = arith.constant dense<0.000000e+00> : vector<1000x128xf32>
    %dot_general3A_5 = tpu.matmul %get3A_1, %get3A_4, %dot_general3A {dimension_numbers = #tpu.dot_dimension_numbers<[1], [0], [0], [1], [0, 0, 1, 1], [], []>, transpose_lhs_hint = false} : vector<1000x128xf32>, vector<128x128xf32>, vector<1000x128xf32> -> vector<1000x128xf32>
    %slice3A = vector.extract_strided_slice %dot_general3A_5 {offsets = [0, 0], sizes = [1000, 64], strides = [1, 1]} : vector<1000x128xf32> to vector<1000x64xf32>
    %swap3A = arith.constant 0 : index
    %swap3A_6 = arith.constant 0 : index
    %swap3A_7 = arith.constant 0 : index
    %swap3A_8 = vector.load %arg4[%swap3A, %swap3A_6, %swap3A_7] : memref<2x1000x64xf32, #tpu.memory_space<vmem>>, vector<1x1000x64xf32>
    %swap3A_9 = vector.shape_cast %swap3A_8 : vector<1x1000x64xf32> to vector<1000x64xf32>
    %swap3A_10 = vector.shape_cast %slice3A : vector<1000x64xf32> to vector<1x1000x64xf32>
    tpu.vector_store %arg4[%swap3A, %swap3A_6, %swap3A_7], %swap3A_10 {strides = array<i32>} : memref<2x1000x64xf32, #tpu.memory_space<vmem>>, vector<1x1000x64xf32>,
    %slice3A_11 = vector.extract_strided_slice %dot_general3A_5 {offsets = [0, 64], sizes = [1000, 64], strides = [1, 1]} : vector<1000x128xf32> to vector<1000x64xf32>
    %swap3A_12 = arith.constant 1 : index
    %swap3A_13 = arith.constant 0 : index
    %swap3A_14 = arith.constant 0 : index
    %swap3A_15 = vector.load %arg4[%swap3A_12, %swap3A_13, %swap3A_14] : memref<2x1000x64xf32, #tpu.memory_space<vmem>>, vector<1x1000x64xf32>
    %swap3A_16 = vector.shape_cast %swap3A_15 : vector<1x1000x64xf32> to vector<1000x64xf32>
    %swap3A_17 = vector.shape_cast %slice3A_11 : vector<1000x64xf32> to vector<1x1000x64xf32>
    tpu.vector_store %arg4[%swap3A_12, %swap3A_13, %swap3A_14], %swap3A_17 {strides = array<i32>} : memref<2x1000x64xf32, #tpu.memory_space<vmem>>, vector<1x1000x64xf32>,
    %get3A_18 = arith.constant 0 : index
    %get3A_19 = arith.constant 0 : index
    %get3A_20 = vector.load %arg3[%get3A_18, %get3A_19] : memref<2x128xf32, #tpu.memory_space<vmem>>, vector<2x128xf32>
    %dot_general3A_21 = arith.constant dense<0.000000e+00> : vector<1000x2xf32>
    %dot_general3A_22 = tpu.matmul %dot_general3A_5, %get3A_20, %dot_general3A_21 {dimension_numbers = #tpu.dot_dimension_numbers<[1], [1], [0], [0], [0, 0, 1, 0], [], []>, transpose_lhs_hint = false} : vector<1000x128xf32>, vector<2x128xf32>, vector<1000x2xf32> -> vector<1000x2xf32>
    %swap3A_23 = arith.constant 0 : index
    %swap3A_24 = arith.constant 0 : index
    %swap3A_25 = vector.load %arg5[%swap3A_23, %swap3A_24] : memref<1000x2xf32, #tpu.memory_space<vmem>>, vector<1000x2xf32>
    tpu.vector_store %arg5[%swap3A_23, %swap3A_24], %dot_general3A_22 {strides = array<i32>} : memref<1000x2xf32, #tpu.memory_space<vmem>>, vector<1000x2xf32>,
    return
  }
  func.func @transform_0(%arg0: i32) -> (i32, i32) {
    %c0_i32 = arith.constant 0 : i32
    %c0_i32_0 = arith.constant 0 : i32
    return %arg0, %c0_i32 : i32, i32
  }
  func.func @transform_1(%arg0: i32) -> (i32, i32) {
    %c0_i32 = arith.constant 0 : i32
    %c0_i32_0 = arith.constant 0 : i32
    %c0_i32_1 = arith.constant 0 : i32
    return %c0_i32, %c0_i32_0 : i32, i32
  }
  func.func @transform_2(%arg0: i32) -> (i32, i32) {
    %c0_i32 = arith.constant 0 : i32
    %c0_i32_0 = arith.constant 0 : i32
    %c0_i32_1 = arith.constant 0 : i32
    return %c0_i32, %c0_i32_0 : i32, i32
  }
  func.func @transform_3(%arg0: i32) -> (i32, i32, i32) {
    %c0_i32 = arith.constant 0 : i32
    %c0_i32_0 = arith.constant 0 : i32
    %c0_i32_1 = arith.constant 0 : i32
    return %c0_i32, %arg0, %c0_i32_0 : i32, i32, i32
  }
  func.func @transform_4(%arg0: i32) -> (i32, i32) {
    %c0_i32 = arith.constant 0 : i32
    %c0_i32_0 = arith.constant 0 : i32
    return %arg0, %c0_i32 : i32, i32
  }
}

</mosaic_0001>

<sc_bundles>
// kernel: kernel.4.cloned.1.call-start
scs
__scs_entry_jumppad:
0x0: {  	(pc) =	sbr.rel $0x88, $3  }
0x1: {  	(tag) =	ssettag $0x0;
	lr =	simm.s32 $0x1  }
0x2: {  	[smem:$0x3F9C] =	sst lr;
	_ =	strace $0xD0000000  }
0x3: {  	_ = 	snop  }
0x4: {  	_ = 	snop  }
0x5: {  	_ = 	snop  }
0x6: {  	_ = 	snop  }
0x7: {  	_ = 	snop  }
__scs_overlays_trampoline_lowered:
0x8: {  	[smem:$0x3FAB] =	sst s0  }
0x9: {  	[smem:$0x3FAC] =	sst s1  }
0xa: {  	[smem:$0x3FAD] =	sst s2  }
0xb: {  	[smem:$0x3FAE] =	sst s3  }
0xc: {  	[smem:$0x3FAF] =	sst s4  }
0xd: {  	[smem:$0x3FB0] =	sst s5  }
0xe: {  	[smem:$0x3FB1] =	sst s6  }
0xf: {  	[smem:$0x3FB2] =	sst s7  }
0x10: {  	[smem:$0x3FB3] =	sst s8  }
0x11: {  	[smem:$0x3FB4] =	sst s9;
	s0 =	simm.s32 @!p0 $0x0  }
0x12: {  	s1 =	sld [smem:$0x3F9A];
	s0 =	simm.s32 @p0 $0x1  }
0x13: {  	[smem:$0x3FB5] =	sst s0;
	s0 =	simm.s32 @!p1 $0x0  }
0x14: {  	s2 =	sld [smem:$0x3F99];
	s0 =	simm.s32 @p1 $0x1  }
0x15: {  	[smem:$0x3FB6] =	sst s0;
	s0 =	simm.s32 @!p2 $0x0  }
0x16: {  	s3 =	sld [smem:$0x3FDB];
	s0 =	simm.s32 @p2 $0x1  }
0x17: {  	s4 =	simm.s32 $0x1BF5;
	[smem:$0x3FB8] =	sst s0  }
0x18: {  	s0 =	sld [smem:$0x3F9B];
	_ =	swait.ge [sflag:s4], $0x0  }
0x19: {  	s7 =	sld [smem:$0x3F9C]  }
0x1a: {  	s8 =	sadd.s32 $0xFFFFE003, lr  }
0x1b: {  	s9 =	sadd.s32 $0xFFFFFEF7, lr;
	s5 =	simm.s32 $0xFFFFFFFF;
	p2 =	slt.u32 s8, $0xFFFFF086  }
0x1c: {  	p1 =	slt.u32 s9, $0xF7A;
	s5 =	simm.s32 @!p2 $0x0  }
0x1d: {  	s5 =	simm.s32 @p1 $0x1;
	p0 =	seq.s32 s7, s2  }
0x1e: {  	s7 =	smul.u32 @!p0 $0xF7A, s2;
	p2 =	seq.s32 @!p0 s5, $0x0  }
0x1f: {  	s9 =	smul.u32 $0xF7A, s1;
	s8 =	simm.s32 @!p0 $0x1BF5;
	p2 =	por !p2, p0  }
0x20: {  	[sflag:s8] =	ssyncset.s32 @!p0 $0xFFFFF086;
	s6 =	sadd.s32 @!p0 s3, s7;
	s7 =	simm.s32 @!p0 $0x108  }
0x21: {  	s3 =	sadd.s32 s3, s9;
	s6 =	sadd.s32 @!p0 $0x88, s6;
	s7 =	simm.s32 @p2 $0x1082  }
0x22: {  	[simem:s7], [sflag:s8] =	dma.local @!p0 [hbm:s6], $0xF7A  }
0x23: {  	s9 =	sor.u32 $0xD0000000, s2;
	s6 =	simm.s32 $0x108;
	_ =	swait.ge @!p0 [sflag:s8], $0x0  }
0x24: {  	s3 =	sadd.s32 $0x88, s3;
	s6 =	simm.s32 @!p1 $0x1082;
	[sflag:s4] =	ssyncset.s32 $0xFFFFF086  }
0x25: {  	[simem:s6], [sflag:s4] =	dma.local [hbm:s3], $0xF7A  }
0x26: {  	[smem:$0x3F9C] =	sst s1;
	(tag) =	ssettag s2;
	_ =	strace s9  }
0x27: {  	s1 =	sld [smem:$0x3FAC]  }
0x28: {  	s2 =	sld [smem:$0x3FAD]  }
0x29: {  	s4 =	sld [smem:$0x3FAF]  }
0x2a: {  	p0 =	seq.s32 s5, $0x0;
	s5 =	sld [smem:$0x3FB0]  }
0x2b: {  	s6 =	sld [smem:$0x3FB1]  }
0x2c: {  	s7 =	sld [smem:$0x3FB2]  }
0x2d: {  	s3 =	simm.s32 $0x108;
	s8 =	sld [smem:$0x3FB3]  }
0x2e: {  	s3 =	simm.s32 @!p0 $0x1082;
	s9 =	sld [smem:$0x3FB4]  }
0x2f: {  	lr =	sadd.s32 s0, s3;
	s0 =	sld [smem:$0x3FAB]  }
0x30: {  	s3 =	sld [smem:$0x3FAE]  }
0x31: {  	[smem:$0x3FB7] =	sst s10  }
0x32: {  	s10 =	sld [smem:$0x3FB5];
	_ =	sdelay $0x3  }
0x33: {  	p0 =	seq.s32 s10, $0x1;
	s10 =	sld [smem:$0x3FB7];
	_ =	sdelay $0x3  }
0x34: {  	[smem:$0x3FB7] =	sst s10  }
0x35: {  	s10 =	sld [smem:$0x3FB6];
	_ =	sdelay $0x3  }
0x36: {  	p1 =	seq.s32 s10, $0x1;
	s10 =	sld [smem:$0x3FB7];
	_ =	sdelay $0x3  }
0x37: {  	[smem:$0x3FB7] =	sst s10  }
0x38: {  	s10 =	sld [smem:$0x3FB8]  }
0x39: {  	_ = 	snop;
	(pc) =	sbr.ind lr, $3  }
0x3a: {  	_ = 	snop  }
0x3b: {  	_ = 	snop  }
0x3c: {  	p2 =	seq.s32 s10, $0x1;
	s10 =	sld [smem:$0x3FB7]  }
0x3d: {  	_ =	shalt  }
0x3e: {  	_ =	shalt  }
0x3f: {  	_ =	shalt  }
0x40: {  	_ =	shalt  }
0x41: {  	_ =	shalt  }
0x42: {  	_ =	shalt  }
0x43: {  	_ =	shalt  }
0x44: {  	_ =	shalt  }
0x45: {  	_ =	shalt  }
0x46: {  	_ =	shalt  }
0x47: {  	_ =	shalt  }
0x48: {  	_ =	shalt  }
0x49: {  	_ =	shalt  }
0x4a: {  	_ =	shalt  }
0x4b: {  	_ =	shalt  }
0x4c: {  	_ =	shalt  }
0x4d: {  	_ =	shalt  }
0x4e: {  	_ =	shalt  }
0x4f: {  	_ =	shalt  }
0x50: {  	_ =	shalt  }
0x51: {  	_ =	shalt  }
0x52: {  	_ =	shalt  }
0x53: {  	_ =	shalt  }
0x54: {  	_ =	shalt  }
0x55: {  	_ =	shalt  }
0x56: {  	_ =	shalt  }
0x57: {  	_ =	shalt  }
0x58: {  	_ =	shalt  }
0x59: {  	_ =	shalt  }
0x5a: {  	_ =	shalt  }
0x5b: {  	_ =	shalt  }
0x5c: {  	_ =	shalt  }
0x5d: {  	_ =	shalt  }
0x5e: {  	_ =	shalt  }
0x5f: {  	_ =	shalt  }
0x60: {  	_ =	shalt  }
0x61: {  	_ =	shalt  }
0x62: {  	_ =	shalt  }
0x63: {  	_ =	shalt  }
0x64: {  	_ =	shalt  }
0x65: {  	_ =	shalt  }
0x66: {  	_ =	shalt  }
0x67: {  	_ =	shalt  }
0x68: {  	_ =	shalt  }
0x69: {  	_ =	shalt  }
0x6a: {  	_ =	shalt  }
0x6b: {  	_ =	shalt  }
0x6c: {  	_ =	shalt  }
0x6d: {  	_ =	shalt  }
0x6e: {  	_ =	shalt  }
0x6f: {  	_ =	shalt  }
0x70: {  	_ =	shalt  }
0x71: {  	_ =	shalt  }
0x72: {  	_ =	shalt  }
0x73: {  	_ =	shalt  }
0x74: {  	_ =	shalt  }
0x75: {  	_ =	shalt  }
0x76: {  	_ =	shalt  }
0x77: {  	_ =	shalt  }
0x78: {  	_ =	shalt  }
0x79: {  	_ =	shalt  }
0x7a: {  	_ =	shalt  }
0x7b: {  	_ =	shalt  }
0x7c: {  	_ =	shalt  }
0x7d: {  	_ =	shalt  }
0x7e: {  	_ =	shalt  }
0x7f: {  	_ =	shalt  }
0x80: {  	_ =	shalt  }
0x81: {  	_ =	shalt  }
0x82: {  	_ =	shalt  }
0x83: {  	_ =	shalt  }
0x84: {  	_ =	shalt  }
0x85: {  	_ =	shalt  }
0x86: {  	_ =	shalt  }
0x87: {  	_ =	shalt  }
.Lfunc_end0:
.L_simem_size_0:
called_computation_lowered:
.L_overlay_start_0:
0x88: {  	s2 =	sld [smem:$0x3FD9]  }
0x89: {  	s3 =	sld [smem:$0x3FFE];
	_ =	sdelay $0x1  }
0x8a: {  	s1 =	srdreg.scid  }
0x8b: {  	s0 =	sand.u32 $0x1, s1  }
0x8c: {  	s17 =	sshll.u32 s0, $0xA;
	s2 =	sadd.s32 s3, s2  }
0x8d: {  	s2 =	sadd.s32 s2, s17  }
0x8e: {  	[smem:$0x3FC3] =	sst s2  }
0x8f: {  	_ = 	snop  }
0x90: {  	s2 =	sld [smem:$0x3FC5]  }
0x91: {  	s18 =	sld [smem:$0x3FD0];
	(tm) =	ssettm $0x1  }
0x92: {  	s4 =	sld [smem:$0x3FFB];
	_ =	sdelay $0x3  }
0x93: {  	_ =	strace s4  }
0x94: {  	s4 =	sld [smem:$0x3FFC];
	_ =	sdelay $0x3  }
0x95: {  	_ =	strace s4  }
0x96: {  	s4 =	sld [smem:$0x3FFD];
	_ =	sdelay $0x3  }
0x97: {  	_ =	strace s4  }
0x98: {  	_ =	strace $0x8FFFFFFF  }
0x99: {  	s19 =	sld [smem:$0x3FDB];
	_ =	sdelay $0x1  }
0x9a: {  	s5 =	simm.s32 $_scs_section_size  }
0x9b: {  	s6 =	simm.s32 $_size__tile_overlayer_lowered;
	s7 =	simm.s32 $_tile_overlayer_lowered  }
0x9c: {  	s22 =	simm.s32 $0x1BFF;
	s21 =	sshll.u32 s7, $0x1;
	s4 =	sadd.s32 s5, s19  }
0x9d: {  	s8 =	simm.s32 $0x0;
	s20 =	sshll.u32 s6, $0x1;
	s6 =	sadd.s32 s21, s4  }
0x9e: {  	[timem:s8], [sflag:s22] =	dma.local [hbm:s6], s20  }
0x9f: {  	_ =	swait.ge [sflag:s22], s20  }
0xa0: {  	s5 =	ssub.s32 $0x0, s20;
	[sflag:s22] =	ssyncset.done $0x0  }
0xa1: {  	[sflag:s22] =	ssyncadd.s32 s5;
	_ =	sdelay $0x1  }
0xa2: {  	s23 =	simm.s32 $0x1B8B  }
0xa3: {  	_ =	swait.ge [sflag:s23], $0x1  }
0xa4: {  	[sflag:s23] =	ssyncset.done $0x0  }
0xa5: {  	s25 =	simm.s32 $0x1B8E;
	s24 =	sld [smem:$0x3FFE];
	[sflag:s23] =	ssyncadd.s32 $0xFFFFFFFF  }
0xa6: {  	s26 =	simm.s32 $execute0_lowered;
	[smem:$0x3FD2] =	sst s25  }
0xa7: {  	s6 =	sshll.u32 s26, $0x1;
	_ =	strace $0x80000046;
	[dreg:$0x1] =	wrdreg $0xFFFFFFFF  }
0xa8: {  	s28 =	simm.s32 $_size_execute0_lowered;
	s4 =	sadd.s32 s4, s6;
	[dreg:$0x0] =	wrdreg $0x0  }
0xa9: {  	s6 =	sshll.u32 s28, $0x1;
	[dreg:$0x2] =	wrdreg s4  }
0xaa: {  	[dreg:$0x3] =	wrdreg s6  }
0xab: {  	[dreg:$0x4] =	wrdreg $0xC0  }
0xac: {  	_ =	task [dreg:s8], $0x5FFFF  }
0xad: {  	[dreg:$0x1] =	wrdreg $0xFFFFFFFF  }
0xae: {  	[dreg:$0x0] =	wrdreg $0x60  }
0xaf: {  	[dreg:$0x2] =	wrdreg s18  }
0xb0: {  	[dreg:$0x3] =	wrdreg s24  }
0xb1: {  	[dreg:$0x4] =	wrdreg s2  }
0xb2: {  	[dreg:$0x5] =	wrdreg $0x10FA00  }
0xb3: {  	[dreg:$0x6] =	wrdreg $0x10D200  }
0xb4: {  	[dreg:$0x7] =	wrdreg $0x9  }
0xb5: {  	_ =	task.clear_ibuf [dreg:s8], $0x8FFFF;
	_ =	strace $0x90000046  }
0xb6: {  	s29 =	simm.s32 $0x9;
	_ =	strace $0x80000048  }
0xb7: {  	_ =	swait.ge [sflag:s29], $0x1  }
0xb8: {  	[sflag:s29] =	ssyncadd.s32 $0xFFFFFFFF  }
0xb9: {  	_ =	strace $0x90000048  }
0xba: {  	_ =	sfence  }
0xbb: {  	s30 =	sld [smem:$0x0];
	_ =	sdelay $0x2  }
0xbc: {  	s31 =	sshll.u32 s1, $0xD;
	s1 =	sshrl.u32 s1, $0x2  }
0xbd: {  	s3 =	sand.u32 $0x4000, s31;
	s1 =	sadd.s32 s1, s30  }
0xbe: {  	s0 =	sor.u32 s3, s0;
	s1 =	sshll.u32 s1, $0x11  }
0xbf: {  	s0 =	sor.u32 s1, s0  }
0xc0: {  	s0 =	sadd.s32 $0x8F2B, s0  }
0xc1: {  	[sflag:s0] =	ssyncadd.remote.s32 $0x1  }
0xc2: {  	_ =	sfence.sel $0xFFFF  }
0xc3: {  	[dreg:$0x0] =	wrdreg $0xFFFFFFFF;
	(pc) =	sbr.abs _section_cstart, $3  }
0xc4: {  	[dreg:$0x1] =	wrdreg $0xFFFFFFFF  }
0xc5: {  	_ =	task.clear_ibuf [dreg:s8], $0x2FFFF;
	_ =	strace $0x9FFFFFFF  }
0xc6: {  	(tm) =	ssettm $0x7FFFFFFF  }
0xc7: {  	_ =	shalt  }
tec
execute0_lowered:
.L_overlay_start_1:
0x0: {  	(tag) =	ssettag $0x1  }
0x1: {  	s0 =	rddreg [dreg:$0x0]  }
0x2: {  	s1 =	rddreg [dreg:$0x1]  }
0x3: {  	s2 =	rddreg [dreg:$0x3]  }
0x4: {  	s3 =	rddreg [dreg:$0x4]  }
0x5: {  	s4 =	simm.s32 $0x0;
	s21 =	srdreg.scid;
	s22 =	stileid.u32  }
0x6: {  	s30 =	simm.s32 $0x1400;
	[smem:$0x7FF] =	sst s4;
	s5 =	sadd.s32 $0x800, s1  }
0x7: {  	s6 =	sadd.s32 $0x1200, s1;
	_ =	strace $0x80000047;
	[dreg:$0x6] =	wrdreg s5  }
0x8: {  	s31 =	simm.s32 $0x80;
	s8 =	sadd.s32 $0xB200, s1;
	[dreg:$0x7] =	wrdreg s6  }
0x9: {  	s4 =	sand.u32 $0x1, s21;
	s11 =	sadd.s32 $0x500, s3;
	[dreg:$0x8] =	wrdreg s8  }
0xa: {  	s7 =	smul.u32 $0x28000, s22;
	s12 =	sadd.s32 $0x780, s3;
	[dreg:$0x11] =	wrdreg s11  }
0xb: {  	s14 =	smul.u32 $0x5000, s22;
	s13 =	sadd.s32 $0xA00, s3;
	[dreg:$0x12] =	wrdreg s12  }
0xc: {  	s16 =	sadd.s32 $0xC80, s3;
	p0 =	sne.s32 s22, $0x0;
	[dreg:$0x13] =	wrdreg s13  }
0xd: {  	s19 =	sadd.s32 $0xF00, s3;
	s20 =	sadd.s32 $0x1180, s3;
	[dreg:$0x14] =	wrdreg s16  }
0xe: {  	s21 =	sadd.s32 $0x1400, s3;
	s23 =	sshll.u32 s4, $0x3;
	[dreg:$0x15] =	wrdreg s19  }
0xf: {  	s24 =	ssub.s32 $0x2, s4;
	s8 =	smul.u32 $0x280, s22;
	[dreg:$0x16] =	wrdreg s20  }
0x10: {  	s26 =	smul.u32 $0x13880, s4;
	s17 =	sshll.u32 s4, $0x6;
	[dreg:$0x17] =	wrdreg s21  }
0x11: {  	s22 =	sadd.s32 $0x1680, s3;
	s20 =	simm.s32 $0x8A20;
	s1 =	sadd.s32 s23, s1  }
0x12: {  	s7 =	sshrl.u32 s7, $0x2;
	[dreg:$0x18] =	wrdreg s22;
	s23 =	sadd.s32 $0x1900, s3  }
0x13: {  	s4 =	simm.s32 $0xEA20;
	s25 =	sadd.s32 s7, s2;
	[dreg:$0x19] =	wrdreg s23  }
0x14: {  	s9 =	sshrl.u32 s24, $0x1;
	s7 =	sadd.s32 s8, s3;
	[dreg:$0x9] =	wrdreg s25  }
0x15: {  	s6 =	ssub.s32 s24, s9;
	s24 =	sadd.s32 $0x1B80, s3;
	[dreg:$0xe] =	wrdreg s7  }
0x16: {  	s15 =	sadd.s32 s0, s26;
	s26 =	sadd.s32 $0x2080, s3;
	[dreg:$0x1a] =	wrdreg s24  }
0x17: {  	s5 =	simm.s32 $0x3;
	s10 =	sadd.s32 $0x2000, s25;
	[dreg:$0x1c] =	wrdreg s26  }
0x18: {  	s22 =	simm.s32 $0xAA20;
	s28 =	sadd.s32 $0x4000, s25;
	[dreg:$0xa] =	wrdreg s10  }
0x19: {  	s18 =	sadd.s32 $0x15200, s1;
	s29 =	sadd.s32 $0x6000, s25;
	[dreg:$0xb] =	wrdreg s28  }
0x1a: {  	s23 =	simm.s32 $0x2800;
	s9 =	sadd.s32 $0x8000, s25;
	[dreg:$0xc] =	wrdreg s29  }
0x1b: {  	s0 =	simm.s32 $0x5;
	s25 =	sadd.s32 $0x1E00, s3;
	[dreg:$0xd] =	wrdreg s9  }
0x1c: {  	s1 =	simm.s32 $0x1;
	s9 =	smax.u32 s6, $0x1;
	[dreg:$0x1b] =	wrdreg s25  }
0x1d: {  	s24 =	simm.s32 $0x7;
	s10 =	sadd.s32 $0x280, s3;
	[dreg:$0xf] =	wrdreg s9  }
0x1e: {  	s26 =	simm.s32 $0xCA20;
	s28 =	sadd.s32 $0x2300, s3;
	[dreg:$0x10] =	wrdreg s10  }
0x1f: {  	s7 =	simm.s32 $0x0;
	s29 =	sadd.s32 $0x2580, s3;
	[dreg:$0x1d] =	wrdreg s28  }
0x20: {  	v0 =	vimm.f32 $0.0e+00;
	s25 =	simm.s32 $0x2;
	[dreg:$0x1e] =	wrdreg s29;
	s10 =	simm.s32 $0x4  }
.LBB2_1:
0x21: {  	[dreg:$0x1f] =	wrdreg s7  }
0x22: {  	s28 =	simm.s32 $0x0;
	s6 =	rddreg [dreg:$0x6]  }
0x23: {  	[tilespmem:s23], [sflag:$0x7] =	stream.linear.gather [hbm4b:s6+s28], $0x4E20, $0x38;
	[tilespmem:$0x1AFA0] =	vst v63  }
0x24: {  	_ =	swait.ge [sflag:s24], $0x4E20  }
0x25: {  	[sflag:s24] =	ssyncset.done $0x0  }
0x26: {  	[sflag:s24] =	ssyncadd.s32 $0xFFFFB1E0  }
0x27: {  	s9 =	simm.s32 $0x10CA0;
	s29 =	rddreg [dreg:$0x2]  }
0x28: {  	[tilespmem:s9], [sflag:$0x7] =	stream.linear.gather [hbm4b:s29+s28], $0x80, $0x38;
	[tilespmem:$0x1AFA0] =	vst v63  }
0x29: {  	_ =	swait.ge [sflag:s24], $0x80  }
0x2a: {  	[sflag:s24] =	ssyncset.done $0x0  }
0x2b: {  	[sflag:s24] =	ssyncadd.s32 $0xFFFFFF80  }
0x2c: {  	[tilespmem:$0x10A20] =	vst v0  }
0x2d: {  	[tilespmem:$0x10A30] =	vst v0  }
0x2e: {  	[tilespmem:$0x10A40] =	vst v0  }
0x2f: {  	[tilespmem:$0x10A50] =	vst v0  }
0x30: {  	[tilespmem:$0x10A60] =	vst v0  }
0x31: {  	[tilespmem:$0x10A70] =	vst v0  }
0x32: {  	[tilespmem:$0x10A80] =	vst v0  }
0x33: {  	[tilespmem:$0x10A90] =	vst v0  }
0x34: {  	[tilespmem:$0x10AA0] =	vst v0  }
0x35: {  	[tilespmem:$0x10AB0] =	vst v0  }
0x36: {  	[tilespmem:$0x10AC0] =	vst v0  }
0x37: {  	[tilespmem:$0x10AD0] =	vst v0  }
0x38: {  	[tilespmem:$0x10AE0] =	vst v0  }
0x39: {  	[tilespmem:$0x10AF0] =	vst v0  }
0x3a: {  	[tilespmem:$0x10B00] =	vst v0  }
0x3b: {  	[tilespmem:$0x10B10] =	vst v0  }
0x3c: {  	[tilespmem:$0x10B20] =	vst v0  }
0x3d: {  	[tilespmem:$0x10B30] =	vst v0  }
0x3e: {  	[tilespmem:$0x10B40] =	vst v0  }
0x3f: {  	[tilespmem:$0x10B50] =	vst v0  }
0x40: {  	[tilespmem:$0x10B60] =	vst v0  }
0x41: {  	[tilespmem:$0x10B70] =	vst v0  }
0x42: {  	[tilespmem:$0x10B80] =	vst v0  }
0x43: {  	[tilespmem:$0x10B90] =	vst v0  }
0x44: {  	[tilespmem:$0x10BA0] =	vst v0  }
0x45: {  	[tilespmem:$0x10BB0] =	vst v0  }
0x46: {  	[tilespmem:$0x10BC0] =	vst v0  }
0x47: {  	[tilespmem:$0x10BD0] =	vst v0  }
0x48: {  	[tilespmem:$0x10BE0] =	vst v0  }
0x49: {  	[tilespmem:$0x10BF0] =	vst v0  }
0x4a: {  	[tilespmem:$0x10C00] =	vst v0  }
0x4b: {  	[tilespmem:$0x10C10] =	vst v0  }
0x4c: {  	[tilespmem:$0x10C20] =	vst v0  }
0x4d: {  	[tilespmem:$0x10C30] =	vst v0  }
0x4e: {  	[tilespmem:$0x10C40] =	vst v0  }
0x4f: {  	[tilespmem:$0x10C50] =	vst v0  }
0x50: {  	[tilespmem:$0x10C60] =	vst v0  }
0x51: {  	[tilespmem:$0x10C70] =	vst v0  }
0x52: {  	[tilespmem:$0x10C80] =	vst v0  }
0x53: {  	s7 =	simm.s32 $0x100;
	s6 =	simm.s32 $0x0;
	[tilespmem:$0x10C90] =	vst v0  }
.LBB2_2:
0x54: {  	p1 =	sne.s32 s7, $0x7F00;
	[tilespmem:s6+$0xCA50] =	vst v0;
	s9 =	smov.u32 s7;
	s7 =	sadd.s32 $0x100, s7  }
.Ltmp0:
0x55: {  	[tilespmem:s6+$0xCA40] =	vst v0;
	(pc) =	sbr.rel @p1 .LBB2_2-.Ltmp0, $3  }
0x56: {  	[tilespmem:s6+$0xCA20] =	vst v0  }
0x57: {  	[tilespmem:s6+$0xCA30] =	vst v0;
	_ =	sdelay $0x1  }
0x58: {  	s6 =	sshra.s32 s9, $0x2  }
0x59: {  	[tilespmem:s6+$0xCA50] =	vst v0  }
0x5a: {  	[tilespmem:s6+$0xCA40] =	vst v0  }
0x5b: {  	[tilespmem:s6+$0xCA20] =	vst v0  }
0x5c: {  	[tilespmem:s6+$0xCA30] =	vst v0;
	s16 =	rddreg [dreg:$0x9]  }
0x5d: {  	[spmem:s16] =	stream.linear.scatter [tilespmem:s26], [sflag:$0x6], $0x2000, $0x38;
	[tilespmem:$0x1AFA0] =	vst v63  }
0x5e: {  	s19 =	rddreg [dreg:$0xa]  }
0x5f: {  	[spmem:s19] =	stream.linear.scatter [tilespmem:s26], [sflag:$0x6], $0x2000, $0x38;
	[tilespmem:$0x1AFA0] =	vst v63  }
0x60: {  	s21 =	rddreg [dreg:$0xb]  }
0x61: {  	[spmem:s21] =	stream.linear.scatter [tilespmem:s26], [sflag:$0x6], $0x2000, $0x38;
	[tilespmem:$0x1AFA0] =	vst v63  }
.Ltmp1:
0x62: {  	_ = 	snop;
	(pc) =	sbr.rel @p0 .LBB2_5-.Ltmp1, $4  }
0x63: {  	s28 =	rddreg [dreg:$0xc]  }
0x64: {  	[spmem:s28] =	stream.linear.scatter [tilespmem:s26], [sflag:$0x6], $0x2000, $0x38;
	[tilespmem:$0x1AFA0] =	vst v63  }
0x65: {  	s29 =	rddreg [dreg:$0xd]  }
0x66: {  	[spmem:s29] =	stream.linear.scatter [tilespmem:s26], [sflag:$0x6], $0x2000, $0x38;
	[tilespmem:$0x1AFA0] =	vst v63  }
0x67: {  	s7 =	simm.s32 $0x10A20  }
0x68: {  	[spmem:s3] =	stream.linear.scatter [tilespmem:s7], [sflag:$0x7], $0x280, $0x38;
	[tilespmem:$0x1AFA0] =	vst v63  }
0x69: {  	_ =	swait.ge [sflag:s24], $0x280  }
0x6a: {  	[sflag:s24] =	ssyncset.done $0x0  }
0x6b: {  	s6 =	rddreg [dreg:$0x10];
	[sflag:s24] =	ssyncadd.s32 $0xFFFFFD80  }
0x6c: {  	[spmem:s6] =	stream.linear.scatter [tilespmem:s7], [sflag:$0x7], $0x280, $0x38;
	[tilespmem:$0x1AFA0] =	vst v63  }
0x6d: {  	_ =	swait.ge [sflag:s24], $0x280  }
0x6e: {  	[sflag:s24] =	ssyncset.done $0x0  }
0x6f: {  	s16 =	rddreg [dreg:$0x11];
	[sflag:s24] =	ssyncadd.s32 $0xFFFFFD80  }
0x70: {  	[spmem:s16] =	stream.linear.scatter [tilespmem:s7], [sflag:$0x7], $0x280, $0x38;
	[tilespmem:$0x1AFA0] =	vst v63  }
0x71: {  	_ =	swait.ge [sflag:s24], $0x280  }
0x72: {  	[sflag:s24] =	ssyncset.done $0x0  }
0x73: {  	s19 =	rddreg [dreg:$0x12];
	[sflag:s24] =	ssyncadd.s32 $0xFFFFFD80  }
0x74: {  	[spmem:s19] =	stream.linear.scatter [tilespmem:s7], [sflag:$0x7], $0x280, $0x38;
	[tilespmem:$0x1AFA0] =	vst v63  }
0x75: {  	_ =	swait.ge [sflag:s24], $0x280  }
0x76: {  	[sflag:s24] =	ssyncset.done $0x0  }
0x77: {  	s21 =	rddreg [dreg:$0x13];
	[sflag:s24] =	ssyncadd.s32 $0xFFFFFD80  }
0x78: {  	[spmem:s21] =	stream.linear.scatter [tilespmem:s7], [sflag:$0x7], $0x280, $0x38;
	[tilespmem:$0x1AFA0] =	vst v63  }
0x79: {  	_ =	swait.ge [sflag:s24], $0x280  }
0x7a: {  	[sflag:s24] =	ssyncset.done $0x0  }
0x7b: {  	s28 =	rddreg [dreg:$0x14];
	[sflag:s24] =	ssyncadd.s32 $0xFFFFFD80  }
0x7c: {  	[spmem:s28] =	stream.linear.scatter [tilespmem:s7], [sflag:$0x7], $0x280, $0x38;
	[tilespmem:$0x1AFA0] =	vst v63  }
0x7d: {  	_ =	swait.ge [sflag:s24], $0x280  }
0x7e: {  	[sflag:s24] =	ssyncset.done $0x0  }
0x7f: {  	s29 =	rddreg [dreg:$0x15];
	[sflag:s24] =	ssyncadd.s32 $0xFFFFFD80  }
0x80: {  	[spmem:s29] =	stream.linear.scatter [tilespmem:s7], [sflag:$0x7], $0x280, $0x38;
	[tilespmem:$0x1AFA0] =	vst v63  }
0x81: {  	_ =	swait.ge [sflag:s24], $0x280  }
0x82: {  	[sflag:s24] =	ssyncset.done $0x0  }
0x83: {  	s9 =	rddreg [dreg:$0x16];
	[sflag:s24] =	ssyncadd.s32 $0xFFFFFD80  }
0x84: {  	[spmem:s9] =	stream.linear.scatter [tilespmem:s7], [sflag:$0x7], $0x280, $0x38;
	[tilespmem:$0x1AFA0] =	vst v63  }
0x85: {  	_ =	swait.ge [sflag:s24], $0x280  }
0x86: {  	[sflag:s24] =	ssyncset.done $0x0  }
0x87: {  	s11 =	rddreg [dreg:$0x17];
	[sflag:s24] =	ssyncadd.s32 $0xFFFFFD80  }
0x88: {  	[spmem:s11] =	stream.linear.scatter [tilespmem:s7], [sflag:$0x7], $0x280, $0x38;
	[tilespmem:$0x1AFA0] =	vst v63  }
0x89: {  	_ =	swait.ge [sflag:s24], $0x280  }
0x8a: {  	[sflag:s24] =	ssyncset.done $0x0  }
0x8b: {  	s12 =	rddreg [dreg:$0x18];
	[sflag:s24] =	ssyncadd.s32 $0xFFFFFD80  }
0x8c: {  	[spmem:s12] =	stream.linear.scatter [tilespmem:s7], [sflag:$0x7], $0x280, $0x38;
	[tilespmem:$0x1AFA0] =	vst v63  }
0x8d: {  	_ =	swait.ge [sflag:s24], $0x280  }
0x8e: {  	[sflag:s24] =	ssyncset.done $0x0  }
0x8f: {  	s13 =	rddreg [dreg:$0x19];
	[sflag:s24] =	ssyncadd.s32 $0xFFFFFD80  }
0x90: {  	[spmem:s13] =	stream.linear.scatter [tilespmem:s7], [sflag:$0x7], $0x280, $0x38;
	[tilespmem:$0x1AFA0] =	vst v63  }
0x91: {  	_ =	swait.ge [sflag:s24], $0x280  }
0x92: {  	[sflag:s24] =	ssyncset.done $0x0  }
0x93: {  	s16 =	rddreg [dreg:$0x1a];
	[sflag:s24] =	ssyncadd.s32 $0xFFFFFD80  }
0x94: {  	[spmem:s16] =	stream.linear.scatter [tilespmem:s7], [sflag:$0x7], $0x280, $0x38;
	[tilespmem:$0x1AFA0] =	vst v63  }
0x95: {  	_ =	swait.ge [sflag:s24], $0x280  }
0x96: {  	[sflag:s24] =	ssyncset.done $0x0  }
0x97: {  	s19 =	rddreg [dreg:$0x1b];
	[sflag:s24] =	ssyncadd.s32 $0xFFFFFD80  }
0x98: {  	[spmem:s19] =	stream.linear.scatter [tilespmem:s7], [sflag:$0x7], $0x280, $0x38;
	[tilespmem:$0x1AFA0] =	vst v63  }
0x99: {  	_ =	swait.ge [sflag:s24], $0x280  }
0x9a: {  	[sflag:s24] =	ssyncset.done $0x0  }
0x9b: {  	s21 =	rddreg [dreg:$0x1c];
	[sflag:s24] =	ssyncadd.s32 $0xFFFFFD80  }
0x9c: {  	[spmem:s21] =	stream.linear.scatter [tilespmem:s7], [sflag:$0x7], $0x280, $0x38;
	[tilespmem:$0x1AFA0] =	vst v63  }
0x9d: {  	_ =	swait.ge [sflag:s24], $0x280  }
0x9e: {  	[sflag:s24] =	ssyncset.done $0x0  }
0x9f: {  	s28 =	rddreg [dreg:$0x1d];
	[sflag:s24] =	ssyncadd.s32 $0xFFFFFD80  }
0xa0: {  	[spmem:s28] =	stream.linear.scatter [tilespmem:s7], [sflag:$0x7], $0x280, $0x38;
	[tilespmem:$0x1AFA0] =	vst v63  }
0xa1: {  	_ =	swait.ge [sflag:s24], $0x280  }
0xa2: {  	[sflag:s24] =	ssyncset.done $0x0  }
0xa3: {  	s29 =	rddreg [dreg:$0x1e];
	[sflag:s24] =	ssyncadd.s32 $0xFFFFFD80  }
0xa4: {  	[spmem:s29] =	stream.linear.scatter [tilespmem:s7], [sflag:$0x7], $0x280, $0x38;
	[tilespmem:$0x1AFA0] =	vst v63  }
0xa5: {  	_ =	swait.ge [sflag:s24], $0x280  }
0xa6: {  	[sflag:s24] =	ssyncset.done $0x0  }
0xa7: {  	[sflag:s24] =	ssyncadd.s32 $0xFFFFFD80  }
.LBB2_5:
0xa8: {  	s6 =	simm.s32 $0x6  }
0xa9: {  	_ =	swait.ge [sflag:s6], $0x2000  }
0xaa: {  	[sflag:s6] =	ssyncset.done $0x0  }
0xab: {  	[sflag:s6] =	ssyncadd.s32 $0xFFFFE000  }
0xac: {  	_ =	swait.ge [sflag:s6], $0x2000  }
0xad: {  	[sflag:s6] =	ssyncset.done $0x0  }
0xae: {  	[sflag:s6] =	ssyncadd.s32 $0xFFFFE000  }
0xaf: {  	_ =	swait.ge [sflag:s6], $0x2000  }
0xb0: {  	[sflag:s6] =	ssyncset.done $0x0  }
0xb1: {  	[sflag:s6] =	ssyncadd.s32 $0xFFFFE000  }
0xb2: {  	_ =	swait.ge [sflag:s6], $0x2000  }
0xb3: {  	[sflag:s6] =	ssyncset.done $0x0  }
0xb4: {  	[sflag:s6] =	ssyncadd.s32 $0xFFFFE000  }
.Ltmp2:
0xb5: {  	_ =	swait.ge [sflag:s6], $0x2000;
	(pc) =	sbr.rel .LBB2_6-.Ltmp2, $4  }
0xb6: {  	[sflag:s6] =	ssyncset.done $0x0  }
0xb7: {  	[sflag:s6] =	ssyncadd.s32 $0xFFFFE000  }
0xb8: {  	[bflag:$0x0] =	sbarrier.arrive $0xFFFF  }
0xb9: {  	s13 =	simm.s32 $0x0;
	s16 =	simm.s32 $0x0  }
.LBB2_15:
0xba: {  	[spmem:s2] =	stream.indirect.scatter.add.f32 [tilespmem:s4], [sflag:$0x4], $0x40, s7, s31, $0xb8;
	[tilespmem:$0x1AFA0] =	vst v63  }
0xbb: {  	s16 =	sadd.s32 $0x1, s16  }
0xbc: {  	_ =	swait.ge [sflag:s5], $0x2000;
	p1 =	sne.s32 s16, $0x4  }
.Ltmp3:
0xbd: {  	[sflag:s5] =	ssyncset.done $0x0;
	(pc) =	sbr.rel @!p1 .LBB2_16-.Ltmp3, $4  }
0xbe: {  	[sflag:s5] =	ssyncadd.s32 $0xFFFFE000  }
0xbf: {  	_ =	swait.ge [sflag:s10], $0x2000  }
0xc0: {  	[sflag:s10] =	ssyncset.done $0x0  }
0xc1: {  	[sflag:s10] =	ssyncadd.s32 $0xFFFFE000  }
.LBB2_6:
0xc2: {  	s6 =	smul.u32 $0x1400, s16;
	_ =	sdelay $0x1  }
0xc3: {  	s6 =	sadd.s32 s14, s6  }
0xc4: {  	s7 =	rddreg [dreg:$0x7];
	s6 =	sshrl.u32 s6, $0x3  }
0xc5: {  	s7 =	sadd.s32 s7, s6  }
0xc6: {  	[tilespmem:s30], [sflag:$0x7] =	stream.linear.gather [hbm4b:s7+s13], $0x1400, $0x38;
	[tilespmem:$0x1AFA0] =	vst v63  }
0xc7: {  	_ =	swait.ge [sflag:s24], $0x1400  }
0xc8: {  	[sflag:s24] =	ssyncset.done $0x0;
	s29 =	rddreg [dreg:$0x8]  }
0xc9: {  	[sflag:s24] =	ssyncadd.s32 $0xFFFFEC00;
	s6 =	sadd.s32 s29, s6  }
0xca: {  	[tilespmem:s13], [sflag:$0x7] =	stream.linear.gather [hbm4b:s6+s13], $0x1400, $0x38;
	[tilespmem:$0x1AFA0] =	vst v63  }
0xcb: {  	_ =	swait.ge [sflag:s24], $0x1400  }
0xcc: {  	[sflag:s24] =	ssyncset.done $0x0  }
0xcd: {  	s9 =	simm.s32 $0x0;
	[sflag:s24] =	ssyncadd.s32 $0xFFFFEC00  }
0xce: {  	v1 =	vld [tilespmem:s9+$0x1400]  }
0xcf: {  	v2 =	vld [tilespmem:s9+$0x0];
	_ =	sdelay $0x4  }
0xd0: {  	v1 =	vshll.u32 v1, $0x1;
	v2 =	vshll.u32 v2, $0x1  }
0xd1: {  	v1 =	vor.u32 $0x1, v1;
	_ =	sdelay $0x3  }
0xd2: {  	v2 =	vld.idx.msk [tilespmem:v2+s23+$0x0], $0xffff  }
0xd3: {  	v1 =	vld.idx.msk [tilespmem:v1+s23+$0x0], $0xffff;
	_ =	sdelay $0x4  }
0xd4: {  	v1 =	vadd.f32 v1, v2;
	_ =	sdelay $0x1  }
0xd5: {  	v2 =	vmul.f32 $2.000000030e-01, v1  }
0xd6: {  	vm0 =	vge.f32 v1, $0.0e+00  }
0xd7: {  	v1 =	vsel vm0, v1, v2  }
0xd8: {  	v1 =	vmul.f32 $1.442695020e+00, v1;
	_ =	sdelay $0x1  }
0xd9: {  	v2 =	vld [tilespmem:s9+$0x1410];
	(erf) = vpow2.f32 v1  }
0xda: {  	v1 =	vld [tilespmem:s9+$0x10];
	_ =	sdelay $0x4  }
0xdb: {  	v2 =	vshll.u32 v2, $0x1;
	v1 =	vshll.u32 v1, $0x1  }
0xdc: {  	v2 =	vor.u32 $0x1, v2;
	_ =	sdelay $0x1  }
0xdd: {  	v3 =	vpop (erf)  }
0xde: {  	[tilespmem:s9+$0x7620] =	vst v3  }
0xdf: {  	v1 =	vld.idx.msk [tilespmem:v1+s23+$0x0], $0xffff  }
0xe0: {  	v2 =	vld.idx.msk [tilespmem:v2+s23+$0x0], $0xffff;
	_ =	sdelay $0x4  }
0xe1: {  	v1 =	vadd.f32 v2, v1;
	_ =	sdelay $0x1  }
0xe2: {  	v2 =	vmul.f32 $2.000000030e-01, v1  }
0xe3: {  	vm9 =	vge.f32 v1, $0.0e+00  }
0xe4: {  	v1 =	vsel vm9, v1, v2  }
0xe5: {  	v1 =	vmul.f32 $1.442695020e+00, v1;
	_ =	sdelay $0x1  }
0xe6: {  	v2 =	vld [tilespmem:s9+$0x1420];
	(erf) = vpow2.f32 v1  }
0xe7: {  	v1 =	vld [tilespmem:s9+$0x20];
	_ =	sdelay $0x4  }
0xe8: {  	v2 =	vshll.u32 v2, $0x1;
	v1 =	vshll.u32 v1, $0x1  }
0xe9: {  	v2 =	vor.u32 $0x1, v2;
	_ =	sdelay $0x1  }
0xea: {  	v3 =	vpop (erf)  }
0xeb: {  	[tilespmem:s9+$0x7630] =	vst v3  }
0xec: {  	v1 =	vld.idx.msk [tilespmem:v1+s23+$0x0], $0xffff  }
0xed: {  	v2 =	vld.idx.msk [tilespmem:v2+s23+$0x0], $0xffff;
	_ =	sdelay $0x4  }
0xee: {  	v1 =	vadd.f32 v2, v1;
	_ =	sdelay $0x1  }
0xef: {  	v2 =	vmul.f32 $2.000000030e-01, v1  }
0xf0: {  	vm10 =	vge.f32 v1, $0.0e+00  }
0xf1: {  	v1 =	vsel vm10, v1, v2  }
0xf2: {  	v1 =	vmul.f32 $1.442695020e+00, v1;
	_ =	sdelay $0x1  }
0xf3: {  	v2 =	vld [tilespmem:s9+$0x1430];
	(erf) = vpow2.f32 v1  }
0xf4: {  	v1 =	vld [tilespmem:s9+$0x30];
	_ =	sdelay $0x4  }
0xf5: {  	v2 =	vshll.u32 v2, $0x1;
	v1 =	vshll.u32 v1, $0x1  }
0xf6: {  	v2 =	vor.u32 $0x1, v2;
	_ =	sdelay $0x1  }
0xf7: {  	v3 =	vpop (erf)  }
0xf8: {  	[tilespmem:s9+$0x7640] =	vst v3  }
0xf9: {  	v1 =	vld.idx.msk [tilespmem:v1+s23+$0x0], $0xffff  }
0xfa: {  	v2 =	vld.idx.msk [tilespmem:v2+s23+$0x0], $0xffff;
	_ =	sdelay $0x4  }
0xfb: {  	v1 =	vadd.f32 v2, v1;
	_ =	sdelay $0x1  }
0xfc: {  	v2 =	vmul.f32 $2.000000030e-01, v1  }
0xfd: {  	vm11 =	vge.f32 v1, $0.0e+00  }
0xfe: {  	v1 =	vsel vm11, v1, v2  }
0xff: {  	v1 =	vmul.f32 $1.442695020e+00, v1;
	_ =	sdelay $0x1  }
0x100: {  	v2 =	vld [tilespmem:s9+$0x1440];
	(erf) = vpow2.f32 v1  }
0x101: {  	v1 =	vld [tilespmem:s9+$0x40];
	_ =	sdelay $0x4  }
0x102: {  	v2 =	vshll.u32 v2, $0x1;
	v1 =	vshll.u32 v1, $0x1  }
0x103: {  	v2 =	vor.u32 $0x1, v2;
	_ =	sdelay $0x1  }
0x104: {  	v3 =	vpop (erf)  }
0x105: {  	[tilespmem:s9+$0x7650] =	vst v3  }
0x106: {  	v1 =	vld.idx.msk [tilespmem:v1+s23+$0x0], $0xffff  }
0x107: {  	v2 =	vld.idx.msk [tilespmem:v2+s23+$0x0], $0xffff;
	_ =	sdelay $0x4  }
0x108: {  	v1 =	vadd.f32 v2, v1;
	_ =	sdelay $0x1  }
0x109: {  	v2 =	vmul.f32 $2.000000030e-01, v1  }
0x10a: {  	vm12 =	vge.f32 v1, $0.0e+00  }
0x10b: {  	v1 =	vsel vm12, v1, v2  }
0x10c: {  	v1 =	vmul.f32 $1.442695020e+00, v1;
	_ =	sdelay $0x1  }
0x10d: {  	v2 =	vld [tilespmem:s9+$0x1450];
	(erf) = vpow2.f32 v1  }
0x10e: {  	v1 =	vld [tilespmem:s9+$0x50];
	_ =	sdelay $0x4  }
0x10f: {  	v2 =	vshll.u32 v2, $0x1;
	v1 =	vshll.u32 v1, $0x1  }
0x110: {  	v2 =	vor.u32 $0x1, v2;
	_ =	sdelay $0x1  }
0x111: {  	v3 =	vpop (erf)  }
0x112: {  	[tilespmem:s9+$0x7660] =	vst v3  }
0x113: {  	v1 =	vld.idx.msk [tilespmem:v1+s23+$0x0], $0xffff  }
0x114: {  	v2 =	vld.idx.msk [tilespmem:v2+s23+$0x0], $0xffff;
	_ =	sdelay $0x4  }
0x115: {  	v1 =	vadd.f32 v2, v1;
	_ =	sdelay $0x1  }
0x116: {  	v2 =	vmul.f32 $2.000000030e-01, v1  }
0x117: {  	vm13 =	vge.f32 v1, $0.0e+00  }
0x118: {  	v1 =	vsel vm13, v1, v2  }
0x119: {  	v1 =	vmul.f32 $1.442695020e+00, v1;
	_ =	sdelay $0x1  }
0x11a: {  	v2 =	vld [tilespmem:s9+$0x1460];
	(erf) = vpow2.f32 v1  }
0x11b: {  	v1 =	vld [tilespmem:s9+$0x60];
	_ =	sdelay $0x4  }
0x11c: {  	v2 =	vshll.u32 v2, $0x1;
	v1 =	vshll.u32 v1, $0x1  }
0x11d: {  	v2 =	vor.u32 $0x1, v2;
	_ =	sdelay $0x1  }
0x11e: {  	v3 =	vpop (erf)  }
0x11f: {  	[tilespmem:s9+$0x7670] =	vst v3  }
0x120: {  	v1 =	vld.idx.msk [tilespmem:v1+s23+$0x0], $0xffff  }
0x121: {  	v2 =	vld.idx.msk [tilespmem:v2+s23+$0x0], $0xffff;
	_ =	sdelay $0x4  }
0x122: {  	v1 =	vadd.f32 v2, v1;
	_ =	sdelay $0x1  }
0x123: {  	v2 =	vmul.f32 $2.000000030e-01, v1  }
0x124: {  	vm14 =	vge.f32 v1, $0.0e+00  }
0x125: {  	v1 =	vsel vm14, v1, v2  }
0x126: {  	v1 =	vmul.f32 $1.442695020e+00, v1;
	_ =	sdelay $0x1  }
0x127: {  	v2 =	vld [tilespmem:s9+$0x1470];
	(erf) = vpow2.f32 v1  }
0x128: {  	v1 =	vld [tilespmem:s9+$0x70];
	_ =	sdelay $0x4  }
0x129: {  	v2 =	vshll.u32 v2, $0x1;
	v1 =	vshll.u32 v1, $0x1  }
0x12a: {  	v2 =	vor.u32 $0x1, v2;
	_ =	sdelay $0x1  }
0x12b: {  	v3 =	vpop (erf)  }
0x12c: {  	[tilespmem:s9+$0x7680] =	vst v3  }
0x12d: {  	v1 =	vld.idx.msk [tilespmem:v1+s23+$0x0], $0xffff  }
0x12e: {  	v2 =	vld.idx.msk [tilespmem:v2+s23+$0x0], $0xffff;
	_ =	sdelay $0x4  }
0x12f: {  	v1 =	vadd.f32 v2, v1;
	_ =	sdelay $0x1  }
0x130: {  	v2 =	vmul.f32 $2.000000030e-01, v1  }
0x131: {  	vm15 =	vge.f32 v1, $0.0e+00  }
0x132: {  	v1 =	vsel vm15, v1, v2  }
0x133: {  	v1 =	vmul.f32 $1.442695020e+00, v1;
	_ =	sdelay $0x1  }
0x134: {  	s12 =	simm.s32 $0x200;
	s19 =	simm.s32 $0x0;
	(erf) = vpow2.f32 v1  }
.LBB2_7:
0x135: {  	_ =	sdelay $0x4  }
0x136: {  	s6 =	smov.u32 s12;
	s12 =	sadd.s32 $0x200, s12  }
0x137: {  	p1 =	sne.s32 s12, $0x5000  }
0x138: {  	p2 =	seq.s32 s19, $0x0;
	s19 =	smov.u32 s6  }
0x139: {  	s6 =	simm.s32 @!p2 $0x5;
	v1 =	vpop (erf)  }
0x13a: {  	[tilespmem:s9+$0x7690] =	vst v1  }
0x13b: {  	_ =	swait.ge @!p2 [sflag:s6], $0x80  }
0x13c: {  	s7 =	sadd.s32 $0x7620, s9;
	[sflag:s6] =	ssyncset.done @!p2 $0x0  }
0x13d: {  	s11 =	sshra.s32 s19, $0x2;
	[sflag:s6] =	ssyncadd.s32 @!p2 $0xFFFFFF80  }
0x13e: {  	[spmem:s3] =	stream.indirect.scatter.add.f32 [tilespmem:s7], [sflag:$0x5], $0x1, s9, s31, $0xb8;
	[tilespmem:$0x1AFA0] =	vst v63  }
0x13f: {  	s9 =	smov.u32 s11;
	v1 =	vld [tilespmem:s11+$0x1400]  }
0x140: {  	v2 =	vld [tilespmem:s9+$0x0];
	_ =	sdelay $0x3  }
0x141: {  	v1 =	vshll.u32 v1, $0x1  }
0x142: {  	v2 =	vshll.u32 v2, $0x1;
	v1 =	vor.u32 $0x1, v1;
	_ =	sdelay $0x4  }
0x143: {  	v1 =	vld.idx.msk [tilespmem:v1+s23+$0x0], $0xffff  }
0x144: {  	v2 =	vld.idx.msk [tilespmem:v2+s23+$0x0], $0xffff;
	_ =	sdelay $0x5  }
0x145: {  	v1 =	vadd.f32 v1, v2;
	_ =	sdelay $0x1  }
0x146: {  	v2 =	vmul.f32 $2.000000030e-01, v1  }
0x147: {  	vm0 =	vge.f32 v1, $0.0e+00  }
0x148: {  	v1 =	vsel vm0, v1, v2  }
0x149: {  	v1 =	vmul.f32 $1.442695020e+00, v1;
	_ =	sdelay $0x1  }
0x14a: {  	v2 =	vld [tilespmem:s9+$0x1410];
	(erf) = vpow2.f32 v1  }
0x14b: {  	v1 =	vld [tilespmem:s9+$0x10];
	_ =	sdelay $0x3  }
0x14c: {  	v2 =	vshll.u32 v2, $0x1  }
0x14d: {  	v1 =	vshll.u32 v1, $0x1  }
0x14e: {  	v2 =	vor.u32 $0x1, v2;
	_ =	sdelay $0x1  }
0x14f: {  	v3 =	vpop (erf)  }
0x150: {  	[tilespmem:s9+$0x7620] =	vst v3  }
0x151: {  	v1 =	vld.idx.msk [tilespmem:v1+s23+$0x0], $0xffff  }
0x152: {  	v2 =	vld.idx.msk [tilespmem:v2+s23+$0x0], $0xffff;
	_ =	sdelay $0x5  }
0x153: {  	v1 =	vadd.f32 v2, v1;
	_ =	sdelay $0x1  }
0x154: {  	v2 =	vmul.f32 $2.000000030e-01, v1  }
0x155: {  	vm0 =	vge.f32 v1, $0.0e+00  }
0x156: {  	v1 =	vsel vm0, v1, v2  }
0x157: {  	v1 =	vmul.f32 $1.442695020e+00, v1;
	_ =	sdelay $0x1  }
0x158: {  	v2 =	vld [tilespmem:s9+$0x1420];
	(erf) = vpow2.f32 v1  }
0x159: {  	v1 =	vld [tilespmem:s9+$0x20];
	_ =	sdelay $0x3  }
0x15a: {  	v2 =	vshll.u32 v2, $0x1  }
0x15b: {  	v1 =	vshll.u32 v1, $0x1  }
0x15c: {  	v2 =	vor.u32 $0x1, v2;
	_ =	sdelay $0x1  }
0x15d: {  	v3 =	vpop (erf)  }
0x15e: {  	[tilespmem:s9+$0x7630] =	vst v3  }
0x15f: {  	v1 =	vld.idx.msk [tilespmem:v1+s23+$0x0], $0xffff  }
0x160: {  	v2 =	vld.idx.msk [tilespmem:v2+s23+$0x0], $0xffff;
	_ =	sdelay $0x5  }
0x161: {  	v1 =	vadd.f32 v2, v1;
	_ =	sdelay $0x1  }
0x162: {  	v2 =	vmul.f32 $2.000000030e-01, v1  }
0x163: {  	vm0 =	vge.f32 v1, $0.0e+00  }
0x164: {  	v1 =	vsel vm0, v1, v2  }
0x165: {  	v1 =	vmul.f32 $1.442695020e+00, v1;
	_ =	sdelay $0x1  }
0x166: {  	v2 =	vld [tilespmem:s9+$0x1430];
	(erf) = vpow2.f32 v1  }
0x167: {  	v1 =	vld [tilespmem:s9+$0x30];
	_ =	sdelay $0x3  }
0x168: {  	v2 =	vshll.u32 v2, $0x1  }
0x169: {  	v1 =	vshll.u32 v1, $0x1  }
0x16a: {  	v2 =	vor.u32 $0x1, v2;
	_ =	sdelay $0x1  }
0x16b: {  	v3 =	vpop (erf)  }
0x16c: {  	[tilespmem:s9+$0x7640] =	vst v3  }
0x16d: {  	v1 =	vld.idx.msk [tilespmem:v1+s23+$0x0], $0xffff  }
0x16e: {  	v2 =	vld.idx.msk [tilespmem:v2+s23+$0x0], $0xffff;
	_ =	sdelay $0x5  }
0x16f: {  	v1 =	vadd.f32 v2, v1;
	_ =	sdelay $0x1  }
0x170: {  	v2 =	vmul.f32 $2.000000030e-01, v1  }
0x171: {  	vm0 =	vge.f32 v1, $0.0e+00  }
0x172: {  	v1 =	vsel vm0, v1, v2  }
0x173: {  	v1 =	vmul.f32 $1.442695020e+00, v1;
	_ =	sdelay $0x1  }
0x174: {  	v2 =	vld [tilespmem:s9+$0x1440];
	(erf) = vpow2.f32 v1  }
0x175: {  	v1 =	vld [tilespmem:s9+$0x40];
	_ =	sdelay $0x3  }
0x176: {  	v2 =	vshll.u32 v2, $0x1  }
0x177: {  	v1 =	vshll.u32 v1, $0x1  }
0x178: {  	v2 =	vor.u32 $0x1, v2;
	_ =	sdelay $0x1  }
0x179: {  	v3 =	vpop (erf)  }
0x17a: {  	[tilespmem:s9+$0x7650] =	vst v3  }
0x17b: {  	v1 =	vld.idx.msk [tilespmem:v1+s23+$0x0], $0xffff  }
0x17c: {  	v2 =	vld.idx.msk [tilespmem:v2+s23+$0x0], $0xffff;
	_ =	sdelay $0x5  }
0x17d: {  	v1 =	vadd.f32 v2, v1;
	_ =	sdelay $0x1  }
0x17e: {  	v2 =	vmul.f32 $2.000000030e-01, v1  }
0x17f: {  	vm0 =	vge.f32 v1, $0.0e+00  }
0x180: {  	v1 =	vsel vm0, v1, v2  }
0x181: {  	v1 =	vmul.f32 $1.442695020e+00, v1;
	_ =	sdelay $0x1  }
0x182: {  	v2 =	vld [tilespmem:s9+$0x1450];
	(erf) = vpow2.f32 v1  }
0x183: {  	v1 =	vld [tilespmem:s9+$0x50];
	_ =	sdelay $0x3  }
0x184: {  	v2 =	vshll.u32 v2, $0x1  }
0x185: {  	v1 =	vshll.u32 v1, $0x1  }
0x186: {  	v2 =	vor.u32 $0x1, v2;
	_ =	sdelay $0x1  }
0x187: {  	v3 =	vpop (erf)  }
0x188: {  	[tilespmem:s9+$0x7660] =	vst v3  }
0x189: {  	v1 =	vld.idx.msk [tilespmem:v1+s23+$0x0], $0xffff  }
0x18a: {  	v2 =	vld.idx.msk [tilespmem:v2+s23+$0x0], $0xffff;
	_ =	sdelay $0x5  }
0x18b: {  	v1 =	vadd.f32 v2, v1;
	_ =	sdelay $0x1  }
0x18c: {  	v2 =	vmul.f32 $2.000000030e-01, v1  }
0x18d: {  	vm0 =	vge.f32 v1, $0.0e+00  }
0x18e: {  	v1 =	vsel vm0, v1, v2  }
0x18f: {  	v1 =	vmul.f32 $1.442695020e+00, v1;
	_ =	sdelay $0x1  }
0x190: {  	v2 =	vld [tilespmem:s9+$0x1460];
	(erf) = vpow2.f32 v1  }
0x191: {  	v1 =	vld [tilespmem:s9+$0x60];
	_ =	sdelay $0x3  }
0x192: {  	v2 =	vshll.u32 v2, $0x1  }
0x193: {  	v1 =	vshll.u32 v1, $0x1  }
0x194: {  	v2 =	vor.u32 $0x1, v2;
	_ =	sdelay $0x1  }
0x195: {  	v3 =	vpop (erf)  }
0x196: {  	[tilespmem:s9+$0x7670] =	vst v3  }
0x197: {  	v1 =	vld.idx.msk [tilespmem:v1+s23+$0x0], $0xffff  }
0x198: {  	v2 =	vld.idx.msk [tilespmem:v2+s23+$0x0], $0xffff;
	_ =	sdelay $0x5  }
0x199: {  	v1 =	vadd.f32 v2, v1;
	_ =	sdelay $0x1  }
0x19a: {  	v2 =	vmul.f32 $2.000000030e-01, v1  }
0x19b: {  	vm0 =	vge.f32 v1, $0.0e+00  }
0x19c: {  	v1 =	vsel vm0, v1, v2  }
0x19d: {  	v1 =	vmul.f32 $1.442695020e+00, v1;
	_ =	sdelay $0x1  }
0x19e: {  	v2 =	vld [tilespmem:s9+$0x1470];
	(erf) = vpow2.f32 v1  }
0x19f: {  	v1 =	vld [tilespmem:s9+$0x70];
	_ =	sdelay $0x3  }
0x1a0: {  	v2 =	vshll.u32 v2, $0x1  }
0x1a1: {  	v1 =	vshll.u32 v1, $0x1;
	v2 =	vor.u32 $0x1, v2;
	_ =	sdelay $0x2  }
0x1a2: {  	v3 =	vpop (erf)  }
0x1a3: {  	[tilespmem:s9+$0x7680] =	vst v3  }
0x1a4: {  	v1 =	vld.idx.msk [tilespmem:v1+s23+$0x0], $0xffff  }
0x1a5: {  	v2 =	vld.idx.msk [tilespmem:v2+s23+$0x0], $0xffff;
	_ =	sdelay $0x5  }
0x1a6: {  	v1 =	vadd.f32 v2, v1;
	_ =	sdelay $0x1  }
0x1a7: {  	vm0 =	vge.f32 v1, $0.0e+00;
	v2 =	vmul.f32 $2.000000030e-01, v1  }
.Ltmp4:
0x1a8: {  	(pc) =	sbr.rel @p1 .LBB2_7-.Ltmp4, $3  }
0x1a9: {  	v1 =	vsel vm0, v1, v2  }
0x1aa: {  	v1 =	vmul.f32 $1.442695020e+00, v1;
	_ =	sdelay $0x1  }
0x1ab: {  	(erf) = vpow2.f32 v1  }
0x1ac: {  	_ =	sdelay $0x7  }
0x1ad: {  	p1 =	seq.s32 s19, $0x0;
	v1 =	vpop (erf)  }
0x1ae: {  	s6 =	simm.s32 @!p1 $0x5;
	[tilespmem:s9+$0x7690] =	vst v1  }
0x1af: {  	_ =	swait.ge @!p1 [sflag:s6], $0x80  }
0x1b0: {  	[sflag:s6] =	ssyncset.done @!p1 $0x0  }
0x1b1: {  	s7 =	sadd.s32 $0x7620, s9;
	[sflag:s6] =	ssyncadd.s32 @!p1 $0xFFFFFF80  }
0x1b2: {  	[spmem:s3] =	stream.indirect.scatter.add.f32 [tilespmem:s7], [sflag:$0x5], $0x1, s9, s31, $0xb8;
	[tilespmem:$0x1AFA0] =	vst v63  }
0x1b3: {  	_ =	swait.ge [sflag:s0], $0x80  }
0x1b4: {  	[sflag:s0] =	ssyncset.done $0x0  }
0x1b5: {  	s29 =	simm.s32 $0x1480;
	[sflag:s0] =	ssyncadd.s32 $0xFFFFFF80  }
0x1b6: {  	[tilespmem:s20], [sflag:$0x1] =	stream.indirect.gather [hbm4b:s15+s31], $0x40, s30, s31, $0xb8;
	[tilespmem:$0x1AFA0] =	vst v63  }
0x1b7: {  	s19 =	simm.s32 $0x0;
	s28 =	simm.s32 $0x76A0;
	s6 =	simm.s32 $0x7620  }
0x1b8: {  	[tilespmem:s22], [sflag:$0x2] =	stream.indirect.gather [hbm4b:s15+s31], $0x40, s29, s31, $0xb8;
	[tilespmem:$0x1AFA0] =	vst v63  }
.LBB2_9:
0x1b9: {  	_ =	swait.ge [sflag:s1], $0x2000  }
0x1ba: {  	p1 =	seq.s32 s19, $0x0;
	[sflag:s1] =	ssyncset.done $0x0  }
0x1bb: {  	s7 =	simm.s32 @!p1 $0x3;
	[sflag:s1] =	ssyncadd.s32 $0xFFFFE000  }
0x1bc: {  	_ =	swait.ge @!p1 [sflag:s7], $0x2000  }
0x1bd: {  	[sflag:s7] =	ssyncset.done @!p1 $0x0  }
0x1be: {  	s29 =	simm.s32 $0x0;
	[sflag:s7] =	ssyncadd.s32 @!p1 $0xFFFFE000  }
0x1bf: {  	v25 =	vld [tilespmem:s29+$0x8A20]  }
0x1c0: {  	v26 =	vld [tilespmem:s29+$0x8A30]  }
0x1c1: {  	v24 =	vld [tilespmem:s29+$0x8A40]  }
0x1c2: {  	v23 =	vld [tilespmem:s29+$0x8A50]  }
0x1c3: {  	v21 =	vld [tilespmem:s29+$0x8A60]  }
0x1c4: {  	v22 =	vld [tilespmem:s29+$0x8A70]  }
0x1c5: {  	v20 =	vld [tilespmem:s29+$0x8A80]  }
0x1c6: {  	v19 =	vld [tilespmem:s29+$0x8A90]  }
0x1c7: {  	v17 =	vld [tilespmem:s29+$0x8AA0]  }
0x1c8: {  	v18 =	vld [tilespmem:s29+$0x8AB0]  }
0x1c9: {  	v16 =	vld [tilespmem:s29+$0x8AC0]  }
0x1ca: {  	v15 =	vld [tilespmem:s29+$0x8AD0]  }
0x1cb: {  	v13 =	vld [tilespmem:s29+$0x8AE0]  }
0x1cc: {  	v14 =	vld [tilespmem:s29+$0x8AF0]  }
0x1cd: {  	v11 =	vld [tilespmem:s29+$0x8B00]  }
0x1ce: {  	v12 =	vld [tilespmem:s29+$0x8B10]  }
0x1cf: {  	v9 =	vld [tilespmem:s29+$0x8B20]  }
0x1d0: {  	v10 =	vld [tilespmem:s29+$0x8B30]  }
0x1d1: {  	v8 =	vld [tilespmem:s29+$0x8B40]  }
0x1d2: {  	v7 =	vld [tilespmem:s29+$0x8B50]  }
0x1d3: {  	v5 =	vld [tilespmem:s29+$0x8B60]  }
0x1d4: {  	v6 =	vld [tilespmem:s29+$0x8B70]  }
0x1d5: {  	v4 =	vld [tilespmem:s29+$0x8B80]  }
0x1d6: {  	v3 =	vld [tilespmem:s29+$0x8B90]  }
0x1d7: {  	s21 =	sshll.u32 s19, $0xA;
	v2 =	vld [tilespmem:s29+$0x8BA0]  }
0x1d8: {  	s11 =	simm.s32 $0x1000;
	s9 =	smov.u32 s6;
	s12 =	sor.u32 $0x200, s21;
	v1 =	vld [tilespmem:s6+$0x0]  }
.LBB2_10:
0x1d9: {  	p2 =	sne.s32 s11, $0x7000;
	v27 =	vld [tilespmem:s29+$0x8BB0]  }
0x1da: {  	v28 =	vld [tilespmem:s29+$0x8BC0]  }
0x1db: {  	v29 =	vld [tilespmem:s29+$0x8BD0]  }
0x1dc: {  	v30 =	vld [tilespmem:s29+$0x8BE0]  }
0x1dd: {  	v31 =	vbroadcast v1, $0x0;
	v32 =	vbroadcast v1, $0x1;
	v33 =	vld [tilespmem:s29+$0x8BF0]  }
0x1de: {  	v34 =	vbroadcast v1, $0x2;
	v35 =	vbroadcast v1, $0x3;
	v36 =	vld [tilespmem:s29+$0x8C00]  }
0x1df: {  	v25 =	vmul.f32 v25, v31;
	v26 =	vmul.f32 v26, v31;
	v37 =	vld [tilespmem:s29+$0x8C10]  }
0x1e0: {  	v24 =	vmul.f32 v24, v31;
	v23 =	vmul.f32 v23, v31;
	v31 =	vld [tilespmem:s29+$0x8C20]  }
0x1e1: {  	v21 =	vmul.f32 v21, v32;
	v22 =	vmul.f32 v22, v32;
	[tilespmem:s29+$0xCA20] =	vst v25;
	v25 =	vld [tilespmem:s29+$0x8C30]  }
0x1e2: {  	v20 =	vmul.f32 v20, v32;
	v19 =	vmul.f32 v19, v32;
	[tilespmem:s29+$0xCA30] =	vst v26;
	v26 =	vld [tilespmem:s29+$0x8C40]  }
0x1e3: {  	v17 =	vmul.f32 v17, v34;
	v18 =	vmul.f32 v18, v34;
	[tilespmem:s29+$0xCA40] =	vst v24;
	v24 =	vld [tilespmem:s29+$0x8C50]  }
0x1e4: {  	v16 =	vmul.f32 v16, v34;
	v15 =	vmul.f32 v15, v34;
	[tilespmem:s29+$0xCA50] =	vst v23;
	v23 =	vld [tilespmem:s29+$0x8C60]  }
0x1e5: {  	v13 =	vmul.f32 v13, v35;
	v14 =	vmul.f32 v14, v35;
	[tilespmem:s29+$0xCA60] =	vst v21;
	v21 =	vld [tilespmem:s29+$0x8C70]  }
0x1e6: {  	v11 =	vmul.f32 v11, v35;
	v12 =	vmul.f32 v12, v35;
	[tilespmem:s29+$0xCA70] =	vst v22;
	v22 =	vld [tilespmem:s29+$0x8C80]  }
0x1e7: {  	v32 =	vbroadcast v1, $0x5;
	[tilespmem:s29+$0xCA80] =	vst v20;
	v20 =	vbroadcast v1, $0x4;
	v34 =	vld [tilespmem:s29+$0x8C90]  }
0x1e8: {  	v35 =	vbroadcast v1, $0x7;
	[tilespmem:s29+$0xCA90] =	vst v19;
	v19 =	vbroadcast v1, $0x6;
	v38 =	vld [tilespmem:s29+$0x8CA0]  }
0x1e9: {  	[tilespmem:s29+$0xCAA0] =	vst v17;
	v9 =	vmul.f32 v9, v20;
	v10 =	vmul.f32 v10, v20;
	v17 =	vld [tilespmem:s29+$0x8CB0]  }
0x1ea: {  	v8 =	vmul.f32 v8, v20;
	v7 =	vmul.f32 v7, v20;
	[tilespmem:s29+$0xCAB0] =	vst v18;
	v18 =	vld [tilespmem:s29+$0x8CC0]  }
0x1eb: {  	v5 =	vmul.f32 v5, v32;
	v6 =	vmul.f32 v6, v32;
	[tilespmem:s29+$0xCAC0] =	vst v16;
	v16 =	vld [tilespmem:s29+$0x8CD0]  }
0x1ec: {  	v4 =	vmul.f32 v4, v32;
	v3 =	vmul.f32 v3, v32;
	[tilespmem:s29+$0xCAD0] =	vst v15;
	v15 =	vld [tilespmem:s29+$0x8CE0]  }
0x1ed: {  	v2 =	vmul.f32 v2, v19;
	[tilespmem:s29+$0xCAE0] =	vst v13;
	v13 =	vmul.f32 v27, v19;
	v20 =	vld [tilespmem:s29+$0x8CF0]  }
0x1ee: {  	[tilespmem:s29+$0xCAF0] =	vst v14;
	v14 =	vmul.f32 v28, v19;
	v19 =	vmul.f32 v29, v19;
	v27 =	vld [tilespmem:s29+$0x8D00]  }
0x1ef: {  	v28 =	vmul.f32 v33, v35;
	[tilespmem:s29+$0xCB00] =	vst v11;
	v11 =	vmul.f32 v30, v35;
	v29 =	vld [tilespmem:s29+$0x8D10]  }
0x1f0: {  	v30 =	vmul.f32 v37, v35;
	[tilespmem:s29+$0xCB10] =	vst v12;
	v12 =	vmul.f32 v36, v35;
	v32 =	vld [tilespmem:s29+$0x8D20]  }
0x1f1: {  	v33 =	vbroadcast v1, $0x9;
	[tilespmem:s29+$0xCB20] =	vst v9;
	v9 =	vbroadcast v1, $0x8;
	v35 =	vld [tilespmem:s29+$0x8D30]  }
0x1f2: {  	v36 =	vbroadcast v1, $0xB;
	[tilespmem:s29+$0xCB30] =	vst v10;
	v10 =	vbroadcast v1, $0xA;
	v37 =	vld [tilespmem:s29+$0x8D40]  }
0x1f3: {  	[tilespmem:s29+$0xCB40] =	vst v8;
	v8 =	vmul.f32 v31, v9;
	v25 =	vmul.f32 v25, v9;
	v31 =	vld [tilespmem:s29+$0x8D50]  }
0x1f4: {  	[tilespmem:s29+$0xCB50] =	vst v7;
	v7 =	vmul.f32 v26, v9;
	v9 =	vmul.f32 v24, v9;
	v24 =	vld [tilespmem:s29+$0x8D60]  }
0x1f5: {  	v21 =	vmul.f32 v21, v33;
	[tilespmem:s29+$0xCB60] =	vst v5;
	v5 =	vmul.f32 v23, v33;
	v23 =	vld [tilespmem:s29+$0x8D70]  }
0x1f6: {  	[tilespmem:s29+$0xCB70] =	vst v6;
	v6 =	vmul.f32 v22, v33;
	v22 =	vmul.f32 v34, v33;
	v26 =	vld [tilespmem:s29+$0x8D80]  }
0x1f7: {  	v17 =	vmul.f32 v17, v10;
	[tilespmem:s29+$0xCB80] =	vst v4;
	v4 =	vmul.f32 v38, v10;
	v33 =	vld [tilespmem:s29+$0x8D90]  }
0x1f8: {  	[tilespmem:s29+$0xCB90] =	vst v3;
	v3 =	vmul.f32 v18, v10;
	v10 =	vmul.f32 v16, v10;
	v16 =	vld [tilespmem:s29+$0x8DA0]  }
0x1f9: {  	[tilespmem:s29+$0xCBA0] =	vst v2;
	v2 =	vmul.f32 v15, v36;
	v15 =	vmul.f32 v20, v36;
	v18 =	vld [tilespmem:s29+$0x8DB0]  }
0x1fa: {  	[tilespmem:s29+$0xCBB0] =	vst v13;
	v13 =	vmul.f32 v27, v36;
	v27 =	vmul.f32 v29, v36;
	v20 =	vld [tilespmem:s29+$0x8DC0]  }
0x1fb: {  	v29 =	vbroadcast v1, $0xD;
	[tilespmem:s29+$0xCBC0] =	vst v14;
	v14 =	vbroadcast v1, $0xC;
	v34 =	vld [tilespmem:s29+$0x8DD0]  }
0x1fc: {  	[tilespmem:s29+$0xCBD0] =	vst v19;
	v19 =	vbroadcast v1, $0xE;
	v1 =	vbroadcast v1, $0xF;
	v36 =	vld [tilespmem:s29+$0x8DE0]  }
0x1fd: {  	[tilespmem:s29+$0xCBE0] =	vst v11;
	v11 =	vmul.f32 v32, v14;
	v32 =	vmul.f32 v35, v14;
	v35 =	vld [tilespmem:s29+$0x8DF0]  }
0x1fe: {  	[tilespmem:s29+$0xCBF0] =	vst v28;
	v28 =	vmul.f32 v37, v14;
	v14 =	vmul.f32 v31, v14;
	v31 =	vld [tilespmem:s29+$0x8E00]  }
0x1ff: {  	v37 =	vmul.f32 v23, v29;
	[tilespmem:s29+$0xCC00] =	vst v12;
	v12 =	vmul.f32 v24, v29;
	v23 =	vld [tilespmem:s29+$0x8E10]  }
0x200: {  	[tilespmem:s29+$0xCC10] =	vst v30;
	v30 =	vmul.f32 v26, v29;
	v29 =	vmul.f32 v33, v29  }
0x201: {  	v33 =	vmul.f32 v18, v19;
	[tilespmem:s29+$0xCC20] =	vst v8;
	v8 =	vmul.f32 v16, v19  }
0x202: {  	v38 =	vmul.f32 v20, v19;
	v34 =	vmul.f32 v34, v19;
	[tilespmem:s29+$0xCC30] =	vst v25  }
0x203: {  	v36 =	vmul.f32 v36, v1;
	v35 =	vmul.f32 v35, v1;
	[tilespmem:s29+$0xCC40] =	vst v7  }
0x204: {  	v31 =	vmul.f32 v31, v1;
	[tilespmem:s29+$0xCC50] =	vst v9;
	v1 =	vmul.f32 v23, v1  }
0x205: {  	[tilespmem:s29+$0xCC60] =	vst v5  }
0x206: {  	[tilespmem:s29+$0xCC70] =	vst v21  }
0x207: {  	s7 =	sshra.s32 s11, $0x2;
	[tilespmem:s29+$0xCC80] =	vst v6  }
0x208: {  	v25 =	vld [tilespmem:s7+$0x8A20];
	[tilespmem:s29+$0xCC90] =	vst v22  }
0x209: {  	v26 =	vld [tilespmem:s7+$0x8A30];
	[tilespmem:s29+$0xCCA0] =	vst v4  }
0x20a: {  	v24 =	vld [tilespmem:s7+$0x8A40];
	[tilespmem:s29+$0xCCB0] =	vst v17  }
0x20b: {  	v23 =	vld [tilespmem:s7+$0x8A50];
	[tilespmem:s29+$0xCCC0] =	vst v3  }
0x20c: {  	v21 =	vld [tilespmem:s7+$0x8A60];
	[tilespmem:s29+$0xCCD0] =	vst v10  }
0x20d: {  	v22 =	vld [tilespmem:s7+$0x8A70];
	[tilespmem:s29+$0xCCE0] =	vst v2  }
0x20e: {  	v20 =	vld [tilespmem:s7+$0x8A80];
	[tilespmem:s29+$0xCCF0] =	vst v15  }
0x20f: {  	v19 =	vld [tilespmem:s7+$0x8A90];
	[tilespmem:s29+$0xCD00] =	vst v13  }
0x210: {  	v17 =	vld [tilespmem:s7+$0x8AA0];
	[tilespmem:s29+$0xCD10] =	vst v27  }
0x211: {  	v18 =	vld [tilespmem:s7+$0x8AB0];
	[tilespmem:s29+$0xCD20] =	vst v11  }
0x212: {  	v16 =	vld [tilespmem:s7+$0x8AC0];
	[tilespmem:s29+$0xCD30] =	vst v32  }
0x213: {  	v15 =	vld [tilespmem:s7+$0x8AD0];
	[tilespmem:s29+$0xCD40] =	vst v28  }
0x214: {  	v13 =	vld [tilespmem:s7+$0x8AE0];
	[tilespmem:s29+$0xCD50] =	vst v14  }
0x215: {  	v14 =	vld [tilespmem:s7+$0x8AF0];
	[tilespmem:s29+$0xCD60] =	vst v12  }
0x216: {  	v11 =	vld [tilespmem:s7+$0x8B00];
	[tilespmem:s29+$0xCD70] =	vst v37  }
0x217: {  	v12 =	vld [tilespmem:s7+$0x8B10];
	[tilespmem:s29+$0xCD80] =	vst v30  }
0x218: {  	v9 =	vld [tilespmem:s7+$0x8B20];
	[tilespmem:s29+$0xCD90] =	vst v29  }
0x219: {  	v10 =	vld [tilespmem:s7+$0x8B30];
	[tilespmem:s29+$0xCDA0] =	vst v8  }
0x21a: {  	v8 =	vld [tilespmem:s7+$0x8B40];
	[tilespmem:s29+$0xCDB0] =	vst v33  }
0x21b: {  	v7 =	vld [tilespmem:s7+$0x8B50];
	[tilespmem:s29+$0xCDC0] =	vst v38  }
0x21c: {  	v5 =	vld [tilespmem:s7+$0x8B60];
	[tilespmem:s29+$0xCDD0] =	vst v34  }
.Ltmp5:
0x21d: {  	v6 =	vld [tilespmem:s7+$0x8B70];
	[tilespmem:s29+$0xCDE0] =	vst v36;
	(pc) =	sbr.rel @p2 .LBB2_10-.Ltmp5, $4  }
0x21e: {  	v4 =	vld [tilespmem:s7+$0x8B80];
	[tilespmem:s29+$0xCDF0] =	vst v35  }
0x21f: {  	v3 =	vld [tilespmem:s7+$0x8B90];
	[tilespmem:s29+$0xCE00] =	vst v31  }
0x220: {  	s9 =	sadd.s32 $0x10, s9;
	v2 =	vld [tilespmem:s7+$0x8BA0];
	[tilespmem:s29+$0xCE10] =	vst v1;
	s29 =	smov.u32 s7  }
0x221: {  	s11 =	sadd.s32 $0x1000, s11;
	v1 =	vld [tilespmem:s9+$0x0]  }
0x222: {  	_ =	sdelay $0x3  }
0x223: {  	v31 =	vbroadcast v1, $0x0;
	_ =	sdelay $0x1  }
0x224: {  	v25 =	vmul.f32 v25, v31  }
0x225: {  	v26 =	vmul.f32 v26, v31  }
0x226: {  	v36 =	vbroadcast v1, $0x1;
	v24 =	vmul.f32 v24, v31;
	[tilespmem:s29+$0xCA20] =	vst v25  }
0x227: {  	v23 =	vmul.f32 v23, v31;
	[tilespmem:s29+$0xCA30] =	vst v26  }
0x228: {  	v21 =	vmul.f32 v21, v36;
	[tilespmem:s29+$0xCA40] =	vst v24  }
0x229: {  	v22 =	vmul.f32 v22, v36;
	[tilespmem:s29+$0xCA50] =	vst v23  }
0x22a: {  	v48 =	vbroadcast v1, $0x2;
	v20 =	vmul.f32 v20, v36;
	[tilespmem:s29+$0xCA60] =	vst v21  }
0x22b: {  	v19 =	vmul.f32 v19, v36;
	[tilespmem:s29+$0xCA70] =	vst v22  }
0x22c: {  	v17 =	vmul.f32 v17, v48;
	[tilespmem:s29+$0xCA80] =	vst v20  }
0x22d: {  	v18 =	vmul.f32 v18, v48;
	[tilespmem:s29+$0xCA90] =	vst v19  }
0x22e: {  	v49 =	vbroadcast v1, $0x3;
	v16 =	vmul.f32 v16, v48;
	[tilespmem:s29+$0xCAA0] =	vst v17  }
0x22f: {  	v15 =	vmul.f32 v15, v48;
	[tilespmem:s29+$0xCAB0] =	vst v18  }
0x230: {  	v13 =	vmul.f32 v13, v49;
	[tilespmem:s29+$0xCAC0] =	vst v16  }
0x231: {  	v14 =	vmul.f32 v14, v49;
	[tilespmem:s29+$0xCAD0] =	vst v15  }
0x232: {  	v50 =	vbroadcast v1, $0x4;
	v11 =	vmul.f32 v11, v49;
	[tilespmem:s29+$0xCAE0] =	vst v13  }
0x233: {  	v12 =	vmul.f32 v12, v49;
	[tilespmem:s29+$0xCAF0] =	vst v14  }
0x234: {  	v9 =	vmul.f32 v9, v50;
	[tilespmem:s29+$0xCB00] =	vst v11  }
0x235: {  	v10 =	vmul.f32 v10, v50;
	[tilespmem:s29+$0xCB10] =	vst v12  }
0x236: {  	v51 =	vbroadcast v1, $0x5;
	v8 =	vmul.f32 v8, v50;
	[tilespmem:s29+$0xCB20] =	vst v9  }
0x237: {  	v7 =	vmul.f32 v7, v50;
	[tilespmem:s29+$0xCB30] =	vst v10  }
0x238: {  	v27 =	vld [tilespmem:s29+$0x8BB0];
	v5 =	vmul.f32 v5, v51;
	[tilespmem:s29+$0xCB40] =	vst v8  }
0x239: {  	v28 =	vld [tilespmem:s29+$0x8BC0];
	v6 =	vmul.f32 v6, v51;
	[tilespmem:s29+$0xCB50] =	vst v7  }
0x23a: {  	v29 =	vld [tilespmem:s29+$0x8BD0];
	v52 =	vbroadcast v1, $0x6;
	v4 =	vmul.f32 v4, v51;
	[tilespmem:s29+$0xCB60] =	vst v5  }
0x23b: {  	v30 =	vld [tilespmem:s29+$0x8BE0];
	v3 =	vmul.f32 v3, v51;
	[tilespmem:s29+$0xCB70] =	vst v6  }
0x23c: {  	v32 =	vld [tilespmem:s29+$0x8BF0];
	v2 =	vmul.f32 v2, v52;
	[tilespmem:s29+$0xCB80] =	vst v4  }
0x23d: {  	v33 =	vld [tilespmem:s29+$0x8C00];
	v27 =	vmul.f32 v27, v52;
	[tilespmem:s29+$0xCB90] =	vst v3  }
0x23e: {  	v34 =	vld [tilespmem:s29+$0x8C10];
	v53 =	vbroadcast v1, $0x7;
	v28 =	vmul.f32 v28, v52;
	[tilespmem:s29+$0xCBA0] =	vst v2  }
0x23f: {  	v35 =	vld [tilespmem:s29+$0x8C20];
	v29 =	vmul.f32 v29, v52;
	[tilespmem:s29+$0xCBB0] =	vst v27  }
0x240: {  	v30 =	vmul.f32 v30, v53;
	v25 =	vld [tilespmem:s29+$0x8C30];
	[tilespmem:s29+$0xCBC0] =	vst v28  }
0x241: {  	v56 =	vmul.f32 v32, v53;
	v26 =	vld [tilespmem:s29+$0x8C40];
	[tilespmem:s29+$0xCBD0] =	vst v29  }
0x242: {  	v59 =	vbroadcast v1, $0x8;
	v58 =	vmul.f32 v33, v53;
	v24 =	vld [tilespmem:s29+$0x8C50];
	[tilespmem:s29+$0xCBE0] =	vst v30  }
0x243: {  	v34 =	vmul.f32 v34, v53;
	v23 =	vld [tilespmem:s29+$0x8C60];
	[tilespmem:s29+$0xCBF0] =	vst v56  }
0x244: {  	v61 =	vmul.f32 v35, v59;
	v21 =	vld [tilespmem:s29+$0x8C70];
	[tilespmem:s29+$0xCC00] =	vst v58  }
0x245: {  	v22 =	vld [tilespmem:s29+$0x8C80];
	[tilespmem:s29+$0xCC10] =	vst v34;
	v25 =	vmul.f32 v25, v59  }
0x246: {  	v63 =	vbroadcast v1, $0x9;
	v20 =	vld [tilespmem:s29+$0x8C90];
	[tilespmem:s29+$0xCC20] =	vst v61;
	v26 =	vmul.f32 v26, v59  }
0x247: {  	v19 =	vld [tilespmem:s29+$0x8CA0];
	v24 =	vmul.f32 v24, v59;
	[tilespmem:s29+$0xCC30] =	vst v25  }
0x248: {  	v17 =	vld [tilespmem:s29+$0x8CB0];
	v23 =	vmul.f32 v23, v63;
	[tilespmem:s29+$0xCC40] =	vst v26  }
0x249: {  	v18 =	vld [tilespmem:s29+$0x8CC0];
	v21 =	vmul.f32 v21, v63;
	[tilespmem:s29+$0xCC50] =	vst v24  }
0x24a: {  	v16 =	vld [tilespmem:s29+$0x8CD0];
	v22 =	vmul.f32 v22, v63;
	v24 =	vbroadcast v1, $0xA;
	[tilespmem:s29+$0xCC60] =	vst v23  }
0x24b: {  	v15 =	vld [tilespmem:s29+$0x8CE0];
	v20 =	vmul.f32 v20, v63;
	[tilespmem:s29+$0xCC70] =	vst v21  }
0x24c: {  	v13 =	vld [tilespmem:s29+$0x8CF0];
	[tilespmem:s29+$0xCC80] =	vst v22;
	v19 =	vmul.f32 v19, v24  }
0x24d: {  	v14 =	vld [tilespmem:s29+$0x8D00];
	[tilespmem:s29+$0xCC90] =	vst v20;
	v17 =	vmul.f32 v17, v24  }
0x24e: {  	v11 =	vld [tilespmem:s29+$0x8D10];
	v20 =	vbroadcast v1, $0xB;
	v18 =	vmul.f32 v18, v24;
	[tilespmem:s29+$0xCCA0] =	vst v19  }
0x24f: {  	v12 =	vld [tilespmem:s29+$0x8D20];
	v16 =	vmul.f32 v16, v24;
	[tilespmem:s29+$0xCCB0] =	vst v17  }
0x250: {  	v9 =	vld [tilespmem:s29+$0x8D30];
	v15 =	vmul.f32 v15, v20;
	[tilespmem:s29+$0xCCC0] =	vst v18  }
0x251: {  	v10 =	vld [tilespmem:s29+$0x8D40];
	v13 =	vmul.f32 v13, v20;
	[tilespmem:s29+$0xCCD0] =	vst v16  }
0x252: {  	v8 =	vld [tilespmem:s29+$0x8D50];
	v14 =	vmul.f32 v14, v20;
	v16 =	vbroadcast v1, $0xC;
	[tilespmem:s29+$0xCCE0] =	vst v15  }
0x253: {  	v7 =	vld [tilespmem:s29+$0x8D60];
	v11 =	vmul.f32 v11, v20;
	[tilespmem:s29+$0xCCF0] =	vst v13  }
0x254: {  	v5 =	vld [tilespmem:s29+$0x8D70];
	[tilespmem:s29+$0xCD00] =	vst v14;
	v12 =	vmul.f32 v12, v16  }
0x255: {  	v6 =	vld [tilespmem:s29+$0x8D80];
	[tilespmem:s29+$0xCD10] =	vst v11;
	v9 =	vmul.f32 v9, v16  }
0x256: {  	v4 =	vld [tilespmem:s29+$0x8D90];
	v11 =	vbroadcast v1, $0xD;
	v10 =	vmul.f32 v10, v16;
	[tilespmem:s29+$0xCD20] =	vst v12  }
0x257: {  	v3 =	vld [tilespmem:s29+$0x8DA0];
	v8 =	vmul.f32 v8, v16;
	[tilespmem:s29+$0xCD30] =	vst v9  }
0x258: {  	v2 =	vld [tilespmem:s29+$0x8DB0];
	v7 =	vmul.f32 v7, v11;
	[tilespmem:s29+$0xCD40] =	vst v10  }
0x259: {  	v27 =	vld [tilespmem:s29+$0x8DC0];
	v5 =	vmul.f32 v5, v11;
	[tilespmem:s29+$0xCD50] =	vst v8  }
0x25a: {  	v54 =	vld [tilespmem:s29+$0x8DD0];
	v6 =	vmul.f32 v6, v11;
	v8 =	vbroadcast v1, $0xE;
	[tilespmem:s29+$0xCD60] =	vst v7  }
0x25b: {  	v55 =	vld [tilespmem:s29+$0x8DE0];
	v4 =	vmul.f32 v4, v11;
	[tilespmem:s29+$0xCD70] =	vst v5  }
0x25c: {  	v57 =	vld [tilespmem:s29+$0x8DF0];
	[tilespmem:s29+$0xCD80] =	vst v6;
	v3 =	vmul.f32 v3, v8  }
0x25d: {  	v60 =	vld [tilespmem:s29+$0x8E00];
	[tilespmem:s29+$0xCD90] =	vst v4;
	v2 =	vmul.f32 v2, v8  }
0x25e: {  	v62 =	vld [tilespmem:s29+$0x8E10];
	v1 =	vbroadcast v1, $0xF;
	v4 =	vmul.f32 v27, v8;
	[tilespmem:s29+$0xCDA0] =	vst v3  }
0x25f: {  	v3 =	vmul.f32 v54, v8;
	[tilespmem:s29+$0xCDB0] =	vst v2  }
0x260: {  	v2 =	vmul.f32 v55, v1;
	[tilespmem:s29+$0xCDC0] =	vst v4  }
0x261: {  	v4 =	vmul.f32 v57, v1;
	[tilespmem:s29+$0xCDD0] =	vst v3  }
0x262: {  	v3 =	vmul.f32 v60, v1;
	[tilespmem:s29+$0xCDE0] =	vst v2  }
0x263: {  	p2 =	seq.s32 s19, $0x13;
	v1 =	vmul.f32 v62, v1;
	[tilespmem:s29+$0xCDF0] =	vst v4  }
0x264: {  	s7 =	sshra.s32 @!p2 s21, $0x2;
	[tilespmem:s29+$0xCE00] =	vst v3  }
0x265: {  	s9 =	simm.s32 @!p2 $0x80;
	s11 =	simm.s32 @!p2 $0x8A20;
	s7 =	sadd.s32 @!p2 $0x1500, s7;
	[tilespmem:s29+$0xCE10] =	vst v1  }
0x266: {  	[tilespmem:s11], [sflag:$0x1] =	stream.indirect.gather @!p2 [hbm4b:s15+s9], $0x40, s7, s9, $0xb8;
	[tilespmem:$0x1AFA0] =	vst v63  }
0x267: {  	s29 =	sshra.s32 s21, $0x2  }
0x268: {  	[spmem:s2] =	stream.indirect.scatter.add.f32 [tilespmem:s26], [sflag:$0x3], $0x40, s29, s31, $0xb8;
	[tilespmem:$0x1AFA0] =	vst v63  }
0x269: {  	_ =	swait.ge [sflag:s25], $0x2000  }
0x26a: {  	[sflag:s25] =	ssyncset.done $0x0  }
0x26b: {  	s7 =	simm.s32 @!p1 $0x4;
	[sflag:s25] =	ssyncadd.s32 $0xFFFFE000  }
0x26c: {  	_ =	swait.ge @!p1 [sflag:s7], $0x2000  }
0x26d: {  	[sflag:s7] =	ssyncset.done @!p1 $0x0  }
0x26e: {  	s21 =	simm.s32 $0x0;
	[sflag:s7] =	ssyncadd.s32 @!p1 $0xFFFFE000  }
0x26f: {  	v25 =	vld [tilespmem:s21+$0xAA20]  }
0x270: {  	v26 =	vld [tilespmem:s21+$0xAA30]  }
0x271: {  	v24 =	vld [tilespmem:s21+$0xAA40]  }
0x272: {  	v23 =	vld [tilespmem:s21+$0xAA50]  }
0x273: {  	v21 =	vld [tilespmem:s21+$0xAA60]  }
0x274: {  	v22 =	vld [tilespmem:s21+$0xAA70]  }
0x275: {  	v20 =	vld [tilespmem:s21+$0xAA80]  }
0x276: {  	v19 =	vld [tilespmem:s21+$0xAA90]  }
0x277: {  	v17 =	vld [tilespmem:s21+$0xAAA0]  }
0x278: {  	v18 =	vld [tilespmem:s21+$0xAAB0]  }
0x279: {  	v16 =	vld [tilespmem:s21+$0xAAC0]  }
0x27a: {  	v15 =	vld [tilespmem:s21+$0xAAD0]  }
0x27b: {  	v13 =	vld [tilespmem:s21+$0xAAE0]  }
0x27c: {  	v14 =	vld [tilespmem:s21+$0xAAF0]  }
0x27d: {  	v11 =	vld [tilespmem:s21+$0xAB00]  }
0x27e: {  	v12 =	vld [tilespmem:s21+$0xAB10]  }
0x27f: {  	v9 =	vld [tilespmem:s21+$0xAB20]  }
0x280: {  	v10 =	vld [tilespmem:s21+$0xAB30]  }
0x281: {  	v8 =	vld [tilespmem:s21+$0xAB40]  }
0x282: {  	v7 =	vld [tilespmem:s21+$0xAB50]  }
0x283: {  	v5 =	vld [tilespmem:s21+$0xAB60]  }
0x284: {  	v6 =	vld [tilespmem:s21+$0xAB70]  }
0x285: {  	v4 =	vld [tilespmem:s21+$0xAB80]  }
0x286: {  	v3 =	vld [tilespmem:s21+$0xAB90]  }
0x287: {  	v2 =	vld [tilespmem:s21+$0xABA0]  }
0x288: {  	s11 =	simm.s32 $0x1000;
	s9 =	smov.u32 s28;
	v1 =	vld [tilespmem:s28+$0x0]  }
.LBB2_12:
0x289: {  	p1 =	sne.s32 s11, $0x7000;
	v27 =	vld [tilespmem:s21+$0xABB0]  }
0x28a: {  	v28 =	vld [tilespmem:s21+$0xABC0]  }
0x28b: {  	v29 =	vld [tilespmem:s21+$0xABD0]  }
0x28c: {  	v30 =	vld [tilespmem:s21+$0xABE0]  }
0x28d: {  	v31 =	vbroadcast v1, $0x0;
	v32 =	vbroadcast v1, $0x1;
	v33 =	vld [tilespmem:s21+$0xABF0]  }
0x28e: {  	v34 =	vbroadcast v1, $0x2;
	v35 =	vbroadcast v1, $0x3;
	v36 =	vld [tilespmem:s21+$0xAC00]  }
0x28f: {  	v25 =	vmul.f32 v25, v31;
	v26 =	vmul.f32 v26, v31;
	v37 =	vld [tilespmem:s21+$0xAC10]  }
0x290: {  	v24 =	vmul.f32 v24, v31;
	v23 =	vmul.f32 v23, v31;
	v31 =	vld [tilespmem:s21+$0xAC20]  }
0x291: {  	v21 =	vmul.f32 v21, v32;
	v22 =	vmul.f32 v22, v32;
	[tilespmem:s21+$0xEA20] =	vst v25;
	v25 =	vld [tilespmem:s21+$0xAC30]  }
0x292: {  	v20 =	vmul.f32 v20, v32;
	v19 =	vmul.f32 v19, v32;
	[tilespmem:s21+$0xEA30] =	vst v26;
	v26 =	vld [tilespmem:s21+$0xAC40]  }
0x293: {  	v17 =	vmul.f32 v17, v34;
	v18 =	vmul.f32 v18, v34;
	[tilespmem:s21+$0xEA40] =	vst v24;
	v24 =	vld [tilespmem:s21+$0xAC50]  }
0x294: {  	v16 =	vmul.f32 v16, v34;
	v15 =	vmul.f32 v15, v34;
	[tilespmem:s21+$0xEA50] =	vst v23;
	v23 =	vld [tilespmem:s21+$0xAC60]  }
0x295: {  	v13 =	vmul.f32 v13, v35;
	v14 =	vmul.f32 v14, v35;
	[tilespmem:s21+$0xEA60] =	vst v21;
	v21 =	vld [tilespmem:s21+$0xAC70]  }
0x296: {  	v11 =	vmul.f32 v11, v35;
	v12 =	vmul.f32 v12, v35;
	[tilespmem:s21+$0xEA70] =	vst v22;
	v22 =	vld [tilespmem:s21+$0xAC80]  }
0x297: {  	v32 =	vbroadcast v1, $0x5;
	[tilespmem:s21+$0xEA80] =	vst v20;
	v20 =	vbroadcast v1, $0x4;
	v34 =	vld [tilespmem:s21+$0xAC90]  }
0x298: {  	v35 =	vbroadcast v1, $0x7;
	[tilespmem:s21+$0xEA90] =	vst v19;
	v19 =	vbroadcast v1, $0x6;
	v38 =	vld [tilespmem:s21+$0xACA0]  }
0x299: {  	[tilespmem:s21+$0xEAA0] =	vst v17;
	v9 =	vmul.f32 v9, v20;
	v10 =	vmul.f32 v10, v20;
	v17 =	vld [tilespmem:s21+$0xACB0]  }
0x29a: {  	v8 =	vmul.f32 v8, v20;
	v7 =	vmul.f32 v7, v20;
	[tilespmem:s21+$0xEAB0] =	vst v18;
	v18 =	vld [tilespmem:s21+$0xACC0]  }
0x29b: {  	v5 =	vmul.f32 v5, v32;
	v6 =	vmul.f32 v6, v32;
	[tilespmem:s21+$0xEAC0] =	vst v16;
	v16 =	vld [tilespmem:s21+$0xACD0]  }
0x29c: {  	v4 =	vmul.f32 v4, v32;
	v3 =	vmul.f32 v3, v32;
	[tilespmem:s21+$0xEAD0] =	vst v15;
	v15 =	vld [tilespmem:s21+$0xACE0]  }
0x29d: {  	v2 =	vmul.f32 v2, v19;
	[tilespmem:s21+$0xEAE0] =	vst v13;
	v13 =	vmul.f32 v27, v19;
	v20 =	vld [tilespmem:s21+$0xACF0]  }
0x29e: {  	[tilespmem:s21+$0xEAF0] =	vst v14;
	v14 =	vmul.f32 v28, v19;
	v19 =	vmul.f32 v29, v19;
	v27 =	vld [tilespmem:s21+$0xAD00]  }
0x29f: {  	v28 =	vmul.f32 v33, v35;
	[tilespmem:s21+$0xEB00] =	vst v11;
	v11 =	vmul.f32 v30, v35;
	v29 =	vld [tilespmem:s21+$0xAD10]  }
0x2a0: {  	v30 =	vmul.f32 v37, v35;
	[tilespmem:s21+$0xEB10] =	vst v12;
	v12 =	vmul.f32 v36, v35;
	v32 =	vld [tilespmem:s21+$0xAD20]  }
0x2a1: {  	v33 =	vbroadcast v1, $0x9;
	[tilespmem:s21+$0xEB20] =	vst v9;
	v9 =	vbroadcast v1, $0x8;
	v35 =	vld [tilespmem:s21+$0xAD30]  }
0x2a2: {  	v36 =	vbroadcast v1, $0xB;
	[tilespmem:s21+$0xEB30] =	vst v10;
	v10 =	vbroadcast v1, $0xA;
	v37 =	vld [tilespmem:s21+$0xAD40]  }
0x2a3: {  	[tilespmem:s21+$0xEB40] =	vst v8;
	v8 =	vmul.f32 v31, v9;
	v25 =	vmul.f32 v25, v9;
	v31 =	vld [tilespmem:s21+$0xAD50]  }
0x2a4: {  	[tilespmem:s21+$0xEB50] =	vst v7;
	v7 =	vmul.f32 v26, v9;
	v9 =	vmul.f32 v24, v9;
	v24 =	vld [tilespmem:s21+$0xAD60]  }
0x2a5: {  	v21 =	vmul.f32 v21, v33;
	[tilespmem:s21+$0xEB60] =	vst v5;
	v5 =	vmul.f32 v23, v33;
	v23 =	vld [tilespmem:s21+$0xAD70]  }
0x2a6: {  	[tilespmem:s21+$0xEB70] =	vst v6;
	v6 =	vmul.f32 v22, v33;
	v22 =	vmul.f32 v34, v33;
	v26 =	vld [tilespmem:s21+$0xAD80]  }
0x2a7: {  	v17 =	vmul.f32 v17, v10;
	[tilespmem:s21+$0xEB80] =	vst v4;
	v4 =	vmul.f32 v38, v10;
	v33 =	vld [tilespmem:s21+$0xAD90]  }
0x2a8: {  	[tilespmem:s21+$0xEB90] =	vst v3;
	v3 =	vmul.f32 v18, v10;
	v10 =	vmul.f32 v16, v10;
	v16 =	vld [tilespmem:s21+$0xADA0]  }
0x2a9: {  	[tilespmem:s21+$0xEBA0] =	vst v2;
	v2 =	vmul.f32 v15, v36;
	v15 =	vmul.f32 v20, v36;
	v18 =	vld [tilespmem:s21+$0xADB0]  }
0x2aa: {  	[tilespmem:s21+$0xEBB0] =	vst v13;
	v13 =	vmul.f32 v27, v36;
	v27 =	vmul.f32 v29, v36;
	v20 =	vld [tilespmem:s21+$0xADC0]  }
0x2ab: {  	v29 =	vbroadcast v1, $0xD;
	[tilespmem:s21+$0xEBC0] =	vst v14;
	v14 =	vbroadcast v1, $0xC;
	v34 =	vld [tilespmem:s21+$0xADD0]  }
0x2ac: {  	[tilespmem:s21+$0xEBD0] =	vst v19;
	v19 =	vbroadcast v1, $0xE;
	v1 =	vbroadcast v1, $0xF;
	v36 =	vld [tilespmem:s21+$0xADE0]  }
0x2ad: {  	[tilespmem:s21+$0xEBE0] =	vst v11;
	v11 =	vmul.f32 v32, v14;
	v32 =	vmul.f32 v35, v14;
	v35 =	vld [tilespmem:s21+$0xADF0]  }
0x2ae: {  	[tilespmem:s21+$0xEBF0] =	vst v28;
	v28 =	vmul.f32 v37, v14;
	v14 =	vmul.f32 v31, v14;
	v31 =	vld [tilespmem:s21+$0xAE00]  }
0x2af: {  	v37 =	vmul.f32 v23, v29;
	[tilespmem:s21+$0xEC00] =	vst v12;
	v12 =	vmul.f32 v24, v29;
	v23 =	vld [tilespmem:s21+$0xAE10]  }
0x2b0: {  	[tilespmem:s21+$0xEC10] =	vst v30;
	v30 =	vmul.f32 v26, v29;
	v29 =	vmul.f32 v33, v29  }
0x2b1: {  	v33 =	vmul.f32 v18, v19;
	[tilespmem:s21+$0xEC20] =	vst v8;
	v8 =	vmul.f32 v16, v19  }
0x2b2: {  	v38 =	vmul.f32 v20, v19;
	v34 =	vmul.f32 v34, v19;
	[tilespmem:s21+$0xEC30] =	vst v25  }
0x2b3: {  	v36 =	vmul.f32 v36, v1;
	v35 =	vmul.f32 v35, v1;
	[tilespmem:s21+$0xEC40] =	vst v7  }
0x2b4: {  	v31 =	vmul.f32 v31, v1;
	[tilespmem:s21+$0xEC50] =	vst v9;
	v1 =	vmul.f32 v23, v1  }
0x2b5: {  	[tilespmem:s21+$0xEC60] =	vst v5  }
0x2b6: {  	[tilespmem:s21+$0xEC70] =	vst v21  }
0x2b7: {  	s7 =	sshra.s32 s11, $0x2;
	[tilespmem:s21+$0xEC80] =	vst v6  }
0x2b8: {  	v25 =	vld [tilespmem:s7+$0xAA20];
	[tilespmem:s21+$0xEC90] =	vst v22  }
0x2b9: {  	v26 =	vld [tilespmem:s7+$0xAA30];
	[tilespmem:s21+$0xECA0] =	vst v4  }
0x2ba: {  	v24 =	vld [tilespmem:s7+$0xAA40];
	[tilespmem:s21+$0xECB0] =	vst v17  }
0x2bb: {  	v23 =	vld [tilespmem:s7+$0xAA50];
	[tilespmem:s21+$0xECC0] =	vst v3  }
0x2bc: {  	v21 =	vld [tilespmem:s7+$0xAA60];
	[tilespmem:s21+$0xECD0] =	vst v10  }
0x2bd: {  	v22 =	vld [tilespmem:s7+$0xAA70];
	[tilespmem:s21+$0xECE0] =	vst v2  }
0x2be: {  	v20 =	vld [tilespmem:s7+$0xAA80];
	[tilespmem:s21+$0xECF0] =	vst v15  }
0x2bf: {  	v19 =	vld [tilespmem:s7+$0xAA90];
	[tilespmem:s21+$0xED00] =	vst v13  }
0x2c0: {  	v17 =	vld [tilespmem:s7+$0xAAA0];
	[tilespmem:s21+$0xED10] =	vst v27  }
0x2c1: {  	v18 =	vld [tilespmem:s7+$0xAAB0];
	[tilespmem:s21+$0xED20] =	vst v11  }
0x2c2: {  	v16 =	vld [tilespmem:s7+$0xAAC0];
	[tilespmem:s21+$0xED30] =	vst v32  }
0x2c3: {  	v15 =	vld [tilespmem:s7+$0xAAD0];
	[tilespmem:s21+$0xED40] =	vst v28  }
0x2c4: {  	v13 =	vld [tilespmem:s7+$0xAAE0];
	[tilespmem:s21+$0xED50] =	vst v14  }
0x2c5: {  	v14 =	vld [tilespmem:s7+$0xAAF0];
	[tilespmem:s21+$0xED60] =	vst v12  }
0x2c6: {  	v11 =	vld [tilespmem:s7+$0xAB00];
	[tilespmem:s21+$0xED70] =	vst v37  }
0x2c7: {  	v12 =	vld [tilespmem:s7+$0xAB10];
	[tilespmem:s21+$0xED80] =	vst v30  }
0x2c8: {  	v9 =	vld [tilespmem:s7+$0xAB20];
	[tilespmem:s21+$0xED90] =	vst v29  }
0x2c9: {  	v10 =	vld [tilespmem:s7+$0xAB30];
	[tilespmem:s21+$0xEDA0] =	vst v8  }
0x2ca: {  	v8 =	vld [tilespmem:s7+$0xAB40];
	[tilespmem:s21+$0xEDB0] =	vst v33  }
0x2cb: {  	v7 =	vld [tilespmem:s7+$0xAB50];
	[tilespmem:s21+$0xEDC0] =	vst v38  }
0x2cc: {  	v5 =	vld [tilespmem:s7+$0xAB60];
	[tilespmem:s21+$0xEDD0] =	vst v34  }
.Ltmp6:
0x2cd: {  	v6 =	vld [tilespmem:s7+$0xAB70];
	[tilespmem:s21+$0xEDE0] =	vst v36;
	(pc) =	sbr.rel @p1 .LBB2_12-.Ltmp6, $4  }
0x2ce: {  	v4 =	vld [tilespmem:s7+$0xAB80];
	[tilespmem:s21+$0xEDF0] =	vst v35  }
0x2cf: {  	v3 =	vld [tilespmem:s7+$0xAB90];
	[tilespmem:s21+$0xEE00] =	vst v31  }
0x2d0: {  	s9 =	sadd.s32 $0x10, s9;
	v2 =	vld [tilespmem:s7+$0xABA0];
	[tilespmem:s21+$0xEE10] =	vst v1;
	s21 =	smov.u32 s7  }
0x2d1: {  	s11 =	sadd.s32 $0x1000, s11;
	v1 =	vld [tilespmem:s9+$0x0]  }
0x2d2: {  	_ =	sdelay $0x3  }
0x2d3: {  	v31 =	vbroadcast v1, $0x0;
	_ =	sdelay $0x1  }
0x2d4: {  	v25 =	vmul.f32 v25, v31  }
0x2d5: {  	v26 =	vmul.f32 v26, v31  }
0x2d6: {  	v36 =	vbroadcast v1, $0x1;
	v24 =	vmul.f32 v24, v31;
	[tilespmem:s21+$0xEA20] =	vst v25  }
0x2d7: {  	v23 =	vmul.f32 v23, v31;
	[tilespmem:s21+$0xEA30] =	vst v26  }
0x2d8: {  	v21 =	vmul.f32 v21, v36;
	[tilespmem:s21+$0xEA40] =	vst v24  }
0x2d9: {  	v22 =	vmul.f32 v22, v36;
	[tilespmem:s21+$0xEA50] =	vst v23  }
0x2da: {  	v57 =	vbroadcast v1, $0x2;
	v20 =	vmul.f32 v20, v36;
	[tilespmem:s21+$0xEA60] =	vst v21  }
0x2db: {  	v19 =	vmul.f32 v19, v36;
	[tilespmem:s21+$0xEA70] =	vst v22  }
0x2dc: {  	v17 =	vmul.f32 v17, v57;
	[tilespmem:s21+$0xEA80] =	vst v20  }
0x2dd: {  	v18 =	vmul.f32 v18, v57;
	[tilespmem:s21+$0xEA90] =	vst v19  }
0x2de: {  	v58 =	vbroadcast v1, $0x3;
	v16 =	vmul.f32 v16, v57;
	[tilespmem:s21+$0xEAA0] =	vst v17  }
0x2df: {  	v15 =	vmul.f32 v15, v57;
	[tilespmem:s21+$0xEAB0] =	vst v18  }
0x2e0: {  	v13 =	vmul.f32 v13, v58;
	[tilespmem:s21+$0xEAC0] =	vst v16  }
0x2e1: {  	v14 =	vmul.f32 v14, v58;
	[tilespmem:s21+$0xEAD0] =	vst v15  }
0x2e2: {  	v59 =	vbroadcast v1, $0x4;
	v11 =	vmul.f32 v11, v58;
	[tilespmem:s21+$0xEAE0] =	vst v13  }
0x2e3: {  	v12 =	vmul.f32 v12, v58;
	[tilespmem:s21+$0xEAF0] =	vst v14  }
0x2e4: {  	v9 =	vmul.f32 v9, v59;
	[tilespmem:s21+$0xEB00] =	vst v11  }
0x2e5: {  	v10 =	vmul.f32 v10, v59;
	[tilespmem:s21+$0xEB10] =	vst v12  }
0x2e6: {  	v62 =	vbroadcast v1, $0x5;
	v8 =	vmul.f32 v8, v59;
	[tilespmem:s21+$0xEB20] =	vst v9  }
0x2e7: {  	v7 =	vmul.f32 v7, v59;
	[tilespmem:s21+$0xEB30] =	vst v10  }
0x2e8: {  	v27 =	vld [tilespmem:s21+$0xABB0];
	v5 =	vmul.f32 v5, v62;
	[tilespmem:s21+$0xEB40] =	vst v8  }
0x2e9: {  	v28 =	vld [tilespmem:s21+$0xABC0];
	v6 =	vmul.f32 v6, v62;
	[tilespmem:s21+$0xEB50] =	vst v7  }
0x2ea: {  	v29 =	vld [tilespmem:s21+$0xABD0];
	v43 =	vbroadcast v1, $0x6;
	v4 =	vmul.f32 v4, v62;
	[tilespmem:s21+$0xEB60] =	vst v5  }
0x2eb: {  	v30 =	vld [tilespmem:s21+$0xABE0];
	v3 =	vmul.f32 v3, v62;
	[tilespmem:s21+$0xEB70] =	vst v6  }
0x2ec: {  	v32 =	vld [tilespmem:s21+$0xABF0];
	v2 =	vmul.f32 v2, v43;
	[tilespmem:s21+$0xEB80] =	vst v4  }
0x2ed: {  	v33 =	vld [tilespmem:s21+$0xAC00];
	v27 =	vmul.f32 v27, v43;
	[tilespmem:s21+$0xEB90] =	vst v3  }
0x2ee: {  	v34 =	vld [tilespmem:s21+$0xAC10];
	v46 =	vbroadcast v1, $0x7;
	v28 =	vmul.f32 v28, v43;
	[tilespmem:s21+$0xEBA0] =	vst v2  }
0x2ef: {  	v35 =	vld [tilespmem:s21+$0xAC20];
	v29 =	vmul.f32 v29, v43;
	[tilespmem:s21+$0xEBB0] =	vst v27  }
0x2f0: {  	v56 =	vld [tilespmem:s21+$0xAC30];
	v30 =	vmul.f32 v30, v46;
	[tilespmem:s21+$0xEBC0] =	vst v28  }
0x2f1: {  	v60 =	vld [tilespmem:s21+$0xAD30];
	v49 =	vmul.f32 v32, v46;
	[tilespmem:s21+$0xEBD0] =	vst v29  }
0x2f2: {  	v61 =	vld [tilespmem:s21+$0xAD40];
	v52 =	vbroadcast v1, $0x8;
	v51 =	vmul.f32 v33, v46;
	[tilespmem:s21+$0xEBE0] =	vst v30  }
0x2f3: {  	v63 =	vld [tilespmem:s21+$0xAD50];
	v34 =	vmul.f32 v34, v46;
	[tilespmem:s21+$0xEBF0] =	vst v49  }
0x2f4: {  	v40 =	vld [tilespmem:s21+$0xAD60];
	v54 =	vmul.f32 v35, v52;
	v59 =	vbroadcast v1, $0xC;
	[tilespmem:s21+$0xEC00] =	vst v51  }
0x2f5: {  	v41 =	vld [tilespmem:s21+$0xAD70];
	v25 =	vmul.f32 v56, v52;
	[tilespmem:s21+$0xEC10] =	vst v34  }
0x2f6: {  	v42 =	vld [tilespmem:s21+$0xAD80];
	[tilespmem:s21+$0xEC20] =	vst v54;
	v9 =	vmul.f32 v60, v59  }
0x2f7: {  	v44 =	vld [tilespmem:s21+$0xAD90];
	v60 =	vbroadcast v1, $0xD;
	v10 =	vmul.f32 v61, v59;
	[tilespmem:s21+$0xEC30] =	vst v25  }
0x2f8: {  	v45 =	vld [tilespmem:s21+$0xADC0];
	v57 =	vbroadcast v1, $0xA;
	v8 =	vmul.f32 v63, v59;
	[tilespmem:s21+$0xED30] =	vst v9  }
0x2f9: {  	v50 =	vld [tilespmem:s21+$0xADF0];
	v58 =	vbroadcast v1, $0xB;
	v7 =	vmul.f32 v40, v60;
	[tilespmem:s21+$0xED40] =	vst v10  }
0x2fa: {  	v26 =	vld [tilespmem:s21+$0xAC40];
	v56 =	vbroadcast v1, $0x9;
	v5 =	vmul.f32 v41, v60;
	[tilespmem:s21+$0xED50] =	vst v8  }
0x2fb: {  	v24 =	vld [tilespmem:s21+$0xAC50];
	v61 =	vbroadcast v1, $0xE;
	v6 =	vmul.f32 v42, v60;
	[tilespmem:s21+$0xED60] =	vst v7  }
0x2fc: {  	v23 =	vld [tilespmem:s21+$0xAC60];
	v1 =	vbroadcast v1, $0xF;
	v4 =	vmul.f32 v44, v60;
	[tilespmem:s21+$0xED70] =	vst v5  }
0x2fd: {  	v21 =	vld [tilespmem:s21+$0xAC70];
	v62 =	vmul.f32 v45, v61;
	[tilespmem:s21+$0xED80] =	vst v6  }
0x2fe: {  	v22 =	vld [tilespmem:s21+$0xAC80];
	v63 =	vmul.f32 v50, v1;
	[tilespmem:s21+$0xED90] =	vst v4  }
0x2ff: {  	v20 =	vld [tilespmem:s21+$0xAC90];
	[tilespmem:s21+$0xEDC0] =	vst v62;
	v26 =	vmul.f32 v26, v52  }
0x300: {  	v19 =	vld [tilespmem:s21+$0xACA0];
	[tilespmem:s21+$0xEDF0] =	vst v63;
	v24 =	vmul.f32 v24, v52  }
0x301: {  	v17 =	vld [tilespmem:s21+$0xACB0];
	v23 =	vmul.f32 v23, v56;
	[tilespmem:s21+$0xEC40] =	vst v26  }
0x302: {  	v18 =	vld [tilespmem:s21+$0xACC0];
	v21 =	vmul.f32 v21, v56;
	[tilespmem:s21+$0xEC50] =	vst v24  }
0x303: {  	v16 =	vld [tilespmem:s21+$0xACD0];
	v22 =	vmul.f32 v22, v56;
	[tilespmem:s21+$0xEC60] =	vst v23  }
0x304: {  	v15 =	vld [tilespmem:s21+$0xACE0];
	v20 =	vmul.f32 v20, v56;
	[tilespmem:s21+$0xEC70] =	vst v21  }
0x305: {  	v13 =	vld [tilespmem:s21+$0xACF0];
	v19 =	vmul.f32 v19, v57;
	[tilespmem:s21+$0xEC80] =	vst v22  }
0x306: {  	v14 =	vld [tilespmem:s21+$0xAD00];
	v17 =	vmul.f32 v17, v57;
	[tilespmem:s21+$0xEC90] =	vst v20  }
0x307: {  	v11 =	vld [tilespmem:s21+$0xAD10];
	v18 =	vmul.f32 v18, v57;
	[tilespmem:s21+$0xECA0] =	vst v19  }
0x308: {  	v12 =	vld [tilespmem:s21+$0xAD20];
	v16 =	vmul.f32 v16, v57;
	[tilespmem:s21+$0xECB0] =	vst v17  }
0x309: {  	v3 =	vld [tilespmem:s21+$0xADA0];
	v15 =	vmul.f32 v15, v58;
	[tilespmem:s21+$0xECC0] =	vst v18  }
0x30a: {  	v2 =	vld [tilespmem:s21+$0xADB0];
	v13 =	vmul.f32 v13, v58;
	[tilespmem:s21+$0xECD0] =	vst v16  }
0x30b: {  	v47 =	vld [tilespmem:s21+$0xADD0];
	v14 =	vmul.f32 v14, v58;
	[tilespmem:s21+$0xECE0] =	vst v15  }
0x30c: {  	v48 =	vld [tilespmem:s21+$0xADE0];
	v11 =	vmul.f32 v11, v58;
	[tilespmem:s21+$0xECF0] =	vst v13  }
0x30d: {  	v53 =	vld [tilespmem:s21+$0xAE00];
	v12 =	vmul.f32 v12, v59;
	[tilespmem:s21+$0xED00] =	vst v14  }
0x30e: {  	v55 =	vld [tilespmem:s21+$0xAE10];
	v3 =	vmul.f32 v3, v61;
	[tilespmem:s21+$0xED10] =	vst v11  }
0x30f: {  	v2 =	vmul.f32 v2, v61;
	[tilespmem:s21+$0xED20] =	vst v12  }
0x310: {  	[tilespmem:s21+$0xEDA0] =	vst v3;
	v3 =	vmul.f32 v47, v61  }
.Ltmp7:
0x311: {  	[tilespmem:s21+$0xEDB0] =	vst v2;
	v2 =	vmul.f32 v48, v1;
	(pc) =	sbr.rel @p2 .LBB2_15-.Ltmp7, $4  }
0x312: {  	[tilespmem:s21+$0xEDD0] =	vst v3;
	v3 =	vmul.f32 v53, v1  }
0x313: {  	[tilespmem:s21+$0xEDE0] =	vst v2;
	v1 =	vmul.f32 v55, v1  }
0x314: {  	[tilespmem:s21+$0xEE00] =	vst v3  }
0x315: {  	s7 =	sshra.s32 s12, $0x2;
	[tilespmem:s21+$0xEE10] =	vst v1  }
.Ltmp8:
0x316: {  	(pc) =	sbr.rel .LBB2_9-.Ltmp8, $4  }
0x317: {  	s9 =	sadd.s32 $0x1580, s29  }
0x318: {  	[tilespmem:s22], [sflag:$0x2] =	stream.indirect.gather [hbm4b:s15+s31], $0x40, s9, s31, $0xb8;
	[tilespmem:$0x1AFA0] =	vst v63  }
0x319: {  	s19 =	sadd.s32 $0x1, s19;
	s6 =	sadd.s32 $0x100, s6;
	s28 =	sadd.s32 $0x100, s28  }
0x31a: {  	[spmem:s2] =	stream.indirect.scatter.add.f32 [tilespmem:s4], [sflag:$0x4], $0x40, s7, s31, $0xb8;
	[tilespmem:$0x1AFA0] =	vst v63  }
.LBB2_16:
0x31b: {  	[bflag:$0x0] =	sbarrier.arrive $0xFFFF  }
0x31c: {  	s9 =	simm.s32 $0x10A20;
	s6 =	rddreg [dreg:$0xe]  }
0x31d: {  	[tilespmem:s9], [sflag:$0x7] =	stream.linear.gather [spmem:s6], $0x280, $0x38;
	[tilespmem:$0x1AFA0] =	vst v63  }
0x31e: {  	_ =	swait.ge [sflag:s24], $0x280  }
0x31f: {  	[sflag:s24] =	ssyncset.done $0x0  }
0x320: {  	s12 =	simm.s32 $0x0;
	s7 =	simm.s32 $0x40;
	[sflag:s24] =	ssyncadd.s32 $0xFFFFFD80  }
.LBB2_17:
0x321: {  	s6 =	sshll.u32 s12, $0x7  }
0x322: {  	s13 =	sadd.s32 s8, s6  }
0x323: {  	s6 =	sshll.u32 s13, $0x6  }
0x324: {  	s6 =	sand.u32 $0x3FFFFFC0, s6  }
0x325: {  	s6 =	sadd.s32 s6, s2  }
0x326: {  	v1 =	vmov s9;
	[tilespmem:s20], [sflag:$0x7] =	stream.linear.gather [spmem:s6], $0x2000, $0x38;
	[tilespmem:$0x1AFA0] =	vst v63  }
0x327: {  	_ =	swait.ge [sflag:s24], $0x2000  }
0x328: {  	[sflag:s24] =	ssyncset.done $0x0  }
0x329: {  	s16 =	simm.s32 $0x8C20;
	s19 =	simm.s32 $0x0;
	[sflag:s24] =	ssyncadd.s32 $0xFFFFE000  }
.LBB2_18:
0x32a: {  	s6 =	sshra.s32 s19, $0x2  }
0x32b: {  	v2 =	vld.idx.msk [tilespmem:v1+s6+$0x0 ss:$0x1], $0xffff;
	_ =	sdelay $0x4  }
0x32c: {  	v2 =	vadd.f32 $1.000000020e-16, v2;
	_ =	sdelay $0x1  }
0x32d: {  	(erf) = vrcp.f32 v2;
	_ =	sdelay $0x6  }
0x32e: {  	v3 =	vld [tilespmem:s16+$0xFFFFFE00];
	_ =	sdelay $0x1  }
0x32f: {  	v4 =	vld [tilespmem:s17+$0x10CA0];
	v2 =	vpop (erf)  }
0x330: {  	v5 =	vbroadcast v2, $0x0;
	_ =	sdelay $0x1  }
0x331: {  	v3 =	vmul.f32 v5, v3;
	_ =	sdelay $0x1  }
0x332: {  	v3 =	vadd.f32 v3, v4;
	_ =	sdelay $0x1  }
0x333: {  	[tilespmem:s16+$0xFFFFFE00] =	vst v3;
	v3 =	vld [tilespmem:s16+$0xFFFFFE10];
	_ =	sdelay $0x1  }
0x334: {  	v43 =	vld [tilespmem:s17+$0x10CB0];
	_ =	sdelay $0x2  }
0x335: {  	v3 =	vmul.f32 v3, v5;
	_ =	sdelay $0x1  }
0x336: {  	v3 =	vadd.f32 v3, v43;
	_ =	sdelay $0x1  }
0x337: {  	[tilespmem:s16+$0xFFFFFE10] =	vst v3;
	v3 =	vld [tilespmem:s16+$0xFFFFFE20];
	_ =	sdelay $0x1  }
0x338: {  	v44 =	vld [tilespmem:s17+$0x10CC0];
	_ =	sdelay $0x2  }
0x339: {  	v3 =	vmul.f32 v3, v5;
	_ =	sdelay $0x1  }
0x33a: {  	v3 =	vadd.f32 v3, v44;
	_ =	sdelay $0x1  }
0x33b: {  	[tilespmem:s16+$0xFFFFFE20] =	vst v3;
	v3 =	vld [tilespmem:s16+$0xFFFFFE30];
	_ =	sdelay $0x1  }
0x33c: {  	v45 =	vld [tilespmem:s17+$0x10CD0];
	_ =	sdelay $0x2  }
0x33d: {  	v3 =	vmul.f32 v3, v5;
	_ =	sdelay $0x1  }
0x33e: {  	v3 =	vadd.f32 v3, v45;
	_ =	sdelay $0x1  }
0x33f: {  	[tilespmem:s16+$0xFFFFFE30] =	vst v3;
	v3 =	vld [tilespmem:s16+$0xFFFFFE40];
	_ =	sdelay $0x1  }
0x340: {  	v46 =	vld [tilespmem:s17+$0x10CA0]  }
0x341: {  	v47 =	vbroadcast v2, $0x1;
	_ =	sdelay $0x1  }
0x342: {  	v3 =	vmul.f32 v3, v47;
	_ =	sdelay $0x1  }
0x343: {  	v3 =	vadd.f32 v3, v46;
	_ =	sdelay $0x1  }
0x344: {  	[tilespmem:s16+$0xFFFFFE40] =	vst v3;
	v3 =	vld [tilespmem:s16+$0xFFFFFE50];
	_ =	sdelay $0x1  }
0x345: {  	v48 =	vld [tilespmem:s17+$0x10CB0];
	_ =	sdelay $0x2  }
0x346: {  	v3 =	vmul.f32 v3, v47;
	_ =	sdelay $0x1  }
0x347: {  	v3 =	vadd.f32 v3, v48;
	_ =	sdelay $0x1  }
0x348: {  	[tilespmem:s16+$0xFFFFFE50] =	vst v3;
	v3 =	vld [tilespmem:s16+$0xFFFFFE60];
	_ =	sdelay $0x1  }
0x349: {  	v49 =	vld [tilespmem:s17+$0x10CC0];
	_ =	sdelay $0x2  }
0x34a: {  	v3 =	vmul.f32 v3, v47;
	_ =	sdelay $0x1  }
0x34b: {  	v3 =	vadd.f32 v3, v49;
	_ =	sdelay $0x1  }
0x34c: {  	[tilespmem:s16+$0xFFFFFE60] =	vst v3;
	v3 =	vld [tilespmem:s16+$0xFFFFFE70];
	_ =	sdelay $0x1  }
0x34d: {  	v50 =	vld [tilespmem:s17+$0x10CD0];
	_ =	sdelay $0x2  }
0x34e: {  	v3 =	vmul.f32 v3, v47;
	_ =	sdelay $0x1  }
0x34f: {  	v3 =	vadd.f32 v3, v50;
	_ =	sdelay $0x1  }
0x350: {  	[tilespmem:s16+$0xFFFFFE70] =	vst v3;
	v3 =	vld [tilespmem:s16+$0xFFFFFE80];
	_ =	sdelay $0x1  }
0x351: {  	v51 =	vld [tilespmem:s17+$0x10CA0]  }
0x352: {  	v52 =	vbroadcast v2, $0x2;
	_ =	sdelay $0x1  }
0x353: {  	v3 =	vmul.f32 v3, v52;
	_ =	sdelay $0x1  }
0x354: {  	v3 =	vadd.f32 v3, v51;
	_ =	sdelay $0x1  }
0x355: {  	[tilespmem:s16+$0xFFFFFE80] =	vst v3;
	v3 =	vld [tilespmem:s16+$0xFFFFFE90];
	_ =	sdelay $0x1  }
0x356: {  	v53 =	vld [tilespmem:s17+$0x10CB0];
	_ =	sdelay $0x2  }
0x357: {  	v3 =	vmul.f32 v3, v52;
	_ =	sdelay $0x1  }
0x358: {  	v3 =	vadd.f32 v3, v53;
	_ =	sdelay $0x1  }
0x359: {  	[tilespmem:s16+$0xFFFFFE90] =	vst v3;
	v3 =	vld [tilespmem:s16+$0xFFFFFEA0];
	_ =	sdelay $0x1  }
0x35a: {  	v54 =	vld [tilespmem:s17+$0x10CC0];
	_ =	sdelay $0x2  }
0x35b: {  	v3 =	vmul.f32 v3, v52;
	_ =	sdelay $0x1  }
0x35c: {  	v3 =	vadd.f32 v3, v54;
	_ =	sdelay $0x1  }
0x35d: {  	[tilespmem:s16+$0xFFFFFEA0] =	vst v3;
	v3 =	vld [tilespmem:s16+$0xFFFFFEB0];
	_ =	sdelay $0x1  }
0x35e: {  	v55 =	vld [tilespmem:s17+$0x10CD0];
	_ =	sdelay $0x2  }
0x35f: {  	v3 =	vmul.f32 v3, v52;
	_ =	sdelay $0x1  }
0x360: {  	v3 =	vadd.f32 v3, v55;
	_ =	sdelay $0x1  }
0x361: {  	[tilespmem:s16+$0xFFFFFEB0] =	vst v3;
	v3 =	vld [tilespmem:s16+$0xFFFFFEC0];
	_ =	sdelay $0x1  }
0x362: {  	v56 =	vld [tilespmem:s17+$0x10CA0]  }
0x363: {  	v57 =	vbroadcast v2, $0x3;
	_ =	sdelay $0x1  }
0x364: {  	v3 =	vmul.f32 v3, v57;
	_ =	sdelay $0x1  }
0x365: {  	v3 =	vadd.f32 v3, v56;
	_ =	sdelay $0x1  }
0x366: {  	[tilespmem:s16+$0xFFFFFEC0] =	vst v3;
	v3 =	vld [tilespmem:s16+$0xFFFFFED0];
	_ =	sdelay $0x1  }
0x367: {  	v58 =	vld [tilespmem:s17+$0x10CB0];
	_ =	sdelay $0x2  }
0x368: {  	v3 =	vmul.f32 v3, v57;
	_ =	sdelay $0x1  }
0x369: {  	v3 =	vadd.f32 v3, v58;
	_ =	sdelay $0x1  }
0x36a: {  	[tilespmem:s16+$0xFFFFFED0] =	vst v3;
	v3 =	vld [tilespmem:s16+$0xFFFFFEE0];
	_ =	sdelay $0x1  }
0x36b: {  	v59 =	vld [tilespmem:s17+$0x10CC0];
	_ =	sdelay $0x2  }
0x36c: {  	v3 =	vmul.f32 v3, v57;
	_ =	sdelay $0x1  }
0x36d: {  	v3 =	vadd.f32 v3, v59;
	_ =	sdelay $0x1  }
0x36e: {  	[tilespmem:s16+$0xFFFFFEE0] =	vst v3;
	v3 =	vld [tilespmem:s16+$0xFFFFFEF0];
	_ =	sdelay $0x1  }
0x36f: {  	v60 =	vld [tilespmem:s17+$0x10CD0];
	_ =	sdelay $0x2  }
0x370: {  	v3 =	vmul.f32 v3, v57;
	_ =	sdelay $0x1  }
0x371: {  	v3 =	vadd.f32 v3, v60;
	_ =	sdelay $0x1  }
0x372: {  	[tilespmem:s16+$0xFFFFFEF0] =	vst v3;
	v3 =	vld [tilespmem:s16+$0xFFFFFF00];
	_ =	sdelay $0x1  }
0x373: {  	v61 =	vld [tilespmem:s17+$0x10CA0]  }
0x374: {  	v62 =	vbroadcast v2, $0x4;
	_ =	sdelay $0x1  }
0x375: {  	v3 =	vmul.f32 v3, v62;
	_ =	sdelay $0x1  }
0x376: {  	v3 =	vadd.f32 v3, v61;
	_ =	sdelay $0x1  }
0x377: {  	[tilespmem:s16+$0xFFFFFF00] =	vst v3;
	v3 =	vld [tilespmem:s16+$0xFFFFFF10];
	_ =	sdelay $0x1  }
0x378: {  	v63 =	vld [tilespmem:s17+$0x10CB0];
	_ =	sdelay $0x2  }
0x379: {  	v3 =	vmul.f32 v3, v62;
	_ =	sdelay $0x1  }
0x37a: {  	v3 =	vadd.f32 v3, v63;
	_ =	sdelay $0x1  }
0x37b: {  	[tilespmem:s16+$0xFFFFFF10] =	vst v3;
	v3 =	vld [tilespmem:s16+$0xFFFFFF20];
	_ =	sdelay $0x1  }
0x37c: {  	v8 =	vld [tilespmem:s17+$0x10CC0];
	_ =	sdelay $0x2  }
0x37d: {  	v3 =	vmul.f32 v3, v62;
	_ =	sdelay $0x1  }
0x37e: {  	v3 =	vadd.f32 v3, v8;
	_ =	sdelay $0x1  }
0x37f: {  	[tilespmem:s16+$0xFFFFFF20] =	vst v3;
	v3 =	vld [tilespmem:s16+$0xFFFFFF30];
	_ =	sdelay $0x1  }
0x380: {  	v9 =	vld [tilespmem:s17+$0x10CD0];
	_ =	sdelay $0x2  }
0x381: {  	v3 =	vmul.f32 v3, v62;
	_ =	sdelay $0x1  }
0x382: {  	v3 =	vadd.f32 v3, v9;
	_ =	sdelay $0x1  }
0x383: {  	[tilespmem:s16+$0xFFFFFF30] =	vst v3;
	v3 =	vld [tilespmem:s16+$0xFFFFFF40];
	_ =	sdelay $0x1  }
0x384: {  	v10 =	vld [tilespmem:s17+$0x10CA0]  }
0x385: {  	v11 =	vbroadcast v2, $0x5;
	_ =	sdelay $0x1  }
0x386: {  	v3 =	vmul.f32 v3, v11;
	_ =	sdelay $0x1  }
0x387: {  	v3 =	vadd.f32 v3, v10;
	_ =	sdelay $0x1  }
0x388: {  	[tilespmem:s16+$0xFFFFFF40] =	vst v3;
	v3 =	vld [tilespmem:s16+$0xFFFFFF50];
	_ =	sdelay $0x1  }
0x389: {  	v12 =	vld [tilespmem:s17+$0x10CB0];
	_ =	sdelay $0x2  }
0x38a: {  	v3 =	vmul.f32 v3, v11;
	_ =	sdelay $0x1  }
0x38b: {  	v3 =	vadd.f32 v3, v12;
	_ =	sdelay $0x1  }
0x38c: {  	[tilespmem:s16+$0xFFFFFF50] =	vst v3;
	v3 =	vld [tilespmem:s16+$0xFFFFFF60];
	_ =	sdelay $0x1  }
0x38d: {  	v13 =	vld [tilespmem:s17+$0x10CC0];
	_ =	sdelay $0x2  }
0x38e: {  	v3 =	vmul.f32 v3, v11;
	_ =	sdelay $0x1  }
0x38f: {  	v3 =	vadd.f32 v3, v13;
	_ =	sdelay $0x1  }
0x390: {  	[tilespmem:s16+$0xFFFFFF60] =	vst v3;
	v3 =	vld [tilespmem:s16+$0xFFFFFF70];
	_ =	sdelay $0x1  }
0x391: {  	v14 =	vld [tilespmem:s17+$0x10CD0];
	_ =	sdelay $0x2  }
0x392: {  	v3 =	vmul.f32 v3, v11;
	_ =	sdelay $0x1  }
0x393: {  	v3 =	vadd.f32 v3, v14;
	_ =	sdelay $0x1  }
0x394: {  	[tilespmem:s16+$0xFFFFFF70] =	vst v3;
	v3 =	vld [tilespmem:s16+$0xFFFFFF80];
	_ =	sdelay $0x1  }
0x395: {  	v15 =	vld [tilespmem:s17+$0x10CA0]  }
0x396: {  	v16 =	vbroadcast v2, $0x6;
	_ =	sdelay $0x1  }
0x397: {  	v3 =	vmul.f32 v3, v16;
	_ =	sdelay $0x1  }
0x398: {  	v3 =	vadd.f32 v3, v15;
	_ =	sdelay $0x1  }
0x399: {  	[tilespmem:s16+$0xFFFFFF80] =	vst v3;
	v3 =	vld [tilespmem:s16+$0xFFFFFF90];
	_ =	sdelay $0x1  }
0x39a: {  	v17 =	vld [tilespmem:s17+$0x10CB0];
	_ =	sdelay $0x2  }
0x39b: {  	v3 =	vmul.f32 v3, v16;
	_ =	sdelay $0x1  }
0x39c: {  	v3 =	vadd.f32 v3, v17;
	_ =	sdelay $0x1  }
0x39d: {  	[tilespmem:s16+$0xFFFFFF90] =	vst v3;
	v3 =	vld [tilespmem:s16+$0xFFFFFFA0];
	_ =	sdelay $0x1  }
0x39e: {  	v18 =	vld [tilespmem:s17+$0x10CC0];
	_ =	sdelay $0x2  }
0x39f: {  	v3 =	vmul.f32 v3, v16;
	_ =	sdelay $0x1  }
0x3a0: {  	v3 =	vadd.f32 v3, v18;
	_ =	sdelay $0x1  }
0x3a1: {  	[tilespmem:s16+$0xFFFFFFA0] =	vst v3;
	v3 =	vld [tilespmem:s16+$0xFFFFFFB0];
	_ =	sdelay $0x1  }
0x3a2: {  	v19 =	vld [tilespmem:s17+$0x10CD0];
	_ =	sdelay $0x2  }
0x3a3: {  	v3 =	vmul.f32 v3, v16;
	_ =	sdelay $0x1  }
0x3a4: {  	v3 =	vadd.f32 v3, v19;
	_ =	sdelay $0x1  }
0x3a5: {  	[tilespmem:s16+$0xFFFFFFB0] =	vst v3;
	v3 =	vld [tilespmem:s16+$0xFFFFFFC0];
	_ =	sdelay $0x1  }
0x3a6: {  	v20 =	vld [tilespmem:s17+$0x10CA0]  }
0x3a7: {  	v21 =	vbroadcast v2, $0x7;
	_ =	sdelay $0x1  }
0x3a8: {  	v3 =	vmul.f32 v3, v21;
	_ =	sdelay $0x1  }
0x3a9: {  	v3 =	vadd.f32 v3, v20;
	_ =	sdelay $0x1  }
0x3aa: {  	[tilespmem:s16+$0xFFFFFFC0] =	vst v3;
	v3 =	vld [tilespmem:s16+$0xFFFFFFD0];
	_ =	sdelay $0x1  }
0x3ab: {  	v22 =	vld [tilespmem:s17+$0x10CB0];
	_ =	sdelay $0x2  }
0x3ac: {  	v3 =	vmul.f32 v3, v21;
	_ =	sdelay $0x1  }
0x3ad: {  	v3 =	vadd.f32 v3, v22;
	_ =	sdelay $0x1  }
0x3ae: {  	[tilespmem:s16+$0xFFFFFFD0] =	vst v3;
	v3 =	vld [tilespmem:s16+$0xFFFFFFE0];
	_ =	sdelay $0x1  }
0x3af: {  	v23 =	vld [tilespmem:s17+$0x10CC0];
	_ =	sdelay $0x2  }
0x3b0: {  	v3 =	vmul.f32 v3, v21;
	_ =	sdelay $0x1  }
0x3b1: {  	v3 =	vadd.f32 v3, v23;
	_ =	sdelay $0x1  }
0x3b2: {  	[tilespmem:s16+$0xFFFFFFE0] =	vst v3;
	v3 =	vld [tilespmem:s16+$0xFFFFFFF0];
	_ =	sdelay $0x1  }
0x3b3: {  	v24 =	vld [tilespmem:s17+$0x10CD0];
	_ =	sdelay $0x2  }
0x3b4: {  	v3 =	vmul.f32 v3, v21;
	_ =	sdelay $0x1  }
0x3b5: {  	v3 =	vadd.f32 v3, v24;
	_ =	sdelay $0x1  }
0x3b6: {  	[tilespmem:s16+$0xFFFFFFF0] =	vst v3;
	v3 =	vld [tilespmem:s16+$0x0];
	_ =	sdelay $0x1  }
0x3b7: {  	v25 =	vld [tilespmem:s17+$0x10CA0]  }
0x3b8: {  	v26 =	vbroadcast v2, $0x8;
	_ =	sdelay $0x1  }
0x3b9: {  	v3 =	vmul.f32 v3, v26;
	_ =	sdelay $0x1  }
0x3ba: {  	v3 =	vadd.f32 v3, v25;
	_ =	sdelay $0x1  }
0x3bb: {  	[tilespmem:s16+$0x0] =	vst v3;
	v3 =	vld [tilespmem:s16+$0x10];
	_ =	sdelay $0x1  }
0x3bc: {  	v27 =	vld [tilespmem:s17+$0x10CB0];
	_ =	sdelay $0x2  }
0x3bd: {  	v3 =	vmul.f32 v3, v26;
	_ =	sdelay $0x1  }
0x3be: {  	v3 =	vadd.f32 v3, v27;
	_ =	sdelay $0x1  }
0x3bf: {  	[tilespmem:s16+$0x10] =	vst v3;
	v3 =	vld [tilespmem:s16+$0x20];
	_ =	sdelay $0x1  }
0x3c0: {  	v28 =	vld [tilespmem:s17+$0x10CC0];
	_ =	sdelay $0x2  }
0x3c1: {  	v3 =	vmul.f32 v3, v26;
	_ =	sdelay $0x1  }
0x3c2: {  	v3 =	vadd.f32 v3, v28;
	_ =	sdelay $0x1  }
0x3c3: {  	[tilespmem:s16+$0x20] =	vst v3;
	v3 =	vld [tilespmem:s16+$0x30];
	_ =	sdelay $0x1  }
0x3c4: {  	v29 =	vld [tilespmem:s17+$0x10CD0];
	_ =	sdelay $0x2  }
0x3c5: {  	v3 =	vmul.f32 v3, v26;
	_ =	sdelay $0x1  }
0x3c6: {  	v3 =	vadd.f32 v3, v29;
	_ =	sdelay $0x1  }
0x3c7: {  	[tilespmem:s16+$0x30] =	vst v3;
	v3 =	vld [tilespmem:s16+$0x40];
	_ =	sdelay $0x1  }
0x3c8: {  	v30 =	vld [tilespmem:s17+$0x10CA0]  }
0x3c9: {  	v31 =	vbroadcast v2, $0x9;
	_ =	sdelay $0x1  }
0x3ca: {  	v3 =	vmul.f32 v3, v31;
	_ =	sdelay $0x1  }
0x3cb: {  	v3 =	vadd.f32 v3, v30;
	_ =	sdelay $0x1  }
0x3cc: {  	[tilespmem:s16+$0x40] =	vst v3;
	v3 =	vld [tilespmem:s16+$0x50];
	_ =	sdelay $0x1  }
0x3cd: {  	v32 =	vld [tilespmem:s17+$0x10CB0];
	_ =	sdelay $0x2  }
0x3ce: {  	v3 =	vmul.f32 v3, v31;
	_ =	sdelay $0x1  }
0x3cf: {  	v3 =	vadd.f32 v3, v32;
	_ =	sdelay $0x1  }
0x3d0: {  	[tilespmem:s16+$0x50] =	vst v3;
	v3 =	vld [tilespmem:s16+$0x60];
	_ =	sdelay $0x1  }
0x3d1: {  	v33 =	vld [tilespmem:s17+$0x10CC0];
	_ =	sdelay $0x2  }
0x3d2: {  	v3 =	vmul.f32 v3, v31;
	_ =	sdelay $0x1  }
0x3d3: {  	v3 =	vadd.f32 v3, v33;
	_ =	sdelay $0x1  }
0x3d4: {  	[tilespmem:s16+$0x60] =	vst v3;
	v3 =	vld [tilespmem:s16+$0x70];
	_ =	sdelay $0x1  }
0x3d5: {  	v34 =	vld [tilespmem:s17+$0x10CD0];
	_ =	sdelay $0x2  }
0x3d6: {  	v3 =	vmul.f32 v3, v31;
	_ =	sdelay $0x1  }
0x3d7: {  	v3 =	vadd.f32 v3, v34;
	_ =	sdelay $0x1  }
0x3d8: {  	[tilespmem:s16+$0x70] =	vst v3;
	v3 =	vld [tilespmem:s16+$0x80];
	_ =	sdelay $0x1  }
0x3d9: {  	v35 =	vld [tilespmem:s17+$0x10CA0]  }
0x3da: {  	v36 =	vbroadcast v2, $0xA;
	_ =	sdelay $0x1  }
0x3db: {  	v3 =	vmul.f32 v3, v36;
	_ =	sdelay $0x1  }
0x3dc: {  	v3 =	vadd.f32 v3, v35;
	_ =	sdelay $0x1  }
0x3dd: {  	[tilespmem:s16+$0x80] =	vst v3;
	v3 =	vld [tilespmem:s16+$0x90];
	_ =	sdelay $0x1  }
0x3de: {  	v37 =	vld [tilespmem:s17+$0x10CB0];
	_ =	sdelay $0x2  }
0x3df: {  	v3 =	vmul.f32 v3, v36;
	_ =	sdelay $0x1  }
0x3e0: {  	v3 =	vadd.f32 v3, v37;
	_ =	sdelay $0x1  }
0x3e1: {  	[tilespmem:s16+$0x90] =	vst v3;
	v3 =	vld [tilespmem:s16+$0xA0];
	_ =	sdelay $0x1  }
0x3e2: {  	v38 =	vld [tilespmem:s17+$0x10CC0];
	_ =	sdelay $0x2  }
0x3e3: {  	v3 =	vmul.f32 v3, v36;
	_ =	sdelay $0x1  }
0x3e4: {  	v3 =	vadd.f32 v3, v38;
	_ =	sdelay $0x1  }
0x3e5: {  	[tilespmem:s16+$0xA0] =	vst v3;
	v3 =	vld [tilespmem:s16+$0xB0];
	_ =	sdelay $0x1  }
0x3e6: {  	v39 =	vld [tilespmem:s17+$0x10CD0];
	_ =	sdelay $0x2  }
0x3e7: {  	v3 =	vmul.f32 v3, v36;
	_ =	sdelay $0x1  }
0x3e8: {  	v3 =	vadd.f32 v3, v39;
	_ =	sdelay $0x1  }
0x3e9: {  	[tilespmem:s16+$0xB0] =	vst v3;
	v3 =	vld [tilespmem:s16+$0xC0];
	_ =	sdelay $0x1  }
0x3ea: {  	v40 =	vld [tilespmem:s17+$0x10CA0]  }
0x3eb: {  	v41 =	vbroadcast v2, $0xB;
	_ =	sdelay $0x1  }
0x3ec: {  	v3 =	vmul.f32 v3, v41;
	_ =	sdelay $0x1  }
0x3ed: {  	v3 =	vadd.f32 v3, v40;
	_ =	sdelay $0x1  }
0x3ee: {  	[tilespmem:s16+$0xC0] =	vst v3;
	v3 =	vld [tilespmem:s16+$0xD0];
	_ =	sdelay $0x1  }
0x3ef: {  	v42 =	vld [tilespmem:s17+$0x10CB0];
	_ =	sdelay $0x2  }
0x3f0: {  	v3 =	vmul.f32 v3, v41;
	_ =	sdelay $0x1  }
0x3f1: {  	v3 =	vadd.f32 v3, v42;
	_ =	sdelay $0x1  }
0x3f2: {  	[tilespmem:s16+$0xD0] =	vst v3;
	v3 =	vld [tilespmem:s16+$0xE0];
	_ =	sdelay $0x1  }
0x3f3: {  	v43 =	vld [tilespmem:s17+$0x10CC0];
	_ =	sdelay $0x2  }
0x3f4: {  	v3 =	vmul.f32 v3, v41;
	_ =	sdelay $0x1  }
0x3f5: {  	v3 =	vadd.f32 v3, v43;
	_ =	sdelay $0x1  }
0x3f6: {  	[tilespmem:s16+$0xE0] =	vst v3;
	v3 =	vld [tilespmem:s16+$0xF0];
	_ =	sdelay $0x1  }
0x3f7: {  	v44 =	vld [tilespmem:s17+$0x10CD0];
	_ =	sdelay $0x2  }
0x3f8: {  	v3 =	vmul.f32 v3, v41;
	_ =	sdelay $0x1  }
0x3f9: {  	v3 =	vadd.f32 v3, v44;
	_ =	sdelay $0x1  }
0x3fa: {  	[tilespmem:s16+$0xF0] =	vst v3;
	v3 =	vld [tilespmem:s16+$0x100];
	_ =	sdelay $0x1  }
0x3fb: {  	v45 =	vld [tilespmem:s17+$0x10CA0]  }
0x3fc: {  	v46 =	vbroadcast v2, $0xC;
	_ =	sdelay $0x1  }
0x3fd: {  	v3 =	vmul.f32 v3, v46;
	_ =	sdelay $0x1  }
0x3fe: {  	v3 =	vadd.f32 v3, v45;
	_ =	sdelay $0x1  }
0x3ff: {  	[tilespmem:s16+$0x100] =	vst v3;
	v3 =	vld [tilespmem:s16+$0x110];
	_ =	sdelay $0x1  }
0x400: {  	v47 =	vld [tilespmem:s17+$0x10CB0];
	_ =	sdelay $0x2  }
0x401: {  	v3 =	vmul.f32 v3, v46;
	_ =	sdelay $0x1  }
0x402: {  	v3 =	vadd.f32 v3, v47;
	_ =	sdelay $0x1  }
0x403: {  	[tilespmem:s16+$0x110] =	vst v3;
	v3 =	vld [tilespmem:s16+$0x120];
	_ =	sdelay $0x1  }
0x404: {  	v48 =	vld [tilespmem:s17+$0x10CC0];
	_ =	sdelay $0x2  }
0x405: {  	v3 =	vmul.f32 v3, v46;
	_ =	sdelay $0x1  }
0x406: {  	v3 =	vadd.f32 v3, v48;
	_ =	sdelay $0x1  }
0x407: {  	[tilespmem:s16+$0x120] =	vst v3;
	v3 =	vld [tilespmem:s16+$0x130];
	_ =	sdelay $0x1  }
0x408: {  	v49 =	vld [tilespmem:s17+$0x10CD0];
	_ =	sdelay $0x2  }
0x409: {  	v3 =	vmul.f32 v3, v46;
	_ =	sdelay $0x1  }
0x40a: {  	v3 =	vadd.f32 v3, v49;
	_ =	sdelay $0x1  }
0x40b: {  	[tilespmem:s16+$0x130] =	vst v3;
	v3 =	vld [tilespmem:s16+$0x140];
	_ =	sdelay $0x1  }
0x40c: {  	v50 =	vld [tilespmem:s17+$0x10CA0]  }
0x40d: {  	v51 =	vbroadcast v2, $0xD;
	_ =	sdelay $0x1  }
0x40e: {  	v3 =	vmul.f32 v3, v51;
	_ =	sdelay $0x1  }
0x40f: {  	v3 =	vadd.f32 v3, v50;
	_ =	sdelay $0x1  }
0x410: {  	[tilespmem:s16+$0x140] =	vst v3;
	v3 =	vld [tilespmem:s16+$0x150];
	_ =	sdelay $0x1  }
0x411: {  	v52 =	vld [tilespmem:s17+$0x10CB0];
	_ =	sdelay $0x2  }
0x412: {  	v3 =	vmul.f32 v3, v51;
	_ =	sdelay $0x1  }
0x413: {  	v3 =	vadd.f32 v3, v52;
	_ =	sdelay $0x1  }
0x414: {  	[tilespmem:s16+$0x150] =	vst v3;
	v3 =	vld [tilespmem:s16+$0x160];
	_ =	sdelay $0x1  }
0x415: {  	v53 =	vld [tilespmem:s17+$0x10CC0];
	_ =	sdelay $0x2  }
0x416: {  	v3 =	vmul.f32 v3, v51;
	_ =	sdelay $0x1  }
0x417: {  	v3 =	vadd.f32 v3, v53;
	_ =	sdelay $0x1  }
0x418: {  	[tilespmem:s16+$0x160] =	vst v3;
	v3 =	vld [tilespmem:s16+$0x170];
	_ =	sdelay $0x1  }
0x419: {  	v54 =	vld [tilespmem:s17+$0x10CD0];
	_ =	sdelay $0x2  }
0x41a: {  	v3 =	vmul.f32 v3, v51;
	_ =	sdelay $0x1  }
0x41b: {  	v3 =	vadd.f32 v3, v54;
	_ =	sdelay $0x1  }
0x41c: {  	[tilespmem:s16+$0x170] =	vst v3;
	v3 =	vld [tilespmem:s16+$0x180];
	_ =	sdelay $0x1  }
0x41d: {  	v55 =	vld [tilespmem:s17+$0x10CA0]  }
0x41e: {  	v56 =	vbroadcast v2, $0xE;
	_ =	sdelay $0x1  }
0x41f: {  	v3 =	vmul.f32 v3, v56;
	_ =	sdelay $0x1  }
0x420: {  	v3 =	vadd.f32 v3, v55;
	_ =	sdelay $0x1  }
0x421: {  	[tilespmem:s16+$0x180] =	vst v3;
	v3 =	vld [tilespmem:s16+$0x190];
	_ =	sdelay $0x1  }
0x422: {  	v57 =	vld [tilespmem:s17+$0x10CB0];
	_ =	sdelay $0x2  }
0x423: {  	v3 =	vmul.f32 v3, v56;
	_ =	sdelay $0x1  }
0x424: {  	v3 =	vadd.f32 v3, v57;
	_ =	sdelay $0x1  }
0x425: {  	[tilespmem:s16+$0x190] =	vst v3;
	v3 =	vld [tilespmem:s16+$0x1A0];
	_ =	sdelay $0x1  }
0x426: {  	v58 =	vld [tilespmem:s17+$0x10CC0];
	_ =	sdelay $0x2  }
0x427: {  	v3 =	vmul.f32 v3, v56;
	_ =	sdelay $0x1  }
0x428: {  	v3 =	vadd.f32 v3, v58;
	_ =	sdelay $0x1  }
0x429: {  	[tilespmem:s16+$0x1A0] =	vst v3;
	v3 =	vld [tilespmem:s16+$0x1B0];
	_ =	sdelay $0x1  }
0x42a: {  	v59 =	vld [tilespmem:s17+$0x10CD0];
	_ =	sdelay $0x2  }
0x42b: {  	v3 =	vmul.f32 v3, v56;
	_ =	sdelay $0x1  }
0x42c: {  	v3 =	vadd.f32 v3, v59;
	_ =	sdelay $0x1  }
0x42d: {  	[tilespmem:s16+$0x1B0] =	vst v3;
	v3 =	vld [tilespmem:s16+$0x1C0];
	_ =	sdelay $0x1  }
0x42e: {  	v60 =	vld [tilespmem:s17+$0x10CA0]  }
0x42f: {  	v2 =	vbroadcast v2, $0xF;
	_ =	sdelay $0x1  }
0x430: {  	v3 =	vmul.f32 v3, v2;
	_ =	sdelay $0x1  }
0x431: {  	v3 =	vadd.f32 v3, v60;
	_ =	sdelay $0x1  }
0x432: {  	[tilespmem:s16+$0x1C0] =	vst v3;
	v3 =	vld [tilespmem:s16+$0x1D0];
	_ =	sdelay $0x1  }
0x433: {  	v61 =	vld [tilespmem:s17+$0x10CB0];
	_ =	sdelay $0x2  }
0x434: {  	v3 =	vmul.f32 v3, v2;
	_ =	sdelay $0x1  }
0x435: {  	v3 =	vadd.f32 v3, v61;
	_ =	sdelay $0x1  }
0x436: {  	[tilespmem:s16+$0x1D0] =	vst v3;
	v3 =	vld [tilespmem:s16+$0x1E0];
	_ =	sdelay $0x1  }
0x437: {  	v62 =	vld [tilespmem:s17+$0x10CC0];
	_ =	sdelay $0x2  }
0x438: {  	v3 =	vmul.f32 v3, v2;
	_ =	sdelay $0x1  }
0x439: {  	v3 =	vadd.f32 v3, v62;
	_ =	sdelay $0x1  }
0x43a: {  	[tilespmem:s16+$0x1E0] =	vst v3;
	v3 =	vld [tilespmem:s16+$0x1F0];
	_ =	sdelay $0x1  }
0x43b: {  	v63 =	vld [tilespmem:s17+$0x10CD0];
	_ =	sdelay $0x1  }
0x43c: {  	p1 =	sne.s32 s19, $0x1C0  }
.Ltmp9:
0x43d: {  	v2 =	vmul.f32 v3, v2;
	(pc) =	sbr.rel @p1 .LBB2_18-.Ltmp9, $3  }
0x43e: {  	_ = 	snop  }
0x43f: {  	v2 =	vadd.f32 v2, v63;
	_ =	sdelay $0x1  }
0x440: {  	s19 =	sadd.s32 $0x40, s19;
	[tilespmem:s16+$0x1F0] =	vst v2;
	s16 =	sadd.s32 $0x400, s16  }
0x441: {  	s12 =	sadd.s32 $0x1, s12  }
0x442: {  	s6 =	sshll.u32 s13, $0x4;
	p1 =	sne.s32 s12, $0x5  }
.Ltmp10:
0x443: {  	s6 =	sadd.s32 s6, s18;
	(pc) =	sbr.rel @p1 .LBB2_17-.Ltmp10, $4  }
0x444: {  	[hbm4b:s6+s7] =	stream.strided.scatter [tilespmem:s20], [sflag:$0x7], $0x2000, s31, s7, $0x38;
	[tilespmem:$0x1AFA0] =	vst v63  }
0x445: {  	_ =	swait.ge [sflag:s24], $0x2000  }
0x446: {  	[sflag:s24] =	ssyncset.done $0x0  }
0x447: {  	s9 =	sadd.s32 $0x80, s9;
	[sflag:s24] =	ssyncadd.s32 $0xFFFFE000  }
0x448: {  	s7 =	rddreg [dreg:$0x1f]  }
0x449: {  	s6 =	rddreg [dreg:$0xf];
	s7 =	sadd.s32 $0x1, s7  }
0x44a: {  	p1 =	sne.s32 s7, s6  }
.Ltmp11:
0x44b: {  	_ = 	snop;
	(pc) =	sbr.rel @p1 .LBB2_1-.Ltmp11, $1  }
0x44c: {  	_ =	sdelay $0x3  }
0x44d: {  	_ =	sfence.sel $0x180000  }
0x44e: {  	[bflag:$0x0] =	sbarrier.arrive $0xFFFF  }
0x44f: {  	_ =	strace $0x90000047  }
0x450: {  	[bflag:$0x2] =	sbarrier.arrive $0xFFFF  }
0x451: {  	s0 =	rddreg [dreg:$0x5]  }
0x452: {  	s0 =	sadd.s32 @!p0 $0x100000, s0  }
0x453: {  	[sflag:s0] =	ssyncadd.tile.s32 @!p0 $0x1;
	_ =	shalt  }
.Lfunc_end2:
_tile_overlayer_lowered:
.L_overlay_start_2:
0x454: {  	(tag) =	ssettag $0x2  }
0x455: {  	s0 =	rddreg [dreg:$0x0];
	s2 =	stileid.u32  }
0x456: {  	s1 =	rddreg [dreg:$0x1];
	p0 =	sne.s32 s2, $0x0  }
0x457: {  	s3 =	rddreg [dreg:$0x2];
	[bflag:$0x3] =	sbarrier.arrive $0xFFFF;
	s2 =	simm.s32 @!p0 $0x1C07  }
0x458: {  	[timem:s3], [sflag:s2] =	dma.local @!p0 [hbm:s0], s1  }
0x459: {  	s0 =	simm.s32 @!p0 $0x7  }
0x45a: {  	_ =	swait.ge @!p0 [sflag:s0], s1  }
0x45b: {  	s1 =	ssub.s32 @!p0 $0x0, s1;
	[sflag:s0] =	ssyncset.done @!p0 $0x0  }
0x45c: {  	[sflag:s0] =	ssyncadd.s32 @!p0 s1  }
0x45d: {  	[bflag:$0x3] =	sbarrier.arrive $0xFFFF  }
0x45e: {  	_ =	shalt  }

</sc_bundles>
